<compile_context>
chip_gen: v7x
topology: tpu7x:2x2x1
jax: 0.10.2.dev20260603
libtpu: 0.0.44.dev20260713+nightly
codegen_flags: <defaults>
</compile_context>

<pallas_src>
import functools

import jax
import jax.numpy as jnp
from jax import lax
from jax.experimental import pallas as pl
from jax.experimental.pallas import tpu as pltpu
from jax.experimental.pallas import tpu_sc as plsc

N = 10000
D = 128
H = 8
C = 16
E = 320000

NW = 32
CH = 80
NCHUNK0 = 150
NCHUNK1 = 102
NROWS = 16 * (NCHUNK0 + NCHUNK1)
EPAD = NROWS * CH
NP = 10016
RPT = NP // 16
NDS = 3
NIS = 6
R = 1000


def _leaky(x):
    return jnp.maximum(x, 0.0) + 0.2 * jnp.minimum(x, 0.0)



def _pre_body(x_ref, pW_ref, pb_ref, W_ref, ats_ref, atd_ref, GT_ref,
              h_ref, xw_ref, A_ref, B_ref):
    xb = x_ref[...]
    h = jnp.dot(xb, pW_ref[...], preferred_element_type=jnp.float32) + pb_ref[...]
    xw = jnp.dot(h, W_ref[...], preferred_element_type=jnp.float32)
    a_s = jnp.dot(xw * ats_ref[...], GT_ref[...], preferred_element_type=jnp.float32)
    a_d = jnp.dot(xw * atd_ref[...], GT_ref[...], preferred_element_type=jnp.float32)
    h_ref[...] = h
    xw_ref[...] = xw
    A_ref[...] = jnp.concatenate([a_s, a_d], axis=1)
    B_ref[...] = jnp.concatenate([a_d, a_s], axis=1)


def _combine(m0_ref, m1_ref, d0_ref, d1_ref, A_ref, xw_ref, hres_ref,
             bias_ref, g_ref, b_ref, G_ref):
    m = m0_ref[...] + m1_ref[...]
    d16 = d0_ref[...] + d1_ref[...]
    Ab = A_ref[...]
    es = jnp.exp(_leaky(Ab[:, :H] + Ab[:, H:]))
    xwb = xw_ref[...]
    G = G_ref[...]
    dtot = d16[:, :H] + es + 1e-16
    mtot = m + jnp.dot(es, G, preferred_element_type=jnp.float32) * xwb
    out = mtot / jnp.dot(dtot, G, preferred_element_type=jnp.float32)
    y = jnp.maximum(out + bias_ref[...], 0.0) + hres_ref[...]
    mu = jnp.mean(y, axis=1, keepdims=True)
    yc = y - mu
    var = jnp.mean(yc * yc, axis=1, keepdims=True)
    return yc * lax.rsqrt(var + 1e-5) * g_ref[...] + b_ref[...]


def _mid_body(m0_ref, m1_ref, d0_ref, d1_ref, A_ref, xw_ref, hres_ref,
              bias_ref, g_ref, b_ref, G_ref, W_ref, ats_ref, atd_ref, GT_ref,
              h_ref, xw_out_ref, A_out_ref, B_out_ref):
    hn = _combine(m0_ref, m1_ref, d0_ref, d1_ref, A_ref, xw_ref, hres_ref,
                  bias_ref, g_ref, b_ref, G_ref)
    xwn = jnp.dot(hn, W_ref[...], preferred_element_type=jnp.float32)
    a_s = jnp.dot(xwn * ats_ref[...], GT_ref[...], preferred_element_type=jnp.float32)
    a_d = jnp.dot(xwn * atd_ref[...], GT_ref[...], preferred_element_type=jnp.float32)
    h_ref[...] = hn
    xw_out_ref[...] = xwn
    A_out_ref[...] = jnp.concatenate([a_s, a_d], axis=1)
    B_out_ref[...] = jnp.concatenate([a_d, a_s], axis=1)


def _post_body(m0_ref, m1_ref, d0_ref, d1_ref, A_ref, xw_ref, hres_ref,
               bias_ref, g_ref, b_ref, G_ref,
               W1_ref, b1_ref, W2_ref, b2_ref, W3_ref, b3_ref, out_ref):
    hn = _combine(m0_ref, m1_ref, d0_ref, d1_ref, A_ref, xw_ref, hres_ref,
                  bias_ref, g_ref, b_ref, G_ref)
    y1 = jnp.maximum(jnp.dot(hn, W1_ref[...], preferred_element_type=jnp.float32)
                     + b1_ref[...], 0.0)
    y2 = jnp.maximum(jnp.dot(y1, W2_ref[...], preferred_element_type=jnp.float32)
                     + b2_ref[...], 0.0)
    out_ref[...] = (jnp.dot(y2, W3_ref[...], preferred_element_type=jnp.float32)
                    + b3_ref[...])


def _row_spec(cols):
    return pl.BlockSpec((R, cols), lambda i: (i, 0))


def _full_spec(shape):
    nd = len(shape)
    return pl.BlockSpec(shape, lambda i: (0,) * nd)



def _sc_edge_body(src_hbm, dst_hbm, A_hbm, B_hbm, xw_hbm, zm_hbm, zd_hbm,
                  msg0, msg1, den0, den1, *scr):
    sidx = scr[0:NIS]
    didx = scr[NIS:2 * NIS]
    va = scr[2 * NIS:2 * NIS + NDS]
    vb = scr[2 * NIS + NDS:2 * NIS + 2 * NDS]
    xwb = scr[2 * NIS + 2 * NDS:2 * NIS + 3 * NDS]
    semi = scr[2 * NIS + 3 * NDS:3 * NIS + 3 * NDS]
    semg = scr[3 * NIS + 3 * NDS:3 * NIS + 4 * NDS]
    sems = scr[3 * NIS + 4 * NDS:3 * NIS + 5 * NDS]
    sh_msg, sh_den = scr[-2], scr[-1]

    c = lax.axis_index("c")
    s = lax.axis_index("s")
    rowbase = jnp.where(c == 0, s * NCHUNK0, 16 * NCHUNK0 + s * NCHUNK1)

    def fire_idx(j, k):
        pltpu.async_copy(src_hbm.at[rowbase + j], sidx[k], semi[k])
        pltpu.async_copy(dst_hbm.at[rowbase + j], didx[k], semi[k])

    def wait_idx(k):
        pltpu.make_async_copy(src_hbm.at[rowbase], sidx[k], semi[k]).wait()
        pltpu.make_async_copy(dst_hbm.at[rowbase], didx[k], semi[k]).wait()

    def fire_gather(k, d):
        pltpu.async_copy(A_hbm.at[sidx[k]], va[d], semg[d])
        pltpu.async_copy(B_hbm.at[didx[k]], vb[d], semg[d])
        pltpu.async_copy(xw_hbm.at[sidx[k]], xwb[d], semg[d])

    def wait_gather(k, d):
        pltpu.make_async_copy(A_hbm.at[sidx[k]], va[d], semg[d]).wait()
        pltpu.make_async_copy(B_hbm.at[didx[k]], vb[d], semg[d]).wait()
        pltpu.make_async_copy(xw_hbm.at[sidx[k]], xwb[d], semg[d]).wait()

    def fire_scatter(k, d):
        pltpu.async_copy(va[d], sh_den.at[didx[k]], sems[d], add=True)
        pltpu.async_copy(xwb[d], sh_msg.at[didx[k]], sems[d], add=True)

    def wait_scatter(k, d):
        pltpu.make_async_copy(va[d], sh_den.at[didx[k]], sems[d]).wait()
        pltpu.make_async_copy(xwb[d], sh_msg.at[didx[k]], sems[d]).wait()

    def compute(d):
        def edge_body(e, carry2):
            ex = jnp.exp(_leaky(va[d][e, :] + vb[d][e, :]))
            va[d][e, :] = ex
            for h in range(H):
                xwb[d][e, pl.ds(h * C, C)] = xwb[d][e, pl.ds(h * C, C)] * ex[h]
            return carry2

        lax.fori_loop(0, CH, edge_body, 0, unroll=False)

    pltpu.sync_copy(zm_hbm.at[pl.ds(s * RPT, RPT)], sh_msg.at[pl.ds(s * RPT, RPT)])
    pltpu.sync_copy(zd_hbm.at[pl.ds(s * RPT, RPT)], sh_den.at[pl.ds(s * RPT, RPT)])
    plsc.subcore_barrier()

    def run_pipeline(nchunk):
        fire_idx(0, 0)
        fire_idx(1, 1)
        wait_idx(0)
        fire_gather(0, 0)

        def group_body(g, carry):
            for cc in range(NIS):
                j = g * NIS + cc
                d = cc % NDS
                wait_gather(cc, d)

                @pl.when(j >= 2)
                def _():
                    wait_scatter((cc - 2) % NIS, (cc + 1) % NDS)

                @pl.when(j < nchunk - 1)
                def _():
                    wait_idx((cc + 1) % NIS)
                    fire_gather((cc + 1) % NIS, (cc + 1) % NDS)

                @pl.when(j < nchunk - 2)
                def _():
                    fire_idx(j + 2, (cc + 2) % NIS)

                compute(d)
                fire_scatter(cc, d)
            return carry

        lax.fori_loop(0, nchunk // NIS, group_body, 0, unroll=False)
        wait_scatter((nchunk - 2) % NIS, (nchunk - 2) % NDS)
        wait_scatter((nchunk - 1) % NIS, (nchunk - 1) % NDS)

    @pl.when(c == 0)
    def _():
        run_pipeline(NCHUNK0)

    @pl.when(c == 1)
    def _():
        run_pipeline(NCHUNK1)

    plsc.subcore_barrier()

    @pl.when(c == 0)
    def _():
        pltpu.sync_copy(sh_msg.at[pl.ds(s * RPT, RPT)], msg0.at[pl.ds(s * RPT, RPT)])
        pltpu.sync_copy(sh_den.at[pl.ds(s * RPT, RPT)], den0.at[pl.ds(s * RPT, RPT)])

    @pl.when(c == 1)
    def _():
        pltpu.sync_copy(sh_msg.at[pl.ds(s * RPT, RPT)], msg1.at[pl.ds(s * RPT, RPT)])
        pltpu.sync_copy(sh_den.at[pl.ds(s * RPT, RPT)], den1.at[pl.ds(s * RPT, RPT)])


@functools.partial(jax.jit, static_argnames=())
def _sc_edge(srcR, dstR, A, B, xw, zm, zd):
    f32 = jnp.float32
    return pl.kernel(
        _sc_edge_body,
        out_type=[
            jax.ShapeDtypeStruct((NP, D), f32),
            jax.ShapeDtypeStruct((NP, D), f32),
            jax.ShapeDtypeStruct((NP, 2 * H), f32),
            jax.ShapeDtypeStruct((NP, 2 * H), f32),
        ],
        mesh=plsc.VectorSubcoreMesh(core_axis_name="c", subcore_axis_name="s"),
        compiler_params=pltpu.CompilerParams(use_tc_tiling_on_sc=False),
        scratch_types=(
            [pltpu.VMEM((CH,), jnp.int32)] * (2 * NIS)
            + [pltpu.VMEM((CH, 2 * H), f32)] * (2 * NDS)
            + [pltpu.VMEM((CH, D), f32)] * NDS
            + [pltpu.SemaphoreType.DMA] * (NIS + 2 * NDS)
            + [pltpu.VMEM_SHARED((NP, D), f32),
               pltpu.VMEM_SHARED((NP, 2 * H), f32)]
        ),
    )(srcR, dstR, A, B, xw, zm, zd)



def kernel(x, edge_index, node_types, proj_W, proj_b,
           gat0_W, gat0_att_src, gat0_att_dst, gat0_bias, ln0_g, ln0_b,
           gat1_W, gat1_att_src, gat1_att_dst, gat1_bias, ln1_g, ln1_b,
           gat2_W, gat2_att_src, gat2_att_dst, gat2_bias, ln2_g, ln2_b,
           pred_W1, pred_b1, pred_W2, pred_b2, pred_W3, pred_b3):
    f32 = jnp.float32
    nb = N // R

    pad = EPAD - E
    src = jnp.concatenate([edge_index[0], jnp.zeros((pad,), jnp.int32)])
    dst = jnp.concatenate([edge_index[1], jnp.full((pad,), N, jnp.int32)])
    srcR = src.reshape(NROWS, CH)
    dstR = dst.reshape(NROWS, CH)
    zm = jnp.zeros((NP, D), f32)
    zd = jnp.zeros((NP, 2 * H), f32)

    lanes = jnp.arange(D, dtype=jnp.int32)
    heads = jnp.arange(H, dtype=jnp.int32)
    G = (lanes[None, :] // C == heads[:, None]).astype(f32)
    GT = G.T

    atts = [a.reshape(1, D) for a in (gat0_att_src, gat1_att_src, gat2_att_src)]
    attd = [a.reshape(1, D) for a in (gat0_att_dst, gat1_att_dst, gat2_att_dst)]
    biases = [b.reshape(1, D) for b in (gat0_bias, gat1_bias, gat2_bias)]
    lngs = [g.reshape(1, D) for g in (ln0_g, ln1_g, ln2_g)]
    lnbs = [b.reshape(1, D) for b in (ln0_b, ln1_b, ln2_b)]
    Ws = [gat0_W, gat1_W, gat2_W]

    h0, xw0, A0, B0 = pl.pallas_call(
        _pre_body,
        grid=(nb,),
        in_specs=[_row_spec(D), _full_spec((D, D)), _full_spec((1, D)),
                  _full_spec((D, D)), _full_spec((1, D)), _full_spec((1, D)),
                  _full_spec((D, H))],
        out_specs=[_row_spec(D), _row_spec(D), _row_spec(2 * H), _row_spec(2 * H)],
        out_shape=[jax.ShapeDtypeStruct((N, D), f32),
                   jax.ShapeDtypeStruct((N, D), f32),
                   jax.ShapeDtypeStruct((N, 2 * H), f32),
                   jax.ShapeDtypeStruct((N, 2 * H), f32)],
    )(x, proj_W, proj_b.reshape(1, D), Ws[0], atts[0], attd[0], GT)

    h, xw, A, B = h0, xw0, A0, B0
    for l in range(2):
        m0, m1, d0, d1 = _sc_edge(srcR, dstR, A, B, xw, zm, zd)
        h, xw, A, B = pl.pallas_call(
            _mid_body,
            grid=(nb,),
            in_specs=[_row_spec(D), _row_spec(D), _row_spec(2 * H), _row_spec(2 * H),
                      _row_spec(2 * H), _row_spec(D), _row_spec(D),
                      _full_spec((1, D)), _full_spec((1, D)), _full_spec((1, D)),
                      _full_spec((H, D)), _full_spec((D, D)),
                      _full_spec((1, D)), _full_spec((1, D)), _full_spec((D, H))],
            out_specs=[_row_spec(D), _row_spec(D), _row_spec(2 * H), _row_spec(2 * H)],
            out_shape=[jax.ShapeDtypeStruct((N, D), f32),
                       jax.ShapeDtypeStruct((N, D), f32),
                       jax.ShapeDtypeStruct((N, 2 * H), f32),
                       jax.ShapeDtypeStruct((N, 2 * H), f32)],
        )(m0, m1, d0, d1, A, xw, h, biases[l], lngs[l], lnbs[l], G,
          Ws[l + 1], atts[l + 1], attd[l + 1], GT)

    m0, m1, d0, d1 = _sc_edge(srcR, dstR, A, B, xw, zm, zd)
    out = pl.pallas_call(
        _post_body,
        grid=(nb,),
        in_specs=[_row_spec(D), _row_spec(D), _row_spec(2 * H), _row_spec(2 * H),
                  _row_spec(2 * H), _row_spec(D), _row_spec(D),
                  _full_spec((1, D)), _full_spec((1, D)), _full_spec((1, D)),
                  _full_spec((H, D)),
                  _full_spec((D, D)), _full_spec((1, D)),
                  _full_spec((D, D // 2)), _full_spec((1, D // 2)),
                  _full_spec((D // 2, 1)), _full_spec((1, 1))],
        out_specs=[_row_spec(1)],
        out_shape=[jax.ShapeDtypeStruct((N, 1), f32)],
    )(m0, m1, d0, d1, A, xw, h, biases[2], lngs[2], lnbs[2], G,
      pred_W1, pred_b1.reshape(1, D), pred_W2, pred_b2.reshape(1, D // 2),
      pred_W3, pred_b3.reshape(1, 1))[0]
    return out

# --- scband reference (transcript-rebuilt; emitter-appended) ---
"""Pipeline reference for scband-surrogate-network-10385230922213 (READ-ONLY COPY).

The authoritative reference and input builder live on the scoring server;
editing this copy changes nothing except your own understanding.
"""

import jax, jax.numpy as jnp
import numpy as np

N = 10000
E = 320000
D = 128
H = 8
C = 16

def _layer_norm(x, g, b):
    mu = x.mean(-1, keepdims=True)
    var = ((x - mu) ** 2).mean(-1, keepdims=True)
    return (x - mu) / jnp.sqrt(var + 1e-5) * g + b

def _gat(x, src, dst, W, att_src, att_dst, bias):
    xw = (x @ W).reshape(-1, H, C)
    a_s = (xw * att_src).sum(-1)
    a_d = (xw * att_dst).sum(-1)
    alpha = jax.nn.leaky_relu(a_s[src] + a_d[dst], 0.2)
    amax = jax.lax.stop_gradient(jax.ops.segment_max(alpha, dst, num_segments=N))
    ex = jnp.exp(alpha - amax[dst])
    denom = jax.ops.segment_sum(ex, dst, num_segments=N)
    coef = ex / (denom[dst] + 1e-16)
    msg = xw[src] * coef[:, :, None]
    out = jax.ops.segment_sum(msg, dst, num_segments=N)
    return out.reshape(-1, H * C) + bias

def setup_inputs(seed: int = 0):
    key = jax.random.key(seed)
    ks = jax.random.split(key, 32)
    s = 0.1
    inp = {}
    inp['x'] = jax.random.normal(ks[0], (N, D), dtype=jnp.float32)
    inp['edge_index'] = jax.random.randint(ks[1], (2, E), 0, N, dtype=jnp.int32)
    inp['node_types'] = jax.random.randint(ks[2], (N,), 0, 8, dtype=jnp.int32)
    inp['proj_W'] = jax.random.normal(ks[3], (D, D), dtype=jnp.float32) * s
    inp['proj_b'] = jnp.zeros((D,), dtype=jnp.float32)
    k = 4
    for l in range(3):
        inp['gat%d_W' % l] = jax.random.normal(ks[k], (D, H * C), dtype=jnp.float32) * s; k += 1
        inp['gat%d_att_src' % l] = jax.random.normal(ks[k], (H, C), dtype=jnp.float32) * s; k += 1
        inp['gat%d_att_dst' % l] = jax.random.normal(ks[k], (H, C), dtype=jnp.float32) * s; k += 1
        inp['gat%d_bias' % l] = jnp.zeros((H * C,), dtype=jnp.float32)
        inp['ln%d_g' % l] = jnp.ones((D,), dtype=jnp.float32)
        inp['ln%d_b' % l] = jnp.zeros((D,), dtype=jnp.float32)
    inp['pred_W1'] = jax.random.normal(ks[k], (D, D), dtype=jnp.float32) * s; k += 1
    inp['pred_b1'] = jnp.zeros((D,), dtype=jnp.float32)
    inp['pred_W2'] = jax.random.normal(ks[k], (D, D // 2), dtype=jnp.float32) * s; k += 1
    inp['pred_b2'] = jnp.zeros((D // 2,), dtype=jnp.float32)
    inp['pred_W3'] = jax.random.normal(ks[k], (D // 2, 1), dtype=jnp.float32) * s; k += 1
    inp['pred_b3'] = jnp.zeros((1,), dtype=jnp.float32)
    return inp

def reference(x, edge_index, node_types, proj_W, proj_b,
              gat0_W, gat0_att_src, gat0_att_dst, gat0_bias, ln0_g, ln0_b,
              gat1_W, gat1_att_src, gat1_att_dst, gat1_bias, ln1_g, ln1_b,
              gat2_W, gat2_att_src, gat2_att_dst, gat2_bias, ln2_g, ln2_b,
              pred_W1, pred_b1, pred_W2, pred_b2, pred_W3, pred_b3):
    ar = jnp.arange(N, dtype=edge_index.dtype)
    ei = jnp.concatenate([edge_index, jnp.stack([ar, ar])], axis=1)
    src, dst = ei[0], ei[1]
    h = x @ proj_W + proj_b
    layers = [
        (gat0_W, gat0_att_src, gat0_att_dst, gat0_bias, ln0_g, ln0_b),
        (gat1_W, gat1_att_src, gat1_att_dst, gat1_bias, ln1_g, ln1_b),
        (gat2_W, gat2_att_src, gat2_att_dst, gat2_bias, ln2_g, ln2_b),
    ]
    for (W, a_s, a_d, bW, g, b) in layers:
        res = h
        h = _gat(h, src, dst, W, a_s, a_d, bW)
        h = jax.nn.relu(h)
        h = _layer_norm(h + res, g, b)
    h = jax.nn.relu(h @ pred_W1 + pred_b1)
    h = jax.nn.relu(h @ pred_W2 + pred_b2)
    return h @ pred_W3 + pred_b3

if __name__ == "__main__":
    import jax
    _d = setup_inputs()
    print(jax.jit(kernel)(*tuple(_d.values())))

</pallas_src>

<mosaic_0001>
#map = affine_map<(d0, d1) -> (0, 0)>
module attributes {stable_mosaic.version = 14 : i64} {
  func.func @_sc_edge_body(%arg0: i32, %arg1: i32, %arg2: memref<4032x80xi32, #tpu.memory_space<hbm>>, %arg3: memref<4032x80xi32, #tpu.memory_space<hbm>>, %arg4: memref<10000x16xf32, #tpu.memory_space<hbm>>, %arg5: memref<10000x16xf32, #tpu.memory_space<hbm>>, %arg6: memref<10000x128xf32, #tpu.memory_space<hbm>>, %arg7: memref<10016x128xf32, #tpu.memory_space<hbm>>, %arg8: memref<10016x16xf32, #tpu.memory_space<hbm>>, %arg9: memref<10016x128xf32, #tpu.memory_space<hbm>>, %arg10: memref<10016x128xf32, #tpu.memory_space<hbm>>, %arg11: memref<10016x16xf32, #tpu.memory_space<hbm>>, %arg12: memref<10016x16xf32, #tpu.memory_space<hbm>>, %arg13: memref<80xi32, #tpu.memory_space<vmem>>, %arg14: memref<80xi32, #tpu.memory_space<vmem>>, %arg15: memref<80xi32, #tpu.memory_space<vmem>>, %arg16: memref<80xi32, #tpu.memory_space<vmem>>, %arg17: memref<80xi32, #tpu.memory_space<vmem>>, %arg18: memref<80xi32, #tpu.memory_space<vmem>>, %arg19: memref<80xi32, #tpu.memory_space<vmem>>, %arg20: memref<80xi32, #tpu.memory_space<vmem>>, %arg21: memref<80xi32, #tpu.memory_space<vmem>>, %arg22: memref<80xi32, #tpu.memory_space<vmem>>, %arg23: memref<80xi32, #tpu.memory_space<vmem>>, %arg24: memref<80xi32, #tpu.memory_space<vmem>>, %arg25: memref<80x16xf32, #tpu.memory_space<vmem>>, %arg26: memref<80x16xf32, #tpu.memory_space<vmem>>, %arg27: memref<80x16xf32, #tpu.memory_space<vmem>>, %arg28: memref<80x16xf32, #tpu.memory_space<vmem>>, %arg29: memref<80x16xf32, #tpu.memory_space<vmem>>, %arg30: memref<80x16xf32, #tpu.memory_space<vmem>>, %arg31: memref<80x128xf32, #tpu.memory_space<vmem>>, %arg32: memref<80x128xf32, #tpu.memory_space<vmem>>, %arg33: memref<80x128xf32, #tpu.memory_space<vmem>>, %arg34: memref<!tpu.dma_semaphore, #tpu.memory_space<semaphore_mem>>, %arg35: memref<!tpu.dma_semaphore, #tpu.memory_space<semaphore_mem>>, %arg36: memref<!tpu.dma_semaphore, #tpu.memory_space<semaphore_mem>>, %arg37: memref<!tpu.dma_semaphore, #tpu.memory_space<semaphore_mem>>, %arg38: memref<!tpu.dma_semaphore, #tpu.memory_space<semaphore_mem>>, %arg39: memref<!tpu.dma_semaphore, #tpu.memory_space<semaphore_mem>>, %arg40: memref<!tpu.dma_semaphore, #tpu.memory_space<semaphore_mem>>, %arg41: memref<!tpu.dma_semaphore, #tpu.memory_space<semaphore_mem>>, %arg42: memref<!tpu.dma_semaphore, #tpu.memory_space<semaphore_mem>>, %arg43: memref<!tpu.dma_semaphore, #tpu.memory_space<semaphore_mem>>, %arg44: memref<!tpu.dma_semaphore, #tpu.memory_space<semaphore_mem>>, %arg45: memref<!tpu.dma_semaphore, #tpu.memory_space<semaphore_mem>>, %arg46: memref<10016x128xf32, #tpu.memory_space<vmem_shared>>, %arg47: memref<10016x16xf32, #tpu.memory_space<vmem_shared>>) attributes {dimension_semantics = [#tpu.dimension_semantics<core_parallel>, #tpu.dimension_semantics<subcore_parallel>], iteration_bounds = array<i64: 2, 16>, scalar_prefetch = 0 : i64, scratch_operands = 35 : i64, tpu.core_type = #tpu.core_type<sc_vector_subcore>, window_params = [{transform_indices = #map}, {transform_indices = #map}, {transform_indices = #map}, {transform_indices = #map}, {transform_indices = #map}, {transform_indices = #map}, {transform_indices = #map}, {transform_indices = #map}, {transform_indices = #map}, {transform_indices = #map}, {transform_indices = #map}]} {
    %eq3A = arith.constant 0 : i32
    %eq3A_0 = arith.cmpi eq, %arg0, %eq3A : i32
    %mul3A = arith.constant 150 : i32
    %mul3A_1 = arith.muli %arg1, %mul3A : i32
    %mul3A_2 = arith.constant 102 : i32
    %mul3A_3 = arith.muli %arg1, %mul3A_2 : i32
    %add3A = arith.constant 2400 : i32
    %add3A_4 = arith.addi %add3A, %mul3A_3 : i32
    %select_n3A = arith.select %eq3A_0, %mul3A_1, %add3A_4 : i32
    %mul3A_5 = arith.constant 626 : i32
    %mul3A_6 = arith.muli %arg1, %mul3A_5 : i32
    %mul3A_7 = arith.constant 626 : i32
    %mul3A_8 = arith.muli %arg1, %mul3A_7 : i32
    "tpu.region"() ({
      %run_scoped3A = tpu.sem_alloc : memref<!tpu.dma_semaphore, #tpu.memory_space<semaphore_mem>>
      %dma_start3A = arith.constant 0 : i32
      %dma_start3A_32 = tpu.memref_slice %arg46[%mul3A_8, %dma_start3A] : memref<10016x128xf32, #tpu.memory_space<vmem_shared>> -> memref<626x128xf32, #tpu.memory_space<vmem_shared>>
      %dma_start3A_33 = arith.constant 0 : i32
      %dma_start3A_34 = tpu.memref_slice %arg7[%mul3A_6, %dma_start3A_33] : memref<10016x128xf32, #tpu.memory_space<hbm>> -> memref<626x128xf32, #tpu.memory_space<hbm>>
      tpu.enqueue_dma source(%dma_start3A_34 : memref<626x128xf32, #tpu.memory_space<hbm>>) target(%dma_start3A_32 : memref<626x128xf32, #tpu.memory_space<vmem_shared>>) target_semaphore(%run_scoped3A : memref<!tpu.dma_semaphore, #tpu.memory_space<semaphore_mem>>)
      %dma_wait3A = arith.constant 0 : i32
      %dma_wait3A_35 = tpu.memref_slice %arg46[%mul3A_8, %dma_wait3A] : memref<10016x128xf32, #tpu.memory_space<vmem_shared>> -> memref<626x128xf32, #tpu.memory_space<vmem_shared>>
      %dma_wait3A_36 = arith.constant 0 : i32
      %dma_wait3A_37 = tpu.memref_slice %arg7[%mul3A_6, %dma_wait3A_36] : memref<10016x128xf32, #tpu.memory_space<hbm>> -> memref<626x128xf32, #tpu.memory_space<hbm>>
      tpu.wait_dma2 semaphore(%run_scoped3A : memref<!tpu.dma_semaphore, #tpu.memory_space<semaphore_mem>>) src(%dma_wait3A_37 : memref<626x128xf32, #tpu.memory_space<hbm>>) dst(%dma_wait3A_35 : memref<626x128xf32, #tpu.memory_space<vmem_shared>>)
      tpu.yield
    }) : () -> ()
    %mul3A_9 = arith.constant 626 : i32
    %mul3A_10 = arith.muli %arg1, %mul3A_9 : i32
    %mul3A_11 = arith.constant 626 : i32
    %mul3A_12 = arith.muli %arg1, %mul3A_11 : i32
    "tpu.region"() ({
      %run_scoped3A = tpu.sem_alloc : memref<!tpu.dma_semaphore, #tpu.memory_space<semaphore_mem>>
      %dma_start3A = arith.constant 0 : i32
      %dma_start3A_32 = tpu.memref_slice %arg47[%mul3A_12, %dma_start3A] : memref<10016x16xf32, #tpu.memory_space<vmem_shared>> -> memref<626x16xf32, #tpu.memory_space<vmem_shared>>
      %dma_start3A_33 = arith.constant 0 : i32
      %dma_start3A_34 = tpu.memref_slice %arg8[%mul3A_10, %dma_start3A_33] : memref<10016x16xf32, #tpu.memory_space<hbm>> -> memref<626x16xf32, #tpu.memory_space<hbm>>
      tpu.enqueue_dma source(%dma_start3A_34 : memref<626x16xf32, #tpu.memory_space<hbm>>) target(%dma_start3A_32 : memref<626x16xf32, #tpu.memory_space<vmem_shared>>) target_semaphore(%run_scoped3A : memref<!tpu.dma_semaphore, #tpu.memory_space<semaphore_mem>>)
      %dma_wait3A = arith.constant 0 : i32
      %dma_wait3A_35 = tpu.memref_slice %arg47[%mul3A_12, %dma_wait3A] : memref<10016x16xf32, #tpu.memory_space<vmem_shared>> -> memref<626x16xf32, #tpu.memory_space<vmem_shared>>
      %dma_wait3A_36 = arith.constant 0 : i32
      %dma_wait3A_37 = tpu.memref_slice %arg8[%mul3A_10, %dma_wait3A_36] : memref<10016x16xf32, #tpu.memory_space<hbm>> -> memref<626x16xf32, #tpu.memory_space<hbm>>
      tpu.wait_dma2 semaphore(%run_scoped3A : memref<!tpu.dma_semaphore, #tpu.memory_space<semaphore_mem>>) src(%dma_wait3A_37 : memref<626x16xf32, #tpu.memory_space<hbm>>) dst(%dma_wait3A_35 : memref<626x16xf32, #tpu.memory_space<vmem_shared>>)
      tpu.yield
    }) : () -> ()
    %barrier3A = arith.constant 0 : index
    tpu.barrier barrier_id(%barrier3A)
    %eq3A_13 = arith.constant 0 : i32
    %eq3A_14 = arith.cmpi eq, %arg0, %eq3A_13 : i32
    %convert_element_type3A = arith.extui %eq3A_14 : i1 to i32
    %cond3A = arith.constant 0 : i32
    %cond3A_15 = arith.cmpi ne, %convert_element_type3A, %cond3A : i32
    scf.if %cond3A_15 {
      %add3A_32 = arith.constant 0 : i32
      %add3A_33 = arith.addi %select_n3A, %add3A_32 : i32
      %dma_start3A = arith.constant 0 : i32
      %dma_start3A_34 = tpu.memref_slice %arg2[%add3A_33, %dma_start3A] : memref<4032x80xi32, #tpu.memory_space<hbm>> -> memref<1x80xi32, #tpu.memory_space<hbm>>
      %dma_start3A_35 = tpu.memref_squeeze %dma_start3A_34 : memref<1x80xi32, #tpu.memory_space<hbm>> -> memref<80xi32, #tpu.memory_space<hbm>>
      %dma_start3A_36 = arith.constant 0 : i32
      %dma_start3A_37 = tpu.memref_slice %arg2[%add3A_33, %dma_start3A_36] : memref<4032x80xi32, #tpu.memory_space<hbm>> -> memref<1x80xi32, #tpu.memory_space<hbm>>
      %dma_start3A_38 = tpu.memref_squeeze %dma_start3A_37 : memref<1x80xi32, #tpu.memory_space<hbm>> -> memref<80xi32, #tpu.memory_space<hbm>>
      tpu.enqueue_dma source(%dma_start3A_38 : memref<80xi32, #tpu.memory_space<hbm>>) target(%arg13 : memref<80xi32, #tpu.memory_space<vmem>>) target_semaphore(%arg34 : memref<!tpu.dma_semaphore, #tpu.memory_space<semaphore_mem>>)
      %add3A_39 = arith.constant 0 : i32
      %add3A_40 = arith.addi %select_n3A, %add3A_39 : i32
      %dma_start3A_41 = arith.constant 0 : i32
      %dma_start3A_42 = tpu.memref_slice %arg3[%add3A_40, %dma_start3A_41] : memref<4032x80xi32, #tpu.memory_space<hbm>> -> memref<1x80xi32, #tpu.memory_space<hbm>>
      %dma_start3A_43 = tpu.memref_squeeze %dma_start3A_42 : memref<1x80xi32, #tpu.memory_space<hbm>> -> memref<80xi32, #tpu.memory_space<hbm>>
      %dma_start3A_44 = arith.constant 0 : i32
      %dma_start3A_45 = tpu.memref_slice %arg3[%add3A_40, %dma_start3A_44] : memref<4032x80xi32, #tpu.memory_space<hbm>> -> memref<1x80xi32, #tpu.memory_space<hbm>>
      %dma_start3A_46 = tpu.memref_squeeze %dma_start3A_45 : memref<1x80xi32, #tpu.memory_space<hbm>> -> memref<80xi32, #tpu.memory_space<hbm>>
      tpu.enqueue_dma source(%dma_start3A_46 : memref<80xi32, #tpu.memory_space<hbm>>) target(%arg19 : memref<80xi32, #tpu.memory_space<vmem>>) target_semaphore(%arg34 : memref<!tpu.dma_semaphore, #tpu.memory_space<semaphore_mem>>)
      %add3A_47 = arith.constant 1 : i32
      %add3A_48 = arith.addi %select_n3A, %add3A_47 : i32
      %dma_start3A_49 = arith.constant 0 : i32
      %dma_start3A_50 = tpu.memref_slice %arg2[%add3A_48, %dma_start3A_49] : memref<4032x80xi32, #tpu.memory_space<hbm>> -> memref<1x80xi32, #tpu.memory_space<hbm>>
      %dma_start3A_51 = tpu.memref_squeeze %dma_start3A_50 : memref<1x80xi32, #tpu.memory_space<hbm>> -> memref<80xi32, #tpu.memory_space<hbm>>
      %dma_start3A_52 = arith.constant 0 : i32
      %dma_start3A_53 = tpu.memref_slice %arg2[%add3A_48, %dma_start3A_52] : memref<4032x80xi32, #tpu.memory_space<hbm>> -> memref<1x80xi32, #tpu.memory_space<hbm>>
      %dma_start3A_54 = tpu.memref_squeeze %dma_start3A_53 : memref<1x80xi32, #tpu.memory_space<hbm>> -> memref<80xi32, #tpu.memory_space<hbm>>
      tpu.enqueue_dma source(%dma_start3A_54 : memref<80xi32, #tpu.memory_space<hbm>>) target(%arg14 : memref<80xi32, #tpu.memory_space<vmem>>) target_semaphore(%arg35 : memref<!tpu.dma_semaphore, #tpu.memory_space<semaphore_mem>>)
      %add3A_55 = arith.constant 1 : i32
      %add3A_56 = arith.addi %select_n3A, %add3A_55 : i32
      %dma_start3A_57 = arith.constant 0 : i32
      %dma_start3A_58 = tpu.memref_slice %arg3[%add3A_56, %dma_start3A_57] : memref<4032x80xi32, #tpu.memory_space<hbm>> -> memref<1x80xi32, #tpu.memory_space<hbm>>
      %dma_start3A_59 = tpu.memref_squeeze %dma_start3A_58 : memref<1x80xi32, #tpu.memory_space<hbm>> -> memref<80xi32, #tpu.memory_space<hbm>>
      %dma_start3A_60 = arith.constant 0 : i32
      %dma_start3A_61 = tpu.memref_slice %arg3[%add3A_56, %dma_start3A_60] : memref<4032x80xi32, #tpu.memory_space<hbm>> -> memref<1x80xi32, #tpu.memory_space<hbm>>
      %dma_start3A_62 = tpu.memref_squeeze %dma_start3A_61 : memref<1x80xi32, #tpu.memory_space<hbm>> -> memref<80xi32, #tpu.memory_space<hbm>>
      tpu.enqueue_dma source(%dma_start3A_62 : memref<80xi32, #tpu.memory_space<hbm>>) target(%arg20 : memref<80xi32, #tpu.memory_space<vmem>>) target_semaphore(%arg35 : memref<!tpu.dma_semaphore, #tpu.memory_space<semaphore_mem>>)
      %dma_wait3A = arith.constant 0 : i32
      %dma_wait3A_63 = tpu.memref_slice %arg2[%select_n3A, %dma_wait3A] : memref<4032x80xi32, #tpu.memory_space<hbm>> -> memref<1x80xi32, #tpu.memory_space<hbm>>
      %dma_wait3A_64 = tpu.memref_squeeze %dma_wait3A_63 : memref<1x80xi32, #tpu.memory_space<hbm>> -> memref<80xi32, #tpu.memory_space<hbm>>
      %dma_wait3A_65 = arith.constant 0 : i32
      %dma_wait3A_66 = tpu.memref_slice %arg2[%select_n3A, %dma_wait3A_65] : memref<4032x80xi32, #tpu.memory_space<hbm>> -> memref<1x80xi32, #tpu.memory_space<hbm>>
      %dma_wait3A_67 = tpu.memref_squeeze %dma_wait3A_66 : memref<1x80xi32, #tpu.memory_space<hbm>> -> memref<80xi32, #tpu.memory_space<hbm>>
      tpu.wait_dma2 semaphore(%arg34 : memref<!tpu.dma_semaphore, #tpu.memory_space<semaphore_mem>>) src(%dma_wait3A_67 : memref<80xi32, #tpu.memory_space<hbm>>) dst(%arg13 : memref<80xi32, #tpu.memory_space<vmem>>)
      %dma_wait3A_68 = arith.constant 0 : i32
      %dma_wait3A_69 = tpu.memref_slice %arg3[%select_n3A, %dma_wait3A_68] : memref<4032x80xi32, #tpu.memory_space<hbm>> -> memref<1x80xi32, #tpu.memory_space<hbm>>
      %dma_wait3A_70 = tpu.memref_squeeze %dma_wait3A_69 : memref<1x80xi32, #tpu.memory_space<hbm>> -> memref<80xi32, #tpu.memory_space<hbm>>
      %dma_wait3A_71 = arith.constant 0 : i32
      %dma_wait3A_72 = tpu.memref_slice %arg3[%select_n3A, %dma_wait3A_71] : memref<4032x80xi32, #tpu.memory_space<hbm>> -> memref<1x80xi32, #tpu.memory_space<hbm>>
      %dma_wait3A_73 = tpu.memref_squeeze %dma_wait3A_72 : memref<1x80xi32, #tpu.memory_space<hbm>> -> memref<80xi32, #tpu.memory_space<hbm>>
      tpu.wait_dma2 semaphore(%arg34 : memref<!tpu.dma_semaphore, #tpu.memory_space<semaphore_mem>>) src(%dma_wait3A_73 : memref<80xi32, #tpu.memory_space<hbm>>) dst(%arg19 : memref<80xi32, #tpu.memory_space<vmem>>)
      %dma_start3A_74 = arith.constant 0 : i32
      %dma_start3A_75 = arith.constant 0 : i32
      %dma_start3A_76 = tpu.memref_slice %arg4[%dma_start3A_74, %dma_start3A_75] : memref<10000x16xf32, #tpu.memory_space<hbm>> -> memref<10000x16xf32, #tpu.memory_space<hbm>>
      tpu.enqueue_indirect_dma source(%dma_start3A_76 : memref<10000x16xf32, #tpu.memory_space<hbm>>) target(%arg25 : memref<80x16xf32, #tpu.memory_space<vmem>>) offsets(%arg13 : memref<80xi32, #tpu.memory_space<vmem>>) semaphore(%arg40 : memref<!tpu.dma_semaphore, #tpu.memory_space<semaphore_mem>>)
      %dma_start3A_77 = arith.constant 0 : i32
      %dma_start3A_78 = arith.constant 0 : i32
      %dma_start3A_79 = tpu.memref_slice %arg5[%dma_start3A_77, %dma_start3A_78] : memref<10000x16xf32, #tpu.memory_space<hbm>> -> memref<10000x16xf32, #tpu.memory_space<hbm>>
      tpu.enqueue_indirect_dma source(%dma_start3A_79 : memref<10000x16xf32, #tpu.memory_space<hbm>>) target(%arg28 : memref<80x16xf32, #tpu.memory_space<vmem>>) offsets(%arg19 : memref<80xi32, #tpu.memory_space<vmem>>) semaphore(%arg40 : memref<!tpu.dma_semaphore, #tpu.memory_space<semaphore_mem>>)
      %dma_start3A_80 = arith.constant 0 : i32
      %dma_start3A_81 = arith.constant 0 : i32
      %dma_start3A_82 = tpu.memref_slice %arg6[%dma_start3A_80, %dma_start3A_81] : memref<10000x128xf32, #tpu.memory_space<hbm>> -> memref<10000x128xf32, #tpu.memory_space<hbm>>
      tpu.enqueue_indirect_dma source(%dma_start3A_82 : memref<10000x128xf32, #tpu.memory_space<hbm>>) target(%arg31 : memref<80x128xf32, #tpu.memory_space<vmem>>) offsets(%arg13 : memref<80xi32, #tpu.memory_space<vmem>>) semaphore(%arg40 : memref<!tpu.dma_semaphore, #tpu.memory_space<semaphore_mem>>)
      %scan3A = arith.constant 0 : i32
      %scan3A_83 = arith.constant 0 : i32
      %scan3A_84 = arith.constant 25 : i32
      %scan3A_85 = arith.addi %scan3A_83, %scan3A_84 : i32
      %scan3A_86 = arith.constant 1 : i32
      scf.for %scan3A_100 = %scan3A_83 to %scan3A_85 step %scan3A_86  : i32 {
        %mul3A_101 = arith.constant 6 : i32
        %mul3A_102 = arith.muli %scan3A_100, %mul3A_101 : i32
        %add3A_103 = arith.constant 0 : i32
        %add3A_104 = arith.addi %mul3A_102, %add3A_103 : i32
        %dma_wait3A_105 = arith.constant 0 : i32
        %dma_wait3A_106 = arith.constant 0 : i32
        %dma_wait3A_107 = tpu.memref_slice %arg4[%dma_wait3A_105, %dma_wait3A_106] : memref<10000x16xf32, #tpu.memory_space<hbm>> -> memref<10000x16xf32, #tpu.memory_space<hbm>>
        tpu.wait_indirect_dma semaphore(%arg40 : memref<!tpu.dma_semaphore, #tpu.memory_space<semaphore_mem>>) src(%dma_wait3A_107 : memref<10000x16xf32, #tpu.memory_space<hbm>>) dst(%arg25 : memref<80x16xf32, #tpu.memory_space<vmem>>)
        %dma_wait3A_108 = arith.constant 0 : i32
        %dma_wait3A_109 = arith.constant 0 : i32
        %dma_wait3A_110 = tpu.memref_slice %arg5[%dma_wait3A_108, %dma_wait3A_109] : memref<10000x16xf32, #tpu.memory_space<hbm>> -> memref<10000x16xf32, #tpu.memory_space<hbm>>
        tpu.wait_indirect_dma semaphore(%arg40 : memref<!tpu.dma_semaphore, #tpu.memory_space<semaphore_mem>>) src(%dma_wait3A_110 : memref<10000x16xf32, #tpu.memory_space<hbm>>) dst(%arg28 : memref<80x16xf32, #tpu.memory_space<vmem>>)
        %dma_wait3A_111 = arith.constant 0 : i32
        %dma_wait3A_112 = arith.constant 0 : i32
        %dma_wait3A_113 = tpu.memref_slice %arg6[%dma_wait3A_111, %dma_wait3A_112] : memref<10000x128xf32, #tpu.memory_space<hbm>> -> memref<10000x128xf32, #tpu.memory_space<hbm>>
        tpu.wait_indirect_dma semaphore(%arg40 : memref<!tpu.dma_semaphore, #tpu.memory_space<semaphore_mem>>) src(%dma_wait3A_113 : memref<10000x128xf32, #tpu.memory_space<hbm>>) dst(%arg31 : memref<80x128xf32, #tpu.memory_space<vmem>>)
        %ge3A = arith.constant 2 : i32
        %ge3A_114 = arith.cmpi sge, %add3A_104, %ge3A : i32
        %convert_element_type3A_115 = arith.extui %ge3A_114 : i1 to i32
        %cond3A_116 = arith.constant 0 : i32
        %cond3A_117 = arith.cmpi ne, %convert_element_type3A_115, %cond3A_116 : i32
        scf.if %cond3A_117 {
          %dma_wait3A_339 = arith.constant 0 : i32
          %dma_wait3A_340 = arith.constant 0 : i32
          %dma_wait3A_341 = tpu.memref_slice %arg47[%dma_wait3A_339, %dma_wait3A_340] : memref<10016x16xf32, #tpu.memory_space<vmem_shared>> -> memref<10016x16xf32, #tpu.memory_space<vmem_shared>>
          tpu.wait_indirect_dma semaphore(%arg44 : memref<!tpu.dma_semaphore, #tpu.memory_space<semaphore_mem>>) src(%arg26 : memref<80x16xf32, #tpu.memory_space<vmem>>) dst(%dma_wait3A_341 : memref<10016x16xf32, #tpu.memory_space<vmem_shared>>)
          %dma_wait3A_342 = arith.constant 0 : i32
          %dma_wait3A_343 = arith.constant 0 : i32
          %dma_wait3A_344 = tpu.memref_slice %arg46[%dma_wait3A_342, %dma_wait3A_343] : memref<10016x128xf32, #tpu.memory_space<vmem_shared>> -> memref<10016x128xf32, #tpu.memory_space<vmem_shared>>
          tpu.wait_indirect_dma semaphore(%arg44 : memref<!tpu.dma_semaphore, #tpu.memory_space<semaphore_mem>>) src(%arg32 : memref<80x128xf32, #tpu.memory_space<vmem>>) dst(%dma_wait3A_344 : memref<10016x128xf32, #tpu.memory_space<vmem_shared>>)
        } else {
        }
        %lt3A = arith.constant 149 : i32
        %lt3A_118 = arith.cmpi slt, %add3A_104, %lt3A : i32
        %convert_element_type3A_119 = arith.extui %lt3A_118 : i1 to i32
        %cond3A_120 = arith.constant 0 : i32
        %cond3A_121 = arith.cmpi ne, %convert_element_type3A_119, %cond3A_120 : i32
        scf.if %cond3A_121 {
          %dma_wait3A_339 = arith.constant 0 : i32
          %dma_wait3A_340 = tpu.memref_slice %arg2[%select_n3A, %dma_wait3A_339] : memref<4032x80xi32, #tpu.memory_space<hbm>> -> memref<1x80xi32, #tpu.memory_space<hbm>>
          %dma_wait3A_341 = tpu.memref_squeeze %dma_wait3A_340 : memref<1x80xi32, #tpu.memory_space<hbm>> -> memref<80xi32, #tpu.memory_space<hbm>>
          %dma_wait3A_342 = arith.constant 0 : i32
          %dma_wait3A_343 = tpu.memref_slice %arg2[%select_n3A, %dma_wait3A_342] : memref<4032x80xi32, #tpu.memory_space<hbm>> -> memref<1x80xi32, #tpu.memory_space<hbm>>
          %dma_wait3A_344 = tpu.memref_squeeze %dma_wait3A_343 : memref<1x80xi32, #tpu.memory_space<hbm>> -> memref<80xi32, #tpu.memory_space<hbm>>
          tpu.wait_dma2 semaphore(%arg35 : memref<!tpu.dma_semaphore, #tpu.memory_space<semaphore_mem>>) src(%dma_wait3A_344 : memref<80xi32, #tpu.memory_space<hbm>>) dst(%arg14 : memref<80xi32, #tpu.memory_space<vmem>>)
          %dma_wait3A_345 = arith.constant 0 : i32
          %dma_wait3A_346 = tpu.memref_slice %arg3[%select_n3A, %dma_wait3A_345] : memref<4032x80xi32, #tpu.memory_space<hbm>> -> memref<1x80xi32, #tpu.memory_space<hbm>>
          %dma_wait3A_347 = tpu.memref_squeeze %dma_wait3A_346 : memref<1x80xi32, #tpu.memory_space<hbm>> -> memref<80xi32, #tpu.memory_space<hbm>>
          %dma_wait3A_348 = arith.constant 0 : i32
          %dma_wait3A_349 = tpu.memref_slice %arg3[%select_n3A, %dma_wait3A_348] : memref<4032x80xi32, #tpu.memory_space<hbm>> -> memref<1x80xi32, #tpu.memory_space<hbm>>
          %dma_wait3A_350 = tpu.memref_squeeze %dma_wait3A_349 : memref<1x80xi32, #tpu.memory_space<hbm>> -> memref<80xi32, #tpu.memory_space<hbm>>
          tpu.wait_dma2 semaphore(%arg35 : memref<!tpu.dma_semaphore, #tpu.memory_space<semaphore_mem>>) src(%dma_wait3A_350 : memref<80xi32, #tpu.memory_space<hbm>>) dst(%arg20 : memref<80xi32, #tpu.memory_space<vmem>>)
          %dma_start3A_351 = arith.constant 0 : i32
          %dma_start3A_352 = arith.constant 0 : i32
          %dma_start3A_353 = tpu.memref_slice %arg4[%dma_start3A_351, %dma_start3A_352] : memref<10000x16xf32, #tpu.memory_space<hbm>> -> memref<10000x16xf32, #tpu.memory_space<hbm>>
          tpu.enqueue_indirect_dma source(%dma_start3A_353 : memref<10000x16xf32, #tpu.memory_space<hbm>>) target(%arg26 : memref<80x16xf32, #tpu.memory_space<vmem>>) offsets(%arg14 : memref<80xi32, #tpu.memory_space<vmem>>) semaphore(%arg41 : memref<!tpu.dma_semaphore, #tpu.memory_space<semaphore_mem>>)
          %dma_start3A_354 = arith.constant 0 : i32
          %dma_start3A_355 = arith.constant 0 : i32
          %dma_start3A_356 = tpu.memref_slice %arg5[%dma_start3A_354, %dma_start3A_355] : memref<10000x16xf32, #tpu.memory_space<hbm>> -> memref<10000x16xf32, #tpu.memory_space<hbm>>
          tpu.enqueue_indirect_dma source(%dma_start3A_356 : memref<10000x16xf32, #tpu.memory_space<hbm>>) target(%arg29 : memref<80x16xf32, #tpu.memory_space<vmem>>) offsets(%arg20 : memref<80xi32, #tpu.memory_space<vmem>>) semaphore(%arg41 : memref<!tpu.dma_semaphore, #tpu.memory_space<semaphore_mem>>)
          %dma_start3A_357 = arith.constant 0 : i32
          %dma_start3A_358 = arith.constant 0 : i32
          %dma_start3A_359 = tpu.memref_slice %arg6[%dma_start3A_357, %dma_start3A_358] : memref<10000x128xf32, #tpu.memory_space<hbm>> -> memref<10000x128xf32, #tpu.memory_space<hbm>>
          tpu.enqueue_indirect_dma source(%dma_start3A_359 : memref<10000x128xf32, #tpu.memory_space<hbm>>) target(%arg32 : memref<80x128xf32, #tpu.memory_space<vmem>>) offsets(%arg14 : memref<80xi32, #tpu.memory_space<vmem>>) semaphore(%arg41 : memref<!tpu.dma_semaphore, #tpu.memory_space<semaphore_mem>>)
        } else {
        }
        %lt3A_122 = arith.constant 148 : i32
        %lt3A_123 = arith.cmpi slt, %add3A_104, %lt3A_122 : i32
        %convert_element_type3A_124 = arith.extui %lt3A_123 : i1 to i32
        %cond3A_125 = arith.constant 0 : i32
        %cond3A_126 = arith.cmpi ne, %convert_element_type3A_124, %cond3A_125 : i32
        scf.if %cond3A_126 {
          %add3A_339 = arith.constant 2 : i32
          %add3A_340 = arith.addi %add3A_104, %add3A_339 : i32
          %add3A_341 = arith.addi %select_n3A, %add3A_340 : i32
          %dma_start3A_342 = arith.constant 0 : i32
          %dma_start3A_343 = tpu.memref_slice %arg2[%add3A_341, %dma_start3A_342] : memref<4032x80xi32, #tpu.memory_space<hbm>> -> memref<1x80xi32, #tpu.memory_space<hbm>>
          %dma_start3A_344 = tpu.memref_squeeze %dma_start3A_343 : memref<1x80xi32, #tpu.memory_space<hbm>> -> memref<80xi32, #tpu.memory_space<hbm>>
          %dma_start3A_345 = arith.constant 0 : i32
          %dma_start3A_346 = tpu.memref_slice %arg2[%add3A_341, %dma_start3A_345] : memref<4032x80xi32, #tpu.memory_space<hbm>> -> memref<1x80xi32, #tpu.memory_space<hbm>>
          %dma_start3A_347 = tpu.memref_squeeze %dma_start3A_346 : memref<1x80xi32, #tpu.memory_space<hbm>> -> memref<80xi32, #tpu.memory_space<hbm>>
          tpu.enqueue_dma source(%dma_start3A_347 : memref<80xi32, #tpu.memory_space<hbm>>) target(%arg15 : memref<80xi32, #tpu.memory_space<vmem>>) target_semaphore(%arg36 : memref<!tpu.dma_semaphore, #tpu.memory_space<semaphore_mem>>)
          %add3A_348 = arith.addi %select_n3A, %add3A_340 : i32
          %dma_start3A_349 = arith.constant 0 : i32
          %dma_start3A_350 = tpu.memref_slice %arg3[%add3A_348, %dma_start3A_349] : memref<4032x80xi32, #tpu.memory_space<hbm>> -> memref<1x80xi32, #tpu.memory_space<hbm>>
          %dma_start3A_351 = tpu.memref_squeeze %dma_start3A_350 : memref<1x80xi32, #tpu.memory_space<hbm>> -> memref<80xi32, #tpu.memory_space<hbm>>
          %dma_start3A_352 = arith.constant 0 : i32
          %dma_start3A_353 = tpu.memref_slice %arg3[%add3A_348, %dma_start3A_352] : memref<4032x80xi32, #tpu.memory_space<hbm>> -> memref<1x80xi32, #tpu.memory_space<hbm>>
          %dma_start3A_354 = tpu.memref_squeeze %dma_start3A_353 : memref<1x80xi32, #tpu.memory_space<hbm>> -> memref<80xi32, #tpu.memory_space<hbm>>
          tpu.enqueue_dma source(%dma_start3A_354 : memref<80xi32, #tpu.memory_space<hbm>>) target(%arg21 : memref<80xi32, #tpu.memory_space<vmem>>) target_semaphore(%arg36 : memref<!tpu.dma_semaphore, #tpu.memory_space<semaphore_mem>>)
        } else {
        }
        %scan3A_127 = arith.constant 0 : i32
        %scan3A_128 = arith.constant 0 : i32
        %scan3A_129 = arith.constant 80 : i32
        %scan3A_130 = arith.addi %scan3A_128, %scan3A_129 : i32
        %scan3A_131 = arith.constant 1 : i32
        scf.for %scan3A_339 = %scan3A_128 to %scan3A_130 step %scan3A_131  : i32 {
          %get3A = arith.index_cast %scan3A_339 : i32 to index
          %get3A_340 = arith.constant 0 : index
          %get3A_341 = tpu.vector_load %arg25[%get3A, %get3A_340] {strides = array<i32>} : memref<80x16xf32, #tpu.memory_space<vmem>>, vector<1x16xf32>,
          %get3A_342 = vector.shape_cast %get3A_341 : vector<1x16xf32> to vector<16xf32>
          %get3A_343 = arith.index_cast %scan3A_339 : i32 to index
          %get3A_344 = arith.constant 0 : index
          %get3A_345 = tpu.vector_load %arg28[%get3A_343, %get3A_344] {strides = array<i32>} : memref<80x16xf32, #tpu.memory_space<vmem>>, vector<1x16xf32>,
          %get3A_346 = vector.shape_cast %get3A_345 : vector<1x16xf32> to vector<16xf32>
          %add3A_347 = arith.addf %get3A_342, %get3A_346 : vector<16xf32>
          %max3A = arith.constant 0.000000e+00 : f32
          %max3A_348 = vector.broadcast %max3A : f32 to vector<16xf32>
          %max3A_349 = arith.maximumf %add3A_347, %max3A_348 : vector<16xf32>
          %min3A = arith.constant 0.000000e+00 : f32
          %min3A_350 = vector.broadcast %min3A : f32 to vector<16xf32>
          %min3A_351 = arith.minimumf %add3A_347, %min3A_350 : vector<16xf32>
          %mul3A_352 = arith.constant 2.000000e-01 : f32
          %mul3A_353 = vector.broadcast %mul3A_352 : f32 to vector<16xf32>
          %mul3A_354 = arith.mulf %mul3A_353, %min3A_351 : vector<16xf32>
          %add3A_355 = arith.addf %max3A_349, %mul3A_354 : vector<16xf32>
          %exp3A = math.exp %add3A_355 : vector<16xf32>
          %swap3A = arith.index_cast %scan3A_339 : i32 to index
          %swap3A_356 = arith.constant 0 : index
          %swap3A_357 = tpu.vector_load %arg25[%swap3A, %swap3A_356] {strides = array<i32>} : memref<80x16xf32, #tpu.memory_space<vmem>>, vector<1x16xf32>,
          %swap3A_358 = vector.shape_cast %swap3A_357 : vector<1x16xf32> to vector<16xf32>
          %swap3A_359 = vector.shape_cast %exp3A : vector<16xf32> to vector<1x16xf32>
          tpu.vector_store %arg25[%swap3A, %swap3A_356], %swap3A_359 {strides = array<i32>} : memref<80x16xf32, #tpu.memory_space<vmem>>, vector<1x16xf32>,
          %get3A_360 = arith.index_cast %scan3A_339 : i32 to index
          %get3A_361 = arith.constant 0 : index
          %get3A_362 = tpu.vector_load %arg31[%get3A_360, %get3A_361] {strides = array<i32>} : memref<80x128xf32, #tpu.memory_space<vmem>>, vector<1x16xf32>,
          %get3A_363 = vector.shape_cast %get3A_362 : vector<1x16xf32> to vector<16xf32>
          %slice3A = vector.extract_strided_slice %exp3A {offsets = [0], sizes = [1], strides = [1]} : vector<16xf32> to vector<1xf32>
          %squeeze3A = vector.extract %slice3A[0] : f32 from vector<1xf32>
          %mul3A_364 = vector.broadcast %squeeze3A : f32 to vector<16xf32>
          %mul3A_365 = arith.mulf %get3A_363, %mul3A_364 : vector<16xf32>
          %swap3A_366 = arith.index_cast %scan3A_339 : i32 to index
          %swap3A_367 = arith.constant 0 : index
          %swap3A_368 = tpu.vector_load %arg31[%swap3A_366, %swap3A_367] {strides = array<i32>} : memref<80x128xf32, #tpu.memory_space<vmem>>, vector<1x16xf32>,
          %swap3A_369 = vector.shape_cast %swap3A_368 : vector<1x16xf32> to vector<16xf32>
          %swap3A_370 = vector.shape_cast %mul3A_365 : vector<16xf32> to vector<1x16xf32>
          tpu.vector_store %arg31[%swap3A_366, %swap3A_367], %swap3A_370 {strides = array<i32>} : memref<80x128xf32, #tpu.memory_space<vmem>>, vector<1x16xf32>,
          %get3A_371 = arith.index_cast %scan3A_339 : i32 to index
          %get3A_372 = arith.constant 16 : index
          %get3A_373 = tpu.vector_load %arg31[%get3A_371, %get3A_372] {strides = array<i32>} : memref<80x128xf32, #tpu.memory_space<vmem>>, vector<1x16xf32>,
          %get3A_374 = vector.shape_cast %get3A_373 : vector<1x16xf32> to vector<16xf32>
          %slice3A_375 = vector.extract_strided_slice %exp3A {offsets = [1], sizes = [1], strides = [1]} : vector<16xf32> to vector<1xf32>
          %squeeze3A_376 = vector.extract %slice3A_375[0] : f32 from vector<1xf32>
          %mul3A_377 = vector.broadcast %squeeze3A_376 : f32 to vector<16xf32>
          %mul3A_378 = arith.mulf %get3A_374, %mul3A_377 : vector<16xf32>
          %swap3A_379 = arith.index_cast %scan3A_339 : i32 to index
          %swap3A_380 = arith.constant 16 : index
          %swap3A_381 = tpu.vector_load %arg31[%swap3A_379, %swap3A_380] {strides = array<i32>} : memref<80x128xf32, #tpu.memory_space<vmem>>, vector<1x16xf32>,
          %swap3A_382 = vector.shape_cast %swap3A_381 : vector<1x16xf32> to vector<16xf32>
          %swap3A_383 = vector.shape_cast %mul3A_378 : vector<16xf32> to vector<1x16xf32>
          tpu.vector_store %arg31[%swap3A_379, %swap3A_380], %swap3A_383 {strides = array<i32>} : memref<80x128xf32, #tpu.memory_space<vmem>>, vector<1x16xf32>,
          %get3A_384 = arith.index_cast %scan3A_339 : i32 to index
          %get3A_385 = arith.constant 32 : index
          %get3A_386 = tpu.vector_load %arg31[%get3A_384, %get3A_385] {strides = array<i32>} : memref<80x128xf32, #tpu.memory_space<vmem>>, vector<1x16xf32>,
          %get3A_387 = vector.shape_cast %get3A_386 : vector<1x16xf32> to vector<16xf32>
          %slice3A_388 = vector.extract_strided_slice %exp3A {offsets = [2], sizes = [1], strides = [1]} : vector<16xf32> to vector<1xf32>
          %squeeze3A_389 = vector.extract %slice3A_388[0] : f32 from vector<1xf32>
          %mul3A_390 = vector.broadcast %squeeze3A_389 : f32 to vector<16xf32>
          %mul3A_391 = arith.mulf %get3A_387, %mul3A_390 : vector<16xf32>
          %swap3A_392 = arith.index_cast %scan3A_339 : i32 to index
          %swap3A_393 = arith.constant 32 : index
          %swap3A_394 = tpu.vector_load %arg31[%swap3A_392, %swap3A_393] {strides = array<i32>} : memref<80x128xf32, #tpu.memory_space<vmem>>, vector<1x16xf32>,
          %swap3A_395 = vector.shape_cast %swap3A_394 : vector<1x16xf32> to vector<16xf32>
          %swap3A_396 = vector.shape_cast %mul3A_391 : vector<16xf32> to vector<1x16xf32>
          tpu.vector_store %arg31[%swap3A_392, %swap3A_393], %swap3A_396 {strides = array<i32>} : memref<80x128xf32, #tpu.memory_space<vmem>>, vector<1x16xf32>,
          %get3A_397 = arith.index_cast %scan3A_339 : i32 to index
          %get3A_398 = arith.constant 48 : index
          %get3A_399 = tpu.vector_load %arg31[%get3A_397, %get3A_398] {strides = array<i32>} : memref<80x128xf32, #tpu.memory_space<vmem>>, vector<1x16xf32>,
          %get3A_400 = vector.shape_cast %get3A_399 : vector<1x16xf32> to vector<16xf32>
          %slice3A_401 = vector.extract_strided_slice %exp3A {offsets = [3], sizes = [1], strides = [1]} : vector<16xf32> to vector<1xf32>
          %squeeze3A_402 = vector.extract %slice3A_401[0] : f32 from vector<1xf32>
          %mul3A_403 = vector.broadcast %squeeze3A_402 : f32 to vector<16xf32>
          %mul3A_404 = arith.mulf %get3A_400, %mul3A_403 : vector<16xf32>
          %swap3A_405 = arith.index_cast %scan3A_339 : i32 to index
          %swap3A_406 = arith.constant 48 : index
          %swap3A_407 = tpu.vector_load %arg31[%swap3A_405, %swap3A_406] {strides = array<i32>} : memref<80x128xf32, #tpu.memory_space<vmem>>, vector<1x16xf32>,
          %swap3A_408 = vector.shape_cast %swap3A_407 : vector<1x16xf32> to vector<16xf32>
          %swap3A_409 = vector.shape_cast %mul3A_404 : vector<16xf32> to vector<1x16xf32>
          tpu.vector_store %arg31[%swap3A_405, %swap3A_406], %swap3A_409 {strides = array<i32>} : memref<80x128xf32, #tpu.memory_space<vmem>>, vector<1x16xf32>,
          %get3A_410 = arith.index_cast %scan3A_339 : i32 to index
          %get3A_411 = arith.constant 64 : index
          %get3A_412 = tpu.vector_load %arg31[%get3A_410, %get3A_411] {strides = array<i32>} : memref<80x128xf32, #tpu.memory_space<vmem>>, vector<1x16xf32>,
          %get3A_413 = vector.shape_cast %get3A_412 : vector<1x16xf32> to vector<16xf32>
          %slice3A_414 = vector.extract_strided_slice %exp3A {offsets = [4], sizes = [1], strides = [1]} : vector<16xf32> to vector<1xf32>
          %squeeze3A_415 = vector.extract %slice3A_414[0] : f32 from vector<1xf32>
          %mul3A_416 = vector.broadcast %squeeze3A_415 : f32 to vector<16xf32>
          %mul3A_417 = arith.mulf %get3A_413, %mul3A_416 : vector<16xf32>
          %swap3A_418 = arith.index_cast %scan3A_339 : i32 to index
          %swap3A_419 = arith.constant 64 : index
          %swap3A_420 = tpu.vector_load %arg31[%swap3A_418, %swap3A_419] {strides = array<i32>} : memref<80x128xf32, #tpu.memory_space<vmem>>, vector<1x16xf32>,
          %swap3A_421 = vector.shape_cast %swap3A_420 : vector<1x16xf32> to vector<16xf32>
          %swap3A_422 = vector.shape_cast %mul3A_417 : vector<16xf32> to vector<1x16xf32>
          tpu.vector_store %arg31[%swap3A_418, %swap3A_419], %swap3A_422 {strides = array<i32>} : memref<80x128xf32, #tpu.memory_space<vmem>>, vector<1x16xf32>,
          %get3A_423 = arith.index_cast %scan3A_339 : i32 to index
          %get3A_424 = arith.constant 80 : index
          %get3A_425 = tpu.vector_load %arg31[%get3A_423, %get3A_424] {strides = array<i32>} : memref<80x128xf32, #tpu.memory_space<vmem>>, vector<1x16xf32>,
          %get3A_426 = vector.shape_cast %get3A_425 : vector<1x16xf32> to vector<16xf32>
          %slice3A_427 = vector.extract_strided_slice %exp3A {offsets = [5], sizes = [1], strides = [1]} : vector<16xf32> to vector<1xf32>
          %squeeze3A_428 = vector.extract %slice3A_427[0] : f32 from vector<1xf32>
          %mul3A_429 = vector.broadcast %squeeze3A_428 : f32 to vector<16xf32>
          %mul3A_430 = arith.mulf %get3A_426, %mul3A_429 : vector<16xf32>
          %swap3A_431 = arith.index_cast %scan3A_339 : i32 to index
          %swap3A_432 = arith.constant 80 : index
          %swap3A_433 = tpu.vector_load %arg31[%swap3A_431, %swap3A_432] {strides = array<i32>} : memref<80x128xf32, #tpu.memory_space<vmem>>, vector<1x16xf32>,
          %swap3A_434 = vector.shape_cast %swap3A_433 : vector<1x16xf32> to vector<16xf32>
          %swap3A_435 = vector.shape_cast %mul3A_430 : vector<16xf32> to vector<1x16xf32>
          tpu.vector_store %arg31[%swap3A_431, %swap3A_432], %swap3A_435 {strides = array<i32>} : memref<80x128xf32, #tpu.memory_space<vmem>>, vector<1x16xf32>,
          %get3A_436 = arith.index_cast %scan3A_339 : i32 to index
          %get3A_437 = arith.constant 96 : index
          %get3A_438 = tpu.vector_load %arg31[%get3A_436, %get3A_437] {strides = array<i32>} : memref<80x128xf32, #tpu.memory_space<vmem>>, vector<1x16xf32>,
          %get3A_439 = vector.shape_cast %get3A_438 : vector<1x16xf32> to vector<16xf32>
          %slice3A_440 = vector.extract_strided_slice %exp3A {offsets = [6], sizes = [1], strides = [1]} : vector<16xf32> to vector<1xf32>
          %squeeze3A_441 = vector.extract %slice3A_440[0] : f32 from vector<1xf32>
          %mul3A_442 = vector.broadcast %squeeze3A_441 : f32 to vector<16xf32>
          %mul3A_443 = arith.mulf %get3A_439, %mul3A_442 : vector<16xf32>
          %swap3A_444 = arith.index_cast %scan3A_339 : i32 to index
          %swap3A_445 = arith.constant 96 : index
          %swap3A_446 = tpu.vector_load %arg31[%swap3A_444, %swap3A_445] {strides = array<i32>} : memref<80x128xf32, #tpu.memory_space<vmem>>, vector<1x16xf32>,
          %swap3A_447 = vector.shape_cast %swap3A_446 : vector<1x16xf32> to vector<16xf32>
          %swap3A_448 = vector.shape_cast %mul3A_443 : vector<16xf32> to vector<1x16xf32>
          tpu.vector_store %arg31[%swap3A_444, %swap3A_445], %swap3A_448 {strides = array<i32>} : memref<80x128xf32, #tpu.memory_space<vmem>>, vector<1x16xf32>,
          %get3A_449 = arith.index_cast %scan3A_339 : i32 to index
          %get3A_450 = arith.constant 112 : index
          %get3A_451 = tpu.vector_load %arg31[%get3A_449, %get3A_450] {strides = array<i32>} : memref<80x128xf32, #tpu.memory_space<vmem>>, vector<1x16xf32>,
          %get3A_452 = vector.shape_cast %get3A_451 : vector<1x16xf32> to vector<16xf32>
          %slice3A_453 = vector.extract_strided_slice %exp3A {offsets = [7], sizes = [1], strides = [1]} : vector<16xf32> to vector<1xf32>
          %squeeze3A_454 = vector.extract %slice3A_453[0] : f32 from vector<1xf32>
          %mul3A_455 = vector.broadcast %squeeze3A_454 : f32 to vector<16xf32>
          %mul3A_456 = arith.mulf %get3A_452, %mul3A_455 : vector<16xf32>
          %swap3A_457 = arith.index_cast %scan3A_339 : i32 to index
          %swap3A_458 = arith.constant 112 : index
          %swap3A_459 = tpu.vector_load %arg31[%swap3A_457, %swap3A_458] {strides = array<i32>} : memref<80x128xf32, #tpu.memory_space<vmem>>, vector<1x16xf32>,
          %swap3A_460 = vector.shape_cast %swap3A_459 : vector<1x16xf32> to vector<16xf32>
          %swap3A_461 = vector.shape_cast %mul3A_456 : vector<16xf32> to vector<1x16xf32>
          tpu.vector_store %arg31[%swap3A_457, %swap3A_458], %swap3A_461 {strides = array<i32>} : memref<80x128xf32, #tpu.memory_space<vmem>>, vector<1x16xf32>,
        }
        %scan3A_132 = arith.constant 80 : i32
        %dma_start3A_133 = arith.constant 0 : i32
        %dma_start3A_134 = arith.constant 0 : i32
        %dma_start3A_135 = tpu.memref_slice %arg47[%dma_start3A_133, %dma_start3A_134] : memref<10016x16xf32, #tpu.memory_space<vmem_shared>> -> memref<10016x16xf32, #tpu.memory_space<vmem_shared>>
        tpu.enqueue_indirect_dma source(%arg25 : memref<80x16xf32, #tpu.memory_space<vmem>>) target(%dma_start3A_135 : memref<10016x16xf32, #tpu.memory_space<vmem_shared>>) offsets(%arg19 : memref<80xi32, #tpu.memory_space<vmem>>) semaphore(%arg43 : memref<!tpu.dma_semaphore, #tpu.memory_space<semaphore_mem>>) {add = true}
        %dma_start3A_136 = arith.constant 0 : i32
        %dma_start3A_137 = arith.constant 0 : i32
        %dma_start3A_138 = tpu.memref_slice %arg46[%dma_start3A_136, %dma_start3A_137] : memref<10016x128xf32, #tpu.memory_space<vmem_shared>> -> memref<10016x128xf32, #tpu.memory_space<vmem_shared>>
        tpu.enqueue_indirect_dma source(%arg31 : memref<80x128xf32, #tpu.memory_space<vmem>>) target(%dma_start3A_138 : memref<10016x128xf32, #tpu.memory_space<vmem_shared>>) offsets(%arg19 : memref<80xi32, #tpu.memory_space<vmem>>) semaphore(%arg43 : memref<!tpu.dma_semaphore, #tpu.memory_space<semaphore_mem>>) {add = true}
        %mul3A_139 = arith.constant 6 : i32
        %mul3A_140 = arith.muli %scan3A_100, %mul3A_139 : i32
        %add3A_141 = arith.constant 1 : i32
        %add3A_142 = arith.addi %mul3A_140, %add3A_141 : i32
        %dma_wait3A_143 = arith.constant 0 : i32
        %dma_wait3A_144 = arith.constant 0 : i32
        %dma_wait3A_145 = tpu.memref_slice %arg4[%dma_wait3A_143, %dma_wait3A_144] : memref<10000x16xf32, #tpu.memory_space<hbm>> -> memref<10000x16xf32, #tpu.memory_space<hbm>>
        tpu.wait_indirect_dma semaphore(%arg41 : memref<!tpu.dma_semaphore, #tpu.memory_space<semaphore_mem>>) src(%dma_wait3A_145 : memref<10000x16xf32, #tpu.memory_space<hbm>>) dst(%arg26 : memref<80x16xf32, #tpu.memory_space<vmem>>)
        %dma_wait3A_146 = arith.constant 0 : i32
        %dma_wait3A_147 = arith.constant 0 : i32
        %dma_wait3A_148 = tpu.memref_slice %arg5[%dma_wait3A_146, %dma_wait3A_147] : memref<10000x16xf32, #tpu.memory_space<hbm>> -> memref<10000x16xf32, #tpu.memory_space<hbm>>
        tpu.wait_indirect_dma semaphore(%arg41 : memref<!tpu.dma_semaphore, #tpu.memory_space<semaphore_mem>>) src(%dma_wait3A_148 : memref<10000x16xf32, #tpu.memory_space<hbm>>) dst(%arg29 : memref<80x16xf32, #tpu.memory_space<vmem>>)
        %dma_wait3A_149 = arith.constant 0 : i32
        %dma_wait3A_150 = arith.constant 0 : i32
        %dma_wait3A_151 = tpu.memref_slice %arg6[%dma_wait3A_149, %dma_wait3A_150] : memref<10000x128xf32, #tpu.memory_space<hbm>> -> memref<10000x128xf32, #tpu.memory_space<hbm>>
        tpu.wait_indirect_dma semaphore(%arg41 : memref<!tpu.dma_semaphore, #tpu.memory_space<semaphore_mem>>) src(%dma_wait3A_151 : memref<10000x128xf32, #tpu.memory_space<hbm>>) dst(%arg32 : memref<80x128xf32, #tpu.memory_space<vmem>>)
        %ge3A_152 = arith.constant 2 : i32
        %ge3A_153 = arith.cmpi sge, %add3A_142, %ge3A_152 : i32
        %convert_element_type3A_154 = arith.extui %ge3A_153 : i1 to i32
        %cond3A_155 = arith.constant 0 : i32
        %cond3A_156 = arith.cmpi ne, %convert_element_type3A_154, %cond3A_155 : i32
        scf.if %cond3A_156 {
          %dma_wait3A_339 = arith.constant 0 : i32
          %dma_wait3A_340 = arith.constant 0 : i32
          %dma_wait3A_341 = tpu.memref_slice %arg47[%dma_wait3A_339, %dma_wait3A_340] : memref<10016x16xf32, #tpu.memory_space<vmem_shared>> -> memref<10016x16xf32, #tpu.memory_space<vmem_shared>>
          tpu.wait_indirect_dma semaphore(%arg45 : memref<!tpu.dma_semaphore, #tpu.memory_space<semaphore_mem>>) src(%arg27 : memref<80x16xf32, #tpu.memory_space<vmem>>) dst(%dma_wait3A_341 : memref<10016x16xf32, #tpu.memory_space<vmem_shared>>)
          %dma_wait3A_342 = arith.constant 0 : i32
          %dma_wait3A_343 = arith.constant 0 : i32
          %dma_wait3A_344 = tpu.memref_slice %arg46[%dma_wait3A_342, %dma_wait3A_343] : memref<10016x128xf32, #tpu.memory_space<vmem_shared>> -> memref<10016x128xf32, #tpu.memory_space<vmem_shared>>
          tpu.wait_indirect_dma semaphore(%arg45 : memref<!tpu.dma_semaphore, #tpu.memory_space<semaphore_mem>>) src(%arg33 : memref<80x128xf32, #tpu.memory_space<vmem>>) dst(%dma_wait3A_344 : memref<10016x128xf32, #tpu.memory_space<vmem_shared>>)
        } else {
        }
        %lt3A_157 = arith.constant 149 : i32
        %lt3A_158 = arith.cmpi slt, %add3A_142, %lt3A_157 : i32
        %convert_element_type3A_159 = arith.extui %lt3A_158 : i1 to i32
        %cond3A_160 = arith.constant 0 : i32
        %cond3A_161 = arith.cmpi ne, %convert_element_type3A_159, %cond3A_160 : i32
        scf.if %cond3A_161 {
          %dma_wait3A_339 = arith.constant 0 : i32
          %dma_wait3A_340 = tpu.memref_slice %arg2[%select_n3A, %dma_wait3A_339] : memref<4032x80xi32, #tpu.memory_space<hbm>> -> memref<1x80xi32, #tpu.memory_space<hbm>>
          %dma_wait3A_341 = tpu.memref_squeeze %dma_wait3A_340 : memref<1x80xi32, #tpu.memory_space<hbm>> -> memref<80xi32, #tpu.memory_space<hbm>>
          %dma_wait3A_342 = arith.constant 0 : i32
          %dma_wait3A_343 = tpu.memref_slice %arg2[%select_n3A, %dma_wait3A_342] : memref<4032x80xi32, #tpu.memory_space<hbm>> -> memref<1x80xi32, #tpu.memory_space<hbm>>
          %dma_wait3A_344 = tpu.memref_squeeze %dma_wait3A_343 : memref<1x80xi32, #tpu.memory_space<hbm>> -> memref<80xi32, #tpu.memory_space<hbm>>
          tpu.wait_dma2 semaphore(%arg36 : memref<!tpu.dma_semaphore, #tpu.memory_space<semaphore_mem>>) src(%dma_wait3A_344 : memref<80xi32, #tpu.memory_space<hbm>>) dst(%arg15 : memref<80xi32, #tpu.memory_space<vmem>>)
          %dma_wait3A_345 = arith.constant 0 : i32
          %dma_wait3A_346 = tpu.memref_slice %arg3[%select_n3A, %dma_wait3A_345] : memref<4032x80xi32, #tpu.memory_space<hbm>> -> memref<1x80xi32, #tpu.memory_space<hbm>>
          %dma_wait3A_347 = tpu.memref_squeeze %dma_wait3A_346 : memref<1x80xi32, #tpu.memory_space<hbm>> -> memref<80xi32, #tpu.memory_space<hbm>>
          %dma_wait3A_348 = arith.constant 0 : i32
          %dma_wait3A_349 = tpu.memref_slice %arg3[%select_n3A, %dma_wait3A_348] : memref<4032x80xi32, #tpu.memory_space<hbm>> -> memref<1x80xi32, #tpu.memory_space<hbm>>
          %dma_wait3A_350 = tpu.memref_squeeze %dma_wait3A_349 : memref<1x80xi32, #tpu.memory_space<hbm>> -> memref<80xi32, #tpu.memory_space<hbm>>
          tpu.wait_dma2 semaphore(%arg36 : memref<!tpu.dma_semaphore, #tpu.memory_space<semaphore_mem>>) src(%dma_wait3A_350 : memref<80xi32, #tpu.memory_space<hbm>>) dst(%arg21 : memref<80xi32, #tpu.memory_space<vmem>>)
          %dma_start3A_351 = arith.constant 0 : i32
          %dma_start3A_352 = arith.constant 0 : i32
          %dma_start3A_353 = tpu.memref_slice %arg4[%dma_start3A_351, %dma_start3A_352] : memref<10000x16xf32, #tpu.memory_space<hbm>> -> memref<10000x16xf32, #tpu.memory_space<hbm>>
          tpu.enqueue_indirect_dma source(%dma_start3A_353 : memref<10000x16xf32, #tpu.memory_space<hbm>>) target(%arg27 : memref<80x16xf32, #tpu.memory_space<vmem>>) offsets(%arg15 : memref<80xi32, #tpu.memory_space<vmem>>) semaphore(%arg42 : memref<!tpu.dma_semaphore, #tpu.memory_space<semaphore_mem>>)
          %dma_start3A_354 = arith.constant 0 : i32
          %dma_start3A_355 = arith.constant 0 : i32
          %dma_start3A_356 = tpu.memref_slice %arg5[%dma_start3A_354, %dma_start3A_355] : memref<10000x16xf32, #tpu.memory_space<hbm>> -> memref<10000x16xf32, #tpu.memory_space<hbm>>
          tpu.enqueue_indirect_dma source(%dma_start3A_356 : memref<10000x16xf32, #tpu.memory_space<hbm>>) target(%arg30 : memref<80x16xf32, #tpu.memory_space<vmem>>) offsets(%arg21 : memref<80xi32, #tpu.memory_space<vmem>>) semaphore(%arg42 : memref<!tpu.dma_semaphore, #tpu.memory_space<semaphore_mem>>)
          %dma_start3A_357 = arith.constant 0 : i32
          %dma_start3A_358 = arith.constant 0 : i32
          %dma_start3A_359 = tpu.memref_slice %arg6[%dma_start3A_357, %dma_start3A_358] : memref<10000x128xf32, #tpu.memory_space<hbm>> -> memref<10000x128xf32, #tpu.memory_space<hbm>>
          tpu.enqueue_indirect_dma source(%dma_start3A_359 : memref<10000x128xf32, #tpu.memory_space<hbm>>) target(%arg33 : memref<80x128xf32, #tpu.memory_space<vmem>>) offsets(%arg15 : memref<80xi32, #tpu.memory_space<vmem>>) semaphore(%arg42 : memref<!tpu.dma_semaphore, #tpu.memory_space<semaphore_mem>>)
        } else {
        }
        %lt3A_162 = arith.constant 148 : i32
        %lt3A_163 = arith.cmpi slt, %add3A_142, %lt3A_162 : i32
        %convert_element_type3A_164 = arith.extui %lt3A_163 : i1 to i32
        %cond3A_165 = arith.constant 0 : i32
        %cond3A_166 = arith.cmpi ne, %convert_element_type3A_164, %cond3A_165 : i32
        scf.if %cond3A_166 {
          %add3A_339 = arith.constant 2 : i32
          %add3A_340 = arith.addi %add3A_142, %add3A_339 : i32
          %add3A_341 = arith.addi %select_n3A, %add3A_340 : i32
          %dma_start3A_342 = arith.constant 0 : i32
          %dma_start3A_343 = tpu.memref_slice %arg2[%add3A_341, %dma_start3A_342] : memref<4032x80xi32, #tpu.memory_space<hbm>> -> memref<1x80xi32, #tpu.memory_space<hbm>>
          %dma_start3A_344 = tpu.memref_squeeze %dma_start3A_343 : memref<1x80xi32, #tpu.memory_space<hbm>> -> memref<80xi32, #tpu.memory_space<hbm>>
          %dma_start3A_345 = arith.constant 0 : i32
          %dma_start3A_346 = tpu.memref_slice %arg2[%add3A_341, %dma_start3A_345] : memref<4032x80xi32, #tpu.memory_space<hbm>> -> memref<1x80xi32, #tpu.memory_space<hbm>>
          %dma_start3A_347 = tpu.memref_squeeze %dma_start3A_346 : memref<1x80xi32, #tpu.memory_space<hbm>> -> memref<80xi32, #tpu.memory_space<hbm>>
          tpu.enqueue_dma source(%dma_start3A_347 : memref<80xi32, #tpu.memory_space<hbm>>) target(%arg16 : memref<80xi32, #tpu.memory_space<vmem>>) target_semaphore(%arg37 : memref<!tpu.dma_semaphore, #tpu.memory_space<semaphore_mem>>)
          %add3A_348 = arith.addi %select_n3A, %add3A_340 : i32
          %dma_start3A_349 = arith.constant 0 : i32
          %dma_start3A_350 = tpu.memref_slice %arg3[%add3A_348, %dma_start3A_349] : memref<4032x80xi32, #tpu.memory_space<hbm>> -> memref<1x80xi32, #tpu.memory_space<hbm>>
          %dma_start3A_351 = tpu.memref_squeeze %dma_start3A_350 : memref<1x80xi32, #tpu.memory_space<hbm>> -> memref<80xi32, #tpu.memory_space<hbm>>
          %dma_start3A_352 = arith.constant 0 : i32
          %dma_start3A_353 = tpu.memref_slice %arg3[%add3A_348, %dma_start3A_352] : memref<4032x80xi32, #tpu.memory_space<hbm>> -> memref<1x80xi32, #tpu.memory_space<hbm>>
          %dma_start3A_354 = tpu.memref_squeeze %dma_start3A_353 : memref<1x80xi32, #tpu.memory_space<hbm>> -> memref<80xi32, #tpu.memory_space<hbm>>
          tpu.enqueue_dma source(%dma_start3A_354 : memref<80xi32, #tpu.memory_space<hbm>>) target(%arg22 : memref<80xi32, #tpu.memory_space<vmem>>) target_semaphore(%arg37 : memref<!tpu.dma_semaphore, #tpu.memory_space<semaphore_mem>>)
        } else {
        }
        %scan3A_167 = arith.constant 0 : i32
        %scan3A_168 = arith.constant 0 : i32
        %scan3A_169 = arith.constant 80 : i32
        %scan3A_170 = arith.addi %scan3A_168, %scan3A_169 : i32
        %scan3A_171 = arith.constant 1 : i32
        scf.for %scan3A_339 = %scan3A_168 to %scan3A_170 step %scan3A_171  : i32 {
          %get3A = arith.index_cast %scan3A_339 : i32 to index
          %get3A_340 = arith.constant 0 : index
          %get3A_341 = tpu.vector_load %arg26[%get3A, %get3A_340] {strides = array<i32>} : memref<80x16xf32, #tpu.memory_space<vmem>>, vector<1x16xf32>,
          %get3A_342 = vector.shape_cast %get3A_341 : vector<1x16xf32> to vector<16xf32>
          %get3A_343 = arith.index_cast %scan3A_339 : i32 to index
          %get3A_344 = arith.constant 0 : index
          %get3A_345 = tpu.vector_load %arg29[%get3A_343, %get3A_344] {strides = array<i32>} : memref<80x16xf32, #tpu.memory_space<vmem>>, vector<1x16xf32>,
          %get3A_346 = vector.shape_cast %get3A_345 : vector<1x16xf32> to vector<16xf32>
          %add3A_347 = arith.addf %get3A_342, %get3A_346 : vector<16xf32>
          %max3A = arith.constant 0.000000e+00 : f32
          %max3A_348 = vector.broadcast %max3A : f32 to vector<16xf32>
          %max3A_349 = arith.maximumf %add3A_347, %max3A_348 : vector<16xf32>
          %min3A = arith.constant 0.000000e+00 : f32
          %min3A_350 = vector.broadcast %min3A : f32 to vector<16xf32>
          %min3A_351 = arith.minimumf %add3A_347, %min3A_350 : vector<16xf32>
          %mul3A_352 = arith.constant 2.000000e-01 : f32
          %mul3A_353 = vector.broadcast %mul3A_352 : f32 to vector<16xf32>
          %mul3A_354 = arith.mulf %mul3A_353, %min3A_351 : vector<16xf32>
          %add3A_355 = arith.addf %max3A_349, %mul3A_354 : vector<16xf32>
          %exp3A = math.exp %add3A_355 : vector<16xf32>
          %swap3A = arith.index_cast %scan3A_339 : i32 to index
          %swap3A_356 = arith.constant 0 : index
          %swap3A_357 = tpu.vector_load %arg26[%swap3A, %swap3A_356] {strides = array<i32>} : memref<80x16xf32, #tpu.memory_space<vmem>>, vector<1x16xf32>,
          %swap3A_358 = vector.shape_cast %swap3A_357 : vector<1x16xf32> to vector<16xf32>
          %swap3A_359 = vector.shape_cast %exp3A : vector<16xf32> to vector<1x16xf32>
          tpu.vector_store %arg26[%swap3A, %swap3A_356], %swap3A_359 {strides = array<i32>} : memref<80x16xf32, #tpu.memory_space<vmem>>, vector<1x16xf32>,
          %get3A_360 = arith.index_cast %scan3A_339 : i32 to index
          %get3A_361 = arith.constant 0 : index
          %get3A_362 = tpu.vector_load %arg32[%get3A_360, %get3A_361] {strides = array<i32>} : memref<80x128xf32, #tpu.memory_space<vmem>>, vector<1x16xf32>,
          %get3A_363 = vector.shape_cast %get3A_362 : vector<1x16xf32> to vector<16xf32>
          %slice3A = vector.extract_strided_slice %exp3A {offsets = [0], sizes = [1], strides = [1]} : vector<16xf32> to vector<1xf32>
          %squeeze3A = vector.extract %slice3A[0] : f32 from vector<1xf32>
          %mul3A_364 = vector.broadcast %squeeze3A : f32 to vector<16xf32>
          %mul3A_365 = arith.mulf %get3A_363, %mul3A_364 : vector<16xf32>
          %swap3A_366 = arith.index_cast %scan3A_339 : i32 to index
          %swap3A_367 = arith.constant 0 : index
          %swap3A_368 = tpu.vector_load %arg32[%swap3A_366, %swap3A_367] {strides = array<i32>} : memref<80x128xf32, #tpu.memory_space<vmem>>, vector<1x16xf32>,
          %swap3A_369 = vector.shape_cast %swap3A_368 : vector<1x16xf32> to vector<16xf32>
          %swap3A_370 = vector.shape_cast %mul3A_365 : vector<16xf32> to vector<1x16xf32>
          tpu.vector_store %arg32[%swap3A_366, %swap3A_367], %swap3A_370 {strides = array<i32>} : memref<80x128xf32, #tpu.memory_space<vmem>>, vector<1x16xf32>,
          %get3A_371 = arith.index_cast %scan3A_339 : i32 to index
          %get3A_372 = arith.constant 16 : index
          %get3A_373 = tpu.vector_load %arg32[%get3A_371, %get3A_372] {strides = array<i32>} : memref<80x128xf32, #tpu.memory_space<vmem>>, vector<1x16xf32>,
          %get3A_374 = vector.shape_cast %get3A_373 : vector<1x16xf32> to vector<16xf32>
          %slice3A_375 = vector.extract_strided_slice %exp3A {offsets = [1], sizes = [1], strides = [1]} : vector<16xf32> to vector<1xf32>
          %squeeze3A_376 = vector.extract %slice3A_375[0] : f32 from vector<1xf32>
          %mul3A_377 = vector.broadcast %squeeze3A_376 : f32 to vector<16xf32>
          %mul3A_378 = arith.mulf %get3A_374, %mul3A_377 : vector<16xf32>
          %swap3A_379 = arith.index_cast %scan3A_339 : i32 to index
          %swap3A_380 = arith.constant 16 : index
          %swap3A_381 = tpu.vector_load %arg32[%swap3A_379, %swap3A_380] {strides = array<i32>} : memref<80x128xf32, #tpu.memory_space<vmem>>, vector<1x16xf32>,
          %swap3A_382 = vector.shape_cast %swap3A_381 : vector<1x16xf32> to vector<16xf32>
          %swap3A_383 = vector.shape_cast %mul3A_378 : vector<16xf32> to vector<1x16xf32>
          tpu.vector_store %arg32[%swap3A_379, %swap3A_380], %swap3A_383 {strides = array<i32>} : memref<80x128xf32, #tpu.memory_space<vmem>>, vector<1x16xf32>,
          %get3A_384 = arith.index_cast %scan3A_339 : i32 to index
          %get3A_385 = arith.constant 32 : index
          %get3A_386 = tpu.vector_load %arg32[%get3A_384, %get3A_385] {strides = array<i32>} : memref<80x128xf32, #tpu.memory_space<vmem>>, vector<1x16xf32>,
          %get3A_387 = vector.shape_cast %get3A_386 : vector<1x16xf32> to vector<16xf32>
          %slice3A_388 = vector.extract_strided_slice %exp3A {offsets = [2], sizes = [1], strides = [1]} : vector<16xf32> to vector<1xf32>
          %squeeze3A_389 = vector.extract %slice3A_388[0] : f32 from vector<1xf32>
          %mul3A_390 = vector.broadcast %squeeze3A_389 : f32 to vector<16xf32>
          %mul3A_391 = arith.mulf %get3A_387, %mul3A_390 : vector<16xf32>
          %swap3A_392 = arith.index_cast %scan3A_339 : i32 to index
          %swap3A_393 = arith.constant 32 : index
          %swap3A_394 = tpu.vector_load %arg32[%swap3A_392, %swap3A_393] {strides = array<i32>} : memref<80x128xf32, #tpu.memory_space<vmem>>, vector<1x16xf32>,
          %swap3A_395 = vector.shape_cast %swap3A_394 : vector<1x16xf32> to vector<16xf32>
          %swap3A_396 = vector.shape_cast %mul3A_391 : vector<16xf32> to vector<1x16xf32>
          tpu.vector_store %arg32[%swap3A_392, %swap3A_393], %swap3A_396 {strides = array<i32>} : memref<80x128xf32, #tpu.memory_space<vmem>>, vector<1x16xf32>,
          %get3A_397 = arith.index_cast %scan3A_339 : i32 to index
          %get3A_398 = arith.constant 48 : index
          %get3A_399 = tpu.vector_load %arg32[%get3A_397, %get3A_398] {strides = array<i32>} : memref<80x128xf32, #tpu.memory_space<vmem>>, vector<1x16xf32>,
          %get3A_400 = vector.shape_cast %get3A_399 : vector<1x16xf32> to vector<16xf32>
          %slice3A_401 = vector.extract_strided_slice %exp3A {offsets = [3], sizes = [1], strides = [1]} : vector<16xf32> to vector<1xf32>
          %squeeze3A_402 = vector.extract %slice3A_401[0] : f32 from vector<1xf32>
          %mul3A_403 = vector.broadcast %squeeze3A_402 : f32 to vector<16xf32>
          %mul3A_404 = arith.mulf %get3A_400, %mul3A_403 : vector<16xf32>
          %swap3A_405 = arith.index_cast %scan3A_339 : i32 to index
          %swap3A_406 = arith.constant 48 : index
          %swap3A_407 = tpu.vector_load %arg32[%swap3A_405, %swap3A_406] {strides = array<i32>} : memref<80x128xf32, #tpu.memory_space<vmem>>, vector<1x16xf32>,
          %swap3A_408 = vector.shape_cast %swap3A_407 : vector<1x16xf32> to vector<16xf32>
          %swap3A_409 = vector.shape_cast %mul3A_404 : vector<16xf32> to vector<1x16xf32>
          tpu.vector_store %arg32[%swap3A_405, %swap3A_406], %swap3A_409 {strides = array<i32>} : memref<80x128xf32, #tpu.memory_space<vmem>>, vector<1x16xf32>,
          %get3A_410 = arith.index_cast %scan3A_339 : i32 to index
          %get3A_411 = arith.constant 64 : index
          %get3A_412 = tpu.vector_load %arg32[%get3A_410, %get3A_411] {strides = array<i32>} : memref<80x128xf32, #tpu.memory_space<vmem>>, vector<1x16xf32>,
          %get3A_413 = vector.shape_cast %get3A_412 : vector<1x16xf32> to vector<16xf32>
          %slice3A_414 = vector.extract_strided_slice %exp3A {offsets = [4], sizes = [1], strides = [1]} : vector<16xf32> to vector<1xf32>
          %squeeze3A_415 = vector.extract %slice3A_414[0] : f32 from vector<1xf32>
          %mul3A_416 = vector.broadcast %squeeze3A_415 : f32 to vector<16xf32>
          %mul3A_417 = arith.mulf %get3A_413, %mul3A_416 : vector<16xf32>
          %swap3A_418 = arith.index_cast %scan3A_339 : i32 to index
          %swap3A_419 = arith.constant 64 : index
          %swap3A_420 = tpu.vector_load %arg32[%swap3A_418, %swap3A_419] {strides = array<i32>} : memref<80x128xf32, #tpu.memory_space<vmem>>, vector<1x16xf32>,
          %swap3A_421 = vector.shape_cast %swap3A_420 : vector<1x16xf32> to vector<16xf32>
          %swap3A_422 = vector.shape_cast %mul3A_417 : vector<16xf32> to vector<1x16xf32>
          tpu.vector_store %arg32[%swap3A_418, %swap3A_419], %swap3A_422 {strides = array<i32>} : memref<80x128xf32, #tpu.memory_space<vmem>>, vector<1x16xf32>,
          %get3A_423 = arith.index_cast %scan3A_339 : i32 to index
          %get3A_424 = arith.constant 80 : index
          %get3A_425 = tpu.vector_load %arg32[%get3A_423, %get3A_424] {strides = array<i32>} : memref<80x128xf32, #tpu.memory_space<vmem>>, vector<1x16xf32>,
          %get3A_426 = vector.shape_cast %get3A_425 : vector<1x16xf32> to vector<16xf32>
          %slice3A_427 = vector.extract_strided_slice %exp3A {offsets = [5], sizes = [1], strides = [1]} : vector<16xf32> to vector<1xf32>
          %squeeze3A_428 = vector.extract %slice3A_427[0] : f32 from vector<1xf32>
          %mul3A_429 = vector.broadcast %squeeze3A_428 : f32 to vector<16xf32>
          %mul3A_430 = arith.mulf %get3A_426, %mul3A_429 : vector<16xf32>
          %swap3A_431 = arith.index_cast %scan3A_339 : i32 to index
          %swap3A_432 = arith.constant 80 : index
          %swap3A_433 = tpu.vector_load %arg32[%swap3A_431, %swap3A_432] {strides = array<i32>} : memref<80x128xf32, #tpu.memory_space<vmem>>, vector<1x16xf32>,
          %swap3A_434 = vector.shape_cast %swap3A_433 : vector<1x16xf32> to vector<16xf32>
          %swap3A_435 = vector.shape_cast %mul3A_430 : vector<16xf32> to vector<1x16xf32>
          tpu.vector_store %arg32[%swap3A_431, %swap3A_432], %swap3A_435 {strides = array<i32>} : memref<80x128xf32, #tpu.memory_space<vmem>>, vector<1x16xf32>,
          %get3A_436 = arith.index_cast %scan3A_339 : i32 to index
          %get3A_437 = arith.constant 96 : index
          %get3A_438 = tpu.vector_load %arg32[%get3A_436, %get3A_437] {strides = array<i32>} : memref<80x128xf32, #tpu.memory_space<vmem>>, vector<1x16xf32>,
          %get3A_439 = vector.shape_cast %get3A_438 : vector<1x16xf32> to vector<16xf32>
          %slice3A_440 = vector.extract_strided_slice %exp3A {offsets = [6], sizes = [1], strides = [1]} : vector<16xf32> to vector<1xf32>
          %squeeze3A_441 = vector.extract %slice3A_440[0] : f32 from vector<1xf32>
          %mul3A_442 = vector.broadcast %squeeze3A_441 : f32 to vector<16xf32>
          %mul3A_443 = arith.mulf %get3A_439, %mul3A_442 : vector<16xf32>
          %swap3A_444 = arith.index_cast %scan3A_339 : i32 to index
          %swap3A_445 = arith.constant 96 : index
          %swap3A_446 = tpu.vector_load %arg32[%swap3A_444, %swap3A_445] {strides = array<i32>} : memref<80x128xf32, #tpu.memory_space<vmem>>, vector<1x16xf32>,
          %swap3A_447 = vector.shape_cast %swap3A_446 : vector<1x16xf32> to vector<16xf32>
          %swap3A_448 = vector.shape_cast %mul3A_443 : vector<16xf32> to vector<1x16xf32>
          tpu.vector_store %arg32[%swap3A_444, %swap3A_445], %swap3A_448 {strides = array<i32>} : memref<80x128xf32, #tpu.memory_space<vmem>>, vector<1x16xf32>,
          %get3A_449 = arith.index_cast %scan3A_339 : i32 to index
          %get3A_450 = arith.constant 112 : index
          %get3A_451 = tpu.vector_load %arg32[%get3A_449, %get3A_450] {strides = array<i32>} : memref<80x128xf32, #tpu.memory_space<vmem>>, vector<1x16xf32>,
          %get3A_452 = vector.shape_cast %get3A_451 : vector<1x16xf32> to vector<16xf32>
          %slice3A_453 = vector.extract_strided_slice %exp3A {offsets = [7], sizes = [1], strides = [1]} : vector<16xf32> to vector<1xf32>
          %squeeze3A_454 = vector.extract %slice3A_453[0] : f32 from vector<1xf32>
          %mul3A_455 = vector.broadcast %squeeze3A_454 : f32 to vector<16xf32>
          %mul3A_456 = arith.mulf %get3A_452, %mul3A_455 : vector<16xf32>
          %swap3A_457 = arith.index_cast %scan3A_339 : i32 to index
          %swap3A_458 = arith.constant 112 : index
          %swap3A_459 = tpu.vector_load %arg32[%swap3A_457, %swap3A_458] {strides = array<i32>} : memref<80x128xf32, #tpu.memory_space<vmem>>, vector<1x16xf32>,
          %swap3A_460 = vector.shape_cast %swap3A_459 : vector<1x16xf32> to vector<16xf32>
          %swap3A_461 = vector.shape_cast %mul3A_456 : vector<16xf32> to vector<1x16xf32>
          tpu.vector_store %arg32[%swap3A_457, %swap3A_458], %swap3A_461 {strides = array<i32>} : memref<80x128xf32, #tpu.memory_space<vmem>>, vector<1x16xf32>,
        }
        %scan3A_172 = arith.constant 80 : i32
        %dma_start3A_173 = arith.constant 0 : i32
        %dma_start3A_174 = arith.constant 0 : i32
        %dma_start3A_175 = tpu.memref_slice %arg47[%dma_start3A_173, %dma_start3A_174] : memref<10016x16xf32, #tpu.memory_space<vmem_shared>> -> memref<10016x16xf32, #tpu.memory_space<vmem_shared>>
        tpu.enqueue_indirect_dma source(%arg26 : memref<80x16xf32, #tpu.memory_space<vmem>>) target(%dma_start3A_175 : memref<10016x16xf32, #tpu.memory_space<vmem_shared>>) offsets(%arg20 : memref<80xi32, #tpu.memory_space<vmem>>) semaphore(%arg44 : memref<!tpu.dma_semaphore, #tpu.memory_space<semaphore_mem>>) {add = true}
        %dma_start3A_176 = arith.constant 0 : i32
        %dma_start3A_177 = arith.constant 0 : i32
        %dma_start3A_178 = tpu.memref_slice %arg46[%dma_start3A_176, %dma_start3A_177] : memref<10016x128xf32, #tpu.memory_space<vmem_shared>> -> memref<10016x128xf32, #tpu.memory_space<vmem_shared>>
        tpu.enqueue_indirect_dma source(%arg32 : memref<80x128xf32, #tpu.memory_space<vmem>>) target(%dma_start3A_178 : memref<10016x128xf32, #tpu.memory_space<vmem_shared>>) offsets(%arg20 : memref<80xi32, #tpu.memory_space<vmem>>) semaphore(%arg44 : memref<!tpu.dma_semaphore, #tpu.memory_space<semaphore_mem>>) {add = true}
        %mul3A_179 = arith.constant 6 : i32
        %mul3A_180 = arith.muli %scan3A_100, %mul3A_179 : i32
        %add3A_181 = arith.constant 2 : i32
        %add3A_182 = arith.addi %mul3A_180, %add3A_181 : i32
        %dma_wait3A_183 = arith.constant 0 : i32
        %dma_wait3A_184 = arith.constant 0 : i32
        %dma_wait3A_185 = tpu.memref_slice %arg4[%dma_wait3A_183, %dma_wait3A_184] : memref<10000x16xf32, #tpu.memory_space<hbm>> -> memref<10000x16xf32, #tpu.memory_space<hbm>>
        tpu.wait_indirect_dma semaphore(%arg42 : memref<!tpu.dma_semaphore, #tpu.memory_space<semaphore_mem>>) src(%dma_wait3A_185 : memref<10000x16xf32, #tpu.memory_space<hbm>>) dst(%arg27 : memref<80x16xf32, #tpu.memory_space<vmem>>)
        %dma_wait3A_186 = arith.constant 0 : i32
        %dma_wait3A_187 = arith.constant 0 : i32
        %dma_wait3A_188 = tpu.memref_slice %arg5[%dma_wait3A_186, %dma_wait3A_187] : memref<10000x16xf32, #tpu.memory_space<hbm>> -> memref<10000x16xf32, #tpu.memory_space<hbm>>
        tpu.wait_indirect_dma semaphore(%arg42 : memref<!tpu.dma_semaphore, #tpu.memory_space<semaphore_mem>>) src(%dma_wait3A_188 : memref<10000x16xf32, #tpu.memory_space<hbm>>) dst(%arg30 : memref<80x16xf32, #tpu.memory_space<vmem>>)
        %dma_wait3A_189 = arith.constant 0 : i32
        %dma_wait3A_190 = arith.constant 0 : i32
        %dma_wait3A_191 = tpu.memref_slice %arg6[%dma_wait3A_189, %dma_wait3A_190] : memref<10000x128xf32, #tpu.memory_space<hbm>> -> memref<10000x128xf32, #tpu.memory_space<hbm>>
        tpu.wait_indirect_dma semaphore(%arg42 : memref<!tpu.dma_semaphore, #tpu.memory_space<semaphore_mem>>) src(%dma_wait3A_191 : memref<10000x128xf32, #tpu.memory_space<hbm>>) dst(%arg33 : memref<80x128xf32, #tpu.memory_space<vmem>>)
        %ge3A_192 = arith.constant 2 : i32
        %ge3A_193 = arith.cmpi sge, %add3A_182, %ge3A_192 : i32
        %convert_element_type3A_194 = arith.extui %ge3A_193 : i1 to i32
        %cond3A_195 = arith.constant 0 : i32
        %cond3A_196 = arith.cmpi ne, %convert_element_type3A_194, %cond3A_195 : i32
        scf.if %cond3A_196 {
          %dma_wait3A_339 = arith.constant 0 : i32
          %dma_wait3A_340 = arith.constant 0 : i32
          %dma_wait3A_341 = tpu.memref_slice %arg47[%dma_wait3A_339, %dma_wait3A_340] : memref<10016x16xf32, #tpu.memory_space<vmem_shared>> -> memref<10016x16xf32, #tpu.memory_space<vmem_shared>>
          tpu.wait_indirect_dma semaphore(%arg43 : memref<!tpu.dma_semaphore, #tpu.memory_space<semaphore_mem>>) src(%arg25 : memref<80x16xf32, #tpu.memory_space<vmem>>) dst(%dma_wait3A_341 : memref<10016x16xf32, #tpu.memory_space<vmem_shared>>)
          %dma_wait3A_342 = arith.constant 0 : i32
          %dma_wait3A_343 = arith.constant 0 : i32
          %dma_wait3A_344 = tpu.memref_slice %arg46[%dma_wait3A_342, %dma_wait3A_343] : memref<10016x128xf32, #tpu.memory_space<vmem_shared>> -> memref<10016x128xf32, #tpu.memory_space<vmem_shared>>
          tpu.wait_indirect_dma semaphore(%arg43 : memref<!tpu.dma_semaphore, #tpu.memory_space<semaphore_mem>>) src(%arg31 : memref<80x128xf32, #tpu.memory_space<vmem>>) dst(%dma_wait3A_344 : memref<10016x128xf32, #tpu.memory_space<vmem_shared>>)
        } else {
        }
        %lt3A_197 = arith.constant 149 : i32
        %lt3A_198 = arith.cmpi slt, %add3A_182, %lt3A_197 : i32
        %convert_element_type3A_199 = arith.extui %lt3A_198 : i1 to i32
        %cond3A_200 = arith.constant 0 : i32
        %cond3A_201 = arith.cmpi ne, %convert_element_type3A_199, %cond3A_200 : i32
        scf.if %cond3A_201 {
          %dma_wait3A_339 = arith.constant 0 : i32
          %dma_wait3A_340 = tpu.memref_slice %arg2[%select_n3A, %dma_wait3A_339] : memref<4032x80xi32, #tpu.memory_space<hbm>> -> memref<1x80xi32, #tpu.memory_space<hbm>>
          %dma_wait3A_341 = tpu.memref_squeeze %dma_wait3A_340 : memref<1x80xi32, #tpu.memory_space<hbm>> -> memref<80xi32, #tpu.memory_space<hbm>>
          %dma_wait3A_342 = arith.constant 0 : i32
          %dma_wait3A_343 = tpu.memref_slice %arg2[%select_n3A, %dma_wait3A_342] : memref<4032x80xi32, #tpu.memory_space<hbm>> -> memref<1x80xi32, #tpu.memory_space<hbm>>
          %dma_wait3A_344 = tpu.memref_squeeze %dma_wait3A_343 : memref<1x80xi32, #tpu.memory_space<hbm>> -> memref<80xi32, #tpu.memory_space<hbm>>
          tpu.wait_dma2 semaphore(%arg37 : memref<!tpu.dma_semaphore, #tpu.memory_space<semaphore_mem>>) src(%dma_wait3A_344 : memref<80xi32, #tpu.memory_space<hbm>>) dst(%arg16 : memref<80xi32, #tpu.memory_space<vmem>>)
          %dma_wait3A_345 = arith.constant 0 : i32
          %dma_wait3A_346 = tpu.memref_slice %arg3[%select_n3A, %dma_wait3A_345] : memref<4032x80xi32, #tpu.memory_space<hbm>> -> memref<1x80xi32, #tpu.memory_space<hbm>>
          %dma_wait3A_347 = tpu.memref_squeeze %dma_wait3A_346 : memref<1x80xi32, #tpu.memory_space<hbm>> -> memref<80xi32, #tpu.memory_space<hbm>>
          %dma_wait3A_348 = arith.constant 0 : i32
          %dma_wait3A_349 = tpu.memref_slice %arg3[%select_n3A, %dma_wait3A_348] : memref<4032x80xi32, #tpu.memory_space<hbm>> -> memref<1x80xi32, #tpu.memory_space<hbm>>
          %dma_wait3A_350 = tpu.memref_squeeze %dma_wait3A_349 : memref<1x80xi32, #tpu.memory_space<hbm>> -> memref<80xi32, #tpu.memory_space<hbm>>
          tpu.wait_dma2 semaphore(%arg37 : memref<!tpu.dma_semaphore, #tpu.memory_space<semaphore_mem>>) src(%dma_wait3A_350 : memref<80xi32, #tpu.memory_space<hbm>>) dst(%arg22 : memref<80xi32, #tpu.memory_space<vmem>>)
          %dma_start3A_351 = arith.constant 0 : i32
          %dma_start3A_352 = arith.constant 0 : i32
          %dma_start3A_353 = tpu.memref_slice %arg4[%dma_start3A_351, %dma_start3A_352] : memref<10000x16xf32, #tpu.memory_space<hbm>> -> memref<10000x16xf32, #tpu.memory_space<hbm>>
          tpu.enqueue_indirect_dma source(%dma_start3A_353 : memref<10000x16xf32, #tpu.memory_space<hbm>>) target(%arg25 : memref<80x16xf32, #tpu.memory_space<vmem>>) offsets(%arg16 : memref<80xi32, #tpu.memory_space<vmem>>) semaphore(%arg40 : memref<!tpu.dma_semaphore, #tpu.memory_space<semaphore_mem>>)
          %dma_start3A_354 = arith.constant 0 : i32
          %dma_start3A_355 = arith.constant 0 : i32
          %dma_start3A_356 = tpu.memref_slice %arg5[%dma_start3A_354, %dma_start3A_355] : memref<10000x16xf32, #tpu.memory_space<hbm>> -> memref<10000x16xf32, #tpu.memory_space<hbm>>
          tpu.enqueue_indirect_dma source(%dma_start3A_356 : memref<10000x16xf32, #tpu.memory_space<hbm>>) target(%arg28 : memref<80x16xf32, #tpu.memory_space<vmem>>) offsets(%arg22 : memref<80xi32, #tpu.memory_space<vmem>>) semaphore(%arg40 : memref<!tpu.dma_semaphore, #tpu.memory_space<semaphore_mem>>)
          %dma_start3A_357 = arith.constant 0 : i32
          %dma_start3A_358 = arith.constant 0 : i32
          %dma_start3A_359 = tpu.memref_slice %arg6[%dma_start3A_357, %dma_start3A_358] : memref<10000x128xf32, #tpu.memory_space<hbm>> -> memref<10000x128xf32, #tpu.memory_space<hbm>>
          tpu.enqueue_indirect_dma source(%dma_start3A_359 : memref<10000x128xf32, #tpu.memory_space<hbm>>) target(%arg31 : memref<80x128xf32, #tpu.memory_space<vmem>>) offsets(%arg16 : memref<80xi32, #tpu.memory_space<vmem>>) semaphore(%arg40 : memref<!tpu.dma_semaphore, #tpu.memory_space<semaphore_mem>>)
        } else {
        }
        %lt3A_202 = arith.constant 148 : i32
        %lt3A_203 = arith.cmpi slt, %add3A_182, %lt3A_202 : i32
        %convert_element_type3A_204 = arith.extui %lt3A_203 : i1 to i32
        %cond3A_205 = arith.constant 0 : i32
        %cond3A_206 = arith.cmpi ne, %convert_element_type3A_204, %cond3A_205 : i32
        scf.if %cond3A_206 {
          %add3A_339 = arith.constant 2 : i32
          %add3A_340 = arith.addi %add3A_182, %add3A_339 : i32
          %add3A_341 = arith.addi %select_n3A, %add3A_340 : i32
          %dma_start3A_342 = arith.constant 0 : i32
          %dma_start3A_343 = tpu.memref_slice %arg2[%add3A_341, %dma_start3A_342] : memref<4032x80xi32, #tpu.memory_space<hbm>> -> memref<1x80xi32, #tpu.memory_space<hbm>>
          %dma_start3A_344 = tpu.memref_squeeze %dma_start3A_343 : memref<1x80xi32, #tpu.memory_space<hbm>> -> memref<80xi32, #tpu.memory_space<hbm>>
          %dma_start3A_345 = arith.constant 0 : i32
          %dma_start3A_346 = tpu.memref_slice %arg2[%add3A_341, %dma_start3A_345] : memref<4032x80xi32, #tpu.memory_space<hbm>> -> memref<1x80xi32, #tpu.memory_space<hbm>>
          %dma_start3A_347 = tpu.memref_squeeze %dma_start3A_346 : memref<1x80xi32, #tpu.memory_space<hbm>> -> memref<80xi32, #tpu.memory_space<hbm>>
          tpu.enqueue_dma source(%dma_start3A_347 : memref<80xi32, #tpu.memory_space<hbm>>) target(%arg17 : memref<80xi32, #tpu.memory_space<vmem>>) target_semaphore(%arg38 : memref<!tpu.dma_semaphore, #tpu.memory_space<semaphore_mem>>)
          %add3A_348 = arith.addi %select_n3A, %add3A_340 : i32
          %dma_start3A_349 = arith.constant 0 : i32
          %dma_start3A_350 = tpu.memref_slice %arg3[%add3A_348, %dma_start3A_349] : memref<4032x80xi32, #tpu.memory_space<hbm>> -> memref<1x80xi32, #tpu.memory_space<hbm>>
          %dma_start3A_351 = tpu.memref_squeeze %dma_start3A_350 : memref<1x80xi32, #tpu.memory_space<hbm>> -> memref<80xi32, #tpu.memory_space<hbm>>
          %dma_start3A_352 = arith.constant 0 : i32
          %dma_start3A_353 = tpu.memref_slice %arg3[%add3A_348, %dma_start3A_352] : memref<4032x80xi32, #tpu.memory_space<hbm>> -> memref<1x80xi32, #tpu.memory_space<hbm>>
          %dma_start3A_354 = tpu.memref_squeeze %dma_start3A_353 : memref<1x80xi32, #tpu.memory_space<hbm>> -> memref<80xi32, #tpu.memory_space<hbm>>
          tpu.enqueue_dma source(%dma_start3A_354 : memref<80xi32, #tpu.memory_space<hbm>>) target(%arg23 : memref<80xi32, #tpu.memory_space<vmem>>) target_semaphore(%arg38 : memref<!tpu.dma_semaphore, #tpu.memory_space<semaphore_mem>>)
        } else {
        }
        %scan3A_207 = arith.constant 0 : i32
        %scan3A_208 = arith.constant 0 : i32
        %scan3A_209 = arith.constant 80 : i32
        %scan3A_210 = arith.addi %scan3A_208, %scan3A_209 : i32
        %scan3A_211 = arith.constant 1 : i32
        scf.for %scan3A_339 = %scan3A_208 to %scan3A_210 step %scan3A_211  : i32 {
          %get3A = arith.index_cast %scan3A_339 : i32 to index
          %get3A_340 = arith.constant 0 : index
          %get3A_341 = tpu.vector_load %arg27[%get3A, %get3A_340] {strides = array<i32>} : memref<80x16xf32, #tpu.memory_space<vmem>>, vector<1x16xf32>,
          %get3A_342 = vector.shape_cast %get3A_341 : vector<1x16xf32> to vector<16xf32>
          %get3A_343 = arith.index_cast %scan3A_339 : i32 to index
          %get3A_344 = arith.constant 0 : index
          %get3A_345 = tpu.vector_load %arg30[%get3A_343, %get3A_344] {strides = array<i32>} : memref<80x16xf32, #tpu.memory_space<vmem>>, vector<1x16xf32>,
          %get3A_346 = vector.shape_cast %get3A_345 : vector<1x16xf32> to vector<16xf32>
          %add3A_347 = arith.addf %get3A_342, %get3A_346 : vector<16xf32>
          %max3A = arith.constant 0.000000e+00 : f32
          %max3A_348 = vector.broadcast %max3A : f32 to vector<16xf32>
          %max3A_349 = arith.maximumf %add3A_347, %max3A_348 : vector<16xf32>
          %min3A = arith.constant 0.000000e+00 : f32
          %min3A_350 = vector.broadcast %min3A : f32 to vector<16xf32>
          %min3A_351 = arith.minimumf %add3A_347, %min3A_350 : vector<16xf32>
          %mul3A_352 = arith.constant 2.000000e-01 : f32
          %mul3A_353 = vector.broadcast %mul3A_352 : f32 to vector<16xf32>
          %mul3A_354 = arith.mulf %mul3A_353, %min3A_351 : vector<16xf32>
          %add3A_355 = arith.addf %max3A_349, %mul3A_354 : vector<16xf32>
          %exp3A = math.exp %add3A_355 : vector<16xf32>
          %swap3A = arith.index_cast %scan3A_339 : i32 to index
          %swap3A_356 = arith.constant 0 : index
          %swap3A_357 = tpu.vector_load %arg27[%swap3A, %swap3A_356] {strides = array<i32>} : memref<80x16xf32, #tpu.memory_space<vmem>>, vector<1x16xf32>,
          %swap3A_358 = vector.shape_cast %swap3A_357 : vector<1x16xf32> to vector<16xf32>
          %swap3A_359 = vector.shape_cast %exp3A : vector<16xf32> to vector<1x16xf32>
          tpu.vector_store %arg27[%swap3A, %swap3A_356], %swap3A_359 {strides = array<i32>} : memref<80x16xf32, #tpu.memory_space<vmem>>, vector<1x16xf32>,
          %get3A_360 = arith.index_cast %scan3A_339 : i32 to index
          %get3A_361 = arith.constant 0 : index
          %get3A_362 = tpu.vector_load %arg33[%get3A_360, %get3A_361] {strides = array<i32>} : memref<80x128xf32, #tpu.memory_space<vmem>>, vector<1x16xf32>,
          %get3A_363 = vector.shape_cast %get3A_362 : vector<1x16xf32> to vector<16xf32>
          %slice3A = vector.extract_strided_slice %exp3A {offsets = [0], sizes = [1], strides = [1]} : vector<16xf32> to vector<1xf32>
          %squeeze3A = vector.extract %slice3A[0] : f32 from vector<1xf32>
          %mul3A_364 = vector.broadcast %squeeze3A : f32 to vector<16xf32>
          %mul3A_365 = arith.mulf %get3A_363, %mul3A_364 : vector<16xf32>
          %swap3A_366 = arith.index_cast %scan3A_339 : i32 to index
          %swap3A_367 = arith.constant 0 : index
          %swap3A_368 = tpu.vector_load %arg33[%swap3A_366, %swap3A_367] {strides = array<i32>} : memref<80x128xf32, #tpu.memory_space<vmem>>, vector<1x16xf32>,
          %swap3A_369 = vector.shape_cast %swap3A_368 : vector<1x16xf32> to vector<16xf32>
          %swap3A_370 = vector.shape_cast %mul3A_365 : vector<16xf32> to vector<1x16xf32>
          tpu.vector_store %arg33[%swap3A_366, %swap3A_367], %swap3A_370 {strides = array<i32>} : memref<80x128xf32, #tpu.memory_space<vmem>>, vector<1x16xf32>,
          %get3A_371 = arith.index_cast %scan3A_339 : i32 to index
          %get3A_372 = arith.constant 16 : index
          %get3A_373 = tpu.vector_load %arg33[%get3A_371, %get3A_372] {strides = array<i32>} : memref<80x128xf32, #tpu.memory_space<vmem>>, vector<1x16xf32>,
          %get3A_374 = vector.shape_cast %get3A_373 : vector<1x16xf32> to vector<16xf32>
          %slice3A_375 = vector.extract_strided_slice %exp3A {offsets = [1], sizes = [1], strides = [1]} : vector<16xf32> to vector<1xf32>
          %squeeze3A_376 = vector.extract %slice3A_375[0] : f32 from vector<1xf32>
          %mul3A_377 = vector.broadcast %squeeze3A_376 : f32 to vector<16xf32>
          %mul3A_378 = arith.mulf %get3A_374, %mul3A_377 : vector<16xf32>
          %swap3A_379 = arith.index_cast %scan3A_339 : i32 to index
          %swap3A_380 = arith.constant 16 : index
          %swap3A_381 = tpu.vector_load %arg33[%swap3A_379, %swap3A_380] {strides = array<i32>} : memref<80x128xf32, #tpu.memory_space<vmem>>, vector<1x16xf32>,
          %swap3A_382 = vector.shape_cast %swap3A_381 : vector<1x16xf32> to vector<16xf32>
          %swap3A_383 = vector.shape_cast %mul3A_378 : vector<16xf32> to vector<1x16xf32>
          tpu.vector_store %arg33[%swap3A_379, %swap3A_380], %swap3A_383 {strides = array<i32>} : memref<80x128xf32, #tpu.memory_space<vmem>>, vector<1x16xf32>,
          %get3A_384 = arith.index_cast %scan3A_339 : i32 to index
          %get3A_385 = arith.constant 32 : index
          %get3A_386 = tpu.vector_load %arg33[%get3A_384, %get3A_385] {strides = array<i32>} : memref<80x128xf32, #tpu.memory_space<vmem>>, vector<1x16xf32>,
          %get3A_387 = vector.shape_cast %get3A_386 : vector<1x16xf32> to vector<16xf32>
          %slice3A_388 = vector.extract_strided_slice %exp3A {offsets = [2], sizes = [1], strides = [1]} : vector<16xf32> to vector<1xf32>
          %squeeze3A_389 = vector.extract %slice3A_388[0] : f32 from vector<1xf32>
          %mul3A_390 = vector.broadcast %squeeze3A_389 : f32 to vector<16xf32>
          %mul3A_391 = arith.mulf %get3A_387, %mul3A_390 : vector<16xf32>
          %swap3A_392 = arith.index_cast %scan3A_339 : i32 to index
          %swap3A_393 = arith.constant 32 : index
          %swap3A_394 = tpu.vector_load %arg33[%swap3A_392, %swap3A_393] {strides = array<i32>} : memref<80x128xf32, #tpu.memory_space<vmem>>, vector<1x16xf32>,
          %swap3A_395 = vector.shape_cast %swap3A_394 : vector<1x16xf32> to vector<16xf32>
          %swap3A_396 = vector.shape_cast %mul3A_391 : vector<16xf32> to vector<1x16xf32>
          tpu.vector_store %arg33[%swap3A_392, %swap3A_393], %swap3A_396 {strides = array<i32>} : memref<80x128xf32, #tpu.memory_space<vmem>>, vector<1x16xf32>,
          %get3A_397 = arith.index_cast %scan3A_339 : i32 to index
          %get3A_398 = arith.constant 48 : index
          %get3A_399 = tpu.vector_load %arg33[%get3A_397, %get3A_398] {strides = array<i32>} : memref<80x128xf32, #tpu.memory_space<vmem>>, vector<1x16xf32>,
          %get3A_400 = vector.shape_cast %get3A_399 : vector<1x16xf32> to vector<16xf32>
          %slice3A_401 = vector.extract_strided_slice %exp3A {offsets = [3], sizes = [1], strides = [1]} : vector<16xf32> to vector<1xf32>
          %squeeze3A_402 = vector.extract %slice3A_401[0] : f32 from vector<1xf32>
          %mul3A_403 = vector.broadcast %squeeze3A_402 : f32 to vector<16xf32>
          %mul3A_404 = arith.mulf %get3A_400, %mul3A_403 : vector<16xf32>
          %swap3A_405 = arith.index_cast %scan3A_339 : i32 to index
          %swap3A_406 = arith.constant 48 : index
          %swap3A_407 = tpu.vector_load %arg33[%swap3A_405, %swap3A_406] {strides = array<i32>} : memref<80x128xf32, #tpu.memory_space<vmem>>, vector<1x16xf32>,
          %swap3A_408 = vector.shape_cast %swap3A_407 : vector<1x16xf32> to vector<16xf32>
          %swap3A_409 = vector.shape_cast %mul3A_404 : vector<16xf32> to vector<1x16xf32>
          tpu.vector_store %arg33[%swap3A_405, %swap3A_406], %swap3A_409 {strides = array<i32>} : memref<80x128xf32, #tpu.memory_space<vmem>>, vector<1x16xf32>,
          %get3A_410 = arith.index_cast %scan3A_339 : i32 to index
          %get3A_411 = arith.constant 64 : index
          %get3A_412 = tpu.vector_load %arg33[%get3A_410, %get3A_411] {strides = array<i32>} : memref<80x128xf32, #tpu.memory_space<vmem>>, vector<1x16xf32>,
          %get3A_413 = vector.shape_cast %get3A_412 : vector<1x16xf32> to vector<16xf32>
          %slice3A_414 = vector.extract_strided_slice %exp3A {offsets = [4], sizes = [1], strides = [1]} : vector<16xf32> to vector<1xf32>
          %squeeze3A_415 = vector.extract %slice3A_414[0] : f32 from vector<1xf32>
          %mul3A_416 = vector.broadcast %squeeze3A_415 : f32 to vector<16xf32>
          %mul3A_417 = arith.mulf %get3A_413, %mul3A_416 : vector<16xf32>
          %swap3A_418 = arith.index_cast %scan3A_339 : i32 to index
          %swap3A_419 = arith.constant 64 : index
          %swap3A_420 = tpu.vector_load %arg33[%swap3A_418, %swap3A_419] {strides = array<i32>} : memref<80x128xf32, #tpu.memory_space<vmem>>, vector<1x16xf32>,
          %swap3A_421 = vector.shape_cast %swap3A_420 : vector<1x16xf32> to vector<16xf32>
          %swap3A_422 = vector.shape_cast %mul3A_417 : vector<16xf32> to vector<1x16xf32>
          tpu.vector_store %arg33[%swap3A_418, %swap3A_419], %swap3A_422 {strides = array<i32>} : memref<80x128xf32, #tpu.memory_space<vmem>>, vector<1x16xf32>,
          %get3A_423 = arith.index_cast %scan3A_339 : i32 to index
          %get3A_424 = arith.constant 80 : index
          %get3A_425 = tpu.vector_load %arg33[%get3A_423, %get3A_424] {strides = array<i32>} : memref<80x128xf32, #tpu.memory_space<vmem>>, vector<1x16xf32>,
          %get3A_426 = vector.shape_cast %get3A_425 : vector<1x16xf32> to vector<16xf32>
          %slice3A_427 = vector.extract_strided_slice %exp3A {offsets = [5], sizes = [1], strides = [1]} : vector<16xf32> to vector<1xf32>
          %squeeze3A_428 = vector.extract %slice3A_427[0] : f32 from vector<1xf32>
          %mul3A_429 = vector.broadcast %squeeze3A_428 : f32 to vector<16xf32>
          %mul3A_430 = arith.mulf %get3A_426, %mul3A_429 : vector<16xf32>
          %swap3A_431 = arith.index_cast %scan3A_339 : i32 to index
          %swap3A_432 = arith.constant 80 : index
          %swap3A_433 = tpu.vector_load %arg33[%swap3A_431, %swap3A_432] {strides = array<i32>} : memref<80x128xf32, #tpu.memory_space<vmem>>, vector<1x16xf32>,
          %swap3A_434 = vector.shape_cast %swap3A_433 : vector<1x16xf32> to vector<16xf32>
          %swap3A_435 = vector.shape_cast %mul3A_430 : vector<16xf32> to vector<1x16xf32>
          tpu.vector_store %arg33[%swap3A_431, %swap3A_432], %swap3A_435 {strides = array<i32>} : memref<80x128xf32, #tpu.memory_space<vmem>>, vector<1x16xf32>,
          %get3A_436 = arith.index_cast %scan3A_339 : i32 to index
          %get3A_437 = arith.constant 96 : index
          %get3A_438 = tpu.vector_load %arg33[%get3A_436, %get3A_437] {strides = array<i32>} : memref<80x128xf32, #tpu.memory_space<vmem>>, vector<1x16xf32>,
          %get3A_439 = vector.shape_cast %get3A_438 : vector<1x16xf32> to vector<16xf32>
          %slice3A_440 = vector.extract_strided_slice %exp3A {offsets = [6], sizes = [1], strides = [1]} : vector<16xf32> to vector<1xf32>
          %squeeze3A_441 = vector.extract %slice3A_440[0] : f32 from vector<1xf32>
          %mul3A_442 = vector.broadcast %squeeze3A_441 : f32 to vector<16xf32>
          %mul3A_443 = arith.mulf %get3A_439, %mul3A_442 : vector<16xf32>
          %swap3A_444 = arith.index_cast %scan3A_339 : i32 to index
          %swap3A_445 = arith.constant 96 : index
          %swap3A_446 = tpu.vector_load %arg33[%swap3A_444, %swap3A_445] {strides = array<i32>} : memref<80x128xf32, #tpu.memory_space<vmem>>, vector<1x16xf32>,
          %swap3A_447 = vector.shape_cast %swap3A_446 : vector<1x16xf32> to vector<16xf32>
          %swap3A_448 = vector.shape_cast %mul3A_443 : vector<16xf32> to vector<1x16xf32>
          tpu.vector_store %arg33[%swap3A_444, %swap3A_445], %swap3A_448 {strides = array<i32>} : memref<80x128xf32, #tpu.memory_space<vmem>>, vector<1x16xf32>,
          %get3A_449 = arith.index_cast %scan3A_339 : i32 to index
          %get3A_450 = arith.constant 112 : index
          %get3A_451 = tpu.vector_load %arg33[%get3A_449, %get3A_450] {strides = array<i32>} : memref<80x128xf32, #tpu.memory_space<vmem>>, vector<1x16xf32>,
          %get3A_452 = vector.shape_cast %get3A_451 : vector<1x16xf32> to vector<16xf32>
          %slice3A_453 = vector.extract_strided_slice %exp3A {offsets = [7], sizes = [1], strides = [1]} : vector<16xf32> to vector<1xf32>
          %squeeze3A_454 = vector.extract %slice3A_453[0] : f32 from vector<1xf32>
          %mul3A_455 = vector.broadcast %squeeze3A_454 : f32 to vector<16xf32>
          %mul3A_456 = arith.mulf %get3A_452, %mul3A_455 : vector<16xf32>
          %swap3A_457 = arith.index_cast %scan3A_339 : i32 to index
          %swap3A_458 = arith.constant 112 : index
          %swap3A_459 = tpu.vector_load %arg33[%swap3A_457, %swap3A_458] {strides = array<i32>} : memref<80x128xf32, #tpu.memory_space<vmem>>, vector<1x16xf32>,
          %swap3A_460 = vector.shape_cast %swap3A_459 : vector<1x16xf32> to vector<16xf32>
          %swap3A_461 = vector.shape_cast %mul3A_456 : vector<16xf32> to vector<1x16xf32>
          tpu.vector_store %arg33[%swap3A_457, %swap3A_458], %swap3A_461 {strides = array<i32>} : memref<80x128xf32, #tpu.memory_space<vmem>>, vector<1x16xf32>,
        }
        %scan3A_212 = arith.constant 80 : i32
        %dma_start3A_213 = arith.constant 0 : i32
        %dma_start3A_214 = arith.constant 0 : i32
        %dma_start3A_215 = tpu.memref_slice %arg47[%dma_start3A_213, %dma_start3A_214] : memref<10016x16xf32, #tpu.memory_space<vmem_shared>> -> memref<10016x16xf32, #tpu.memory_space<vmem_shared>>
        tpu.enqueue_indirect_dma source(%arg27 : memref<80x16xf32, #tpu.memory_space<vmem>>) target(%dma_start3A_215 : memref<10016x16xf32, #tpu.memory_space<vmem_shared>>) offsets(%arg21 : memref<80xi32, #tpu.memory_space<vmem>>) semaphore(%arg45 : memref<!tpu.dma_semaphore, #tpu.memory_space<semaphore_mem>>) {add = true}
        %dma_start3A_216 = arith.constant 0 : i32
        %dma_start3A_217 = arith.constant 0 : i32
        %dma_start3A_218 = tpu.memref_slice %arg46[%dma_start3A_216, %dma_start3A_217] : memref<10016x128xf32, #tpu.memory_space<vmem_shared>> -> memref<10016x128xf32, #tpu.memory_space<vmem_shared>>
        tpu.enqueue_indirect_dma source(%arg33 : memref<80x128xf32, #tpu.memory_space<vmem>>) target(%dma_start3A_218 : memref<10016x128xf32, #tpu.memory_space<vmem_shared>>) offsets(%arg21 : memref<80xi32, #tpu.memory_space<vmem>>) semaphore(%arg45 : memref<!tpu.dma_semaphore, #tpu.memory_space<semaphore_mem>>) {add = true}
        %mul3A_219 = arith.constant 6 : i32
        %mul3A_220 = arith.muli %scan3A_100, %mul3A_219 : i32
        %add3A_221 = arith.constant 3 : i32
        %add3A_222 = arith.addi %mul3A_220, %add3A_221 : i32
        %dma_wait3A_223 = arith.constant 0 : i32
        %dma_wait3A_224 = arith.constant 0 : i32
        %dma_wait3A_225 = tpu.memref_slice %arg4[%dma_wait3A_223, %dma_wait3A_224] : memref<10000x16xf32, #tpu.memory_space<hbm>> -> memref<10000x16xf32, #tpu.memory_space<hbm>>
        tpu.wait_indirect_dma semaphore(%arg40 : memref<!tpu.dma_semaphore, #tpu.memory_space<semaphore_mem>>) src(%dma_wait3A_225 : memref<10000x16xf32, #tpu.memory_space<hbm>>) dst(%arg25 : memref<80x16xf32, #tpu.memory_space<vmem>>)
        %dma_wait3A_226 = arith.constant 0 : i32
        %dma_wait3A_227 = arith.constant 0 : i32
        %dma_wait3A_228 = tpu.memref_slice %arg5[%dma_wait3A_226, %dma_wait3A_227] : memref<10000x16xf32, #tpu.memory_space<hbm>> -> memref<10000x16xf32, #tpu.memory_space<hbm>>
        tpu.wait_indirect_dma semaphore(%arg40 : memref<!tpu.dma_semaphore, #tpu.memory_space<semaphore_mem>>) src(%dma_wait3A_228 : memref<10000x16xf32, #tpu.memory_space<hbm>>) dst(%arg28 : memref<80x16xf32, #tpu.memory_space<vmem>>)
        %dma_wait3A_229 = arith.constant 0 : i32
        %dma_wait3A_230 = arith.constant 0 : i32
        %dma_wait3A_231 = tpu.memref_slice %arg6[%dma_wait3A_229, %dma_wait3A_230] : memref<10000x128xf32, #tpu.memory_space<hbm>> -> memref<10000x128xf32, #tpu.memory_space<hbm>>
        tpu.wait_indirect_dma semaphore(%arg40 : memref<!tpu.dma_semaphore, #tpu.memory_space<semaphore_mem>>) src(%dma_wait3A_231 : memref<10000x128xf32, #tpu.memory_space<hbm>>) dst(%arg31 : memref<80x128xf32, #tpu.memory_space<vmem>>)
        %ge3A_232 = arith.constant 2 : i32
        %ge3A_233 = arith.cmpi sge, %add3A_222, %ge3A_232 : i32
        %convert_element_type3A_234 = arith.extui %ge3A_233 : i1 to i32
        %cond3A_235 = arith.constant 0 : i32
        %cond3A_236 = arith.cmpi ne, %convert_element_type3A_234, %cond3A_235 : i32
        scf.if %cond3A_236 {
          %dma_wait3A_339 = arith.constant 0 : i32
          %dma_wait3A_340 = arith.constant 0 : i32
          %dma_wait3A_341 = tpu.memref_slice %arg47[%dma_wait3A_339, %dma_wait3A_340] : memref<10016x16xf32, #tpu.memory_space<vmem_shared>> -> memref<10016x16xf32, #tpu.memory_space<vmem_shared>>
          tpu.wait_indirect_dma semaphore(%arg44 : memref<!tpu.dma_semaphore, #tpu.memory_space<semaphore_mem>>) src(%arg26 : memref<80x16xf32, #tpu.memory_space<vmem>>) dst(%dma_wait3A_341 : memref<10016x16xf32, #tpu.memory_space<vmem_shared>>)
          %dma_wait3A_342 = arith.constant 0 : i32
          %dma_wait3A_343 = arith.constant 0 : i32
          %dma_wait3A_344 = tpu.memref_slice %arg46[%dma_wait3A_342, %dma_wait3A_343] : memref<10016x128xf32, #tpu.memory_space<vmem_shared>> -> memref<10016x128xf32, #tpu.memory_space<vmem_shared>>
          tpu.wait_indirect_dma semaphore(%arg44 : memref<!tpu.dma_semaphore, #tpu.memory_space<semaphore_mem>>) src(%arg32 : memref<80x128xf32, #tpu.memory_space<vmem>>) dst(%dma_wait3A_344 : memref<10016x128xf32, #tpu.memory_space<vmem_shared>>)
        } else {
        }
        %lt3A_237 = arith.constant 149 : i32
        %lt3A_238 = arith.cmpi slt, %add3A_222, %lt3A_237 : i32
        %convert_element_type3A_239 = arith.extui %lt3A_238 : i1 to i32
        %cond3A_240 = arith.constant 0 : i32
        %cond3A_241 = arith.cmpi ne, %convert_element_type3A_239, %cond3A_240 : i32
        scf.if %cond3A_241 {
          %dma_wait3A_339 = arith.constant 0 : i32
          %dma_wait3A_340 = tpu.memref_slice %arg2[%select_n3A, %dma_wait3A_339] : memref<4032x80xi32, #tpu.memory_space<hbm>> -> memref<1x80xi32, #tpu.memory_space<hbm>>
          %dma_wait3A_341 = tpu.memref_squeeze %dma_wait3A_340 : memref<1x80xi32, #tpu.memory_space<hbm>> -> memref<80xi32, #tpu.memory_space<hbm>>
          %dma_wait3A_342 = arith.constant 0 : i32
          %dma_wait3A_343 = tpu.memref_slice %arg2[%select_n3A, %dma_wait3A_342] : memref<4032x80xi32, #tpu.memory_space<hbm>> -> memref<1x80xi32, #tpu.memory_space<hbm>>
          %dma_wait3A_344 = tpu.memref_squeeze %dma_wait3A_343 : memref<1x80xi32, #tpu.memory_space<hbm>> -> memref<80xi32, #tpu.memory_space<hbm>>
          tpu.wait_dma2 semaphore(%arg38 : memref<!tpu.dma_semaphore, #tpu.memory_space<semaphore_mem>>) src(%dma_wait3A_344 : memref<80xi32, #tpu.memory_space<hbm>>) dst(%arg17 : memref<80xi32, #tpu.memory_space<vmem>>)
          %dma_wait3A_345 = arith.constant 0 : i32
          %dma_wait3A_346 = tpu.memref_slice %arg3[%select_n3A, %dma_wait3A_345] : memref<4032x80xi32, #tpu.memory_space<hbm>> -> memref<1x80xi32, #tpu.memory_space<hbm>>
          %dma_wait3A_347 = tpu.memref_squeeze %dma_wait3A_346 : memref<1x80xi32, #tpu.memory_space<hbm>> -> memref<80xi32, #tpu.memory_space<hbm>>
          %dma_wait3A_348 = arith.constant 0 : i32
          %dma_wait3A_349 = tpu.memref_slice %arg3[%select_n3A, %dma_wait3A_348] : memref<4032x80xi32, #tpu.memory_space<hbm>> -> memref<1x80xi32, #tpu.memory_space<hbm>>
          %dma_wait3A_350 = tpu.memref_squeeze %dma_wait3A_349 : memref<1x80xi32, #tpu.memory_space<hbm>> -> memref<80xi32, #tpu.memory_space<hbm>>
          tpu.wait_dma2 semaphore(%arg38 : memref<!tpu.dma_semaphore, #tpu.memory_space<semaphore_mem>>) src(%dma_wait3A_350 : memref<80xi32, #tpu.memory_space<hbm>>) dst(%arg23 : memref<80xi32, #tpu.memory_space<vmem>>)
          %dma_start3A_351 = arith.constant 0 : i32
          %dma_start3A_352 = arith.constant 0 : i32
          %dma_start3A_353 = tpu.memref_slice %arg4[%dma_start3A_351, %dma_start3A_352] : memref<10000x16xf32, #tpu.memory_space<hbm>> -> memref<10000x16xf32, #tpu.memory_space<hbm>>
          tpu.enqueue_indirect_dma source(%dma_start3A_353 : memref<10000x16xf32, #tpu.memory_space<hbm>>) target(%arg26 : memref<80x16xf32, #tpu.memory_space<vmem>>) offsets(%arg17 : memref<80xi32, #tpu.memory_space<vmem>>) semaphore(%arg41 : memref<!tpu.dma_semaphore, #tpu.memory_space<semaphore_mem>>)
          %dma_start3A_354 = arith.constant 0 : i32
          %dma_start3A_355 = arith.constant 0 : i32
          %dma_start3A_356 = tpu.memref_slice %arg5[%dma_start3A_354, %dma_start3A_355] : memref<10000x16xf32, #tpu.memory_space<hbm>> -> memref<10000x16xf32, #tpu.memory_space<hbm>>
          tpu.enqueue_indirect_dma source(%dma_start3A_356 : memref<10000x16xf32, #tpu.memory_space<hbm>>) target(%arg29 : memref<80x16xf32, #tpu.memory_space<vmem>>) offsets(%arg23 : memref<80xi32, #tpu.memory_space<vmem>>) semaphore(%arg41 : memref<!tpu.dma_semaphore, #tpu.memory_space<semaphore_mem>>)
          %dma_start3A_357 = arith.constant 0 : i32
          %dma_start3A_358 = arith.constant 0 : i32
          %dma_start3A_359 = tpu.memref_slice %arg6[%dma_start3A_357, %dma_start3A_358] : memref<10000x128xf32, #tpu.memory_space<hbm>> -> memref<10000x128xf32, #tpu.memory_space<hbm>>
          tpu.enqueue_indirect_dma source(%dma_start3A_359 : memref<10000x128xf32, #tpu.memory_space<hbm>>) target(%arg32 : memref<80x128xf32, #tpu.memory_space<vmem>>) offsets(%arg17 : memref<80xi32, #tpu.memory_space<vmem>>) semaphore(%arg41 : memref<!tpu.dma_semaphore, #tpu.memory_space<semaphore_mem>>)
        } else {
        }
        %lt3A_242 = arith.constant 148 : i32
        %lt3A_243 = arith.cmpi slt, %add3A_222, %lt3A_242 : i32
        %convert_element_type3A_244 = arith.extui %lt3A_243 : i1 to i32
        %cond3A_245 = arith.constant 0 : i32
        %cond3A_246 = arith.cmpi ne, %convert_element_type3A_244, %cond3A_245 : i32
        scf.if %cond3A_246 {
          %add3A_339 = arith.constant 2 : i32
          %add3A_340 = arith.addi %add3A_222, %add3A_339 : i32
          %add3A_341 = arith.addi %select_n3A, %add3A_340 : i32
          %dma_start3A_342 = arith.constant 0 : i32
          %dma_start3A_343 = tpu.memref_slice %arg2[%add3A_341, %dma_start3A_342] : memref<4032x80xi32, #tpu.memory_space<hbm>> -> memref<1x80xi32, #tpu.memory_space<hbm>>
          %dma_start3A_344 = tpu.memref_squeeze %dma_start3A_343 : memref<1x80xi32, #tpu.memory_space<hbm>> -> memref<80xi32, #tpu.memory_space<hbm>>
          %dma_start3A_345 = arith.constant 0 : i32
          %dma_start3A_346 = tpu.memref_slice %arg2[%add3A_341, %dma_start3A_345] : memref<4032x80xi32, #tpu.memory_space<hbm>> -> memref<1x80xi32, #tpu.memory_space<hbm>>
          %dma_start3A_347 = tpu.memref_squeeze %dma_start3A_346 : memref<1x80xi32, #tpu.memory_space<hbm>> -> memref<80xi32, #tpu.memory_space<hbm>>
          tpu.enqueue_dma source(%dma_start3A_347 : memref<80xi32, #tpu.memory_space<hbm>>) target(%arg18 : memref<80xi32, #tpu.memory_space<vmem>>) target_semaphore(%arg39 : memref<!tpu.dma_semaphore, #tpu.memory_space<semaphore_mem>>)
          %add3A_348 = arith.addi %select_n3A, %add3A_340 : i32
          %dma_start3A_349 = arith.constant 0 : i32
          %dma_start3A_350 = tpu.memref_slice %arg3[%add3A_348, %dma_start3A_349] : memref<4032x80xi32, #tpu.memory_space<hbm>> -> memref<1x80xi32, #tpu.memory_space<hbm>>
          %dma_start3A_351 = tpu.memref_squeeze %dma_start3A_350 : memref<1x80xi32, #tpu.memory_space<hbm>> -> memref<80xi32, #tpu.memory_space<hbm>>
          %dma_start3A_352 = arith.constant 0 : i32
          %dma_start3A_353 = tpu.memref_slice %arg3[%add3A_348, %dma_start3A_352] : memref<4032x80xi32, #tpu.memory_space<hbm>> -> memref<1x80xi32, #tpu.memory_space<hbm>>
          %dma_start3A_354 = tpu.memref_squeeze %dma_start3A_353 : memref<1x80xi32, #tpu.memory_space<hbm>> -> memref<80xi32, #tpu.memory_space<hbm>>
          tpu.enqueue_dma source(%dma_start3A_354 : memref<80xi32, #tpu.memory_space<hbm>>) target(%arg24 : memref<80xi32, #tpu.memory_space<vmem>>) target_semaphore(%arg39 : memref<!tpu.dma_semaphore, #tpu.memory_space<semaphore_mem>>)
        } else {
        }
        %scan3A_247 = arith.constant 0 : i32
        %scan3A_248 = arith.constant 0 : i32
        %scan3A_249 = arith.constant 80 : i32
        %scan3A_250 = arith.addi %scan3A_248, %scan3A_249 : i32
        %scan3A_251 = arith.constant 1 : i32
        scf.for %scan3A_339 = %scan3A_248 to %scan3A_250 step %scan3A_251  : i32 {
          %get3A = arith.index_cast %scan3A_339 : i32 to index
          %get3A_340 = arith.constant 0 : index
          %get3A_341 = tpu.vector_load %arg25[%get3A, %get3A_340] {strides = array<i32>} : memref<80x16xf32, #tpu.memory_space<vmem>>, vector<1x16xf32>,
          %get3A_342 = vector.shape_cast %get3A_341 : vector<1x16xf32> to vector<16xf32>
          %get3A_343 = arith.index_cast %scan3A_339 : i32 to index
          %get3A_344 = arith.constant 0 : index
          %get3A_345 = tpu.vector_load %arg28[%get3A_343, %get3A_344] {strides = array<i32>} : memref<80x16xf32, #tpu.memory_space<vmem>>, vector<1x16xf32>,
          %get3A_346 = vector.shape_cast %get3A_345 : vector<1x16xf32> to vector<16xf32>
          %add3A_347 = arith.addf %get3A_342, %get3A_346 : vector<16xf32>
          %max3A = arith.constant 0.000000e+00 : f32
          %max3A_348 = vector.broadcast %max3A : f32 to vector<16xf32>
          %max3A_349 = arith.maximumf %add3A_347, %max3A_348 : vector<16xf32>
          %min3A = arith.constant 0.000000e+00 : f32
          %min3A_350 = vector.broadcast %min3A : f32 to vector<16xf32>
          %min3A_351 = arith.minimumf %add3A_347, %min3A_350 : vector<16xf32>
          %mul3A_352 = arith.constant 2.000000e-01 : f32
          %mul3A_353 = vector.broadcast %mul3A_352 : f32 to vector<16xf32>
          %mul3A_354 = arith.mulf %mul3A_353, %min3A_351 : vector<16xf32>
          %add3A_355 = arith.addf %max3A_349, %mul3A_354 : vector<16xf32>
          %exp3A = math.exp %add3A_355 : vector<16xf32>
          %swap3A = arith.index_cast %scan3A_339 : i32 to index
          %swap3A_356 = arith.constant 0 : index
          %swap3A_357 = tpu.vector_load %arg25[%swap3A, %swap3A_356] {strides = array<i32>} : memref<80x16xf32, #tpu.memory_space<vmem>>, vector<1x16xf32>,
          %swap3A_358 = vector.shape_cast %swap3A_357 : vector<1x16xf32> to vector<16xf32>
          %swap3A_359 = vector.shape_cast %exp3A : vector<16xf32> to vector<1x16xf32>
          tpu.vector_store %arg25[%swap3A, %swap3A_356], %swap3A_359 {strides = array<i32>} : memref<80x16xf32, #tpu.memory_space<vmem>>, vector<1x16xf32>,
          %get3A_360 = arith.index_cast %scan3A_339 : i32 to index
          %get3A_361 = arith.constant 0 : index
          %get3A_362 = tpu.vector_load %arg31[%get3A_360, %get3A_361] {strides = array<i32>} : memref<80x128xf32, #tpu.memory_space<vmem>>, vector<1x16xf32>,
          %get3A_363 = vector.shape_cast %get3A_362 : vector<1x16xf32> to vector<16xf32>
          %slice3A = vector.extract_strided_slice %exp3A {offsets = [0], sizes = [1], strides = [1]} : vector<16xf32> to vector<1xf32>
          %squeeze3A = vector.extract %slice3A[0] : f32 from vector<1xf32>
          %mul3A_364 = vector.broadcast %squeeze3A : f32 to vector<16xf32>
          %mul3A_365 = arith.mulf %get3A_363, %mul3A_364 : vector<16xf32>
          %swap3A_366 = arith.index_cast %scan3A_339 : i32 to index
          %swap3A_367 = arith.constant 0 : index
          %swap3A_368 = tpu.vector_load %arg31[%swap3A_366, %swap3A_367] {strides = array<i32>} : memref<80x128xf32, #tpu.memory_space<vmem>>, vector<1x16xf32>,
          %swap3A_369 = vector.shape_cast %swap3A_368 : vector<1x16xf32> to vector<16xf32>
          %swap3A_370 = vector.shape_cast %mul3A_365 : vector<16xf32> to vector<1x16xf32>
          tpu.vector_store %arg31[%swap3A_366, %swap3A_367], %swap3A_370 {strides = array<i32>} : memref<80x128xf32, #tpu.memory_space<vmem>>, vector<1x16xf32>,
          %get3A_371 = arith.index_cast %scan3A_339 : i32 to index
          %get3A_372 = arith.constant 16 : index
          %get3A_373 = tpu.vector_load %arg31[%get3A_371, %get3A_372] {strides = array<i32>} : memref<80x128xf32, #tpu.memory_space<vmem>>, vector<1x16xf32>,
          %get3A_374 = vector.shape_cast %get3A_373 : vector<1x16xf32> to vector<16xf32>
          %slice3A_375 = vector.extract_strided_slice %exp3A {offsets = [1], sizes = [1], strides = [1]} : vector<16xf32> to vector<1xf32>
          %squeeze3A_376 = vector.extract %slice3A_375[0] : f32 from vector<1xf32>
          %mul3A_377 = vector.broadcast %squeeze3A_376 : f32 to vector<16xf32>
          %mul3A_378 = arith.mulf %get3A_374, %mul3A_377 : vector<16xf32>
          %swap3A_379 = arith.index_cast %scan3A_339 : i32 to index
          %swap3A_380 = arith.constant 16 : index
          %swap3A_381 = tpu.vector_load %arg31[%swap3A_379, %swap3A_380] {strides = array<i32>} : memref<80x128xf32, #tpu.memory_space<vmem>>, vector<1x16xf32>,
          %swap3A_382 = vector.shape_cast %swap3A_381 : vector<1x16xf32> to vector<16xf32>
          %swap3A_383 = vector.shape_cast %mul3A_378 : vector<16xf32> to vector<1x16xf32>
          tpu.vector_store %arg31[%swap3A_379, %swap3A_380], %swap3A_383 {strides = array<i32>} : memref<80x128xf32, #tpu.memory_space<vmem>>, vector<1x16xf32>,
          %get3A_384 = arith.index_cast %scan3A_339 : i32 to index
          %get3A_385 = arith.constant 32 : index
          %get3A_386 = tpu.vector_load %arg31[%get3A_384, %get3A_385] {strides = array<i32>} : memref<80x128xf32, #tpu.memory_space<vmem>>, vector<1x16xf32>,
          %get3A_387 = vector.shape_cast %get3A_386 : vector<1x16xf32> to vector<16xf32>
          %slice3A_388 = vector.extract_strided_slice %exp3A {offsets = [2], sizes = [1], strides = [1]} : vector<16xf32> to vector<1xf32>
          %squeeze3A_389 = vector.extract %slice3A_388[0] : f32 from vector<1xf32>
          %mul3A_390 = vector.broadcast %squeeze3A_389 : f32 to vector<16xf32>
          %mul3A_391 = arith.mulf %get3A_387, %mul3A_390 : vector<16xf32>
          %swap3A_392 = arith.index_cast %scan3A_339 : i32 to index
          %swap3A_393 = arith.constant 32 : index
          %swap3A_394 = tpu.vector_load %arg31[%swap3A_392, %swap3A_393] {strides = array<i32>} : memref<80x128xf32, #tpu.memory_space<vmem>>, vector<1x16xf32>,
          %swap3A_395 = vector.shape_cast %swap3A_394 : vector<1x16xf32> to vector<16xf32>
          %swap3A_396 = vector.shape_cast %mul3A_391 : vector<16xf32> to vector<1x16xf32>
          tpu.vector_store %arg31[%swap3A_392, %swap3A_393], %swap3A_396 {strides = array<i32>} : memref<80x128xf32, #tpu.memory_space<vmem>>, vector<1x16xf32>,
          %get3A_397 = arith.index_cast %scan3A_339 : i32 to index
          %get3A_398 = arith.constant 48 : index
          %get3A_399 = tpu.vector_load %arg31[%get3A_397, %get3A_398] {strides = array<i32>} : memref<80x128xf32, #tpu.memory_space<vmem>>, vector<1x16xf32>,
          %get3A_400 = vector.shape_cast %get3A_399 : vector<1x16xf32> to vector<16xf32>
          %slice3A_401 = vector.extract_strided_slice %exp3A {offsets = [3], sizes = [1], strides = [1]} : vector<16xf32> to vector<1xf32>
          %squeeze3A_402 = vector.extract %slice3A_401[0] : f32 from vector<1xf32>
          %mul3A_403 = vector.broadcast %squeeze3A_402 : f32 to vector<16xf32>
          %mul3A_404 = arith.mulf %get3A_400, %mul3A_403 : vector<16xf32>
          %swap3A_405 = arith.index_cast %scan3A_339 : i32 to index
          %swap3A_406 = arith.constant 48 : index
          %swap3A_407 = tpu.vector_load %arg31[%swap3A_405, %swap3A_406] {strides = array<i32>} : memref<80x128xf32, #tpu.memory_space<vmem>>, vector<1x16xf32>,
          %swap3A_408 = vector.shape_cast %swap3A_407 : vector<1x16xf32> to vector<16xf32>
          %swap3A_409 = vector.shape_cast %mul3A_404 : vector<16xf32> to vector<1x16xf32>
          tpu.vector_store %arg31[%swap3A_405, %swap3A_406], %swap3A_409 {strides = array<i32>} : memref<80x128xf32, #tpu.memory_space<vmem>>, vector<1x16xf32>,
          %get3A_410 = arith.index_cast %scan3A_339 : i32 to index
          %get3A_411 = arith.constant 64 : index
          %get3A_412 = tpu.vector_load %arg31[%get3A_410, %get3A_411] {strides = array<i32>} : memref<80x128xf32, #tpu.memory_space<vmem>>, vector<1x16xf32>,
          %get3A_413 = vector.shape_cast %get3A_412 : vector<1x16xf32> to vector<16xf32>
          %slice3A_414 = vector.extract_strided_slice %exp3A {offsets = [4], sizes = [1], strides = [1]} : vector<16xf32> to vector<1xf32>
          %squeeze3A_415 = vector.extract %slice3A_414[0] : f32 from vector<1xf32>
          %mul3A_416 = vector.broadcast %squeeze3A_415 : f32 to vector<16xf32>
          %mul3A_417 = arith.mulf %get3A_413, %mul3A_416 : vector<16xf32>
          %swap3A_418 = arith.index_cast %scan3A_339 : i32 to index
          %swap3A_419 = arith.constant 64 : index
          %swap3A_420 = tpu.vector_load %arg31[%swap3A_418, %swap3A_419] {strides = array<i32>} : memref<80x128xf32, #tpu.memory_space<vmem>>, vector<1x16xf32>,
          %swap3A_421 = vector.shape_cast %swap3A_420 : vector<1x16xf32> to vector<16xf32>
          %swap3A_422 = vector.shape_cast %mul3A_417 : vector<16xf32> to vector<1x16xf32>
          tpu.vector_store %arg31[%swap3A_418, %swap3A_419], %swap3A_422 {strides = array<i32>} : memref<80x128xf32, #tpu.memory_space<vmem>>, vector<1x16xf32>,
          %get3A_423 = arith.index_cast %scan3A_339 : i32 to index
          %get3A_424 = arith.constant 80 : index
          %get3A_425 = tpu.vector_load %arg31[%get3A_423, %get3A_424] {strides = array<i32>} : memref<80x128xf32, #tpu.memory_space<vmem>>, vector<1x16xf32>,
          %get3A_426 = vector.shape_cast %get3A_425 : vector<1x16xf32> to vector<16xf32>
          %slice3A_427 = vector.extract_strided_slice %exp3A {offsets = [5], sizes = [1], strides = [1]} : vector<16xf32> to vector<1xf32>
          %squeeze3A_428 = vector.extract %slice3A_427[0] : f32 from vector<1xf32>
          %mul3A_429 = vector.broadcast %squeeze3A_428 : f32 to vector<16xf32>
          %mul3A_430 = arith.mulf %get3A_426, %mul3A_429 : vector<16xf32>
          %swap3A_431 = arith.index_cast %scan3A_339 : i32 to index
          %swap3A_432 = arith.constant 80 : index
          %swap3A_433 = tpu.vector_load %arg31[%swap3A_431, %swap3A_432] {strides = array<i32>} : memref<80x128xf32, #tpu.memory_space<vmem>>, vector<1x16xf32>,
          %swap3A_434 = vector.shape_cast %swap3A_433 : vector<1x16xf32> to vector<16xf32>
          %swap3A_435 = vector.shape_cast %mul3A_430 : vector<16xf32> to vector<1x16xf32>
          tpu.vector_store %arg31[%swap3A_431, %swap3A_432], %swap3A_435 {strides = array<i32>} : memref<80x128xf32, #tpu.memory_space<vmem>>, vector<1x16xf32>,
          %get3A_436 = arith.index_cast %scan3A_339 : i32 to index
          %get3A_437 = arith.constant 96 : index
          %get3A_438 = tpu.vector_load %arg31[%get3A_436, %get3A_437] {strides = array<i32>} : memref<80x128xf32, #tpu.memory_space<vmem>>, vector<1x16xf32>,
          %get3A_439 = vector.shape_cast %get3A_438 : vector<1x16xf32> to vector<16xf32>
          %slice3A_440 = vector.extract_strided_slice %exp3A {offsets = [6], sizes = [1], strides = [1]} : vector<16xf32> to vector<1xf32>
          %squeeze3A_441 = vector.extract %slice3A_440[0] : f32 from vector<1xf32>
          %mul3A_442 = vector.broadcast %squeeze3A_441 : f32 to vector<16xf32>
          %mul3A_443 = arith.mulf %get3A_439, %mul3A_442 : vector<16xf32>
          %swap3A_444 = arith.index_cast %scan3A_339 : i32 to index
          %swap3A_445 = arith.constant 96 : index
          %swap3A_446 = tpu.vector_load %arg31[%swap3A_444, %swap3A_445] {strides = array<i32>} : memref<80x128xf32, #tpu.memory_space<vmem>>, vector<1x16xf32>,
          %swap3A_447 = vector.shape_cast %swap3A_446 : vector<1x16xf32> to vector<16xf32>
          %swap3A_448 = vector.shape_cast %mul3A_443 : vector<16xf32> to vector<1x16xf32>
          tpu.vector_store %arg31[%swap3A_444, %swap3A_445], %swap3A_448 {strides = array<i32>} : memref<80x128xf32, #tpu.memory_space<vmem>>, vector<1x16xf32>,
          %get3A_449 = arith.index_cast %scan3A_339 : i32 to index
          %get3A_450 = arith.constant 112 : index
          %get3A_451 = tpu.vector_load %arg31[%get3A_449, %get3A_450] {strides = array<i32>} : memref<80x128xf32, #tpu.memory_space<vmem>>, vector<1x16xf32>,
          %get3A_452 = vector.shape_cast %get3A_451 : vector<1x16xf32> to vector<16xf32>
          %slice3A_453 = vector.extract_strided_slice %exp3A {offsets = [7], sizes = [1], strides = [1]} : vector<16xf32> to vector<1xf32>
          %squeeze3A_454 = vector.extract %slice3A_453[0] : f32 from vector<1xf32>
          %mul3A_455 = vector.broadcast %squeeze3A_454 : f32 to vector<16xf32>
          %mul3A_456 = arith.mulf %get3A_452, %mul3A_455 : vector<16xf32>
          %swap3A_457 = arith.index_cast %scan3A_339 : i32 to index
          %swap3A_458 = arith.constant 112 : index
          %swap3A_459 = tpu.vector_load %arg31[%swap3A_457, %swap3A_458] {strides = array<i32>} : memref<80x128xf32, #tpu.memory_space<vmem>>, vector<1x16xf32>,
          %swap3A_460 = vector.shape_cast %swap3A_459 : vector<1x16xf32> to vector<16xf32>
          %swap3A_461 = vector.shape_cast %mul3A_456 : vector<16xf32> to vector<1x16xf32>
          tpu.vector_store %arg31[%swap3A_457, %swap3A_458], %swap3A_461 {strides = array<i32>} : memref<80x128xf32, #tpu.memory_space<vmem>>, vector<1x16xf32>,
        }
        %scan3A_252 = arith.constant 80 : i32
        %dma_start3A_253 = arith.constant 0 : i32
        %dma_start3A_254 = arith.constant 0 : i32
        %dma_start3A_255 = tpu.memref_slice %arg47[%dma_start3A_253, %dma_start3A_254] : memref<10016x16xf32, #tpu.memory_space<vmem_shared>> -> memref<10016x16xf32, #tpu.memory_space<vmem_shared>>
        tpu.enqueue_indirect_dma source(%arg25 : memref<80x16xf32, #tpu.memory_space<vmem>>) target(%dma_start3A_255 : memref<10016x16xf32, #tpu.memory_space<vmem_shared>>) offsets(%arg22 : memref<80xi32, #tpu.memory_space<vmem>>) semaphore(%arg43 : memref<!tpu.dma_semaphore, #tpu.memory_space<semaphore_mem>>) {add = true}
        %dma_start3A_256 = arith.constant 0 : i32
        %dma_start3A_257 = arith.constant 0 : i32
        %dma_start3A_258 = tpu.memref_slice %arg46[%dma_start3A_256, %dma_start3A_257] : memref<10016x128xf32, #tpu.memory_space<vmem_shared>> -> memref<10016x128xf32, #tpu.memory_space<vmem_shared>>
        tpu.enqueue_indirect_dma source(%arg31 : memref<80x128xf32, #tpu.memory_space<vmem>>) target(%dma_start3A_258 : memref<10016x128xf32, #tpu.memory_space<vmem_shared>>) offsets(%arg22 : memref<80xi32, #tpu.memory_space<vmem>>) semaphore(%arg43 : memref<!tpu.dma_semaphore, #tpu.memory_space<semaphore_mem>>) {add = true}
        %mul3A_259 = arith.constant 6 : i32
        %mul3A_260 = arith.muli %scan3A_100, %mul3A_259 : i32
        %add3A_261 = arith.constant 4 : i32
        %add3A_262 = arith.addi %mul3A_260, %add3A_261 : i32
        %dma_wait3A_263 = arith.constant 0 : i32
        %dma_wait3A_264 = arith.constant 0 : i32
        %dma_wait3A_265 = tpu.memref_slice %arg4[%dma_wait3A_263, %dma_wait3A_264] : memref<10000x16xf32, #tpu.memory_space<hbm>> -> memref<10000x16xf32, #tpu.memory_space<hbm>>
        tpu.wait_indirect_dma semaphore(%arg41 : memref<!tpu.dma_semaphore, #tpu.memory_space<semaphore_mem>>) src(%dma_wait3A_265 : memref<10000x16xf32, #tpu.memory_space<hbm>>) dst(%arg26 : memref<80x16xf32, #tpu.memory_space<vmem>>)
        %dma_wait3A_266 = arith.constant 0 : i32
        %dma_wait3A_267 = arith.constant 0 : i32
        %dma_wait3A_268 = tpu.memref_slice %arg5[%dma_wait3A_266, %dma_wait3A_267] : memref<10000x16xf32, #tpu.memory_space<hbm>> -> memref<10000x16xf32, #tpu.memory_space<hbm>>
        tpu.wait_indirect_dma semaphore(%arg41 : memref<!tpu.dma_semaphore, #tpu.memory_space<semaphore_mem>>) src(%dma_wait3A_268 : memref<10000x16xf32, #tpu.memory_space<hbm>>) dst(%arg29 : memref<80x16xf32, #tpu.memory_space<vmem>>)
        %dma_wait3A_269 = arith.constant 0 : i32
        %dma_wait3A_270 = arith.constant 0 : i32
        %dma_wait3A_271 = tpu.memref_slice %arg6[%dma_wait3A_269, %dma_wait3A_270] : memref<10000x128xf32, #tpu.memory_space<hbm>> -> memref<10000x128xf32, #tpu.memory_space<hbm>>
        tpu.wait_indirect_dma semaphore(%arg41 : memref<!tpu.dma_semaphore, #tpu.memory_space<semaphore_mem>>) src(%dma_wait3A_271 : memref<10000x128xf32, #tpu.memory_space<hbm>>) dst(%arg32 : memref<80x128xf32, #tpu.memory_space<vmem>>)
        %ge3A_272 = arith.constant 2 : i32
        %ge3A_273 = arith.cmpi sge, %add3A_262, %ge3A_272 : i32
        %convert_element_type3A_274 = arith.extui %ge3A_273 : i1 to i32
        %cond3A_275 = arith.constant 0 : i32
        %cond3A_276 = arith.cmpi ne, %convert_element_type3A_274, %cond3A_275 : i32
        scf.if %cond3A_276 {
          %dma_wait3A_339 = arith.constant 0 : i32
          %dma_wait3A_340 = arith.constant 0 : i32
          %dma_wait3A_341 = tpu.memref_slice %arg47[%dma_wait3A_339, %dma_wait3A_340] : memref<10016x16xf32, #tpu.memory_space<vmem_shared>> -> memref<10016x16xf32, #tpu.memory_space<vmem_shared>>
          tpu.wait_indirect_dma semaphore(%arg45 : memref<!tpu.dma_semaphore, #tpu.memory_space<semaphore_mem>>) src(%arg27 : memref<80x16xf32, #tpu.memory_space<vmem>>) dst(%dma_wait3A_341 : memref<10016x16xf32, #tpu.memory_space<vmem_shared>>)
          %dma_wait3A_342 = arith.constant 0 : i32
          %dma_wait3A_343 = arith.constant 0 : i32
          %dma_wait3A_344 = tpu.memref_slice %arg46[%dma_wait3A_342, %dma_wait3A_343] : memref<10016x128xf32, #tpu.memory_space<vmem_shared>> -> memref<10016x128xf32, #tpu.memory_space<vmem_shared>>
          tpu.wait_indirect_dma semaphore(%arg45 : memref<!tpu.dma_semaphore, #tpu.memory_space<semaphore_mem>>) src(%arg33 : memref<80x128xf32, #tpu.memory_space<vmem>>) dst(%dma_wait3A_344 : memref<10016x128xf32, #tpu.memory_space<vmem_shared>>)
        } else {
        }
        %lt3A_277 = arith.constant 149 : i32
        %lt3A_278 = arith.cmpi slt, %add3A_262, %lt3A_277 : i32
        %convert_element_type3A_279 = arith.extui %lt3A_278 : i1 to i32
        %cond3A_280 = arith.constant 0 : i32
        %cond3A_281 = arith.cmpi ne, %convert_element_type3A_279, %cond3A_280 : i32
        scf.if %cond3A_281 {
          %dma_wait3A_339 = arith.constant 0 : i32
          %dma_wait3A_340 = tpu.memref_slice %arg2[%select_n3A, %dma_wait3A_339] : memref<4032x80xi32, #tpu.memory_space<hbm>> -> memref<1x80xi32, #tpu.memory_space<hbm>>
          %dma_wait3A_341 = tpu.memref_squeeze %dma_wait3A_340 : memref<1x80xi32, #tpu.memory_space<hbm>> -> memref<80xi32, #tpu.memory_space<hbm>>
          %dma_wait3A_342 = arith.constant 0 : i32
          %dma_wait3A_343 = tpu.memref_slice %arg2[%select_n3A, %dma_wait3A_342] : memref<4032x80xi32, #tpu.memory_space<hbm>> -> memref<1x80xi32, #tpu.memory_space<hbm>>
          %dma_wait3A_344 = tpu.memref_squeeze %dma_wait3A_343 : memref<1x80xi32, #tpu.memory_space<hbm>> -> memref<80xi32, #tpu.memory_space<hbm>>
          tpu.wait_dma2 semaphore(%arg39 : memref<!tpu.dma_semaphore, #tpu.memory_space<semaphore_mem>>) src(%dma_wait3A_344 : memref<80xi32, #tpu.memory_space<hbm>>) dst(%arg18 : memref<80xi32, #tpu.memory_space<vmem>>)
          %dma_wait3A_345 = arith.constant 0 : i32
          %dma_wait3A_346 = tpu.memref_slice %arg3[%select_n3A, %dma_wait3A_345] : memref<4032x80xi32, #tpu.memory_space<hbm>> -> memref<1x80xi32, #tpu.memory_space<hbm>>
          %dma_wait3A_347 = tpu.memref_squeeze %dma_wait3A_346 : memref<1x80xi32, #tpu.memory_space<hbm>> -> memref<80xi32, #tpu.memory_space<hbm>>
          %dma_wait3A_348 = arith.constant 0 : i32
          %dma_wait3A_349 = tpu.memref_slice %arg3[%select_n3A, %dma_wait3A_348] : memref<4032x80xi32, #tpu.memory_space<hbm>> -> memref<1x80xi32, #tpu.memory_space<hbm>>
          %dma_wait3A_350 = tpu.memref_squeeze %dma_wait3A_349 : memref<1x80xi32, #tpu.memory_space<hbm>> -> memref<80xi32, #tpu.memory_space<hbm>>
          tpu.wait_dma2 semaphore(%arg39 : memref<!tpu.dma_semaphore, #tpu.memory_space<semaphore_mem>>) src(%dma_wait3A_350 : memref<80xi32, #tpu.memory_space<hbm>>) dst(%arg24 : memref<80xi32, #tpu.memory_space<vmem>>)
          %dma_start3A_351 = arith.constant 0 : i32
          %dma_start3A_352 = arith.constant 0 : i32
          %dma_start3A_353 = tpu.memref_slice %arg4[%dma_start3A_351, %dma_start3A_352] : memref<10000x16xf32, #tpu.memory_space<hbm>> -> memref<10000x16xf32, #tpu.memory_space<hbm>>
          tpu.enqueue_indirect_dma source(%dma_start3A_353 : memref<10000x16xf32, #tpu.memory_space<hbm>>) target(%arg27 : memref<80x16xf32, #tpu.memory_space<vmem>>) offsets(%arg18 : memref<80xi32, #tpu.memory_space<vmem>>) semaphore(%arg42 : memref<!tpu.dma_semaphore, #tpu.memory_space<semaphore_mem>>)
          %dma_start3A_354 = arith.constant 0 : i32
          %dma_start3A_355 = arith.constant 0 : i32
          %dma_start3A_356 = tpu.memref_slice %arg5[%dma_start3A_354, %dma_start3A_355] : memref<10000x16xf32, #tpu.memory_space<hbm>> -> memref<10000x16xf32, #tpu.memory_space<hbm>>
          tpu.enqueue_indirect_dma source(%dma_start3A_356 : memref<10000x16xf32, #tpu.memory_space<hbm>>) target(%arg30 : memref<80x16xf32, #tpu.memory_space<vmem>>) offsets(%arg24 : memref<80xi32, #tpu.memory_space<vmem>>) semaphore(%arg42 : memref<!tpu.dma_semaphore, #tpu.memory_space<semaphore_mem>>)
          %dma_start3A_357 = arith.constant 0 : i32
          %dma_start3A_358 = arith.constant 0 : i32
          %dma_start3A_359 = tpu.memref_slice %arg6[%dma_start3A_357, %dma_start3A_358] : memref<10000x128xf32, #tpu.memory_space<hbm>> -> memref<10000x128xf32, #tpu.memory_space<hbm>>
          tpu.enqueue_indirect_dma source(%dma_start3A_359 : memref<10000x128xf32, #tpu.memory_space<hbm>>) target(%arg33 : memref<80x128xf32, #tpu.memory_space<vmem>>) offsets(%arg18 : memref<80xi32, #tpu.memory_space<vmem>>) semaphore(%arg42 : memref<!tpu.dma_semaphore, #tpu.memory_space<semaphore_mem>>)
        } else {
        }
        %lt3A_282 = arith.constant 148 : i32
        %lt3A_283 = arith.cmpi slt, %add3A_262, %lt3A_282 : i32
        %convert_element_type3A_284 = arith.extui %lt3A_283 : i1 to i32
        %cond3A_285 = arith.constant 0 : i32
        %cond3A_286 = arith.cmpi ne, %convert_element_type3A_284, %cond3A_285 : i32
        scf.if %cond3A_286 {
          %add3A_339 = arith.constant 2 : i32
          %add3A_340 = arith.addi %add3A_262, %add3A_339 : i32
          %add3A_341 = arith.addi %select_n3A, %add3A_340 : i32
          %dma_start3A_342 = arith.constant 0 : i32
          %dma_start3A_343 = tpu.memref_slice %arg2[%add3A_341, %dma_start3A_342] : memref<4032x80xi32, #tpu.memory_space<hbm>> -> memref<1x80xi32, #tpu.memory_space<hbm>>
          %dma_start3A_344 = tpu.memref_squeeze %dma_start3A_343 : memref<1x80xi32, #tpu.memory_space<hbm>> -> memref<80xi32, #tpu.memory_space<hbm>>
          %dma_start3A_345 = arith.constant 0 : i32
          %dma_start3A_346 = tpu.memref_slice %arg2[%add3A_341, %dma_start3A_345] : memref<4032x80xi32, #tpu.memory_space<hbm>> -> memref<1x80xi32, #tpu.memory_space<hbm>>
          %dma_start3A_347 = tpu.memref_squeeze %dma_start3A_346 : memref<1x80xi32, #tpu.memory_space<hbm>> -> memref<80xi32, #tpu.memory_space<hbm>>
          tpu.enqueue_dma source(%dma_start3A_347 : memref<80xi32, #tpu.memory_space<hbm>>) target(%arg13 : memref<80xi32, #tpu.memory_space<vmem>>) target_semaphore(%arg34 : memref<!tpu.dma_semaphore, #tpu.memory_space<semaphore_mem>>)
          %add3A_348 = arith.addi %select_n3A, %add3A_340 : i32
          %dma_start3A_349 = arith.constant 0 : i32
          %dma_start3A_350 = tpu.memref_slice %arg3[%add3A_348, %dma_start3A_349] : memref<4032x80xi32, #tpu.memory_space<hbm>> -> memref<1x80xi32, #tpu.memory_space<hbm>>
          %dma_start3A_351 = tpu.memref_squeeze %dma_start3A_350 : memref<1x80xi32, #tpu.memory_space<hbm>> -> memref<80xi32, #tpu.memory_space<hbm>>
          %dma_start3A_352 = arith.constant 0 : i32
          %dma_start3A_353 = tpu.memref_slice %arg3[%add3A_348, %dma_start3A_352] : memref<4032x80xi32, #tpu.memory_space<hbm>> -> memref<1x80xi32, #tpu.memory_space<hbm>>
          %dma_start3A_354 = tpu.memref_squeeze %dma_start3A_353 : memref<1x80xi32, #tpu.memory_space<hbm>> -> memref<80xi32, #tpu.memory_space<hbm>>
          tpu.enqueue_dma source(%dma_start3A_354 : memref<80xi32, #tpu.memory_space<hbm>>) target(%arg19 : memref<80xi32, #tpu.memory_space<vmem>>) target_semaphore(%arg34 : memref<!tpu.dma_semaphore, #tpu.memory_space<semaphore_mem>>)
        } else {
        }
        %scan3A_287 = arith.constant 0 : i32
        %scan3A_288 = arith.constant 0 : i32
        %scan3A_289 = arith.constant 80 : i32
        %scan3A_290 = arith.addi %scan3A_288, %scan3A_289 : i32
        %scan3A_291 = arith.constant 1 : i32
        scf.for %scan3A_339 = %scan3A_288 to %scan3A_290 step %scan3A_291  : i32 {
          %get3A = arith.index_cast %scan3A_339 : i32 to index
          %get3A_340 = arith.constant 0 : index
          %get3A_341 = tpu.vector_load %arg26[%get3A, %get3A_340] {strides = array<i32>} : memref<80x16xf32, #tpu.memory_space<vmem>>, vector<1x16xf32>,
          %get3A_342 = vector.shape_cast %get3A_341 : vector<1x16xf32> to vector<16xf32>
          %get3A_343 = arith.index_cast %scan3A_339 : i32 to index
          %get3A_344 = arith.constant 0 : index
          %get3A_345 = tpu.vector_load %arg29[%get3A_343, %get3A_344] {strides = array<i32>} : memref<80x16xf32, #tpu.memory_space<vmem>>, vector<1x16xf32>,
          %get3A_346 = vector.shape_cast %get3A_345 : vector<1x16xf32> to vector<16xf32>
          %add3A_347 = arith.addf %get3A_342, %get3A_346 : vector<16xf32>
          %max3A = arith.constant 0.000000e+00 : f32
          %max3A_348 = vector.broadcast %max3A : f32 to vector<16xf32>
          %max3A_349 = arith.maximumf %add3A_347, %max3A_348 : vector<16xf32>
          %min3A = arith.constant 0.000000e+00 : f32
          %min3A_350 = vector.broadcast %min3A : f32 to vector<16xf32>
          %min3A_351 = arith.minimumf %add3A_347, %min3A_350 : vector<16xf32>
          %mul3A_352 = arith.constant 2.000000e-01 : f32
          %mul3A_353 = vector.broadcast %mul3A_352 : f32 to vector<16xf32>
          %mul3A_354 = arith.mulf %mul3A_353, %min3A_351 : vector<16xf32>
          %add3A_355 = arith.addf %max3A_349, %mul3A_354 : vector<16xf32>
          %exp3A = math.exp %add3A_355 : vector<16xf32>
          %swap3A = arith.index_cast %scan3A_339 : i32 to index
          %swap3A_356 = arith.constant 0 : index
          %swap3A_357 = tpu.vector_load %arg26[%swap3A, %swap3A_356] {strides = array<i32>} : memref<80x16xf32, #tpu.memory_space<vmem>>, vector<1x16xf32>,
          %swap3A_358 = vector.shape_cast %swap3A_357 : vector<1x16xf32> to vector<16xf32>
          %swap3A_359 = vector.shape_cast %exp3A : vector<16xf32> to vector<1x16xf32>
          tpu.vector_store %arg26[%swap3A, %swap3A_356], %swap3A_359 {strides = array<i32>} : memref<80x16xf32, #tpu.memory_space<vmem>>, vector<1x16xf32>,
          %get3A_360 = arith.index_cast %scan3A_339 : i32 to index
          %get3A_361 = arith.constant 0 : index
          %get3A_362 = tpu.vector_load %arg32[%get3A_360, %get3A_361] {strides = array<i32>} : memref<80x128xf32, #tpu.memory_space<vmem>>, vector<1x16xf32>,
          %get3A_363 = vector.shape_cast %get3A_362 : vector<1x16xf32> to vector<16xf32>
          %slice3A = vector.extract_strided_slice %exp3A {offsets = [0], sizes = [1], strides = [1]} : vector<16xf32> to vector<1xf32>
          %squeeze3A = vector.extract %slice3A[0] : f32 from vector<1xf32>
          %mul3A_364 = vector.broadcast %squeeze3A : f32 to vector<16xf32>
          %mul3A_365 = arith.mulf %get3A_363, %mul3A_364 : vector<16xf32>
          %swap3A_366 = arith.index_cast %scan3A_339 : i32 to index
          %swap3A_367 = arith.constant 0 : index
          %swap3A_368 = tpu.vector_load %arg32[%swap3A_366, %swap3A_367] {strides = array<i32>} : memref<80x128xf32, #tpu.memory_space<vmem>>, vector<1x16xf32>,
          %swap3A_369 = vector.shape_cast %swap3A_368 : vector<1x16xf32> to vector<16xf32>
          %swap3A_370 = vector.shape_cast %mul3A_365 : vector<16xf32> to vector<1x16xf32>
          tpu.vector_store %arg32[%swap3A_366, %swap3A_367], %swap3A_370 {strides = array<i32>} : memref<80x128xf32, #tpu.memory_space<vmem>>, vector<1x16xf32>,
          %get3A_371 = arith.index_cast %scan3A_339 : i32 to index
          %get3A_372 = arith.constant 16 : index
          %get3A_373 = tpu.vector_load %arg32[%get3A_371, %get3A_372] {strides = array<i32>} : memref<80x128xf32, #tpu.memory_space<vmem>>, vector<1x16xf32>,
          %get3A_374 = vector.shape_cast %get3A_373 : vector<1x16xf32> to vector<16xf32>
          %slice3A_375 = vector.extract_strided_slice %exp3A {offsets = [1], sizes = [1], strides = [1]} : vector<16xf32> to vector<1xf32>
          %squeeze3A_376 = vector.extract %slice3A_375[0] : f32 from vector<1xf32>
          %mul3A_377 = vector.broadcast %squeeze3A_376 : f32 to vector<16xf32>
          %mul3A_378 = arith.mulf %get3A_374, %mul3A_377 : vector<16xf32>
          %swap3A_379 = arith.index_cast %scan3A_339 : i32 to index
          %swap3A_380 = arith.constant 16 : index
          %swap3A_381 = tpu.vector_load %arg32[%swap3A_379, %swap3A_380] {strides = array<i32>} : memref<80x128xf32, #tpu.memory_space<vmem>>, vector<1x16xf32>,
          %swap3A_382 = vector.shape_cast %swap3A_381 : vector<1x16xf32> to vector<16xf32>
          %swap3A_383 = vector.shape_cast %mul3A_378 : vector<16xf32> to vector<1x16xf32>
          tpu.vector_store %arg32[%swap3A_379, %swap3A_380], %swap3A_383 {strides = array<i32>} : memref<80x128xf32, #tpu.memory_space<vmem>>, vector<1x16xf32>,
          %get3A_384 = arith.index_cast %scan3A_339 : i32 to index
          %get3A_385 = arith.constant 32 : index
          %get3A_386 = tpu.vector_load %arg32[%get3A_384, %get3A_385] {strides = array<i32>} : memref<80x128xf32, #tpu.memory_space<vmem>>, vector<1x16xf32>,
          %get3A_387 = vector.shape_cast %get3A_386 : vector<1x16xf32> to vector<16xf32>
          %slice3A_388 = vector.extract_strided_slice %exp3A {offsets = [2], sizes = [1], strides = [1]} : vector<16xf32> to vector<1xf32>
          %squeeze3A_389 = vector.extract %slice3A_388[0] : f32 from vector<1xf32>
          %mul3A_390 = vector.broadcast %squeeze3A_389 : f32 to vector<16xf32>
          %mul3A_391 = arith.mulf %get3A_387, %mul3A_390 : vector<16xf32>
          %swap3A_392 = arith.index_cast %scan3A_339 : i32 to index
          %swap3A_393 = arith.constant 32 : index
          %swap3A_394 = tpu.vector_load %arg32[%swap3A_392, %swap3A_393] {strides = array<i32>} : memref<80x128xf32, #tpu.memory_space<vmem>>, vector<1x16xf32>,
          %swap3A_395 = vector.shape_cast %swap3A_394 : vector<1x16xf32> to vector<16xf32>
          %swap3A_396 = vector.shape_cast %mul3A_391 : vector<16xf32> to vector<1x16xf32>
          tpu.vector_store %arg32[%swap3A_392, %swap3A_393], %swap3A_396 {strides = array<i32>} : memref<80x128xf32, #tpu.memory_space<vmem>>, vector<1x16xf32>,
          %get3A_397 = arith.index_cast %scan3A_339 : i32 to index
          %get3A_398 = arith.constant 48 : index
          %get3A_399 = tpu.vector_load %arg32[%get3A_397, %get3A_398] {strides = array<i32>} : memref<80x128xf32, #tpu.memory_space<vmem>>, vector<1x16xf32>,
          %get3A_400 = vector.shape_cast %get3A_399 : vector<1x16xf32> to vector<16xf32>
          %slice3A_401 = vector.extract_strided_slice %exp3A {offsets = [3], sizes = [1], strides = [1]} : vector<16xf32> to vector<1xf32>
          %squeeze3A_402 = vector.extract %slice3A_401[0] : f32 from vector<1xf32>
          %mul3A_403 = vector.broadcast %squeeze3A_402 : f32 to vector<16xf32>
          %mul3A_404 = arith.mulf %get3A_400, %mul3A_403 : vector<16xf32>
          %swap3A_405 = arith.index_cast %scan3A_339 : i32 to index
          %swap3A_406 = arith.constant 48 : index
          %swap3A_407 = tpu.vector_load %arg32[%swap3A_405, %swap3A_406] {strides = array<i32>} : memref<80x128xf32, #tpu.memory_space<vmem>>, vector<1x16xf32>,
          %swap3A_408 = vector.shape_cast %swap3A_407 : vector<1x16xf32> to vector<16xf32>
          %swap3A_409 = vector.shape_cast %mul3A_404 : vector<16xf32> to vector<1x16xf32>
          tpu.vector_store %arg32[%swap3A_405, %swap3A_406], %swap3A_409 {strides = array<i32>} : memref<80x128xf32, #tpu.memory_space<vmem>>, vector<1x16xf32>,
          %get3A_410 = arith.index_cast %scan3A_339 : i32 to index
          %get3A_411 = arith.constant 64 : index
          %get3A_412 = tpu.vector_load %arg32[%get3A_410, %get3A_411] {strides = array<i32>} : memref<80x128xf32, #tpu.memory_space<vmem>>, vector<1x16xf32>,
          %get3A_413 = vector.shape_cast %get3A_412 : vector<1x16xf32> to vector<16xf32>
          %slice3A_414 = vector.extract_strided_slice %exp3A {offsets = [4], sizes = [1], strides = [1]} : vector<16xf32> to vector<1xf32>
          %squeeze3A_415 = vector.extract %slice3A_414[0] : f32 from vector<1xf32>
          %mul3A_416 = vector.broadcast %squeeze3A_415 : f32 to vector<16xf32>
          %mul3A_417 = arith.mulf %get3A_413, %mul3A_416 : vector<16xf32>
          %swap3A_418 = arith.index_cast %scan3A_339 : i32 to index
          %swap3A_419 = arith.constant 64 : index
          %swap3A_420 = tpu.vector_load %arg32[%swap3A_418, %swap3A_419] {strides = array<i32>} : memref<80x128xf32, #tpu.memory_space<vmem>>, vector<1x16xf32>,
          %swap3A_421 = vector.shape_cast %swap3A_420 : vector<1x16xf32> to vector<16xf32>
          %swap3A_422 = vector.shape_cast %mul3A_417 : vector<16xf32> to vector<1x16xf32>
          tpu.vector_store %arg32[%swap3A_418, %swap3A_419], %swap3A_422 {strides = array<i32>} : memref<80x128xf32, #tpu.memory_space<vmem>>, vector<1x16xf32>,
          %get3A_423 = arith.index_cast %scan3A_339 : i32 to index
          %get3A_424 = arith.constant 80 : index
          %get3A_425 = tpu.vector_load %arg32[%get3A_423, %get3A_424] {strides = array<i32>} : memref<80x128xf32, #tpu.memory_space<vmem>>, vector<1x16xf32>,
          %get3A_426 = vector.shape_cast %get3A_425 : vector<1x16xf32> to vector<16xf32>
          %slice3A_427 = vector.extract_strided_slice %exp3A {offsets = [5], sizes = [1], strides = [1]} : vector<16xf32> to vector<1xf32>
          %squeeze3A_428 = vector.extract %slice3A_427[0] : f32 from vector<1xf32>
          %mul3A_429 = vector.broadcast %squeeze3A_428 : f32 to vector<16xf32>
          %mul3A_430 = arith.mulf %get3A_426, %mul3A_429 : vector<16xf32>
          %swap3A_431 = arith.index_cast %scan3A_339 : i32 to index
          %swap3A_432 = arith.constant 80 : index
          %swap3A_433 = tpu.vector_load %arg32[%swap3A_431, %swap3A_432] {strides = array<i32>} : memref<80x128xf32, #tpu.memory_space<vmem>>, vector<1x16xf32>,
          %swap3A_434 = vector.shape_cast %swap3A_433 : vector<1x16xf32> to vector<16xf32>
          %swap3A_435 = vector.shape_cast %mul3A_430 : vector<16xf32> to vector<1x16xf32>
          tpu.vector_store %arg32[%swap3A_431, %swap3A_432], %swap3A_435 {strides = array<i32>} : memref<80x128xf32, #tpu.memory_space<vmem>>, vector<1x16xf32>,
          %get3A_436 = arith.index_cast %scan3A_339 : i32 to index
          %get3A_437 = arith.constant 96 : index
          %get3A_438 = tpu.vector_load %arg32[%get3A_436, %get3A_437] {strides = array<i32>} : memref<80x128xf32, #tpu.memory_space<vmem>>, vector<1x16xf32>,
          %get3A_439 = vector.shape_cast %get3A_438 : vector<1x16xf32> to vector<16xf32>
          %slice3A_440 = vector.extract_strided_slice %exp3A {offsets = [6], sizes = [1], strides = [1]} : vector<16xf32> to vector<1xf32>
          %squeeze3A_441 = vector.extract %slice3A_440[0] : f32 from vector<1xf32>
          %mul3A_442 = vector.broadcast %squeeze3A_441 : f32 to vector<16xf32>
          %mul3A_443 = arith.mulf %get3A_439, %mul3A_442 : vector<16xf32>
          %swap3A_444 = arith.index_cast %scan3A_339 : i32 to index
          %swap3A_445 = arith.constant 96 : index
          %swap3A_446 = tpu.vector_load %arg32[%swap3A_444, %swap3A_445] {strides = array<i32>} : memref<80x128xf32, #tpu.memory_space<vmem>>, vector<1x16xf32>,
          %swap3A_447 = vector.shape_cast %swap3A_446 : vector<1x16xf32> to vector<16xf32>
          %swap3A_448 = vector.shape_cast %mul3A_443 : vector<16xf32> to vector<1x16xf32>
          tpu.vector_store %arg32[%swap3A_444, %swap3A_445], %swap3A_448 {strides = array<i32>} : memref<80x128xf32, #tpu.memory_space<vmem>>, vector<1x16xf32>,
          %get3A_449 = arith.index_cast %scan3A_339 : i32 to index
          %get3A_450 = arith.constant 112 : index
          %get3A_451 = tpu.vector_load %arg32[%get3A_449, %get3A_450] {strides = array<i32>} : memref<80x128xf32, #tpu.memory_space<vmem>>, vector<1x16xf32>,
          %get3A_452 = vector.shape_cast %get3A_451 : vector<1x16xf32> to vector<16xf32>
          %slice3A_453 = vector.extract_strided_slice %exp3A {offsets = [7], sizes = [1], strides = [1]} : vector<16xf32> to vector<1xf32>
          %squeeze3A_454 = vector.extract %slice3A_453[0] : f32 from vector<1xf32>
          %mul3A_455 = vector.broadcast %squeeze3A_454 : f32 to vector<16xf32>
          %mul3A_456 = arith.mulf %get3A_452, %mul3A_455 : vector<16xf32>
          %swap3A_457 = arith.index_cast %scan3A_339 : i32 to index
          %swap3A_458 = arith.constant 112 : index
          %swap3A_459 = tpu.vector_load %arg32[%swap3A_457, %swap3A_458] {strides = array<i32>} : memref<80x128xf32, #tpu.memory_space<vmem>>, vector<1x16xf32>,
          %swap3A_460 = vector.shape_cast %swap3A_459 : vector<1x16xf32> to vector<16xf32>
          %swap3A_461 = vector.shape_cast %mul3A_456 : vector<16xf32> to vector<1x16xf32>
          tpu.vector_store %arg32[%swap3A_457, %swap3A_458], %swap3A_461 {strides = array<i32>} : memref<80x128xf32, #tpu.memory_space<vmem>>, vector<1x16xf32>,
        }
        %scan3A_292 = arith.constant 80 : i32
        %dma_start3A_293 = arith.constant 0 : i32
        %dma_start3A_294 = arith.constant 0 : i32
        %dma_start3A_295 = tpu.memref_slice %arg47[%dma_start3A_293, %dma_start3A_294] : memref<10016x16xf32, #tpu.memory_space<vmem_shared>> -> memref<10016x16xf32, #tpu.memory_space<vmem_shared>>
        tpu.enqueue_indirect_dma source(%arg26 : memref<80x16xf32, #tpu.memory_space<vmem>>) target(%dma_start3A_295 : memref<10016x16xf32, #tpu.memory_space<vmem_shared>>) offsets(%arg23 : memref<80xi32, #tpu.memory_space<vmem>>) semaphore(%arg44 : memref<!tpu.dma_semaphore, #tpu.memory_space<semaphore_mem>>) {add = true}
        %dma_start3A_296 = arith.constant 0 : i32
        %dma_start3A_297 = arith.constant 0 : i32
        %dma_start3A_298 = tpu.memref_slice %arg46[%dma_start3A_296, %dma_start3A_297] : memref<10016x128xf32, #tpu.memory_space<vmem_shared>> -> memref<10016x128xf32, #tpu.memory_space<vmem_shared>>
        tpu.enqueue_indirect_dma source(%arg32 : memref<80x128xf32, #tpu.memory_space<vmem>>) target(%dma_start3A_298 : memref<10016x128xf32, #tpu.memory_space<vmem_shared>>) offsets(%arg23 : memref<80xi32, #tpu.memory_space<vmem>>) semaphore(%arg44 : memref<!tpu.dma_semaphore, #tpu.memory_space<semaphore_mem>>) {add = true}
        %mul3A_299 = arith.constant 6 : i32
        %mul3A_300 = arith.muli %scan3A_100, %mul3A_299 : i32
        %add3A_301 = arith.constant 5 : i32
        %add3A_302 = arith.addi %mul3A_300, %add3A_301 : i32
        %dma_wait3A_303 = arith.constant 0 : i32
        %dma_wait3A_304 = arith.constant 0 : i32
        %dma_wait3A_305 = tpu.memref_slice %arg4[%dma_wait3A_303, %dma_wait3A_304] : memref<10000x16xf32, #tpu.memory_space<hbm>> -> memref<10000x16xf32, #tpu.memory_space<hbm>>
        tpu.wait_indirect_dma semaphore(%arg42 : memref<!tpu.dma_semaphore, #tpu.memory_space<semaphore_mem>>) src(%dma_wait3A_305 : memref<10000x16xf32, #tpu.memory_space<hbm>>) dst(%arg27 : memref<80x16xf32, #tpu.memory_space<vmem>>)
        %dma_wait3A_306 = arith.constant 0 : i32
        %dma_wait3A_307 = arith.constant 0 : i32
        %dma_wait3A_308 = tpu.memref_slice %arg5[%dma_wait3A_306, %dma_wait3A_307] : memref<10000x16xf32, #tpu.memory_space<hbm>> -> memref<10000x16xf32, #tpu.memory_space<hbm>>
        tpu.wait_indirect_dma semaphore(%arg42 : memref<!tpu.dma_semaphore, #tpu.memory_space<semaphore_mem>>) src(%dma_wait3A_308 : memref<10000x16xf32, #tpu.memory_space<hbm>>) dst(%arg30 : memref<80x16xf32, #tpu.memory_space<vmem>>)
        %dma_wait3A_309 = arith.constant 0 : i32
        %dma_wait3A_310 = arith.constant 0 : i32
        %dma_wait3A_311 = tpu.memref_slice %arg6[%dma_wait3A_309, %dma_wait3A_310] : memref<10000x128xf32, #tpu.memory_space<hbm>> -> memref<10000x128xf32, #tpu.memory_space<hbm>>
        tpu.wait_indirect_dma semaphore(%arg42 : memref<!tpu.dma_semaphore, #tpu.memory_space<semaphore_mem>>) src(%dma_wait3A_311 : memref<10000x128xf32, #tpu.memory_space<hbm>>) dst(%arg33 : memref<80x128xf32, #tpu.memory_space<vmem>>)
        %ge3A_312 = arith.constant 2 : i32
        %ge3A_313 = arith.cmpi sge, %add3A_302, %ge3A_312 : i32
        %convert_element_type3A_314 = arith.extui %ge3A_313 : i1 to i32
        %cond3A_315 = arith.constant 0 : i32
        %cond3A_316 = arith.cmpi ne, %convert_element_type3A_314, %cond3A_315 : i32
        scf.if %cond3A_316 {
          %dma_wait3A_339 = arith.constant 0 : i32
          %dma_wait3A_340 = arith.constant 0 : i32
          %dma_wait3A_341 = tpu.memref_slice %arg47[%dma_wait3A_339, %dma_wait3A_340] : memref<10016x16xf32, #tpu.memory_space<vmem_shared>> -> memref<10016x16xf32, #tpu.memory_space<vmem_shared>>
          tpu.wait_indirect_dma semaphore(%arg43 : memref<!tpu.dma_semaphore, #tpu.memory_space<semaphore_mem>>) src(%arg25 : memref<80x16xf32, #tpu.memory_space<vmem>>) dst(%dma_wait3A_341 : memref<10016x16xf32, #tpu.memory_space<vmem_shared>>)
          %dma_wait3A_342 = arith.constant 0 : i32
          %dma_wait3A_343 = arith.constant 0 : i32
          %dma_wait3A_344 = tpu.memref_slice %arg46[%dma_wait3A_342, %dma_wait3A_343] : memref<10016x128xf32, #tpu.memory_space<vmem_shared>> -> memref<10016x128xf32, #tpu.memory_space<vmem_shared>>
          tpu.wait_indirect_dma semaphore(%arg43 : memref<!tpu.dma_semaphore, #tpu.memory_space<semaphore_mem>>) src(%arg31 : memref<80x128xf32, #tpu.memory_space<vmem>>) dst(%dma_wait3A_344 : memref<10016x128xf32, #tpu.memory_space<vmem_shared>>)
        } else {
        }
        %lt3A_317 = arith.constant 149 : i32
        %lt3A_318 = arith.cmpi slt, %add3A_302, %lt3A_317 : i32
        %convert_element_type3A_319 = arith.extui %lt3A_318 : i1 to i32
        %cond3A_320 = arith.constant 0 : i32
        %cond3A_321 = arith.cmpi ne, %convert_element_type3A_319, %cond3A_320 : i32
        scf.if %cond3A_321 {
          %dma_wait3A_339 = arith.constant 0 : i32
          %dma_wait3A_340 = tpu.memref_slice %arg2[%select_n3A, %dma_wait3A_339] : memref<4032x80xi32, #tpu.memory_space<hbm>> -> memref<1x80xi32, #tpu.memory_space<hbm>>
          %dma_wait3A_341 = tpu.memref_squeeze %dma_wait3A_340 : memref<1x80xi32, #tpu.memory_space<hbm>> -> memref<80xi32, #tpu.memory_space<hbm>>
          %dma_wait3A_342 = arith.constant 0 : i32
          %dma_wait3A_343 = tpu.memref_slice %arg2[%select_n3A, %dma_wait3A_342] : memref<4032x80xi32, #tpu.memory_space<hbm>> -> memref<1x80xi32, #tpu.memory_space<hbm>>
          %dma_wait3A_344 = tpu.memref_squeeze %dma_wait3A_343 : memref<1x80xi32, #tpu.memory_space<hbm>> -> memref<80xi32, #tpu.memory_space<hbm>>
          tpu.wait_dma2 semaphore(%arg34 : memref<!tpu.dma_semaphore, #tpu.memory_space<semaphore_mem>>) src(%dma_wait3A_344 : memref<80xi32, #tpu.memory_space<hbm>>) dst(%arg13 : memref<80xi32, #tpu.memory_space<vmem>>)
          %dma_wait3A_345 = arith.constant 0 : i32
          %dma_wait3A_346 = tpu.memref_slice %arg3[%select_n3A, %dma_wait3A_345] : memref<4032x80xi32, #tpu.memory_space<hbm>> -> memref<1x80xi32, #tpu.memory_space<hbm>>
          %dma_wait3A_347 = tpu.memref_squeeze %dma_wait3A_346 : memref<1x80xi32, #tpu.memory_space<hbm>> -> memref<80xi32, #tpu.memory_space<hbm>>
          %dma_wait3A_348 = arith.constant 0 : i32
          %dma_wait3A_349 = tpu.memref_slice %arg3[%select_n3A, %dma_wait3A_348] : memref<4032x80xi32, #tpu.memory_space<hbm>> -> memref<1x80xi32, #tpu.memory_space<hbm>>
          %dma_wait3A_350 = tpu.memref_squeeze %dma_wait3A_349 : memref<1x80xi32, #tpu.memory_space<hbm>> -> memref<80xi32, #tpu.memory_space<hbm>>
          tpu.wait_dma2 semaphore(%arg34 : memref<!tpu.dma_semaphore, #tpu.memory_space<semaphore_mem>>) src(%dma_wait3A_350 : memref<80xi32, #tpu.memory_space<hbm>>) dst(%arg19 : memref<80xi32, #tpu.memory_space<vmem>>)
          %dma_start3A_351 = arith.constant 0 : i32
          %dma_start3A_352 = arith.constant 0 : i32
          %dma_start3A_353 = tpu.memref_slice %arg4[%dma_start3A_351, %dma_start3A_352] : memref<10000x16xf32, #tpu.memory_space<hbm>> -> memref<10000x16xf32, #tpu.memory_space<hbm>>
          tpu.enqueue_indirect_dma source(%dma_start3A_353 : memref<10000x16xf32, #tpu.memory_space<hbm>>) target(%arg25 : memref<80x16xf32, #tpu.memory_space<vmem>>) offsets(%arg13 : memref<80xi32, #tpu.memory_space<vmem>>) semaphore(%arg40 : memref<!tpu.dma_semaphore, #tpu.memory_space<semaphore_mem>>)
          %dma_start3A_354 = arith.constant 0 : i32
          %dma_start3A_355 = arith.constant 0 : i32
          %dma_start3A_356 = tpu.memref_slice %arg5[%dma_start3A_354, %dma_start3A_355] : memref<10000x16xf32, #tpu.memory_space<hbm>> -> memref<10000x16xf32, #tpu.memory_space<hbm>>
          tpu.enqueue_indirect_dma source(%dma_start3A_356 : memref<10000x16xf32, #tpu.memory_space<hbm>>) target(%arg28 : memref<80x16xf32, #tpu.memory_space<vmem>>) offsets(%arg19 : memref<80xi32, #tpu.memory_space<vmem>>) semaphore(%arg40 : memref<!tpu.dma_semaphore, #tpu.memory_space<semaphore_mem>>)
          %dma_start3A_357 = arith.constant 0 : i32
          %dma_start3A_358 = arith.constant 0 : i32
          %dma_start3A_359 = tpu.memref_slice %arg6[%dma_start3A_357, %dma_start3A_358] : memref<10000x128xf32, #tpu.memory_space<hbm>> -> memref<10000x128xf32, #tpu.memory_space<hbm>>
          tpu.enqueue_indirect_dma source(%dma_start3A_359 : memref<10000x128xf32, #tpu.memory_space<hbm>>) target(%arg31 : memref<80x128xf32, #tpu.memory_space<vmem>>) offsets(%arg13 : memref<80xi32, #tpu.memory_space<vmem>>) semaphore(%arg40 : memref<!tpu.dma_semaphore, #tpu.memory_space<semaphore_mem>>)
        } else {
        }
        %lt3A_322 = arith.constant 148 : i32
        %lt3A_323 = arith.cmpi slt, %add3A_302, %lt3A_322 : i32
        %convert_element_type3A_324 = arith.extui %lt3A_323 : i1 to i32
        %cond3A_325 = arith.constant 0 : i32
        %cond3A_326 = arith.cmpi ne, %convert_element_type3A_324, %cond3A_325 : i32
        scf.if %cond3A_326 {
          %add3A_339 = arith.constant 2 : i32
          %add3A_340 = arith.addi %add3A_302, %add3A_339 : i32
          %add3A_341 = arith.addi %select_n3A, %add3A_340 : i32
          %dma_start3A_342 = arith.constant 0 : i32
          %dma_start3A_343 = tpu.memref_slice %arg2[%add3A_341, %dma_start3A_342] : memref<4032x80xi32, #tpu.memory_space<hbm>> -> memref<1x80xi32, #tpu.memory_space<hbm>>
          %dma_start3A_344 = tpu.memref_squeeze %dma_start3A_343 : memref<1x80xi32, #tpu.memory_space<hbm>> -> memref<80xi32, #tpu.memory_space<hbm>>
          %dma_start3A_345 = arith.constant 0 : i32
          %dma_start3A_346 = tpu.memref_slice %arg2[%add3A_341, %dma_start3A_345] : memref<4032x80xi32, #tpu.memory_space<hbm>> -> memref<1x80xi32, #tpu.memory_space<hbm>>
          %dma_start3A_347 = tpu.memref_squeeze %dma_start3A_346 : memref<1x80xi32, #tpu.memory_space<hbm>> -> memref<80xi32, #tpu.memory_space<hbm>>
          tpu.enqueue_dma source(%dma_start3A_347 : memref<80xi32, #tpu.memory_space<hbm>>) target(%arg14 : memref<80xi32, #tpu.memory_space<vmem>>) target_semaphore(%arg35 : memref<!tpu.dma_semaphore, #tpu.memory_space<semaphore_mem>>)
          %add3A_348 = arith.addi %select_n3A, %add3A_340 : i32
          %dma_start3A_349 = arith.constant 0 : i32
          %dma_start3A_350 = tpu.memref_slice %arg3[%add3A_348, %dma_start3A_349] : memref<4032x80xi32, #tpu.memory_space<hbm>> -> memref<1x80xi32, #tpu.memory_space<hbm>>
          %dma_start3A_351 = tpu.memref_squeeze %dma_start3A_350 : memref<1x80xi32, #tpu.memory_space<hbm>> -> memref<80xi32, #tpu.memory_space<hbm>>
          %dma_start3A_352 = arith.constant 0 : i32
          %dma_start3A_353 = tpu.memref_slice %arg3[%add3A_348, %dma_start3A_352] : memref<4032x80xi32, #tpu.memory_space<hbm>> -> memref<1x80xi32, #tpu.memory_space<hbm>>
          %dma_start3A_354 = tpu.memref_squeeze %dma_start3A_353 : memref<1x80xi32, #tpu.memory_space<hbm>> -> memref<80xi32, #tpu.memory_space<hbm>>
          tpu.enqueue_dma source(%dma_start3A_354 : memref<80xi32, #tpu.memory_space<hbm>>) target(%arg20 : memref<80xi32, #tpu.memory_space<vmem>>) target_semaphore(%arg35 : memref<!tpu.dma_semaphore, #tpu.memory_space<semaphore_mem>>)
        } else {
        }
        %scan3A_327 = arith.constant 0 : i32
        %scan3A_328 = arith.constant 0 : i32
        %scan3A_329 = arith.constant 80 : i32
        %scan3A_330 = arith.addi %scan3A_328, %scan3A_329 : i32
        %scan3A_331 = arith.constant 1 : i32
        scf.for %scan3A_339 = %scan3A_328 to %scan3A_330 step %scan3A_331  : i32 {
          %get3A = arith.index_cast %scan3A_339 : i32 to index
          %get3A_340 = arith.constant 0 : index
          %get3A_341 = tpu.vector_load %arg27[%get3A, %get3A_340] {strides = array<i32>} : memref<80x16xf32, #tpu.memory_space<vmem>>, vector<1x16xf32>,
          %get3A_342 = vector.shape_cast %get3A_341 : vector<1x16xf32> to vector<16xf32>
          %get3A_343 = arith.index_cast %scan3A_339 : i32 to index
          %get3A_344 = arith.constant 0 : index
          %get3A_345 = tpu.vector_load %arg30[%get3A_343, %get3A_344] {strides = array<i32>} : memref<80x16xf32, #tpu.memory_space<vmem>>, vector<1x16xf32>,
          %get3A_346 = vector.shape_cast %get3A_345 : vector<1x16xf32> to vector<16xf32>
          %add3A_347 = arith.addf %get3A_342, %get3A_346 : vector<16xf32>
          %max3A = arith.constant 0.000000e+00 : f32
          %max3A_348 = vector.broadcast %max3A : f32 to vector<16xf32>
          %max3A_349 = arith.maximumf %add3A_347, %max3A_348 : vector<16xf32>
          %min3A = arith.constant 0.000000e+00 : f32
          %min3A_350 = vector.broadcast %min3A : f32 to vector<16xf32>
          %min3A_351 = arith.minimumf %add3A_347, %min3A_350 : vector<16xf32>
          %mul3A_352 = arith.constant 2.000000e-01 : f32
          %mul3A_353 = vector.broadcast %mul3A_352 : f32 to vector<16xf32>
          %mul3A_354 = arith.mulf %mul3A_353, %min3A_351 : vector<16xf32>
          %add3A_355 = arith.addf %max3A_349, %mul3A_354 : vector<16xf32>
          %exp3A = math.exp %add3A_355 : vector<16xf32>
          %swap3A = arith.index_cast %scan3A_339 : i32 to index
          %swap3A_356 = arith.constant 0 : index
          %swap3A_357 = tpu.vector_load %arg27[%swap3A, %swap3A_356] {strides = array<i32>} : memref<80x16xf32, #tpu.memory_space<vmem>>, vector<1x16xf32>,
          %swap3A_358 = vector.shape_cast %swap3A_357 : vector<1x16xf32> to vector<16xf32>
          %swap3A_359 = vector.shape_cast %exp3A : vector<16xf32> to vector<1x16xf32>
          tpu.vector_store %arg27[%swap3A, %swap3A_356], %swap3A_359 {strides = array<i32>} : memref<80x16xf32, #tpu.memory_space<vmem>>, vector<1x16xf32>,
          %get3A_360 = arith.index_cast %scan3A_339 : i32 to index
          %get3A_361 = arith.constant 0 : index
          %get3A_362 = tpu.vector_load %arg33[%get3A_360, %get3A_361] {strides = array<i32>} : memref<80x128xf32, #tpu.memory_space<vmem>>, vector<1x16xf32>,
          %get3A_363 = vector.shape_cast %get3A_362 : vector<1x16xf32> to vector<16xf32>
          %slice3A = vector.extract_strided_slice %exp3A {offsets = [0], sizes = [1], strides = [1]} : vector<16xf32> to vector<1xf32>
          %squeeze3A = vector.extract %slice3A[0] : f32 from vector<1xf32>
          %mul3A_364 = vector.broadcast %squeeze3A : f32 to vector<16xf32>
          %mul3A_365 = arith.mulf %get3A_363, %mul3A_364 : vector<16xf32>
          %swap3A_366 = arith.index_cast %scan3A_339 : i32 to index
          %swap3A_367 = arith.constant 0 : index
          %swap3A_368 = tpu.vector_load %arg33[%swap3A_366, %swap3A_367] {strides = array<i32>} : memref<80x128xf32, #tpu.memory_space<vmem>>, vector<1x16xf32>,
          %swap3A_369 = vector.shape_cast %swap3A_368 : vector<1x16xf32> to vector<16xf32>
          %swap3A_370 = vector.shape_cast %mul3A_365 : vector<16xf32> to vector<1x16xf32>
          tpu.vector_store %arg33[%swap3A_366, %swap3A_367], %swap3A_370 {strides = array<i32>} : memref<80x128xf32, #tpu.memory_space<vmem>>, vector<1x16xf32>,
          %get3A_371 = arith.index_cast %scan3A_339 : i32 to index
          %get3A_372 = arith.constant 16 : index
          %get3A_373 = tpu.vector_load %arg33[%get3A_371, %get3A_372] {strides = array<i32>} : memref<80x128xf32, #tpu.memory_space<vmem>>, vector<1x16xf32>,
          %get3A_374 = vector.shape_cast %get3A_373 : vector<1x16xf32> to vector<16xf32>
          %slice3A_375 = vector.extract_strided_slice %exp3A {offsets = [1], sizes = [1], strides = [1]} : vector<16xf32> to vector<1xf32>
          %squeeze3A_376 = vector.extract %slice3A_375[0] : f32 from vector<1xf32>
          %mul3A_377 = vector.broadcast %squeeze3A_376 : f32 to vector<16xf32>
          %mul3A_378 = arith.mulf %get3A_374, %mul3A_377 : vector<16xf32>
          %swap3A_379 = arith.index_cast %scan3A_339 : i32 to index
          %swap3A_380 = arith.constant 16 : index
          %swap3A_381 = tpu.vector_load %arg33[%swap3A_379, %swap3A_380] {strides = array<i32>} : memref<80x128xf32, #tpu.memory_space<vmem>>, vector<1x16xf32>,
          %swap3A_382 = vector.shape_cast %swap3A_381 : vector<1x16xf32> to vector<16xf32>
          %swap3A_383 = vector.shape_cast %mul3A_378 : vector<16xf32> to vector<1x16xf32>
          tpu.vector_store %arg33[%swap3A_379, %swap3A_380], %swap3A_383 {strides = array<i32>} : memref<80x128xf32, #tpu.memory_space<vmem>>, vector<1x16xf32>,
          %get3A_384 = arith.index_cast %scan3A_339 : i32 to index
          %get3A_385 = arith.constant 32 : index
          %get3A_386 = tpu.vector_load %arg33[%get3A_384, %get3A_385] {strides = array<i32>} : memref<80x128xf32, #tpu.memory_space<vmem>>, vector<1x16xf32>,
          %get3A_387 = vector.shape_cast %get3A_386 : vector<1x16xf32> to vector<16xf32>
          %slice3A_388 = vector.extract_strided_slice %exp3A {offsets = [2], sizes = [1], strides = [1]} : vector<16xf32> to vector<1xf32>
          %squeeze3A_389 = vector.extract %slice3A_388[0] : f32 from vector<1xf32>
          %mul3A_390 = vector.broadcast %squeeze3A_389 : f32 to vector<16xf32>
          %mul3A_391 = arith.mulf %get3A_387, %mul3A_390 : vector<16xf32>
          %swap3A_392 = arith.index_cast %scan3A_339 : i32 to index
          %swap3A_393 = arith.constant 32 : index
          %swap3A_394 = tpu.vector_load %arg33[%swap3A_392, %swap3A_393] {strides = array<i32>} : memref<80x128xf32, #tpu.memory_space<vmem>>, vector<1x16xf32>,
          %swap3A_395 = vector.shape_cast %swap3A_394 : vector<1x16xf32> to vector<16xf32>
          %swap3A_396 = vector.shape_cast %mul3A_391 : vector<16xf32> to vector<1x16xf32>
          tpu.vector_store %arg33[%swap3A_392, %swap3A_393], %swap3A_396 {strides = array<i32>} : memref<80x128xf32, #tpu.memory_space<vmem>>, vector<1x16xf32>,
          %get3A_397 = arith.index_cast %scan3A_339 : i32 to index
          %get3A_398 = arith.constant 48 : index
          %get3A_399 = tpu.vector_load %arg33[%get3A_397, %get3A_398] {strides = array<i32>} : memref<80x128xf32, #tpu.memory_space<vmem>>, vector<1x16xf32>,
          %get3A_400 = vector.shape_cast %get3A_399 : vector<1x16xf32> to vector<16xf32>
          %slice3A_401 = vector.extract_strided_slice %exp3A {offsets = [3], sizes = [1], strides = [1]} : vector<16xf32> to vector<1xf32>
          %squeeze3A_402 = vector.extract %slice3A_401[0] : f32 from vector<1xf32>
          %mul3A_403 = vector.broadcast %squeeze3A_402 : f32 to vector<16xf32>
          %mul3A_404 = arith.mulf %get3A_400, %mul3A_403 : vector<16xf32>
          %swap3A_405 = arith.index_cast %scan3A_339 : i32 to index
          %swap3A_406 = arith.constant 48 : index
          %swap3A_407 = tpu.vector_load %arg33[%swap3A_405, %swap3A_406] {strides = array<i32>} : memref<80x128xf32, #tpu.memory_space<vmem>>, vector<1x16xf32>,
          %swap3A_408 = vector.shape_cast %swap3A_407 : vector<1x16xf32> to vector<16xf32>
          %swap3A_409 = vector.shape_cast %mul3A_404 : vector<16xf32> to vector<1x16xf32>
          tpu.vector_store %arg33[%swap3A_405, %swap3A_406], %swap3A_409 {strides = array<i32>} : memref<80x128xf32, #tpu.memory_space<vmem>>, vector<1x16xf32>,
          %get3A_410 = arith.index_cast %scan3A_339 : i32 to index
          %get3A_411 = arith.constant 64 : index
          %get3A_412 = tpu.vector_load %arg33[%get3A_410, %get3A_411] {strides = array<i32>} : memref<80x128xf32, #tpu.memory_space<vmem>>, vector<1x16xf32>,
          %get3A_413 = vector.shape_cast %get3A_412 : vector<1x16xf32> to vector<16xf32>
          %slice3A_414 = vector.extract_strided_slice %exp3A {offsets = [4], sizes = [1], strides = [1]} : vector<16xf32> to vector<1xf32>
          %squeeze3A_415 = vector.extract %slice3A_414[0] : f32 from vector<1xf32>
          %mul3A_416 = vector.broadcast %squeeze3A_415 : f32 to vector<16xf32>
          %mul3A_417 = arith.mulf %get3A_413, %mul3A_416 : vector<16xf32>
          %swap3A_418 = arith.index_cast %scan3A_339 : i32 to index
          %swap3A_419 = arith.constant 64 : index
          %swap3A_420 = tpu.vector_load %arg33[%swap3A_418, %swap3A_419] {strides = array<i32>} : memref<80x128xf32, #tpu.memory_space<vmem>>, vector<1x16xf32>,
          %swap3A_421 = vector.shape_cast %swap3A_420 : vector<1x16xf32> to vector<16xf32>
          %swap3A_422 = vector.shape_cast %mul3A_417 : vector<16xf32> to vector<1x16xf32>
          tpu.vector_store %arg33[%swap3A_418, %swap3A_419], %swap3A_422 {strides = array<i32>} : memref<80x128xf32, #tpu.memory_space<vmem>>, vector<1x16xf32>,
          %get3A_423 = arith.index_cast %scan3A_339 : i32 to index
          %get3A_424 = arith.constant 80 : index
          %get3A_425 = tpu.vector_load %arg33[%get3A_423, %get3A_424] {strides = array<i32>} : memref<80x128xf32, #tpu.memory_space<vmem>>, vector<1x16xf32>,
          %get3A_426 = vector.shape_cast %get3A_425 : vector<1x16xf32> to vector<16xf32>
          %slice3A_427 = vector.extract_strided_slice %exp3A {offsets = [5], sizes = [1], strides = [1]} : vector<16xf32> to vector<1xf32>
          %squeeze3A_428 = vector.extract %slice3A_427[0] : f32 from vector<1xf32>
          %mul3A_429 = vector.broadcast %squeeze3A_428 : f32 to vector<16xf32>
          %mul3A_430 = arith.mulf %get3A_426, %mul3A_429 : vector<16xf32>
          %swap3A_431 = arith.index_cast %scan3A_339 : i32 to index
          %swap3A_432 = arith.constant 80 : index
          %swap3A_433 = tpu.vector_load %arg33[%swap3A_431, %swap3A_432] {strides = array<i32>} : memref<80x128xf32, #tpu.memory_space<vmem>>, vector<1x16xf32>,
          %swap3A_434 = vector.shape_cast %swap3A_433 : vector<1x16xf32> to vector<16xf32>
          %swap3A_435 = vector.shape_cast %mul3A_430 : vector<16xf32> to vector<1x16xf32>
          tpu.vector_store %arg33[%swap3A_431, %swap3A_432], %swap3A_435 {strides = array<i32>} : memref<80x128xf32, #tpu.memory_space<vmem>>, vector<1x16xf32>,
          %get3A_436 = arith.index_cast %scan3A_339 : i32 to index
          %get3A_437 = arith.constant 96 : index
          %get3A_438 = tpu.vector_load %arg33[%get3A_436, %get3A_437] {strides = array<i32>} : memref<80x128xf32, #tpu.memory_space<vmem>>, vector<1x16xf32>,
          %get3A_439 = vector.shape_cast %get3A_438 : vector<1x16xf32> to vector<16xf32>
          %slice3A_440 = vector.extract_strided_slice %exp3A {offsets = [6], sizes = [1], strides = [1]} : vector<16xf32> to vector<1xf32>
          %squeeze3A_441 = vector.extract %slice3A_440[0] : f32 from vector<1xf32>
          %mul3A_442 = vector.broadcast %squeeze3A_441 : f32 to vector<16xf32>
          %mul3A_443 = arith.mulf %get3A_439, %mul3A_442 : vector<16xf32>
          %swap3A_444 = arith.index_cast %scan3A_339 : i32 to index
          %swap3A_445 = arith.constant 96 : index
          %swap3A_446 = tpu.vector_load %arg33[%swap3A_444, %swap3A_445] {strides = array<i32>} : memref<80x128xf32, #tpu.memory_space<vmem>>, vector<1x16xf32>,
          %swap3A_447 = vector.shape_cast %swap3A_446 : vector<1x16xf32> to vector<16xf32>
          %swap3A_448 = vector.shape_cast %mul3A_443 : vector<16xf32> to vector<1x16xf32>
          tpu.vector_store %arg33[%swap3A_444, %swap3A_445], %swap3A_448 {strides = array<i32>} : memref<80x128xf32, #tpu.memory_space<vmem>>, vector<1x16xf32>,
          %get3A_449 = arith.index_cast %scan3A_339 : i32 to index
          %get3A_450 = arith.constant 112 : index
          %get3A_451 = tpu.vector_load %arg33[%get3A_449, %get3A_450] {strides = array<i32>} : memref<80x128xf32, #tpu.memory_space<vmem>>, vector<1x16xf32>,
          %get3A_452 = vector.shape_cast %get3A_451 : vector<1x16xf32> to vector<16xf32>
          %slice3A_453 = vector.extract_strided_slice %exp3A {offsets = [7], sizes = [1], strides = [1]} : vector<16xf32> to vector<1xf32>
          %squeeze3A_454 = vector.extract %slice3A_453[0] : f32 from vector<1xf32>
          %mul3A_455 = vector.broadcast %squeeze3A_454 : f32 to vector<16xf32>
          %mul3A_456 = arith.mulf %get3A_452, %mul3A_455 : vector<16xf32>
          %swap3A_457 = arith.index_cast %scan3A_339 : i32 to index
          %swap3A_458 = arith.constant 112 : index
          %swap3A_459 = tpu.vector_load %arg33[%swap3A_457, %swap3A_458] {strides = array<i32>} : memref<80x128xf32, #tpu.memory_space<vmem>>, vector<1x16xf32>,
          %swap3A_460 = vector.shape_cast %swap3A_459 : vector<1x16xf32> to vector<16xf32>
          %swap3A_461 = vector.shape_cast %mul3A_456 : vector<16xf32> to vector<1x16xf32>
          tpu.vector_store %arg33[%swap3A_457, %swap3A_458], %swap3A_461 {strides = array<i32>} : memref<80x128xf32, #tpu.memory_space<vmem>>, vector<1x16xf32>,
        }
        %scan3A_332 = arith.constant 80 : i32
        %dma_start3A_333 = arith.constant 0 : i32
        %dma_start3A_334 = arith.constant 0 : i32
        %dma_start3A_335 = tpu.memref_slice %arg47[%dma_start3A_333, %dma_start3A_334] : memref<10016x16xf32, #tpu.memory_space<vmem_shared>> -> memref<10016x16xf32, #tpu.memory_space<vmem_shared>>
        tpu.enqueue_indirect_dma source(%arg27 : memref<80x16xf32, #tpu.memory_space<vmem>>) target(%dma_start3A_335 : memref<10016x16xf32, #tpu.memory_space<vmem_shared>>) offsets(%arg24 : memref<80xi32, #tpu.memory_space<vmem>>) semaphore(%arg45 : memref<!tpu.dma_semaphore, #tpu.memory_space<semaphore_mem>>) {add = true}
        %dma_start3A_336 = arith.constant 0 : i32
        %dma_start3A_337 = arith.constant 0 : i32
        %dma_start3A_338 = tpu.memref_slice %arg46[%dma_start3A_336, %dma_start3A_337] : memref<10016x128xf32, #tpu.memory_space<vmem_shared>> -> memref<10016x128xf32, #tpu.memory_space<vmem_shared>>
        tpu.enqueue_indirect_dma source(%arg33 : memref<80x128xf32, #tpu.memory_space<vmem>>) target(%dma_start3A_338 : memref<10016x128xf32, #tpu.memory_space<vmem_shared>>) offsets(%arg24 : memref<80xi32, #tpu.memory_space<vmem>>) semaphore(%arg45 : memref<!tpu.dma_semaphore, #tpu.memory_space<semaphore_mem>>) {add = true}
      }
      %scan3A_87 = arith.constant 25 : i32
      %dma_wait3A_88 = arith.constant 0 : i32
      %dma_wait3A_89 = arith.constant 0 : i32
      %dma_wait3A_90 = tpu.memref_slice %arg47[%dma_wait3A_88, %dma_wait3A_89] : memref<10016x16xf32, #tpu.memory_space<vmem_shared>> -> memref<10016x16xf32, #tpu.memory_space<vmem_shared>>
      tpu.wait_indirect_dma semaphore(%arg44 : memref<!tpu.dma_semaphore, #tpu.memory_space<semaphore_mem>>) src(%arg26 : memref<80x16xf32, #tpu.memory_space<vmem>>) dst(%dma_wait3A_90 : memref<10016x16xf32, #tpu.memory_space<vmem_shared>>)
      %dma_wait3A_91 = arith.constant 0 : i32
      %dma_wait3A_92 = arith.constant 0 : i32
      %dma_wait3A_93 = tpu.memref_slice %arg46[%dma_wait3A_91, %dma_wait3A_92] : memref<10016x128xf32, #tpu.memory_space<vmem_shared>> -> memref<10016x128xf32, #tpu.memory_space<vmem_shared>>
      tpu.wait_indirect_dma semaphore(%arg44 : memref<!tpu.dma_semaphore, #tpu.memory_space<semaphore_mem>>) src(%arg32 : memref<80x128xf32, #tpu.memory_space<vmem>>) dst(%dma_wait3A_93 : memref<10016x128xf32, #tpu.memory_space<vmem_shared>>)
      %dma_wait3A_94 = arith.constant 0 : i32
      %dma_wait3A_95 = arith.constant 0 : i32
      %dma_wait3A_96 = tpu.memref_slice %arg47[%dma_wait3A_94, %dma_wait3A_95] : memref<10016x16xf32, #tpu.memory_space<vmem_shared>> -> memref<10016x16xf32, #tpu.memory_space<vmem_shared>>
      tpu.wait_indirect_dma semaphore(%arg45 : memref<!tpu.dma_semaphore, #tpu.memory_space<semaphore_mem>>) src(%arg27 : memref<80x16xf32, #tpu.memory_space<vmem>>) dst(%dma_wait3A_96 : memref<10016x16xf32, #tpu.memory_space<vmem_shared>>)
      %dma_wait3A_97 = arith.constant 0 : i32
      %dma_wait3A_98 = arith.constant 0 : i32
      %dma_wait3A_99 = tpu.memref_slice %arg46[%dma_wait3A_97, %dma_wait3A_98] : memref<10016x128xf32, #tpu.memory_space<vmem_shared>> -> memref<10016x128xf32, #tpu.memory_space<vmem_shared>>
      tpu.wait_indirect_dma semaphore(%arg45 : memref<!tpu.dma_semaphore, #tpu.memory_space<semaphore_mem>>) src(%arg33 : memref<80x128xf32, #tpu.memory_space<vmem>>) dst(%dma_wait3A_99 : memref<10016x128xf32, #tpu.memory_space<vmem_shared>>)
    } else {
    }
    %eq3A_16 = arith.constant 1 : i32
    %eq3A_17 = arith.cmpi eq, %arg0, %eq3A_16 : i32
    %convert_element_type3A_18 = arith.extui %eq3A_17 : i1 to i32
    %cond3A_19 = arith.constant 0 : i32
    %cond3A_20 = arith.cmpi ne, %convert_element_type3A_18, %cond3A_19 : i32
    scf.if %cond3A_20 {
      %add3A_32 = arith.constant 0 : i32
      %add3A_33 = arith.addi %select_n3A, %add3A_32 : i32
      %dma_start3A = arith.constant 0 : i32
      %dma_start3A_34 = tpu.memref_slice %arg2[%add3A_33, %dma_start3A] : memref<4032x80xi32, #tpu.memory_space<hbm>> -> memref<1x80xi32, #tpu.memory_space<hbm>>
      %dma_start3A_35 = tpu.memref_squeeze %dma_start3A_34 : memref<1x80xi32, #tpu.memory_space<hbm>> -> memref<80xi32, #tpu.memory_space<hbm>>
      %dma_start3A_36 = arith.constant 0 : i32
      %dma_start3A_37 = tpu.memref_slice %arg2[%add3A_33, %dma_start3A_36] : memref<4032x80xi32, #tpu.memory_space<hbm>> -> memref<1x80xi32, #tpu.memory_space<hbm>>
      %dma_start3A_38 = tpu.memref_squeeze %dma_start3A_37 : memref<1x80xi32, #tpu.memory_space<hbm>> -> memref<80xi32, #tpu.memory_space<hbm>>
      tpu.enqueue_dma source(%dma_start3A_38 : memref<80xi32, #tpu.memory_space<hbm>>) target(%arg13 : memref<80xi32, #tpu.memory_space<vmem>>) target_semaphore(%arg34 : memref<!tpu.dma_semaphore, #tpu.memory_space<semaphore_mem>>)
      %add3A_39 = arith.constant 0 : i32
      %add3A_40 = arith.addi %select_n3A, %add3A_39 : i32
      %dma_start3A_41 = arith.constant 0 : i32
      %dma_start3A_42 = tpu.memref_slice %arg3[%add3A_40, %dma_start3A_41] : memref<4032x80xi32, #tpu.memory_space<hbm>> -> memref<1x80xi32, #tpu.memory_space<hbm>>
      %dma_start3A_43 = tpu.memref_squeeze %dma_start3A_42 : memref<1x80xi32, #tpu.memory_space<hbm>> -> memref<80xi32, #tpu.memory_space<hbm>>
      %dma_start3A_44 = arith.constant 0 : i32
      %dma_start3A_45 = tpu.memref_slice %arg3[%add3A_40, %dma_start3A_44] : memref<4032x80xi32, #tpu.memory_space<hbm>> -> memref<1x80xi32, #tpu.memory_space<hbm>>
      %dma_start3A_46 = tpu.memref_squeeze %dma_start3A_45 : memref<1x80xi32, #tpu.memory_space<hbm>> -> memref<80xi32, #tpu.memory_space<hbm>>
      tpu.enqueue_dma source(%dma_start3A_46 : memref<80xi32, #tpu.memory_space<hbm>>) target(%arg19 : memref<80xi32, #tpu.memory_space<vmem>>) target_semaphore(%arg34 : memref<!tpu.dma_semaphore, #tpu.memory_space<semaphore_mem>>)
      %add3A_47 = arith.constant 1 : i32
      %add3A_48 = arith.addi %select_n3A, %add3A_47 : i32
      %dma_start3A_49 = arith.constant 0 : i32
      %dma_start3A_50 = tpu.memref_slice %arg2[%add3A_48, %dma_start3A_49] : memref<4032x80xi32, #tpu.memory_space<hbm>> -> memref<1x80xi32, #tpu.memory_space<hbm>>
      %dma_start3A_51 = tpu.memref_squeeze %dma_start3A_50 : memref<1x80xi32, #tpu.memory_space<hbm>> -> memref<80xi32, #tpu.memory_space<hbm>>
      %dma_start3A_52 = arith.constant 0 : i32
      %dma_start3A_53 = tpu.memref_slice %arg2[%add3A_48, %dma_start3A_52] : memref<4032x80xi32, #tpu.memory_space<hbm>> -> memref<1x80xi32, #tpu.memory_space<hbm>>
      %dma_start3A_54 = tpu.memref_squeeze %dma_start3A_53 : memref<1x80xi32, #tpu.memory_space<hbm>> -> memref<80xi32, #tpu.memory_space<hbm>>
      tpu.enqueue_dma source(%dma_start3A_54 : memref<80xi32, #tpu.memory_space<hbm>>) target(%arg14 : memref<80xi32, #tpu.memory_space<vmem>>) target_semaphore(%arg35 : memref<!tpu.dma_semaphore, #tpu.memory_space<semaphore_mem>>)
      %add3A_55 = arith.constant 1 : i32
      %add3A_56 = arith.addi %select_n3A, %add3A_55 : i32
      %dma_start3A_57 = arith.constant 0 : i32
      %dma_start3A_58 = tpu.memref_slice %arg3[%add3A_56, %dma_start3A_57] : memref<4032x80xi32, #tpu.memory_space<hbm>> -> memref<1x80xi32, #tpu.memory_space<hbm>>
      %dma_start3A_59 = tpu.memref_squeeze %dma_start3A_58 : memref<1x80xi32, #tpu.memory_space<hbm>> -> memref<80xi32, #tpu.memory_space<hbm>>
      %dma_start3A_60 = arith.constant 0 : i32
      %dma_start3A_61 = tpu.memref_slice %arg3[%add3A_56, %dma_start3A_60] : memref<4032x80xi32, #tpu.memory_space<hbm>> -> memref<1x80xi32, #tpu.memory_space<hbm>>
      %dma_start3A_62 = tpu.memref_squeeze %dma_start3A_61 : memref<1x80xi32, #tpu.memory_space<hbm>> -> memref<80xi32, #tpu.memory_space<hbm>>
      tpu.enqueue_dma source(%dma_start3A_62 : memref<80xi32, #tpu.memory_space<hbm>>) target(%arg20 : memref<80xi32, #tpu.memory_space<vmem>>) target_semaphore(%arg35 : memref<!tpu.dma_semaphore, #tpu.memory_space<semaphore_mem>>)
      %dma_wait3A = arith.constant 0 : i32
      %dma_wait3A_63 = tpu.memref_slice %arg2[%select_n3A, %dma_wait3A] : memref<4032x80xi32, #tpu.memory_space<hbm>> -> memref<1x80xi32, #tpu.memory_space<hbm>>
      %dma_wait3A_64 = tpu.memref_squeeze %dma_wait3A_63 : memref<1x80xi32, #tpu.memory_space<hbm>> -> memref<80xi32, #tpu.memory_space<hbm>>
      %dma_wait3A_65 = arith.constant 0 : i32
      %dma_wait3A_66 = tpu.memref_slice %arg2[%select_n3A, %dma_wait3A_65] : memref<4032x80xi32, #tpu.memory_space<hbm>> -> memref<1x80xi32, #tpu.memory_space<hbm>>
      %dma_wait3A_67 = tpu.memref_squeeze %dma_wait3A_66 : memref<1x80xi32, #tpu.memory_space<hbm>> -> memref<80xi32, #tpu.memory_space<hbm>>
      tpu.wait_dma2 semaphore(%arg34 : memref<!tpu.dma_semaphore, #tpu.memory_space<semaphore_mem>>) src(%dma_wait3A_67 : memref<80xi32, #tpu.memory_space<hbm>>) dst(%arg13 : memref<80xi32, #tpu.memory_space<vmem>>)
      %dma_wait3A_68 = arith.constant 0 : i32
      %dma_wait3A_69 = tpu.memref_slice %arg3[%select_n3A, %dma_wait3A_68] : memref<4032x80xi32, #tpu.memory_space<hbm>> -> memref<1x80xi32, #tpu.memory_space<hbm>>
      %dma_wait3A_70 = tpu.memref_squeeze %dma_wait3A_69 : memref<1x80xi32, #tpu.memory_space<hbm>> -> memref<80xi32, #tpu.memory_space<hbm>>
      %dma_wait3A_71 = arith.constant 0 : i32
      %dma_wait3A_72 = tpu.memref_slice %arg3[%select_n3A, %dma_wait3A_71] : memref<4032x80xi32, #tpu.memory_space<hbm>> -> memref<1x80xi32, #tpu.memory_space<hbm>>
      %dma_wait3A_73 = tpu.memref_squeeze %dma_wait3A_72 : memref<1x80xi32, #tpu.memory_space<hbm>> -> memref<80xi32, #tpu.memory_space<hbm>>
      tpu.wait_dma2 semaphore(%arg34 : memref<!tpu.dma_semaphore, #tpu.memory_space<semaphore_mem>>) src(%dma_wait3A_73 : memref<80xi32, #tpu.memory_space<hbm>>) dst(%arg19 : memref<80xi32, #tpu.memory_space<vmem>>)
      %dma_start3A_74 = arith.constant 0 : i32
      %dma_start3A_75 = arith.constant 0 : i32
      %dma_start3A_76 = tpu.memref_slice %arg4[%dma_start3A_74, %dma_start3A_75] : memref<10000x16xf32, #tpu.memory_space<hbm>> -> memref<10000x16xf32, #tpu.memory_space<hbm>>
      tpu.enqueue_indirect_dma source(%dma_start3A_76 : memref<10000x16xf32, #tpu.memory_space<hbm>>) target(%arg25 : memref<80x16xf32, #tpu.memory_space<vmem>>) offsets(%arg13 : memref<80xi32, #tpu.memory_space<vmem>>) semaphore(%arg40 : memref<!tpu.dma_semaphore, #tpu.memory_space<semaphore_mem>>)
      %dma_start3A_77 = arith.constant 0 : i32
      %dma_start3A_78 = arith.constant 0 : i32
      %dma_start3A_79 = tpu.memref_slice %arg5[%dma_start3A_77, %dma_start3A_78] : memref<10000x16xf32, #tpu.memory_space<hbm>> -> memref<10000x16xf32, #tpu.memory_space<hbm>>
      tpu.enqueue_indirect_dma source(%dma_start3A_79 : memref<10000x16xf32, #tpu.memory_space<hbm>>) target(%arg28 : memref<80x16xf32, #tpu.memory_space<vmem>>) offsets(%arg19 : memref<80xi32, #tpu.memory_space<vmem>>) semaphore(%arg40 : memref<!tpu.dma_semaphore, #tpu.memory_space<semaphore_mem>>)
      %dma_start3A_80 = arith.constant 0 : i32
      %dma_start3A_81 = arith.constant 0 : i32
      %dma_start3A_82 = tpu.memref_slice %arg6[%dma_start3A_80, %dma_start3A_81] : memref<10000x128xf32, #tpu.memory_space<hbm>> -> memref<10000x128xf32, #tpu.memory_space<hbm>>
      tpu.enqueue_indirect_dma source(%dma_start3A_82 : memref<10000x128xf32, #tpu.memory_space<hbm>>) target(%arg31 : memref<80x128xf32, #tpu.memory_space<vmem>>) offsets(%arg13 : memref<80xi32, #tpu.memory_space<vmem>>) semaphore(%arg40 : memref<!tpu.dma_semaphore, #tpu.memory_space<semaphore_mem>>)
      %scan3A = arith.constant 0 : i32
      %scan3A_83 = arith.constant 0 : i32
      %scan3A_84 = arith.constant 17 : i32
      %scan3A_85 = arith.addi %scan3A_83, %scan3A_84 : i32
      %scan3A_86 = arith.constant 1 : i32
      scf.for %scan3A_100 = %scan3A_83 to %scan3A_85 step %scan3A_86  : i32 {
        %mul3A_101 = arith.constant 6 : i32
        %mul3A_102 = arith.muli %scan3A_100, %mul3A_101 : i32
        %add3A_103 = arith.constant 0 : i32
        %add3A_104 = arith.addi %mul3A_102, %add3A_103 : i32
        %dma_wait3A_105 = arith.constant 0 : i32
        %dma_wait3A_106 = arith.constant 0 : i32
        %dma_wait3A_107 = tpu.memref_slice %arg4[%dma_wait3A_105, %dma_wait3A_106] : memref<10000x16xf32, #tpu.memory_space<hbm>> -> memref<10000x16xf32, #tpu.memory_space<hbm>>
        tpu.wait_indirect_dma semaphore(%arg40 : memref<!tpu.dma_semaphore, #tpu.memory_space<semaphore_mem>>) src(%dma_wait3A_107 : memref<10000x16xf32, #tpu.memory_space<hbm>>) dst(%arg25 : memref<80x16xf32, #tpu.memory_space<vmem>>)
        %dma_wait3A_108 = arith.constant 0 : i32
        %dma_wait3A_109 = arith.constant 0 : i32
        %dma_wait3A_110 = tpu.memref_slice %arg5[%dma_wait3A_108, %dma_wait3A_109] : memref<10000x16xf32, #tpu.memory_space<hbm>> -> memref<10000x16xf32, #tpu.memory_space<hbm>>
        tpu.wait_indirect_dma semaphore(%arg40 : memref<!tpu.dma_semaphore, #tpu.memory_space<semaphore_mem>>) src(%dma_wait3A_110 : memref<10000x16xf32, #tpu.memory_space<hbm>>) dst(%arg28 : memref<80x16xf32, #tpu.memory_space<vmem>>)
        %dma_wait3A_111 = arith.constant 0 : i32
        %dma_wait3A_112 = arith.constant 0 : i32
        %dma_wait3A_113 = tpu.memref_slice %arg6[%dma_wait3A_111, %dma_wait3A_112] : memref<10000x128xf32, #tpu.memory_space<hbm>> -> memref<10000x128xf32, #tpu.memory_space<hbm>>
        tpu.wait_indirect_dma semaphore(%arg40 : memref<!tpu.dma_semaphore, #tpu.memory_space<semaphore_mem>>) src(%dma_wait3A_113 : memref<10000x128xf32, #tpu.memory_space<hbm>>) dst(%arg31 : memref<80x128xf32, #tpu.memory_space<vmem>>)
        %ge3A = arith.constant 2 : i32
        %ge3A_114 = arith.cmpi sge, %add3A_104, %ge3A : i32
        %convert_element_type3A_115 = arith.extui %ge3A_114 : i1 to i32
        %cond3A_116 = arith.constant 0 : i32
        %cond3A_117 = arith.cmpi ne, %convert_element_type3A_115, %cond3A_116 : i32
        scf.if %cond3A_117 {
          %dma_wait3A_339 = arith.constant 0 : i32
          %dma_wait3A_340 = arith.constant 0 : i32
          %dma_wait3A_341 = tpu.memref_slice %arg47[%dma_wait3A_339, %dma_wait3A_340] : memref<10016x16xf32, #tpu.memory_space<vmem_shared>> -> memref<10016x16xf32, #tpu.memory_space<vmem_shared>>
          tpu.wait_indirect_dma semaphore(%arg44 : memref<!tpu.dma_semaphore, #tpu.memory_space<semaphore_mem>>) src(%arg26 : memref<80x16xf32, #tpu.memory_space<vmem>>) dst(%dma_wait3A_341 : memref<10016x16xf32, #tpu.memory_space<vmem_shared>>)
          %dma_wait3A_342 = arith.constant 0 : i32
          %dma_wait3A_343 = arith.constant 0 : i32
          %dma_wait3A_344 = tpu.memref_slice %arg46[%dma_wait3A_342, %dma_wait3A_343] : memref<10016x128xf32, #tpu.memory_space<vmem_shared>> -> memref<10016x128xf32, #tpu.memory_space<vmem_shared>>
          tpu.wait_indirect_dma semaphore(%arg44 : memref<!tpu.dma_semaphore, #tpu.memory_space<semaphore_mem>>) src(%arg32 : memref<80x128xf32, #tpu.memory_space<vmem>>) dst(%dma_wait3A_344 : memref<10016x128xf32, #tpu.memory_space<vmem_shared>>)
        } else {
        }
        %lt3A = arith.constant 101 : i32
        %lt3A_118 = arith.cmpi slt, %add3A_104, %lt3A : i32
        %convert_element_type3A_119 = arith.extui %lt3A_118 : i1 to i32
        %cond3A_120 = arith.constant 0 : i32
        %cond3A_121 = arith.cmpi ne, %convert_element_type3A_119, %cond3A_120 : i32
        scf.if %cond3A_121 {
          %dma_wait3A_339 = arith.constant 0 : i32
          %dma_wait3A_340 = tpu.memref_slice %arg2[%select_n3A, %dma_wait3A_339] : memref<4032x80xi32, #tpu.memory_space<hbm>> -> memref<1x80xi32, #tpu.memory_space<hbm>>
          %dma_wait3A_341 = tpu.memref_squeeze %dma_wait3A_340 : memref<1x80xi32, #tpu.memory_space<hbm>> -> memref<80xi32, #tpu.memory_space<hbm>>
          %dma_wait3A_342 = arith.constant 0 : i32
          %dma_wait3A_343 = tpu.memref_slice %arg2[%select_n3A, %dma_wait3A_342] : memref<4032x80xi32, #tpu.memory_space<hbm>> -> memref<1x80xi32, #tpu.memory_space<hbm>>
          %dma_wait3A_344 = tpu.memref_squeeze %dma_wait3A_343 : memref<1x80xi32, #tpu.memory_space<hbm>> -> memref<80xi32, #tpu.memory_space<hbm>>
          tpu.wait_dma2 semaphore(%arg35 : memref<!tpu.dma_semaphore, #tpu.memory_space<semaphore_mem>>) src(%dma_wait3A_344 : memref<80xi32, #tpu.memory_space<hbm>>) dst(%arg14 : memref<80xi32, #tpu.memory_space<vmem>>)
          %dma_wait3A_345 = arith.constant 0 : i32
          %dma_wait3A_346 = tpu.memref_slice %arg3[%select_n3A, %dma_wait3A_345] : memref<4032x80xi32, #tpu.memory_space<hbm>> -> memref<1x80xi32, #tpu.memory_space<hbm>>
          %dma_wait3A_347 = tpu.memref_squeeze %dma_wait3A_346 : memref<1x80xi32, #tpu.memory_space<hbm>> -> memref<80xi32, #tpu.memory_space<hbm>>
          %dma_wait3A_348 = arith.constant 0 : i32
          %dma_wait3A_349 = tpu.memref_slice %arg3[%select_n3A, %dma_wait3A_348] : memref<4032x80xi32, #tpu.memory_space<hbm>> -> memref<1x80xi32, #tpu.memory_space<hbm>>
          %dma_wait3A_350 = tpu.memref_squeeze %dma_wait3A_349 : memref<1x80xi32, #tpu.memory_space<hbm>> -> memref<80xi32, #tpu.memory_space<hbm>>
          tpu.wait_dma2 semaphore(%arg35 : memref<!tpu.dma_semaphore, #tpu.memory_space<semaphore_mem>>) src(%dma_wait3A_350 : memref<80xi32, #tpu.memory_space<hbm>>) dst(%arg20 : memref<80xi32, #tpu.memory_space<vmem>>)
          %dma_start3A_351 = arith.constant 0 : i32
          %dma_start3A_352 = arith.constant 0 : i32
          %dma_start3A_353 = tpu.memref_slice %arg4[%dma_start3A_351, %dma_start3A_352] : memref<10000x16xf32, #tpu.memory_space<hbm>> -> memref<10000x16xf32, #tpu.memory_space<hbm>>
          tpu.enqueue_indirect_dma source(%dma_start3A_353 : memref<10000x16xf32, #tpu.memory_space<hbm>>) target(%arg26 : memref<80x16xf32, #tpu.memory_space<vmem>>) offsets(%arg14 : memref<80xi32, #tpu.memory_space<vmem>>) semaphore(%arg41 : memref<!tpu.dma_semaphore, #tpu.memory_space<semaphore_mem>>)
          %dma_start3A_354 = arith.constant 0 : i32
          %dma_start3A_355 = arith.constant 0 : i32
          %dma_start3A_356 = tpu.memref_slice %arg5[%dma_start3A_354, %dma_start3A_355] : memref<10000x16xf32, #tpu.memory_space<hbm>> -> memref<10000x16xf32, #tpu.memory_space<hbm>>
          tpu.enqueue_indirect_dma source(%dma_start3A_356 : memref<10000x16xf32, #tpu.memory_space<hbm>>) target(%arg29 : memref<80x16xf32, #tpu.memory_space<vmem>>) offsets(%arg20 : memref<80xi32, #tpu.memory_space<vmem>>) semaphore(%arg41 : memref<!tpu.dma_semaphore, #tpu.memory_space<semaphore_mem>>)
          %dma_start3A_357 = arith.constant 0 : i32
          %dma_start3A_358 = arith.constant 0 : i32
          %dma_start3A_359 = tpu.memref_slice %arg6[%dma_start3A_357, %dma_start3A_358] : memref<10000x128xf32, #tpu.memory_space<hbm>> -> memref<10000x128xf32, #tpu.memory_space<hbm>>
          tpu.enqueue_indirect_dma source(%dma_start3A_359 : memref<10000x128xf32, #tpu.memory_space<hbm>>) target(%arg32 : memref<80x128xf32, #tpu.memory_space<vmem>>) offsets(%arg14 : memref<80xi32, #tpu.memory_space<vmem>>) semaphore(%arg41 : memref<!tpu.dma_semaphore, #tpu.memory_space<semaphore_mem>>)
        } else {
        }
        %lt3A_122 = arith.constant 100 : i32
        %lt3A_123 = arith.cmpi slt, %add3A_104, %lt3A_122 : i32
        %convert_element_type3A_124 = arith.extui %lt3A_123 : i1 to i32
        %cond3A_125 = arith.constant 0 : i32
        %cond3A_126 = arith.cmpi ne, %convert_element_type3A_124, %cond3A_125 : i32
        scf.if %cond3A_126 {
          %add3A_339 = arith.constant 2 : i32
          %add3A_340 = arith.addi %add3A_104, %add3A_339 : i32
          %add3A_341 = arith.addi %select_n3A, %add3A_340 : i32
          %dma_start3A_342 = arith.constant 0 : i32
          %dma_start3A_343 = tpu.memref_slice %arg2[%add3A_341, %dma_start3A_342] : memref<4032x80xi32, #tpu.memory_space<hbm>> -> memref<1x80xi32, #tpu.memory_space<hbm>>
          %dma_start3A_344 = tpu.memref_squeeze %dma_start3A_343 : memref<1x80xi32, #tpu.memory_space<hbm>> -> memref<80xi32, #tpu.memory_space<hbm>>
          %dma_start3A_345 = arith.constant 0 : i32
          %dma_start3A_346 = tpu.memref_slice %arg2[%add3A_341, %dma_start3A_345] : memref<4032x80xi32, #tpu.memory_space<hbm>> -> memref<1x80xi32, #tpu.memory_space<hbm>>
          %dma_start3A_347 = tpu.memref_squeeze %dma_start3A_346 : memref<1x80xi32, #tpu.memory_space<hbm>> -> memref<80xi32, #tpu.memory_space<hbm>>
          tpu.enqueue_dma source(%dma_start3A_347 : memref<80xi32, #tpu.memory_space<hbm>>) target(%arg15 : memref<80xi32, #tpu.memory_space<vmem>>) target_semaphore(%arg36 : memref<!tpu.dma_semaphore, #tpu.memory_space<semaphore_mem>>)
          %add3A_348 = arith.addi %select_n3A, %add3A_340 : i32
          %dma_start3A_349 = arith.constant 0 : i32
          %dma_start3A_350 = tpu.memref_slice %arg3[%add3A_348, %dma_start3A_349] : memref<4032x80xi32, #tpu.memory_space<hbm>> -> memref<1x80xi32, #tpu.memory_space<hbm>>
          %dma_start3A_351 = tpu.memref_squeeze %dma_start3A_350 : memref<1x80xi32, #tpu.memory_space<hbm>> -> memref<80xi32, #tpu.memory_space<hbm>>
          %dma_start3A_352 = arith.constant 0 : i32
          %dma_start3A_353 = tpu.memref_slice %arg3[%add3A_348, %dma_start3A_352] : memref<4032x80xi32, #tpu.memory_space<hbm>> -> memref<1x80xi32, #tpu.memory_space<hbm>>
          %dma_start3A_354 = tpu.memref_squeeze %dma_start3A_353 : memref<1x80xi32, #tpu.memory_space<hbm>> -> memref<80xi32, #tpu.memory_space<hbm>>
          tpu.enqueue_dma source(%dma_start3A_354 : memref<80xi32, #tpu.memory_space<hbm>>) target(%arg21 : memref<80xi32, #tpu.memory_space<vmem>>) target_semaphore(%arg36 : memref<!tpu.dma_semaphore, #tpu.memory_space<semaphore_mem>>)
        } else {
        }
        %scan3A_127 = arith.constant 0 : i32
        %scan3A_128 = arith.constant 0 : i32
        %scan3A_129 = arith.constant 80 : i32
        %scan3A_130 = arith.addi %scan3A_128, %scan3A_129 : i32
        %scan3A_131 = arith.constant 1 : i32
        scf.for %scan3A_339 = %scan3A_128 to %scan3A_130 step %scan3A_131  : i32 {
          %get3A = arith.index_cast %scan3A_339 : i32 to index
          %get3A_340 = arith.constant 0 : index
          %get3A_341 = tpu.vector_load %arg25[%get3A, %get3A_340] {strides = array<i32>} : memref<80x16xf32, #tpu.memory_space<vmem>>, vector<1x16xf32>,
          %get3A_342 = vector.shape_cast %get3A_341 : vector<1x16xf32> to vector<16xf32>
          %get3A_343 = arith.index_cast %scan3A_339 : i32 to index
          %get3A_344 = arith.constant 0 : index
          %get3A_345 = tpu.vector_load %arg28[%get3A_343, %get3A_344] {strides = array<i32>} : memref<80x16xf32, #tpu.memory_space<vmem>>, vector<1x16xf32>,
          %get3A_346 = vector.shape_cast %get3A_345 : vector<1x16xf32> to vector<16xf32>
          %add3A_347 = arith.addf %get3A_342, %get3A_346 : vector<16xf32>
          %max3A = arith.constant 0.000000e+00 : f32
          %max3A_348 = vector.broadcast %max3A : f32 to vector<16xf32>
          %max3A_349 = arith.maximumf %add3A_347, %max3A_348 : vector<16xf32>
          %min3A = arith.constant 0.000000e+00 : f32
          %min3A_350 = vector.broadcast %min3A : f32 to vector<16xf32>
          %min3A_351 = arith.minimumf %add3A_347, %min3A_350 : vector<16xf32>
          %mul3A_352 = arith.constant 2.000000e-01 : f32
          %mul3A_353 = vector.broadcast %mul3A_352 : f32 to vector<16xf32>
          %mul3A_354 = arith.mulf %mul3A_353, %min3A_351 : vector<16xf32>
          %add3A_355 = arith.addf %max3A_349, %mul3A_354 : vector<16xf32>
          %exp3A = math.exp %add3A_355 : vector<16xf32>
          %swap3A = arith.index_cast %scan3A_339 : i32 to index
          %swap3A_356 = arith.constant 0 : index
          %swap3A_357 = tpu.vector_load %arg25[%swap3A, %swap3A_356] {strides = array<i32>} : memref<80x16xf32, #tpu.memory_space<vmem>>, vector<1x16xf32>,
          %swap3A_358 = vector.shape_cast %swap3A_357 : vector<1x16xf32> to vector<16xf32>
          %swap3A_359 = vector.shape_cast %exp3A : vector<16xf32> to vector<1x16xf32>
          tpu.vector_store %arg25[%swap3A, %swap3A_356], %swap3A_359 {strides = array<i32>} : memref<80x16xf32, #tpu.memory_space<vmem>>, vector<1x16xf32>,
          %get3A_360 = arith.index_cast %scan3A_339 : i32 to index
          %get3A_361 = arith.constant 0 : index
          %get3A_362 = tpu.vector_load %arg31[%get3A_360, %get3A_361] {strides = array<i32>} : memref<80x128xf32, #tpu.memory_space<vmem>>, vector<1x16xf32>,
          %get3A_363 = vector.shape_cast %get3A_362 : vector<1x16xf32> to vector<16xf32>
          %slice3A = vector.extract_strided_slice %exp3A {offsets = [0], sizes = [1], strides = [1]} : vector<16xf32> to vector<1xf32>
          %squeeze3A = vector.extract %slice3A[0] : f32 from vector<1xf32>
          %mul3A_364 = vector.broadcast %squeeze3A : f32 to vector<16xf32>
          %mul3A_365 = arith.mulf %get3A_363, %mul3A_364 : vector<16xf32>
          %swap3A_366 = arith.index_cast %scan3A_339 : i32 to index
          %swap3A_367 = arith.constant 0 : index
          %swap3A_368 = tpu.vector_load %arg31[%swap3A_366, %swap3A_367] {strides = array<i32>} : memref<80x128xf32, #tpu.memory_space<vmem>>, vector<1x16xf32>,
          %swap3A_369 = vector.shape_cast %swap3A_368 : vector<1x16xf32> to vector<16xf32>
          %swap3A_370 = vector.shape_cast %mul3A_365 : vector<16xf32> to vector<1x16xf32>
          tpu.vector_store %arg31[%swap3A_366, %swap3A_367], %swap3A_370 {strides = array<i32>} : memref<80x128xf32, #tpu.memory_space<vmem>>, vector<1x16xf32>,
          %get3A_371 = arith.index_cast %scan3A_339 : i32 to index
          %get3A_372 = arith.constant 16 : index
          %get3A_373 = tpu.vector_load %arg31[%get3A_371, %get3A_372] {strides = array<i32>} : memref<80x128xf32, #tpu.memory_space<vmem>>, vector<1x16xf32>,
          %get3A_374 = vector.shape_cast %get3A_373 : vector<1x16xf32> to vector<16xf32>
          %slice3A_375 = vector.extract_strided_slice %exp3A {offsets = [1], sizes = [1], strides = [1]} : vector<16xf32> to vector<1xf32>
          %squeeze3A_376 = vector.extract %slice3A_375[0] : f32 from vector<1xf32>
          %mul3A_377 = vector.broadcast %squeeze3A_376 : f32 to vector<16xf32>
          %mul3A_378 = arith.mulf %get3A_374, %mul3A_377 : vector<16xf32>
          %swap3A_379 = arith.index_cast %scan3A_339 : i32 to index
          %swap3A_380 = arith.constant 16 : index
          %swap3A_381 = tpu.vector_load %arg31[%swap3A_379, %swap3A_380] {strides = array<i32>} : memref<80x128xf32, #tpu.memory_space<vmem>>, vector<1x16xf32>,
          %swap3A_382 = vector.shape_cast %swap3A_381 : vector<1x16xf32> to vector<16xf32>
          %swap3A_383 = vector.shape_cast %mul3A_378 : vector<16xf32> to vector<1x16xf32>
          tpu.vector_store %arg31[%swap3A_379, %swap3A_380], %swap3A_383 {strides = array<i32>} : memref<80x128xf32, #tpu.memory_space<vmem>>, vector<1x16xf32>,
          %get3A_384 = arith.index_cast %scan3A_339 : i32 to index
          %get3A_385 = arith.constant 32 : index
          %get3A_386 = tpu.vector_load %arg31[%get3A_384, %get3A_385] {strides = array<i32>} : memref<80x128xf32, #tpu.memory_space<vmem>>, vector<1x16xf32>,
          %get3A_387 = vector.shape_cast %get3A_386 : vector<1x16xf32> to vector<16xf32>
          %slice3A_388 = vector.extract_strided_slice %exp3A {offsets = [2], sizes = [1], strides = [1]} : vector<16xf32> to vector<1xf32>
          %squeeze3A_389 = vector.extract %slice3A_388[0] : f32 from vector<1xf32>
          %mul3A_390 = vector.broadcast %squeeze3A_389 : f32 to vector<16xf32>
          %mul3A_391 = arith.mulf %get3A_387, %mul3A_390 : vector<16xf32>
          %swap3A_392 = arith.index_cast %scan3A_339 : i32 to index
          %swap3A_393 = arith.constant 32 : index
          %swap3A_394 = tpu.vector_load %arg31[%swap3A_392, %swap3A_393] {strides = array<i32>} : memref<80x128xf32, #tpu.memory_space<vmem>>, vector<1x16xf32>,
          %swap3A_395 = vector.shape_cast %swap3A_394 : vector<1x16xf32> to vector<16xf32>
          %swap3A_396 = vector.shape_cast %mul3A_391 : vector<16xf32> to vector<1x16xf32>
          tpu.vector_store %arg31[%swap3A_392, %swap3A_393], %swap3A_396 {strides = array<i32>} : memref<80x128xf32, #tpu.memory_space<vmem>>, vector<1x16xf32>,
          %get3A_397 = arith.index_cast %scan3A_339 : i32 to index
          %get3A_398 = arith.constant 48 : index
          %get3A_399 = tpu.vector_load %arg31[%get3A_397, %get3A_398] {strides = array<i32>} : memref<80x128xf32, #tpu.memory_space<vmem>>, vector<1x16xf32>,
          %get3A_400 = vector.shape_cast %get3A_399 : vector<1x16xf32> to vector<16xf32>
          %slice3A_401 = vector.extract_strided_slice %exp3A {offsets = [3], sizes = [1], strides = [1]} : vector<16xf32> to vector<1xf32>
          %squeeze3A_402 = vector.extract %slice3A_401[0] : f32 from vector<1xf32>
          %mul3A_403 = vector.broadcast %squeeze3A_402 : f32 to vector<16xf32>
          %mul3A_404 = arith.mulf %get3A_400, %mul3A_403 : vector<16xf32>
          %swap3A_405 = arith.index_cast %scan3A_339 : i32 to index
          %swap3A_406 = arith.constant 48 : index
          %swap3A_407 = tpu.vector_load %arg31[%swap3A_405, %swap3A_406] {strides = array<i32>} : memref<80x128xf32, #tpu.memory_space<vmem>>, vector<1x16xf32>,
          %swap3A_408 = vector.shape_cast %swap3A_407 : vector<1x16xf32> to vector<16xf32>
          %swap3A_409 = vector.shape_cast %mul3A_404 : vector<16xf32> to vector<1x16xf32>
          tpu.vector_store %arg31[%swap3A_405, %swap3A_406], %swap3A_409 {strides = array<i32>} : memref<80x128xf32, #tpu.memory_space<vmem>>, vector<1x16xf32>,
          %get3A_410 = arith.index_cast %scan3A_339 : i32 to index
          %get3A_411 = arith.constant 64 : index
          %get3A_412 = tpu.vector_load %arg31[%get3A_410, %get3A_411] {strides = array<i32>} : memref<80x128xf32, #tpu.memory_space<vmem>>, vector<1x16xf32>,
          %get3A_413 = vector.shape_cast %get3A_412 : vector<1x16xf32> to vector<16xf32>
          %slice3A_414 = vector.extract_strided_slice %exp3A {offsets = [4], sizes = [1], strides = [1]} : vector<16xf32> to vector<1xf32>
          %squeeze3A_415 = vector.extract %slice3A_414[0] : f32 from vector<1xf32>
          %mul3A_416 = vector.broadcast %squeeze3A_415 : f32 to vector<16xf32>
          %mul3A_417 = arith.mulf %get3A_413, %mul3A_416 : vector<16xf32>
          %swap3A_418 = arith.index_cast %scan3A_339 : i32 to index
          %swap3A_419 = arith.constant 64 : index
          %swap3A_420 = tpu.vector_load %arg31[%swap3A_418, %swap3A_419] {strides = array<i32>} : memref<80x128xf32, #tpu.memory_space<vmem>>, vector<1x16xf32>,
          %swap3A_421 = vector.shape_cast %swap3A_420 : vector<1x16xf32> to vector<16xf32>
          %swap3A_422 = vector.shape_cast %mul3A_417 : vector<16xf32> to vector<1x16xf32>
          tpu.vector_store %arg31[%swap3A_418, %swap3A_419], %swap3A_422 {strides = array<i32>} : memref<80x128xf32, #tpu.memory_space<vmem>>, vector<1x16xf32>,
          %get3A_423 = arith.index_cast %scan3A_339 : i32 to index
          %get3A_424 = arith.constant 80 : index
          %get3A_425 = tpu.vector_load %arg31[%get3A_423, %get3A_424] {strides = array<i32>} : memref<80x128xf32, #tpu.memory_space<vmem>>, vector<1x16xf32>,
          %get3A_426 = vector.shape_cast %get3A_425 : vector<1x16xf32> to vector<16xf32>
          %slice3A_427 = vector.extract_strided_slice %exp3A {offsets = [5], sizes = [1], strides = [1]} : vector<16xf32> to vector<1xf32>
          %squeeze3A_428 = vector.extract %slice3A_427[0] : f32 from vector<1xf32>
          %mul3A_429 = vector.broadcast %squeeze3A_428 : f32 to vector<16xf32>
          %mul3A_430 = arith.mulf %get3A_426, %mul3A_429 : vector<16xf32>
          %swap3A_431 = arith.index_cast %scan3A_339 : i32 to index
          %swap3A_432 = arith.constant 80 : index
          %swap3A_433 = tpu.vector_load %arg31[%swap3A_431, %swap3A_432] {strides = array<i32>} : memref<80x128xf32, #tpu.memory_space<vmem>>, vector<1x16xf32>,
          %swap3A_434 = vector.shape_cast %swap3A_433 : vector<1x16xf32> to vector<16xf32>
          %swap3A_435 = vector.shape_cast %mul3A_430 : vector<16xf32> to vector<1x16xf32>
          tpu.vector_store %arg31[%swap3A_431, %swap3A_432], %swap3A_435 {strides = array<i32>} : memref<80x128xf32, #tpu.memory_space<vmem>>, vector<1x16xf32>,
          %get3A_436 = arith.index_cast %scan3A_339 : i32 to index
          %get3A_437 = arith.constant 96 : index
          %get3A_438 = tpu.vector_load %arg31[%get3A_436, %get3A_437] {strides = array<i32>} : memref<80x128xf32, #tpu.memory_space<vmem>>, vector<1x16xf32>,
          %get3A_439 = vector.shape_cast %get3A_438 : vector<1x16xf32> to vector<16xf32>
          %slice3A_440 = vector.extract_strided_slice %exp3A {offsets = [6], sizes = [1], strides = [1]} : vector<16xf32> to vector<1xf32>
          %squeeze3A_441 = vector.extract %slice3A_440[0] : f32 from vector<1xf32>
          %mul3A_442 = vector.broadcast %squeeze3A_441 : f32 to vector<16xf32>
          %mul3A_443 = arith.mulf %get3A_439, %mul3A_442 : vector<16xf32>
          %swap3A_444 = arith.index_cast %scan3A_339 : i32 to index
          %swap3A_445 = arith.constant 96 : index
          %swap3A_446 = tpu.vector_load %arg31[%swap3A_444, %swap3A_445] {strides = array<i32>} : memref<80x128xf32, #tpu.memory_space<vmem>>, vector<1x16xf32>,
          %swap3A_447 = vector.shape_cast %swap3A_446 : vector<1x16xf32> to vector<16xf32>
          %swap3A_448 = vector.shape_cast %mul3A_443 : vector<16xf32> to vector<1x16xf32>
          tpu.vector_store %arg31[%swap3A_444, %swap3A_445], %swap3A_448 {strides = array<i32>} : memref<80x128xf32, #tpu.memory_space<vmem>>, vector<1x16xf32>,
          %get3A_449 = arith.index_cast %scan3A_339 : i32 to index
          %get3A_450 = arith.constant 112 : index
          %get3A_451 = tpu.vector_load %arg31[%get3A_449, %get3A_450] {strides = array<i32>} : memref<80x128xf32, #tpu.memory_space<vmem>>, vector<1x16xf32>,
          %get3A_452 = vector.shape_cast %get3A_451 : vector<1x16xf32> to vector<16xf32>
          %slice3A_453 = vector.extract_strided_slice %exp3A {offsets = [7], sizes = [1], strides = [1]} : vector<16xf32> to vector<1xf32>
          %squeeze3A_454 = vector.extract %slice3A_453[0] : f32 from vector<1xf32>
          %mul3A_455 = vector.broadcast %squeeze3A_454 : f32 to vector<16xf32>
          %mul3A_456 = arith.mulf %get3A_452, %mul3A_455 : vector<16xf32>
          %swap3A_457 = arith.index_cast %scan3A_339 : i32 to index
          %swap3A_458 = arith.constant 112 : index
          %swap3A_459 = tpu.vector_load %arg31[%swap3A_457, %swap3A_458] {strides = array<i32>} : memref<80x128xf32, #tpu.memory_space<vmem>>, vector<1x16xf32>,
          %swap3A_460 = vector.shape_cast %swap3A_459 : vector<1x16xf32> to vector<16xf32>
          %swap3A_461 = vector.shape_cast %mul3A_456 : vector<16xf32> to vector<1x16xf32>
          tpu.vector_store %arg31[%swap3A_457, %swap3A_458], %swap3A_461 {strides = array<i32>} : memref<80x128xf32, #tpu.memory_space<vmem>>, vector<1x16xf32>,
        }
        %scan3A_132 = arith.constant 80 : i32
        %dma_start3A_133 = arith.constant 0 : i32
        %dma_start3A_134 = arith.constant 0 : i32
        %dma_start3A_135 = tpu.memref_slice %arg47[%dma_start3A_133, %dma_start3A_134] : memref<10016x16xf32, #tpu.memory_space<vmem_shared>> -> memref<10016x16xf32, #tpu.memory_space<vmem_shared>>
        tpu.enqueue_indirect_dma source(%arg25 : memref<80x16xf32, #tpu.memory_space<vmem>>) target(%dma_start3A_135 : memref<10016x16xf32, #tpu.memory_space<vmem_shared>>) offsets(%arg19 : memref<80xi32, #tpu.memory_space<vmem>>) semaphore(%arg43 : memref<!tpu.dma_semaphore, #tpu.memory_space<semaphore_mem>>) {add = true}
        %dma_start3A_136 = arith.constant 0 : i32
        %dma_start3A_137 = arith.constant 0 : i32
        %dma_start3A_138 = tpu.memref_slice %arg46[%dma_start3A_136, %dma_start3A_137] : memref<10016x128xf32, #tpu.memory_space<vmem_shared>> -> memref<10016x128xf32, #tpu.memory_space<vmem_shared>>
        tpu.enqueue_indirect_dma source(%arg31 : memref<80x128xf32, #tpu.memory_space<vmem>>) target(%dma_start3A_138 : memref<10016x128xf32, #tpu.memory_space<vmem_shared>>) offsets(%arg19 : memref<80xi32, #tpu.memory_space<vmem>>) semaphore(%arg43 : memref<!tpu.dma_semaphore, #tpu.memory_space<semaphore_mem>>) {add = true}
        %mul3A_139 = arith.constant 6 : i32
        %mul3A_140 = arith.muli %scan3A_100, %mul3A_139 : i32
        %add3A_141 = arith.constant 1 : i32
        %add3A_142 = arith.addi %mul3A_140, %add3A_141 : i32
        %dma_wait3A_143 = arith.constant 0 : i32
        %dma_wait3A_144 = arith.constant 0 : i32
        %dma_wait3A_145 = tpu.memref_slice %arg4[%dma_wait3A_143, %dma_wait3A_144] : memref<10000x16xf32, #tpu.memory_space<hbm>> -> memref<10000x16xf32, #tpu.memory_space<hbm>>
        tpu.wait_indirect_dma semaphore(%arg41 : memref<!tpu.dma_semaphore, #tpu.memory_space<semaphore_mem>>) src(%dma_wait3A_145 : memref<10000x16xf32, #tpu.memory_space<hbm>>) dst(%arg26 : memref<80x16xf32, #tpu.memory_space<vmem>>)
        %dma_wait3A_146 = arith.constant 0 : i32
        %dma_wait3A_147 = arith.constant 0 : i32
        %dma_wait3A_148 = tpu.memref_slice %arg5[%dma_wait3A_146, %dma_wait3A_147] : memref<10000x16xf32, #tpu.memory_space<hbm>> -> memref<10000x16xf32, #tpu.memory_space<hbm>>
        tpu.wait_indirect_dma semaphore(%arg41 : memref<!tpu.dma_semaphore, #tpu.memory_space<semaphore_mem>>) src(%dma_wait3A_148 : memref<10000x16xf32, #tpu.memory_space<hbm>>) dst(%arg29 : memref<80x16xf32, #tpu.memory_space<vmem>>)
        %dma_wait3A_149 = arith.constant 0 : i32
        %dma_wait3A_150 = arith.constant 0 : i32
        %dma_wait3A_151 = tpu.memref_slice %arg6[%dma_wait3A_149, %dma_wait3A_150] : memref<10000x128xf32, #tpu.memory_space<hbm>> -> memref<10000x128xf32, #tpu.memory_space<hbm>>
        tpu.wait_indirect_dma semaphore(%arg41 : memref<!tpu.dma_semaphore, #tpu.memory_space<semaphore_mem>>) src(%dma_wait3A_151 : memref<10000x128xf32, #tpu.memory_space<hbm>>) dst(%arg32 : memref<80x128xf32, #tpu.memory_space<vmem>>)
        %ge3A_152 = arith.constant 2 : i32
        %ge3A_153 = arith.cmpi sge, %add3A_142, %ge3A_152 : i32
        %convert_element_type3A_154 = arith.extui %ge3A_153 : i1 to i32
        %cond3A_155 = arith.constant 0 : i32
        %cond3A_156 = arith.cmpi ne, %convert_element_type3A_154, %cond3A_155 : i32
        scf.if %cond3A_156 {
          %dma_wait3A_339 = arith.constant 0 : i32
          %dma_wait3A_340 = arith.constant 0 : i32
          %dma_wait3A_341 = tpu.memref_slice %arg47[%dma_wait3A_339, %dma_wait3A_340] : memref<10016x16xf32, #tpu.memory_space<vmem_shared>> -> memref<10016x16xf32, #tpu.memory_space<vmem_shared>>
          tpu.wait_indirect_dma semaphore(%arg45 : memref<!tpu.dma_semaphore, #tpu.memory_space<semaphore_mem>>) src(%arg27 : memref<80x16xf32, #tpu.memory_space<vmem>>) dst(%dma_wait3A_341 : memref<10016x16xf32, #tpu.memory_space<vmem_shared>>)
          %dma_wait3A_342 = arith.constant 0 : i32
          %dma_wait3A_343 = arith.constant 0 : i32
          %dma_wait3A_344 = tpu.memref_slice %arg46[%dma_wait3A_342, %dma_wait3A_343] : memref<10016x128xf32, #tpu.memory_space<vmem_shared>> -> memref<10016x128xf32, #tpu.memory_space<vmem_shared>>
          tpu.wait_indirect_dma semaphore(%arg45 : memref<!tpu.dma_semaphore, #tpu.memory_space<semaphore_mem>>) src(%arg33 : memref<80x128xf32, #tpu.memory_space<vmem>>) dst(%dma_wait3A_344 : memref<10016x128xf32, #tpu.memory_space<vmem_shared>>)
        } else {
        }
        %lt3A_157 = arith.constant 101 : i32
        %lt3A_158 = arith.cmpi slt, %add3A_142, %lt3A_157 : i32
        %convert_element_type3A_159 = arith.extui %lt3A_158 : i1 to i32
        %cond3A_160 = arith.constant 0 : i32
        %cond3A_161 = arith.cmpi ne, %convert_element_type3A_159, %cond3A_160 : i32
        scf.if %cond3A_161 {
          %dma_wait3A_339 = arith.constant 0 : i32
          %dma_wait3A_340 = tpu.memref_slice %arg2[%select_n3A, %dma_wait3A_339] : memref<4032x80xi32, #tpu.memory_space<hbm>> -> memref<1x80xi32, #tpu.memory_space<hbm>>
          %dma_wait3A_341 = tpu.memref_squeeze %dma_wait3A_340 : memref<1x80xi32, #tpu.memory_space<hbm>> -> memref<80xi32, #tpu.memory_space<hbm>>
          %dma_wait3A_342 = arith.constant 0 : i32
          %dma_wait3A_343 = tpu.memref_slice %arg2[%select_n3A, %dma_wait3A_342] : memref<4032x80xi32, #tpu.memory_space<hbm>> -> memref<1x80xi32, #tpu.memory_space<hbm>>
          %dma_wait3A_344 = tpu.memref_squeeze %dma_wait3A_343 : memref<1x80xi32, #tpu.memory_space<hbm>> -> memref<80xi32, #tpu.memory_space<hbm>>
          tpu.wait_dma2 semaphore(%arg36 : memref<!tpu.dma_semaphore, #tpu.memory_space<semaphore_mem>>) src(%dma_wait3A_344 : memref<80xi32, #tpu.memory_space<hbm>>) dst(%arg15 : memref<80xi32, #tpu.memory_space<vmem>>)
          %dma_wait3A_345 = arith.constant 0 : i32
          %dma_wait3A_346 = tpu.memref_slice %arg3[%select_n3A, %dma_wait3A_345] : memref<4032x80xi32, #tpu.memory_space<hbm>> -> memref<1x80xi32, #tpu.memory_space<hbm>>
          %dma_wait3A_347 = tpu.memref_squeeze %dma_wait3A_346 : memref<1x80xi32, #tpu.memory_space<hbm>> -> memref<80xi32, #tpu.memory_space<hbm>>
          %dma_wait3A_348 = arith.constant 0 : i32
          %dma_wait3A_349 = tpu.memref_slice %arg3[%select_n3A, %dma_wait3A_348] : memref<4032x80xi32, #tpu.memory_space<hbm>> -> memref<1x80xi32, #tpu.memory_space<hbm>>
          %dma_wait3A_350 = tpu.memref_squeeze %dma_wait3A_349 : memref<1x80xi32, #tpu.memory_space<hbm>> -> memref<80xi32, #tpu.memory_space<hbm>>
          tpu.wait_dma2 semaphore(%arg36 : memref<!tpu.dma_semaphore, #tpu.memory_space<semaphore_mem>>) src(%dma_wait3A_350 : memref<80xi32, #tpu.memory_space<hbm>>) dst(%arg21 : memref<80xi32, #tpu.memory_space<vmem>>)
          %dma_start3A_351 = arith.constant 0 : i32
          %dma_start3A_352 = arith.constant 0 : i32
          %dma_start3A_353 = tpu.memref_slice %arg4[%dma_start3A_351, %dma_start3A_352] : memref<10000x16xf32, #tpu.memory_space<hbm>> -> memref<10000x16xf32, #tpu.memory_space<hbm>>
          tpu.enqueue_indirect_dma source(%dma_start3A_353 : memref<10000x16xf32, #tpu.memory_space<hbm>>) target(%arg27 : memref<80x16xf32, #tpu.memory_space<vmem>>) offsets(%arg15 : memref<80xi32, #tpu.memory_space<vmem>>) semaphore(%arg42 : memref<!tpu.dma_semaphore, #tpu.memory_space<semaphore_mem>>)
          %dma_start3A_354 = arith.constant 0 : i32
          %dma_start3A_355 = arith.constant 0 : i32
          %dma_start3A_356 = tpu.memref_slice %arg5[%dma_start3A_354, %dma_start3A_355] : memref<10000x16xf32, #tpu.memory_space<hbm>> -> memref<10000x16xf32, #tpu.memory_space<hbm>>
          tpu.enqueue_indirect_dma source(%dma_start3A_356 : memref<10000x16xf32, #tpu.memory_space<hbm>>) target(%arg30 : memref<80x16xf32, #tpu.memory_space<vmem>>) offsets(%arg21 : memref<80xi32, #tpu.memory_space<vmem>>) semaphore(%arg42 : memref<!tpu.dma_semaphore, #tpu.memory_space<semaphore_mem>>)
          %dma_start3A_357 = arith.constant 0 : i32
          %dma_start3A_358 = arith.constant 0 : i32
          %dma_start3A_359 = tpu.memref_slice %arg6[%dma_start3A_357, %dma_start3A_358] : memref<10000x128xf32, #tpu.memory_space<hbm>> -> memref<10000x128xf32, #tpu.memory_space<hbm>>
          tpu.enqueue_indirect_dma source(%dma_start3A_359 : memref<10000x128xf32, #tpu.memory_space<hbm>>) target(%arg33 : memref<80x128xf32, #tpu.memory_space<vmem>>) offsets(%arg15 : memref<80xi32, #tpu.memory_space<vmem>>) semaphore(%arg42 : memref<!tpu.dma_semaphore, #tpu.memory_space<semaphore_mem>>)
        } else {
        }
        %lt3A_162 = arith.constant 100 : i32
        %lt3A_163 = arith.cmpi slt, %add3A_142, %lt3A_162 : i32
        %convert_element_type3A_164 = arith.extui %lt3A_163 : i1 to i32
        %cond3A_165 = arith.constant 0 : i32
        %cond3A_166 = arith.cmpi ne, %convert_element_type3A_164, %cond3A_165 : i32
        scf.if %cond3A_166 {
          %add3A_339 = arith.constant 2 : i32
          %add3A_340 = arith.addi %add3A_142, %add3A_339 : i32
          %add3A_341 = arith.addi %select_n3A, %add3A_340 : i32
          %dma_start3A_342 = arith.constant 0 : i32
          %dma_start3A_343 = tpu.memref_slice %arg2[%add3A_341, %dma_start3A_342] : memref<4032x80xi32, #tpu.memory_space<hbm>> -> memref<1x80xi32, #tpu.memory_space<hbm>>
          %dma_start3A_344 = tpu.memref_squeeze %dma_start3A_343 : memref<1x80xi32, #tpu.memory_space<hbm>> -> memref<80xi32, #tpu.memory_space<hbm>>
          %dma_start3A_345 = arith.constant 0 : i32
          %dma_start3A_346 = tpu.memref_slice %arg2[%add3A_341, %dma_start3A_345] : memref<4032x80xi32, #tpu.memory_space<hbm>> -> memref<1x80xi32, #tpu.memory_space<hbm>>
          %dma_start3A_347 = tpu.memref_squeeze %dma_start3A_346 : memref<1x80xi32, #tpu.memory_space<hbm>> -> memref<80xi32, #tpu.memory_space<hbm>>
          tpu.enqueue_dma source(%dma_start3A_347 : memref<80xi32, #tpu.memory_space<hbm>>) target(%arg16 : memref<80xi32, #tpu.memory_space<vmem>>) target_semaphore(%arg37 : memref<!tpu.dma_semaphore, #tpu.memory_space<semaphore_mem>>)
          %add3A_348 = arith.addi %select_n3A, %add3A_340 : i32
          %dma_start3A_349 = arith.constant 0 : i32
          %dma_start3A_350 = tpu.memref_slice %arg3[%add3A_348, %dma_start3A_349] : memref<4032x80xi32, #tpu.memory_space<hbm>> -> memref<1x80xi32, #tpu.memory_space<hbm>>
          %dma_start3A_351 = tpu.memref_squeeze %dma_start3A_350 : memref<1x80xi32, #tpu.memory_space<hbm>> -> memref<80xi32, #tpu.memory_space<hbm>>
          %dma_start3A_352 = arith.constant 0 : i32
          %dma_start3A_353 = tpu.memref_slice %arg3[%add3A_348, %dma_start3A_352] : memref<4032x80xi32, #tpu.memory_space<hbm>> -> memref<1x80xi32, #tpu.memory_space<hbm>>
          %dma_start3A_354 = tpu.memref_squeeze %dma_start3A_353 : memref<1x80xi32, #tpu.memory_space<hbm>> -> memref<80xi32, #tpu.memory_space<hbm>>
          tpu.enqueue_dma source(%dma_start3A_354 : memref<80xi32, #tpu.memory_space<hbm>>) target(%arg22 : memref<80xi32, #tpu.memory_space<vmem>>) target_semaphore(%arg37 : memref<!tpu.dma_semaphore, #tpu.memory_space<semaphore_mem>>)
        } else {
        }
        %scan3A_167 = arith.constant 0 : i32
        %scan3A_168 = arith.constant 0 : i32
        %scan3A_169 = arith.constant 80 : i32
        %scan3A_170 = arith.addi %scan3A_168, %scan3A_169 : i32
        %scan3A_171 = arith.constant 1 : i32
        scf.for %scan3A_339 = %scan3A_168 to %scan3A_170 step %scan3A_171  : i32 {
          %get3A = arith.index_cast %scan3A_339 : i32 to index
          %get3A_340 = arith.constant 0 : index
          %get3A_341 = tpu.vector_load %arg26[%get3A, %get3A_340] {strides = array<i32>} : memref<80x16xf32, #tpu.memory_space<vmem>>, vector<1x16xf32>,
          %get3A_342 = vector.shape_cast %get3A_341 : vector<1x16xf32> to vector<16xf32>
          %get3A_343 = arith.index_cast %scan3A_339 : i32 to index
          %get3A_344 = arith.constant 0 : index
          %get3A_345 = tpu.vector_load %arg29[%get3A_343, %get3A_344] {strides = array<i32>} : memref<80x16xf32, #tpu.memory_space<vmem>>, vector<1x16xf32>,
          %get3A_346 = vector.shape_cast %get3A_345 : vector<1x16xf32> to vector<16xf32>
          %add3A_347 = arith.addf %get3A_342, %get3A_346 : vector<16xf32>
          %max3A = arith.constant 0.000000e+00 : f32
          %max3A_348 = vector.broadcast %max3A : f32 to vector<16xf32>
          %max3A_349 = arith.maximumf %add3A_347, %max3A_348 : vector<16xf32>
          %min3A = arith.constant 0.000000e+00 : f32
          %min3A_350 = vector.broadcast %min3A : f32 to vector<16xf32>
          %min3A_351 = arith.minimumf %add3A_347, %min3A_350 : vector<16xf32>
          %mul3A_352 = arith.constant 2.000000e-01 : f32
          %mul3A_353 = vector.broadcast %mul3A_352 : f32 to vector<16xf32>
          %mul3A_354 = arith.mulf %mul3A_353, %min3A_351 : vector<16xf32>
          %add3A_355 = arith.addf %max3A_349, %mul3A_354 : vector<16xf32>
          %exp3A = math.exp %add3A_355 : vector<16xf32>
          %swap3A = arith.index_cast %scan3A_339 : i32 to index
          %swap3A_356 = arith.constant 0 : index
          %swap3A_357 = tpu.vector_load %arg26[%swap3A, %swap3A_356] {strides = array<i32>} : memref<80x16xf32, #tpu.memory_space<vmem>>, vector<1x16xf32>,
          %swap3A_358 = vector.shape_cast %swap3A_357 : vector<1x16xf32> to vector<16xf32>
          %swap3A_359 = vector.shape_cast %exp3A : vector<16xf32> to vector<1x16xf32>
          tpu.vector_store %arg26[%swap3A, %swap3A_356], %swap3A_359 {strides = array<i32>} : memref<80x16xf32, #tpu.memory_space<vmem>>, vector<1x16xf32>,
          %get3A_360 = arith.index_cast %scan3A_339 : i32 to index
          %get3A_361 = arith.constant 0 : index
          %get3A_362 = tpu.vector_load %arg32[%get3A_360, %get3A_361] {strides = array<i32>} : memref<80x128xf32, #tpu.memory_space<vmem>>, vector<1x16xf32>,
          %get3A_363 = vector.shape_cast %get3A_362 : vector<1x16xf32> to vector<16xf32>
          %slice3A = vector.extract_strided_slice %exp3A {offsets = [0], sizes = [1], strides = [1]} : vector<16xf32> to vector<1xf32>
          %squeeze3A = vector.extract %slice3A[0] : f32 from vector<1xf32>
          %mul3A_364 = vector.broadcast %squeeze3A : f32 to vector<16xf32>
          %mul3A_365 = arith.mulf %get3A_363, %mul3A_364 : vector<16xf32>
          %swap3A_366 = arith.index_cast %scan3A_339 : i32 to index
          %swap3A_367 = arith.constant 0 : index
          %swap3A_368 = tpu.vector_load %arg32[%swap3A_366, %swap3A_367] {strides = array<i32>} : memref<80x128xf32, #tpu.memory_space<vmem>>, vector<1x16xf32>,
          %swap3A_369 = vector.shape_cast %swap3A_368 : vector<1x16xf32> to vector<16xf32>
          %swap3A_370 = vector.shape_cast %mul3A_365 : vector<16xf32> to vector<1x16xf32>
          tpu.vector_store %arg32[%swap3A_366, %swap3A_367], %swap3A_370 {strides = array<i32>} : memref<80x128xf32, #tpu.memory_space<vmem>>, vector<1x16xf32>,
          %get3A_371 = arith.index_cast %scan3A_339 : i32 to index
          %get3A_372 = arith.constant 16 : index
          %get3A_373 = tpu.vector_load %arg32[%get3A_371, %get3A_372] {strides = array<i32>} : memref<80x128xf32, #tpu.memory_space<vmem>>, vector<1x16xf32>,
          %get3A_374 = vector.shape_cast %get3A_373 : vector<1x16xf32> to vector<16xf32>
          %slice3A_375 = vector.extract_strided_slice %exp3A {offsets = [1], sizes = [1], strides = [1]} : vector<16xf32> to vector<1xf32>
          %squeeze3A_376 = vector.extract %slice3A_375[0] : f32 from vector<1xf32>
          %mul3A_377 = vector.broadcast %squeeze3A_376 : f32 to vector<16xf32>
          %mul3A_378 = arith.mulf %get3A_374, %mul3A_377 : vector<16xf32>
          %swap3A_379 = arith.index_cast %scan3A_339 : i32 to index
          %swap3A_380 = arith.constant 16 : index
          %swap3A_381 = tpu.vector_load %arg32[%swap3A_379, %swap3A_380] {strides = array<i32>} : memref<80x128xf32, #tpu.memory_space<vmem>>, vector<1x16xf32>,
          %swap3A_382 = vector.shape_cast %swap3A_381 : vector<1x16xf32> to vector<16xf32>
          %swap3A_383 = vector.shape_cast %mul3A_378 : vector<16xf32> to vector<1x16xf32>
          tpu.vector_store %arg32[%swap3A_379, %swap3A_380], %swap3A_383 {strides = array<i32>} : memref<80x128xf32, #tpu.memory_space<vmem>>, vector<1x16xf32>,
          %get3A_384 = arith.index_cast %scan3A_339 : i32 to index
          %get3A_385 = arith.constant 32 : index
          %get3A_386 = tpu.vector_load %arg32[%get3A_384, %get3A_385] {strides = array<i32>} : memref<80x128xf32, #tpu.memory_space<vmem>>, vector<1x16xf32>,
          %get3A_387 = vector.shape_cast %get3A_386 : vector<1x16xf32> to vector<16xf32>
          %slice3A_388 = vector.extract_strided_slice %exp3A {offsets = [2], sizes = [1], strides = [1]} : vector<16xf32> to vector<1xf32>
          %squeeze3A_389 = vector.extract %slice3A_388[0] : f32 from vector<1xf32>
          %mul3A_390 = vector.broadcast %squeeze3A_389 : f32 to vector<16xf32>
          %mul3A_391 = arith.mulf %get3A_387, %mul3A_390 : vector<16xf32>
          %swap3A_392 = arith.index_cast %scan3A_339 : i32 to index
          %swap3A_393 = arith.constant 32 : index
          %swap3A_394 = tpu.vector_load %arg32[%swap3A_392, %swap3A_393] {strides = array<i32>} : memref<80x128xf32, #tpu.memory_space<vmem>>, vector<1x16xf32>,
          %swap3A_395 = vector.shape_cast %swap3A_394 : vector<1x16xf32> to vector<16xf32>
          %swap3A_396 = vector.shape_cast %mul3A_391 : vector<16xf32> to vector<1x16xf32>
          tpu.vector_store %arg32[%swap3A_392, %swap3A_393], %swap3A_396 {strides = array<i32>} : memref<80x128xf32, #tpu.memory_space<vmem>>, vector<1x16xf32>,
          %get3A_397 = arith.index_cast %scan3A_339 : i32 to index
          %get3A_398 = arith.constant 48 : index
          %get3A_399 = tpu.vector_load %arg32[%get3A_397, %get3A_398] {strides = array<i32>} : memref<80x128xf32, #tpu.memory_space<vmem>>, vector<1x16xf32>,
          %get3A_400 = vector.shape_cast %get3A_399 : vector<1x16xf32> to vector<16xf32>
          %slice3A_401 = vector.extract_strided_slice %exp3A {offsets = [3], sizes = [1], strides = [1]} : vector<16xf32> to vector<1xf32>
          %squeeze3A_402 = vector.extract %slice3A_401[0] : f32 from vector<1xf32>
          %mul3A_403 = vector.broadcast %squeeze3A_402 : f32 to vector<16xf32>
          %mul3A_404 = arith.mulf %get3A_400, %mul3A_403 : vector<16xf32>
          %swap3A_405 = arith.index_cast %scan3A_339 : i32 to index
          %swap3A_406 = arith.constant 48 : index
          %swap3A_407 = tpu.vector_load %arg32[%swap3A_405, %swap3A_406] {strides = array<i32>} : memref<80x128xf32, #tpu.memory_space<vmem>>, vector<1x16xf32>,
          %swap3A_408 = vector.shape_cast %swap3A_407 : vector<1x16xf32> to vector<16xf32>
          %swap3A_409 = vector.shape_cast %mul3A_404 : vector<16xf32> to vector<1x16xf32>
          tpu.vector_store %arg32[%swap3A_405, %swap3A_406], %swap3A_409 {strides = array<i32>} : memref<80x128xf32, #tpu.memory_space<vmem>>, vector<1x16xf32>,
          %get3A_410 = arith.index_cast %scan3A_339 : i32 to index
          %get3A_411 = arith.constant 64 : index
          %get3A_412 = tpu.vector_load %arg32[%get3A_410, %get3A_411] {strides = array<i32>} : memref<80x128xf32, #tpu.memory_space<vmem>>, vector<1x16xf32>,
          %get3A_413 = vector.shape_cast %get3A_412 : vector<1x16xf32> to vector<16xf32>
          %slice3A_414 = vector.extract_strided_slice %exp3A {offsets = [4], sizes = [1], strides = [1]} : vector<16xf32> to vector<1xf32>
          %squeeze3A_415 = vector.extract %slice3A_414[0] : f32 from vector<1xf32>
          %mul3A_416 = vector.broadcast %squeeze3A_415 : f32 to vector<16xf32>
          %mul3A_417 = arith.mulf %get3A_413, %mul3A_416 : vector<16xf32>
          %swap3A_418 = arith.index_cast %scan3A_339 : i32 to index
          %swap3A_419 = arith.constant 64 : index
          %swap3A_420 = tpu.vector_load %arg32[%swap3A_418, %swap3A_419] {strides = array<i32>} : memref<80x128xf32, #tpu.memory_space<vmem>>, vector<1x16xf32>,
          %swap3A_421 = vector.shape_cast %swap3A_420 : vector<1x16xf32> to vector<16xf32>
          %swap3A_422 = vector.shape_cast %mul3A_417 : vector<16xf32> to vector<1x16xf32>
          tpu.vector_store %arg32[%swap3A_418, %swap3A_419], %swap3A_422 {strides = array<i32>} : memref<80x128xf32, #tpu.memory_space<vmem>>, vector<1x16xf32>,
          %get3A_423 = arith.index_cast %scan3A_339 : i32 to index
          %get3A_424 = arith.constant 80 : index
          %get3A_425 = tpu.vector_load %arg32[%get3A_423, %get3A_424] {strides = array<i32>} : memref<80x128xf32, #tpu.memory_space<vmem>>, vector<1x16xf32>,
          %get3A_426 = vector.shape_cast %get3A_425 : vector<1x16xf32> to vector<16xf32>
          %slice3A_427 = vector.extract_strided_slice %exp3A {offsets = [5], sizes = [1], strides = [1]} : vector<16xf32> to vector<1xf32>
          %squeeze3A_428 = vector.extract %slice3A_427[0] : f32 from vector<1xf32>
          %mul3A_429 = vector.broadcast %squeeze3A_428 : f32 to vector<16xf32>
          %mul3A_430 = arith.mulf %get3A_426, %mul3A_429 : vector<16xf32>
          %swap3A_431 = arith.index_cast %scan3A_339 : i32 to index
          %swap3A_432 = arith.constant 80 : index
          %swap3A_433 = tpu.vector_load %arg32[%swap3A_431, %swap3A_432] {strides = array<i32>} : memref<80x128xf32, #tpu.memory_space<vmem>>, vector<1x16xf32>,
          %swap3A_434 = vector.shape_cast %swap3A_433 : vector<1x16xf32> to vector<16xf32>
          %swap3A_435 = vector.shape_cast %mul3A_430 : vector<16xf32> to vector<1x16xf32>
          tpu.vector_store %arg32[%swap3A_431, %swap3A_432], %swap3A_435 {strides = array<i32>} : memref<80x128xf32, #tpu.memory_space<vmem>>, vector<1x16xf32>,
          %get3A_436 = arith.index_cast %scan3A_339 : i32 to index
          %get3A_437 = arith.constant 96 : index
          %get3A_438 = tpu.vector_load %arg32[%get3A_436, %get3A_437] {strides = array<i32>} : memref<80x128xf32, #tpu.memory_space<vmem>>, vector<1x16xf32>,
          %get3A_439 = vector.shape_cast %get3A_438 : vector<1x16xf32> to vector<16xf32>
          %slice3A_440 = vector.extract_strided_slice %exp3A {offsets = [6], sizes = [1], strides = [1]} : vector<16xf32> to vector<1xf32>
          %squeeze3A_441 = vector.extract %slice3A_440[0] : f32 from vector<1xf32>
          %mul3A_442 = vector.broadcast %squeeze3A_441 : f32 to vector<16xf32>
          %mul3A_443 = arith.mulf %get3A_439, %mul3A_442 : vector<16xf32>
          %swap3A_444 = arith.index_cast %scan3A_339 : i32 to index
          %swap3A_445 = arith.constant 96 : index
          %swap3A_446 = tpu.vector_load %arg32[%swap3A_444, %swap3A_445] {strides = array<i32>} : memref<80x128xf32, #tpu.memory_space<vmem>>, vector<1x16xf32>,
          %swap3A_447 = vector.shape_cast %swap3A_446 : vector<1x16xf32> to vector<16xf32>
          %swap3A_448 = vector.shape_cast %mul3A_443 : vector<16xf32> to vector<1x16xf32>
          tpu.vector_store %arg32[%swap3A_444, %swap3A_445], %swap3A_448 {strides = array<i32>} : memref<80x128xf32, #tpu.memory_space<vmem>>, vector<1x16xf32>,
          %get3A_449 = arith.index_cast %scan3A_339 : i32 to index
          %get3A_450 = arith.constant 112 : index
          %get3A_451 = tpu.vector_load %arg32[%get3A_449, %get3A_450] {strides = array<i32>} : memref<80x128xf32, #tpu.memory_space<vmem>>, vector<1x16xf32>,
          %get3A_452 = vector.shape_cast %get3A_451 : vector<1x16xf32> to vector<16xf32>
          %slice3A_453 = vector.extract_strided_slice %exp3A {offsets = [7], sizes = [1], strides = [1]} : vector<16xf32> to vector<1xf32>
          %squeeze3A_454 = vector.extract %slice3A_453[0] : f32 from vector<1xf32>
          %mul3A_455 = vector.broadcast %squeeze3A_454 : f32 to vector<16xf32>
          %mul3A_456 = arith.mulf %get3A_452, %mul3A_455 : vector<16xf32>
          %swap3A_457 = arith.index_cast %scan3A_339 : i32 to index
          %swap3A_458 = arith.constant 112 : index
          %swap3A_459 = tpu.vector_load %arg32[%swap3A_457, %swap3A_458] {strides = array<i32>} : memref<80x128xf32, #tpu.memory_space<vmem>>, vector<1x16xf32>,
          %swap3A_460 = vector.shape_cast %swap3A_459 : vector<1x16xf32> to vector<16xf32>
          %swap3A_461 = vector.shape_cast %mul3A_456 : vector<16xf32> to vector<1x16xf32>
          tpu.vector_store %arg32[%swap3A_457, %swap3A_458], %swap3A_461 {strides = array<i32>} : memref<80x128xf32, #tpu.memory_space<vmem>>, vector<1x16xf32>,
        }
        %scan3A_172 = arith.constant 80 : i32
        %dma_start3A_173 = arith.constant 0 : i32
        %dma_start3A_174 = arith.constant 0 : i32
        %dma_start3A_175 = tpu.memref_slice %arg47[%dma_start3A_173, %dma_start3A_174] : memref<10016x16xf32, #tpu.memory_space<vmem_shared>> -> memref<10016x16xf32, #tpu.memory_space<vmem_shared>>
        tpu.enqueue_indirect_dma source(%arg26 : memref<80x16xf32, #tpu.memory_space<vmem>>) target(%dma_start3A_175 : memref<10016x16xf32, #tpu.memory_space<vmem_shared>>) offsets(%arg20 : memref<80xi32, #tpu.memory_space<vmem>>) semaphore(%arg44 : memref<!tpu.dma_semaphore, #tpu.memory_space<semaphore_mem>>) {add = true}
        %dma_start3A_176 = arith.constant 0 : i32
        %dma_start3A_177 = arith.constant 0 : i32
        %dma_start3A_178 = tpu.memref_slice %arg46[%dma_start3A_176, %dma_start3A_177] : memref<10016x128xf32, #tpu.memory_space<vmem_shared>> -> memref<10016x128xf32, #tpu.memory_space<vmem_shared>>
        tpu.enqueue_indirect_dma source(%arg32 : memref<80x128xf32, #tpu.memory_space<vmem>>) target(%dma_start3A_178 : memref<10016x128xf32, #tpu.memory_space<vmem_shared>>) offsets(%arg20 : memref<80xi32, #tpu.memory_space<vmem>>) semaphore(%arg44 : memref<!tpu.dma_semaphore, #tpu.memory_space<semaphore_mem>>) {add = true}
        %mul3A_179 = arith.constant 6 : i32
        %mul3A_180 = arith.muli %scan3A_100, %mul3A_179 : i32
        %add3A_181 = arith.constant 2 : i32
        %add3A_182 = arith.addi %mul3A_180, %add3A_181 : i32
        %dma_wait3A_183 = arith.constant 0 : i32
        %dma_wait3A_184 = arith.constant 0 : i32
        %dma_wait3A_185 = tpu.memref_slice %arg4[%dma_wait3A_183, %dma_wait3A_184] : memref<10000x16xf32, #tpu.memory_space<hbm>> -> memref<10000x16xf32, #tpu.memory_space<hbm>>
        tpu.wait_indirect_dma semaphore(%arg42 : memref<!tpu.dma_semaphore, #tpu.memory_space<semaphore_mem>>) src(%dma_wait3A_185 : memref<10000x16xf32, #tpu.memory_space<hbm>>) dst(%arg27 : memref<80x16xf32, #tpu.memory_space<vmem>>)
        %dma_wait3A_186 = arith.constant 0 : i32
        %dma_wait3A_187 = arith.constant 0 : i32
        %dma_wait3A_188 = tpu.memref_slice %arg5[%dma_wait3A_186, %dma_wait3A_187] : memref<10000x16xf32, #tpu.memory_space<hbm>> -> memref<10000x16xf32, #tpu.memory_space<hbm>>
        tpu.wait_indirect_dma semaphore(%arg42 : memref<!tpu.dma_semaphore, #tpu.memory_space<semaphore_mem>>) src(%dma_wait3A_188 : memref<10000x16xf32, #tpu.memory_space<hbm>>) dst(%arg30 : memref<80x16xf32, #tpu.memory_space<vmem>>)
        %dma_wait3A_189 = arith.constant 0 : i32
        %dma_wait3A_190 = arith.constant 0 : i32
        %dma_wait3A_191 = tpu.memref_slice %arg6[%dma_wait3A_189, %dma_wait3A_190] : memref<10000x128xf32, #tpu.memory_space<hbm>> -> memref<10000x128xf32, #tpu.memory_space<hbm>>
        tpu.wait_indirect_dma semaphore(%arg42 : memref<!tpu.dma_semaphore, #tpu.memory_space<semaphore_mem>>) src(%dma_wait3A_191 : memref<10000x128xf32, #tpu.memory_space<hbm>>) dst(%arg33 : memref<80x128xf32, #tpu.memory_space<vmem>>)
        %ge3A_192 = arith.constant 2 : i32
        %ge3A_193 = arith.cmpi sge, %add3A_182, %ge3A_192 : i32
        %convert_element_type3A_194 = arith.extui %ge3A_193 : i1 to i32
        %cond3A_195 = arith.constant 0 : i32
        %cond3A_196 = arith.cmpi ne, %convert_element_type3A_194, %cond3A_195 : i32
        scf.if %cond3A_196 {
          %dma_wait3A_339 = arith.constant 0 : i32
          %dma_wait3A_340 = arith.constant 0 : i32
          %dma_wait3A_341 = tpu.memref_slice %arg47[%dma_wait3A_339, %dma_wait3A_340] : memref<10016x16xf32, #tpu.memory_space<vmem_shared>> -> memref<10016x16xf32, #tpu.memory_space<vmem_shared>>
          tpu.wait_indirect_dma semaphore(%arg43 : memref<!tpu.dma_semaphore, #tpu.memory_space<semaphore_mem>>) src(%arg25 : memref<80x16xf32, #tpu.memory_space<vmem>>) dst(%dma_wait3A_341 : memref<10016x16xf32, #tpu.memory_space<vmem_shared>>)
          %dma_wait3A_342 = arith.constant 0 : i32
          %dma_wait3A_343 = arith.constant 0 : i32
          %dma_wait3A_344 = tpu.memref_slice %arg46[%dma_wait3A_342, %dma_wait3A_343] : memref<10016x128xf32, #tpu.memory_space<vmem_shared>> -> memref<10016x128xf32, #tpu.memory_space<vmem_shared>>
          tpu.wait_indirect_dma semaphore(%arg43 : memref<!tpu.dma_semaphore, #tpu.memory_space<semaphore_mem>>) src(%arg31 : memref<80x128xf32, #tpu.memory_space<vmem>>) dst(%dma_wait3A_344 : memref<10016x128xf32, #tpu.memory_space<vmem_shared>>)
        } else {
        }
        %lt3A_197 = arith.constant 101 : i32
        %lt3A_198 = arith.cmpi slt, %add3A_182, %lt3A_197 : i32
        %convert_element_type3A_199 = arith.extui %lt3A_198 : i1 to i32
        %cond3A_200 = arith.constant 0 : i32
        %cond3A_201 = arith.cmpi ne, %convert_element_type3A_199, %cond3A_200 : i32
        scf.if %cond3A_201 {
          %dma_wait3A_339 = arith.constant 0 : i32
          %dma_wait3A_340 = tpu.memref_slice %arg2[%select_n3A, %dma_wait3A_339] : memref<4032x80xi32, #tpu.memory_space<hbm>> -> memref<1x80xi32, #tpu.memory_space<hbm>>
          %dma_wait3A_341 = tpu.memref_squeeze %dma_wait3A_340 : memref<1x80xi32, #tpu.memory_space<hbm>> -> memref<80xi32, #tpu.memory_space<hbm>>
          %dma_wait3A_342 = arith.constant 0 : i32
          %dma_wait3A_343 = tpu.memref_slice %arg2[%select_n3A, %dma_wait3A_342] : memref<4032x80xi32, #tpu.memory_space<hbm>> -> memref<1x80xi32, #tpu.memory_space<hbm>>
          %dma_wait3A_344 = tpu.memref_squeeze %dma_wait3A_343 : memref<1x80xi32, #tpu.memory_space<hbm>> -> memref<80xi32, #tpu.memory_space<hbm>>
          tpu.wait_dma2 semaphore(%arg37 : memref<!tpu.dma_semaphore, #tpu.memory_space<semaphore_mem>>) src(%dma_wait3A_344 : memref<80xi32, #tpu.memory_space<hbm>>) dst(%arg16 : memref<80xi32, #tpu.memory_space<vmem>>)
          %dma_wait3A_345 = arith.constant 0 : i32
          %dma_wait3A_346 = tpu.memref_slice %arg3[%select_n3A, %dma_wait3A_345] : memref<4032x80xi32, #tpu.memory_space<hbm>> -> memref<1x80xi32, #tpu.memory_space<hbm>>
          %dma_wait3A_347 = tpu.memref_squeeze %dma_wait3A_346 : memref<1x80xi32, #tpu.memory_space<hbm>> -> memref<80xi32, #tpu.memory_space<hbm>>
          %dma_wait3A_348 = arith.constant 0 : i32
          %dma_wait3A_349 = tpu.memref_slice %arg3[%select_n3A, %dma_wait3A_348] : memref<4032x80xi32, #tpu.memory_space<hbm>> -> memref<1x80xi32, #tpu.memory_space<hbm>>
          %dma_wait3A_350 = tpu.memref_squeeze %dma_wait3A_349 : memref<1x80xi32, #tpu.memory_space<hbm>> -> memref<80xi32, #tpu.memory_space<hbm>>
          tpu.wait_dma2 semaphore(%arg37 : memref<!tpu.dma_semaphore, #tpu.memory_space<semaphore_mem>>) src(%dma_wait3A_350 : memref<80xi32, #tpu.memory_space<hbm>>) dst(%arg22 : memref<80xi32, #tpu.memory_space<vmem>>)
          %dma_start3A_351 = arith.constant 0 : i32
          %dma_start3A_352 = arith.constant 0 : i32
          %dma_start3A_353 = tpu.memref_slice %arg4[%dma_start3A_351, %dma_start3A_352] : memref<10000x16xf32, #tpu.memory_space<hbm>> -> memref<10000x16xf32, #tpu.memory_space<hbm>>
          tpu.enqueue_indirect_dma source(%dma_start3A_353 : memref<10000x16xf32, #tpu.memory_space<hbm>>) target(%arg25 : memref<80x16xf32, #tpu.memory_space<vmem>>) offsets(%arg16 : memref<80xi32, #tpu.memory_space<vmem>>) semaphore(%arg40 : memref<!tpu.dma_semaphore, #tpu.memory_space<semaphore_mem>>)
          %dma_start3A_354 = arith.constant 0 : i32
          %dma_start3A_355 = arith.constant 0 : i32
          %dma_start3A_356 = tpu.memref_slice %arg5[%dma_start3A_354, %dma_start3A_355] : memref<10000x16xf32, #tpu.memory_space<hbm>> -> memref<10000x16xf32, #tpu.memory_space<hbm>>
          tpu.enqueue_indirect_dma source(%dma_start3A_356 : memref<10000x16xf32, #tpu.memory_space<hbm>>) target(%arg28 : memref<80x16xf32, #tpu.memory_space<vmem>>) offsets(%arg22 : memref<80xi32, #tpu.memory_space<vmem>>) semaphore(%arg40 : memref<!tpu.dma_semaphore, #tpu.memory_space<semaphore_mem>>)
          %dma_start3A_357 = arith.constant 0 : i32
          %dma_start3A_358 = arith.constant 0 : i32
          %dma_start3A_359 = tpu.memref_slice %arg6[%dma_start3A_357, %dma_start3A_358] : memref<10000x128xf32, #tpu.memory_space<hbm>> -> memref<10000x128xf32, #tpu.memory_space<hbm>>
          tpu.enqueue_indirect_dma source(%dma_start3A_359 : memref<10000x128xf32, #tpu.memory_space<hbm>>) target(%arg31 : memref<80x128xf32, #tpu.memory_space<vmem>>) offsets(%arg16 : memref<80xi32, #tpu.memory_space<vmem>>) semaphore(%arg40 : memref<!tpu.dma_semaphore, #tpu.memory_space<semaphore_mem>>)
        } else {
        }
        %lt3A_202 = arith.constant 100 : i32
        %lt3A_203 = arith.cmpi slt, %add3A_182, %lt3A_202 : i32
        %convert_element_type3A_204 = arith.extui %lt3A_203 : i1 to i32
        %cond3A_205 = arith.constant 0 : i32
        %cond3A_206 = arith.cmpi ne, %convert_element_type3A_204, %cond3A_205 : i32
        scf.if %cond3A_206 {
          %add3A_339 = arith.constant 2 : i32
          %add3A_340 = arith.addi %add3A_182, %add3A_339 : i32
          %add3A_341 = arith.addi %select_n3A, %add3A_340 : i32
          %dma_start3A_342 = arith.constant 0 : i32
          %dma_start3A_343 = tpu.memref_slice %arg2[%add3A_341, %dma_start3A_342] : memref<4032x80xi32, #tpu.memory_space<hbm>> -> memref<1x80xi32, #tpu.memory_space<hbm>>
          %dma_start3A_344 = tpu.memref_squeeze %dma_start3A_343 : memref<1x80xi32, #tpu.memory_space<hbm>> -> memref<80xi32, #tpu.memory_space<hbm>>
          %dma_start3A_345 = arith.constant 0 : i32
          %dma_start3A_346 = tpu.memref_slice %arg2[%add3A_341, %dma_start3A_345] : memref<4032x80xi32, #tpu.memory_space<hbm>> -> memref<1x80xi32, #tpu.memory_space<hbm>>
          %dma_start3A_347 = tpu.memref_squeeze %dma_start3A_346 : memref<1x80xi32, #tpu.memory_space<hbm>> -> memref<80xi32, #tpu.memory_space<hbm>>
          tpu.enqueue_dma source(%dma_start3A_347 : memref<80xi32, #tpu.memory_space<hbm>>) target(%arg17 : memref<80xi32, #tpu.memory_space<vmem>>) target_semaphore(%arg38 : memref<!tpu.dma_semaphore, #tpu.memory_space<semaphore_mem>>)
          %add3A_348 = arith.addi %select_n3A, %add3A_340 : i32
          %dma_start3A_349 = arith.constant 0 : i32
          %dma_start3A_350 = tpu.memref_slice %arg3[%add3A_348, %dma_start3A_349] : memref<4032x80xi32, #tpu.memory_space<hbm>> -> memref<1x80xi32, #tpu.memory_space<hbm>>
          %dma_start3A_351 = tpu.memref_squeeze %dma_start3A_350 : memref<1x80xi32, #tpu.memory_space<hbm>> -> memref<80xi32, #tpu.memory_space<hbm>>
          %dma_start3A_352 = arith.constant 0 : i32
          %dma_start3A_353 = tpu.memref_slice %arg3[%add3A_348, %dma_start3A_352] : memref<4032x80xi32, #tpu.memory_space<hbm>> -> memref<1x80xi32, #tpu.memory_space<hbm>>
          %dma_start3A_354 = tpu.memref_squeeze %dma_start3A_353 : memref<1x80xi32, #tpu.memory_space<hbm>> -> memref<80xi32, #tpu.memory_space<hbm>>
          tpu.enqueue_dma source(%dma_start3A_354 : memref<80xi32, #tpu.memory_space<hbm>>) target(%arg23 : memref<80xi32, #tpu.memory_space<vmem>>) target_semaphore(%arg38 : memref<!tpu.dma_semaphore, #tpu.memory_space<semaphore_mem>>)
        } else {
        }
        %scan3A_207 = arith.constant 0 : i32
        %scan3A_208 = arith.constant 0 : i32
        %scan3A_209 = arith.constant 80 : i32
        %scan3A_210 = arith.addi %scan3A_208, %scan3A_209 : i32
        %scan3A_211 = arith.constant 1 : i32
        scf.for %scan3A_339 = %scan3A_208 to %scan3A_210 step %scan3A_211  : i32 {
          %get3A = arith.index_cast %scan3A_339 : i32 to index
          %get3A_340 = arith.constant 0 : index
          %get3A_341 = tpu.vector_load %arg27[%get3A, %get3A_340] {strides = array<i32>} : memref<80x16xf32, #tpu.memory_space<vmem>>, vector<1x16xf32>,
          %get3A_342 = vector.shape_cast %get3A_341 : vector<1x16xf32> to vector<16xf32>
          %get3A_343 = arith.index_cast %scan3A_339 : i32 to index
          %get3A_344 = arith.constant 0 : index
          %get3A_345 = tpu.vector_load %arg30[%get3A_343, %get3A_344] {strides = array<i32>} : memref<80x16xf32, #tpu.memory_space<vmem>>, vector<1x16xf32>,
          %get3A_346 = vector.shape_cast %get3A_345 : vector<1x16xf32> to vector<16xf32>
          %add3A_347 = arith.addf %get3A_342, %get3A_346 : vector<16xf32>
          %max3A = arith.constant 0.000000e+00 : f32
          %max3A_348 = vector.broadcast %max3A : f32 to vector<16xf32>
          %max3A_349 = arith.maximumf %add3A_347, %max3A_348 : vector<16xf32>
          %min3A = arith.constant 0.000000e+00 : f32
          %min3A_350 = vector.broadcast %min3A : f32 to vector<16xf32>
          %min3A_351 = arith.minimumf %add3A_347, %min3A_350 : vector<16xf32>
          %mul3A_352 = arith.constant 2.000000e-01 : f32
          %mul3A_353 = vector.broadcast %mul3A_352 : f32 to vector<16xf32>
          %mul3A_354 = arith.mulf %mul3A_353, %min3A_351 : vector<16xf32>
          %add3A_355 = arith.addf %max3A_349, %mul3A_354 : vector<16xf32>
          %exp3A = math.exp %add3A_355 : vector<16xf32>
          %swap3A = arith.index_cast %scan3A_339 : i32 to index
          %swap3A_356 = arith.constant 0 : index
          %swap3A_357 = tpu.vector_load %arg27[%swap3A, %swap3A_356] {strides = array<i32>} : memref<80x16xf32, #tpu.memory_space<vmem>>, vector<1x16xf32>,
          %swap3A_358 = vector.shape_cast %swap3A_357 : vector<1x16xf32> to vector<16xf32>
          %swap3A_359 = vector.shape_cast %exp3A : vector<16xf32> to vector<1x16xf32>
          tpu.vector_store %arg27[%swap3A, %swap3A_356], %swap3A_359 {strides = array<i32>} : memref<80x16xf32, #tpu.memory_space<vmem>>, vector<1x16xf32>,
          %get3A_360 = arith.index_cast %scan3A_339 : i32 to index
          %get3A_361 = arith.constant 0 : index
          %get3A_362 = tpu.vector_load %arg33[%get3A_360, %get3A_361] {strides = array<i32>} : memref<80x128xf32, #tpu.memory_space<vmem>>, vector<1x16xf32>,
          %get3A_363 = vector.shape_cast %get3A_362 : vector<1x16xf32> to vector<16xf32>
          %slice3A = vector.extract_strided_slice %exp3A {offsets = [0], sizes = [1], strides = [1]} : vector<16xf32> to vector<1xf32>
          %squeeze3A = vector.extract %slice3A[0] : f32 from vector<1xf32>
          %mul3A_364 = vector.broadcast %squeeze3A : f32 to vector<16xf32>
          %mul3A_365 = arith.mulf %get3A_363, %mul3A_364 : vector<16xf32>
          %swap3A_366 = arith.index_cast %scan3A_339 : i32 to index
          %swap3A_367 = arith.constant 0 : index
          %swap3A_368 = tpu.vector_load %arg33[%swap3A_366, %swap3A_367] {strides = array<i32>} : memref<80x128xf32, #tpu.memory_space<vmem>>, vector<1x16xf32>,
          %swap3A_369 = vector.shape_cast %swap3A_368 : vector<1x16xf32> to vector<16xf32>
          %swap3A_370 = vector.shape_cast %mul3A_365 : vector<16xf32> to vector<1x16xf32>
          tpu.vector_store %arg33[%swap3A_366, %swap3A_367], %swap3A_370 {strides = array<i32>} : memref<80x128xf32, #tpu.memory_space<vmem>>, vector<1x16xf32>,
          %get3A_371 = arith.index_cast %scan3A_339 : i32 to index
          %get3A_372 = arith.constant 16 : index
          %get3A_373 = tpu.vector_load %arg33[%get3A_371, %get3A_372] {strides = array<i32>} : memref<80x128xf32, #tpu.memory_space<vmem>>, vector<1x16xf32>,
          %get3A_374 = vector.shape_cast %get3A_373 : vector<1x16xf32> to vector<16xf32>
          %slice3A_375 = vector.extract_strided_slice %exp3A {offsets = [1], sizes = [1], strides = [1]} : vector<16xf32> to vector<1xf32>
          %squeeze3A_376 = vector.extract %slice3A_375[0] : f32 from vector<1xf32>
          %mul3A_377 = vector.broadcast %squeeze3A_376 : f32 to vector<16xf32>
          %mul3A_378 = arith.mulf %get3A_374, %mul3A_377 : vector<16xf32>
          %swap3A_379 = arith.index_cast %scan3A_339 : i32 to index
          %swap3A_380 = arith.constant 16 : index
          %swap3A_381 = tpu.vector_load %arg33[%swap3A_379, %swap3A_380] {strides = array<i32>} : memref<80x128xf32, #tpu.memory_space<vmem>>, vector<1x16xf32>,
          %swap3A_382 = vector.shape_cast %swap3A_381 : vector<1x16xf32> to vector<16xf32>
          %swap3A_383 = vector.shape_cast %mul3A_378 : vector<16xf32> to vector<1x16xf32>
          tpu.vector_store %arg33[%swap3A_379, %swap3A_380], %swap3A_383 {strides = array<i32>} : memref<80x128xf32, #tpu.memory_space<vmem>>, vector<1x16xf32>,
          %get3A_384 = arith.index_cast %scan3A_339 : i32 to index
          %get3A_385 = arith.constant 32 : index
          %get3A_386 = tpu.vector_load %arg33[%get3A_384, %get3A_385] {strides = array<i32>} : memref<80x128xf32, #tpu.memory_space<vmem>>, vector<1x16xf32>,
          %get3A_387 = vector.shape_cast %get3A_386 : vector<1x16xf32> to vector<16xf32>
          %slice3A_388 = vector.extract_strided_slice %exp3A {offsets = [2], sizes = [1], strides = [1]} : vector<16xf32> to vector<1xf32>
          %squeeze3A_389 = vector.extract %slice3A_388[0] : f32 from vector<1xf32>
          %mul3A_390 = vector.broadcast %squeeze3A_389 : f32 to vector<16xf32>
          %mul3A_391 = arith.mulf %get3A_387, %mul3A_390 : vector<16xf32>
          %swap3A_392 = arith.index_cast %scan3A_339 : i32 to index
          %swap3A_393 = arith.constant 32 : index
          %swap3A_394 = tpu.vector_load %arg33[%swap3A_392, %swap3A_393] {strides = array<i32>} : memref<80x128xf32, #tpu.memory_space<vmem>>, vector<1x16xf32>,
          %swap3A_395 = vector.shape_cast %swap3A_394 : vector<1x16xf32> to vector<16xf32>
          %swap3A_396 = vector.shape_cast %mul3A_391 : vector<16xf32> to vector<1x16xf32>
          tpu.vector_store %arg33[%swap3A_392, %swap3A_393], %swap3A_396 {strides = array<i32>} : memref<80x128xf32, #tpu.memory_space<vmem>>, vector<1x16xf32>,
          %get3A_397 = arith.index_cast %scan3A_339 : i32 to index
          %get3A_398 = arith.constant 48 : index
          %get3A_399 = tpu.vector_load %arg33[%get3A_397, %get3A_398] {strides = array<i32>} : memref<80x128xf32, #tpu.memory_space<vmem>>, vector<1x16xf32>,
          %get3A_400 = vector.shape_cast %get3A_399 : vector<1x16xf32> to vector<16xf32>
          %slice3A_401 = vector.extract_strided_slice %exp3A {offsets = [3], sizes = [1], strides = [1]} : vector<16xf32> to vector<1xf32>
          %squeeze3A_402 = vector.extract %slice3A_401[0] : f32 from vector<1xf32>
          %mul3A_403 = vector.broadcast %squeeze3A_402 : f32 to vector<16xf32>
          %mul3A_404 = arith.mulf %get3A_400, %mul3A_403 : vector<16xf32>
          %swap3A_405 = arith.index_cast %scan3A_339 : i32 to index
          %swap3A_406 = arith.constant 48 : index
          %swap3A_407 = tpu.vector_load %arg33[%swap3A_405, %swap3A_406] {strides = array<i32>} : memref<80x128xf32, #tpu.memory_space<vmem>>, vector<1x16xf32>,
          %swap3A_408 = vector.shape_cast %swap3A_407 : vector<1x16xf32> to vector<16xf32>
          %swap3A_409 = vector.shape_cast %mul3A_404 : vector<16xf32> to vector<1x16xf32>
          tpu.vector_store %arg33[%swap3A_405, %swap3A_406], %swap3A_409 {strides = array<i32>} : memref<80x128xf32, #tpu.memory_space<vmem>>, vector<1x16xf32>,
          %get3A_410 = arith.index_cast %scan3A_339 : i32 to index
          %get3A_411 = arith.constant 64 : index
          %get3A_412 = tpu.vector_load %arg33[%get3A_410, %get3A_411] {strides = array<i32>} : memref<80x128xf32, #tpu.memory_space<vmem>>, vector<1x16xf32>,
          %get3A_413 = vector.shape_cast %get3A_412 : vector<1x16xf32> to vector<16xf32>
          %slice3A_414 = vector.extract_strided_slice %exp3A {offsets = [4], sizes = [1], strides = [1]} : vector<16xf32> to vector<1xf32>
          %squeeze3A_415 = vector.extract %slice3A_414[0] : f32 from vector<1xf32>
          %mul3A_416 = vector.broadcast %squeeze3A_415 : f32 to vector<16xf32>
          %mul3A_417 = arith.mulf %get3A_413, %mul3A_416 : vector<16xf32>
          %swap3A_418 = arith.index_cast %scan3A_339 : i32 to index
          %swap3A_419 = arith.constant 64 : index
          %swap3A_420 = tpu.vector_load %arg33[%swap3A_418, %swap3A_419] {strides = array<i32>} : memref<80x128xf32, #tpu.memory_space<vmem>>, vector<1x16xf32>,
          %swap3A_421 = vector.shape_cast %swap3A_420 : vector<1x16xf32> to vector<16xf32>
          %swap3A_422 = vector.shape_cast %mul3A_417 : vector<16xf32> to vector<1x16xf32>
          tpu.vector_store %arg33[%swap3A_418, %swap3A_419], %swap3A_422 {strides = array<i32>} : memref<80x128xf32, #tpu.memory_space<vmem>>, vector<1x16xf32>,
          %get3A_423 = arith.index_cast %scan3A_339 : i32 to index
          %get3A_424 = arith.constant 80 : index
          %get3A_425 = tpu.vector_load %arg33[%get3A_423, %get3A_424] {strides = array<i32>} : memref<80x128xf32, #tpu.memory_space<vmem>>, vector<1x16xf32>,
          %get3A_426 = vector.shape_cast %get3A_425 : vector<1x16xf32> to vector<16xf32>
          %slice3A_427 = vector.extract_strided_slice %exp3A {offsets = [5], sizes = [1], strides = [1]} : vector<16xf32> to vector<1xf32>
          %squeeze3A_428 = vector.extract %slice3A_427[0] : f32 from vector<1xf32>
          %mul3A_429 = vector.broadcast %squeeze3A_428 : f32 to vector<16xf32>
          %mul3A_430 = arith.mulf %get3A_426, %mul3A_429 : vector<16xf32>
          %swap3A_431 = arith.index_cast %scan3A_339 : i32 to index
          %swap3A_432 = arith.constant 80 : index
          %swap3A_433 = tpu.vector_load %arg33[%swap3A_431, %swap3A_432] {strides = array<i32>} : memref<80x128xf32, #tpu.memory_space<vmem>>, vector<1x16xf32>,
          %swap3A_434 = vector.shape_cast %swap3A_433 : vector<1x16xf32> to vector<16xf32>
          %swap3A_435 = vector.shape_cast %mul3A_430 : vector<16xf32> to vector<1x16xf32>
          tpu.vector_store %arg33[%swap3A_431, %swap3A_432], %swap3A_435 {strides = array<i32>} : memref<80x128xf32, #tpu.memory_space<vmem>>, vector<1x16xf32>,
          %get3A_436 = arith.index_cast %scan3A_339 : i32 to index
          %get3A_437 = arith.constant 96 : index
          %get3A_438 = tpu.vector_load %arg33[%get3A_436, %get3A_437] {strides = array<i32>} : memref<80x128xf32, #tpu.memory_space<vmem>>, vector<1x16xf32>,
          %get3A_439 = vector.shape_cast %get3A_438 : vector<1x16xf32> to vector<16xf32>
          %slice3A_440 = vector.extract_strided_slice %exp3A {offsets = [6], sizes = [1], strides = [1]} : vector<16xf32> to vector<1xf32>
          %squeeze3A_441 = vector.extract %slice3A_440[0] : f32 from vector<1xf32>
          %mul3A_442 = vector.broadcast %squeeze3A_441 : f32 to vector<16xf32>
          %mul3A_443 = arith.mulf %get3A_439, %mul3A_442 : vector<16xf32>
          %swap3A_444 = arith.index_cast %scan3A_339 : i32 to index
          %swap3A_445 = arith.constant 96 : index
          %swap3A_446 = tpu.vector_load %arg33[%swap3A_444, %swap3A_445] {strides = array<i32>} : memref<80x128xf32, #tpu.memory_space<vmem>>, vector<1x16xf32>,
          %swap3A_447 = vector.shape_cast %swap3A_446 : vector<1x16xf32> to vector<16xf32>
          %swap3A_448 = vector.shape_cast %mul3A_443 : vector<16xf32> to vector<1x16xf32>
          tpu.vector_store %arg33[%swap3A_444, %swap3A_445], %swap3A_448 {strides = array<i32>} : memref<80x128xf32, #tpu.memory_space<vmem>>, vector<1x16xf32>,
          %get3A_449 = arith.index_cast %scan3A_339 : i32 to index
          %get3A_450 = arith.constant 112 : index
          %get3A_451 = tpu.vector_load %arg33[%get3A_449, %get3A_450] {strides = array<i32>} : memref<80x128xf32, #tpu.memory_space<vmem>>, vector<1x16xf32>,
          %get3A_452 = vector.shape_cast %get3A_451 : vector<1x16xf32> to vector<16xf32>
          %slice3A_453 = vector.extract_strided_slice %exp3A {offsets = [7], sizes = [1], strides = [1]} : vector<16xf32> to vector<1xf32>
          %squeeze3A_454 = vector.extract %slice3A_453[0] : f32 from vector<1xf32>
          %mul3A_455 = vector.broadcast %squeeze3A_454 : f32 to vector<16xf32>
          %mul3A_456 = arith.mulf %get3A_452, %mul3A_455 : vector<16xf32>
          %swap3A_457 = arith.index_cast %scan3A_339 : i32 to index
          %swap3A_458 = arith.constant 112 : index
          %swap3A_459 = tpu.vector_load %arg33[%swap3A_457, %swap3A_458] {strides = array<i32>} : memref<80x128xf32, #tpu.memory_space<vmem>>, vector<1x16xf32>,
          %swap3A_460 = vector.shape_cast %swap3A_459 : vector<1x16xf32> to vector<16xf32>
          %swap3A_461 = vector.shape_cast %mul3A_456 : vector<16xf32> to vector<1x16xf32>
          tpu.vector_store %arg33[%swap3A_457, %swap3A_458], %swap3A_461 {strides = array<i32>} : memref<80x128xf32, #tpu.memory_space<vmem>>, vector<1x16xf32>,
        }
        %scan3A_212 = arith.constant 80 : i32
        %dma_start3A_213 = arith.constant 0 : i32
        %dma_start3A_214 = arith.constant 0 : i32
        %dma_start3A_215 = tpu.memref_slice %arg47[%dma_start3A_213, %dma_start3A_214] : memref<10016x16xf32, #tpu.memory_space<vmem_shared>> -> memref<10016x16xf32, #tpu.memory_space<vmem_shared>>
        tpu.enqueue_indirect_dma source(%arg27 : memref<80x16xf32, #tpu.memory_space<vmem>>) target(%dma_start3A_215 : memref<10016x16xf32, #tpu.memory_space<vmem_shared>>) offsets(%arg21 : memref<80xi32, #tpu.memory_space<vmem>>) semaphore(%arg45 : memref<!tpu.dma_semaphore, #tpu.memory_space<semaphore_mem>>) {add = true}
        %dma_start3A_216 = arith.constant 0 : i32
        %dma_start3A_217 = arith.constant 0 : i32
        %dma_start3A_218 = tpu.memref_slice %arg46[%dma_start3A_216, %dma_start3A_217] : memref<10016x128xf32, #tpu.memory_space<vmem_shared>> -> memref<10016x128xf32, #tpu.memory_space<vmem_shared>>
        tpu.enqueue_indirect_dma source(%arg33 : memref<80x128xf32, #tpu.memory_space<vmem>>) target(%dma_start3A_218 : memref<10016x128xf32, #tpu.memory_space<vmem_shared>>) offsets(%arg21 : memref<80xi32, #tpu.memory_space<vmem>>) semaphore(%arg45 : memref<!tpu.dma_semaphore, #tpu.memory_space<semaphore_mem>>) {add = true}
        %mul3A_219 = arith.constant 6 : i32
        %mul3A_220 = arith.muli %scan3A_100, %mul3A_219 : i32
        %add3A_221 = arith.constant 3 : i32
        %add3A_222 = arith.addi %mul3A_220, %add3A_221 : i32
        %dma_wait3A_223 = arith.constant 0 : i32
        %dma_wait3A_224 = arith.constant 0 : i32
        %dma_wait3A_225 = tpu.memref_slice %arg4[%dma_wait3A_223, %dma_wait3A_224] : memref<10000x16xf32, #tpu.memory_space<hbm>> -> memref<10000x16xf32, #tpu.memory_space<hbm>>
        tpu.wait_indirect_dma semaphore(%arg40 : memref<!tpu.dma_semaphore, #tpu.memory_space<semaphore_mem>>) src(%dma_wait3A_225 : memref<10000x16xf32, #tpu.memory_space<hbm>>) dst(%arg25 : memref<80x16xf32, #tpu.memory_space<vmem>>)
        %dma_wait3A_226 = arith.constant 0 : i32
        %dma_wait3A_227 = arith.constant 0 : i32
        %dma_wait3A_228 = tpu.memref_slice %arg5[%dma_wait3A_226, %dma_wait3A_227] : memref<10000x16xf32, #tpu.memory_space<hbm>> -> memref<10000x16xf32, #tpu.memory_space<hbm>>
        tpu.wait_indirect_dma semaphore(%arg40 : memref<!tpu.dma_semaphore, #tpu.memory_space<semaphore_mem>>) src(%dma_wait3A_228 : memref<10000x16xf32, #tpu.memory_space<hbm>>) dst(%arg28 : memref<80x16xf32, #tpu.memory_space<vmem>>)
        %dma_wait3A_229 = arith.constant 0 : i32
        %dma_wait3A_230 = arith.constant 0 : i32
        %dma_wait3A_231 = tpu.memref_slice %arg6[%dma_wait3A_229, %dma_wait3A_230] : memref<10000x128xf32, #tpu.memory_space<hbm>> -> memref<10000x128xf32, #tpu.memory_space<hbm>>
        tpu.wait_indirect_dma semaphore(%arg40 : memref<!tpu.dma_semaphore, #tpu.memory_space<semaphore_mem>>) src(%dma_wait3A_231 : memref<10000x128xf32, #tpu.memory_space<hbm>>) dst(%arg31 : memref<80x128xf32, #tpu.memory_space<vmem>>)
        %ge3A_232 = arith.constant 2 : i32
        %ge3A_233 = arith.cmpi sge, %add3A_222, %ge3A_232 : i32
        %convert_element_type3A_234 = arith.extui %ge3A_233 : i1 to i32
        %cond3A_235 = arith.constant 0 : i32
        %cond3A_236 = arith.cmpi ne, %convert_element_type3A_234, %cond3A_235 : i32
        scf.if %cond3A_236 {
          %dma_wait3A_339 = arith.constant 0 : i32
          %dma_wait3A_340 = arith.constant 0 : i32
          %dma_wait3A_341 = tpu.memref_slice %arg47[%dma_wait3A_339, %dma_wait3A_340] : memref<10016x16xf32, #tpu.memory_space<vmem_shared>> -> memref<10016x16xf32, #tpu.memory_space<vmem_shared>>
          tpu.wait_indirect_dma semaphore(%arg44 : memref<!tpu.dma_semaphore, #tpu.memory_space<semaphore_mem>>) src(%arg26 : memref<80x16xf32, #tpu.memory_space<vmem>>) dst(%dma_wait3A_341 : memref<10016x16xf32, #tpu.memory_space<vmem_shared>>)
          %dma_wait3A_342 = arith.constant 0 : i32
          %dma_wait3A_343 = arith.constant 0 : i32
          %dma_wait3A_344 = tpu.memref_slice %arg46[%dma_wait3A_342, %dma_wait3A_343] : memref<10016x128xf32, #tpu.memory_space<vmem_shared>> -> memref<10016x128xf32, #tpu.memory_space<vmem_shared>>
          tpu.wait_indirect_dma semaphore(%arg44 : memref<!tpu.dma_semaphore, #tpu.memory_space<semaphore_mem>>) src(%arg32 : memref<80x128xf32, #tpu.memory_space<vmem>>) dst(%dma_wait3A_344 : memref<10016x128xf32, #tpu.memory_space<vmem_shared>>)
        } else {
        }
        %lt3A_237 = arith.constant 101 : i32
        %lt3A_238 = arith.cmpi slt, %add3A_222, %lt3A_237 : i32
        %convert_element_type3A_239 = arith.extui %lt3A_238 : i1 to i32
        %cond3A_240 = arith.constant 0 : i32
        %cond3A_241 = arith.cmpi ne, %convert_element_type3A_239, %cond3A_240 : i32
        scf.if %cond3A_241 {
          %dma_wait3A_339 = arith.constant 0 : i32
          %dma_wait3A_340 = tpu.memref_slice %arg2[%select_n3A, %dma_wait3A_339] : memref<4032x80xi32, #tpu.memory_space<hbm>> -> memref<1x80xi32, #tpu.memory_space<hbm>>
          %dma_wait3A_341 = tpu.memref_squeeze %dma_wait3A_340 : memref<1x80xi32, #tpu.memory_space<hbm>> -> memref<80xi32, #tpu.memory_space<hbm>>
          %dma_wait3A_342 = arith.constant 0 : i32
          %dma_wait3A_343 = tpu.memref_slice %arg2[%select_n3A, %dma_wait3A_342] : memref<4032x80xi32, #tpu.memory_space<hbm>> -> memref<1x80xi32, #tpu.memory_space<hbm>>
          %dma_wait3A_344 = tpu.memref_squeeze %dma_wait3A_343 : memref<1x80xi32, #tpu.memory_space<hbm>> -> memref<80xi32, #tpu.memory_space<hbm>>
          tpu.wait_dma2 semaphore(%arg38 : memref<!tpu.dma_semaphore, #tpu.memory_space<semaphore_mem>>) src(%dma_wait3A_344 : memref<80xi32, #tpu.memory_space<hbm>>) dst(%arg17 : memref<80xi32, #tpu.memory_space<vmem>>)
          %dma_wait3A_345 = arith.constant 0 : i32
          %dma_wait3A_346 = tpu.memref_slice %arg3[%select_n3A, %dma_wait3A_345] : memref<4032x80xi32, #tpu.memory_space<hbm>> -> memref<1x80xi32, #tpu.memory_space<hbm>>
          %dma_wait3A_347 = tpu.memref_squeeze %dma_wait3A_346 : memref<1x80xi32, #tpu.memory_space<hbm>> -> memref<80xi32, #tpu.memory_space<hbm>>
          %dma_wait3A_348 = arith.constant 0 : i32
          %dma_wait3A_349 = tpu.memref_slice %arg3[%select_n3A, %dma_wait3A_348] : memref<4032x80xi32, #tpu.memory_space<hbm>> -> memref<1x80xi32, #tpu.memory_space<hbm>>
          %dma_wait3A_350 = tpu.memref_squeeze %dma_wait3A_349 : memref<1x80xi32, #tpu.memory_space<hbm>> -> memref<80xi32, #tpu.memory_space<hbm>>
          tpu.wait_dma2 semaphore(%arg38 : memref<!tpu.dma_semaphore, #tpu.memory_space<semaphore_mem>>) src(%dma_wait3A_350 : memref<80xi32, #tpu.memory_space<hbm>>) dst(%arg23 : memref<80xi32, #tpu.memory_space<vmem>>)
          %dma_start3A_351 = arith.constant 0 : i32
          %dma_start3A_352 = arith.constant 0 : i32
          %dma_start3A_353 = tpu.memref_slice %arg4[%dma_start3A_351, %dma_start3A_352] : memref<10000x16xf32, #tpu.memory_space<hbm>> -> memref<10000x16xf32, #tpu.memory_space<hbm>>
          tpu.enqueue_indirect_dma source(%dma_start3A_353 : memref<10000x16xf32, #tpu.memory_space<hbm>>) target(%arg26 : memref<80x16xf32, #tpu.memory_space<vmem>>) offsets(%arg17 : memref<80xi32, #tpu.memory_space<vmem>>) semaphore(%arg41 : memref<!tpu.dma_semaphore, #tpu.memory_space<semaphore_mem>>)
          %dma_start3A_354 = arith.constant 0 : i32
          %dma_start3A_355 = arith.constant 0 : i32
          %dma_start3A_356 = tpu.memref_slice %arg5[%dma_start3A_354, %dma_start3A_355] : memref<10000x16xf32, #tpu.memory_space<hbm>> -> memref<10000x16xf32, #tpu.memory_space<hbm>>
          tpu.enqueue_indirect_dma source(%dma_start3A_356 : memref<10000x16xf32, #tpu.memory_space<hbm>>) target(%arg29 : memref<80x16xf32, #tpu.memory_space<vmem>>) offsets(%arg23 : memref<80xi32, #tpu.memory_space<vmem>>) semaphore(%arg41 : memref<!tpu.dma_semaphore, #tpu.memory_space<semaphore_mem>>)
          %dma_start3A_357 = arith.constant 0 : i32
          %dma_start3A_358 = arith.constant 0 : i32
          %dma_start3A_359 = tpu.memref_slice %arg6[%dma_start3A_357, %dma_start3A_358] : memref<10000x128xf32, #tpu.memory_space<hbm>> -> memref<10000x128xf32, #tpu.memory_space<hbm>>
          tpu.enqueue_indirect_dma source(%dma_start3A_359 : memref<10000x128xf32, #tpu.memory_space<hbm>>) target(%arg32 : memref<80x128xf32, #tpu.memory_space<vmem>>) offsets(%arg17 : memref<80xi32, #tpu.memory_space<vmem>>) semaphore(%arg41 : memref<!tpu.dma_semaphore, #tpu.memory_space<semaphore_mem>>)
        } else {
        }
        %lt3A_242 = arith.constant 100 : i32
        %lt3A_243 = arith.cmpi slt, %add3A_222, %lt3A_242 : i32
        %convert_element_type3A_244 = arith.extui %lt3A_243 : i1 to i32
        %cond3A_245 = arith.constant 0 : i32
        %cond3A_246 = arith.cmpi ne, %convert_element_type3A_244, %cond3A_245 : i32
        scf.if %cond3A_246 {
          %add3A_339 = arith.constant 2 : i32
          %add3A_340 = arith.addi %add3A_222, %add3A_339 : i32
          %add3A_341 = arith.addi %select_n3A, %add3A_340 : i32
          %dma_start3A_342 = arith.constant 0 : i32
          %dma_start3A_343 = tpu.memref_slice %arg2[%add3A_341, %dma_start3A_342] : memref<4032x80xi32, #tpu.memory_space<hbm>> -> memref<1x80xi32, #tpu.memory_space<hbm>>
          %dma_start3A_344 = tpu.memref_squeeze %dma_start3A_343 : memref<1x80xi32, #tpu.memory_space<hbm>> -> memref<80xi32, #tpu.memory_space<hbm>>
          %dma_start3A_345 = arith.constant 0 : i32
          %dma_start3A_346 = tpu.memref_slice %arg2[%add3A_341, %dma_start3A_345] : memref<4032x80xi32, #tpu.memory_space<hbm>> -> memref<1x80xi32, #tpu.memory_space<hbm>>
          %dma_start3A_347 = tpu.memref_squeeze %dma_start3A_346 : memref<1x80xi32, #tpu.memory_space<hbm>> -> memref<80xi32, #tpu.memory_space<hbm>>
          tpu.enqueue_dma source(%dma_start3A_347 : memref<80xi32, #tpu.memory_space<hbm>>) target(%arg18 : memref<80xi32, #tpu.memory_space<vmem>>) target_semaphore(%arg39 : memref<!tpu.dma_semaphore, #tpu.memory_space<semaphore_mem>>)
          %add3A_348 = arith.addi %select_n3A, %add3A_340 : i32
          %dma_start3A_349 = arith.constant 0 : i32
          %dma_start3A_350 = tpu.memref_slice %arg3[%add3A_348, %dma_start3A_349] : memref<4032x80xi32, #tpu.memory_space<hbm>> -> memref<1x80xi32, #tpu.memory_space<hbm>>
          %dma_start3A_351 = tpu.memref_squeeze %dma_start3A_350 : memref<1x80xi32, #tpu.memory_space<hbm>> -> memref<80xi32, #tpu.memory_space<hbm>>
          %dma_start3A_352 = arith.constant 0 : i32
          %dma_start3A_353 = tpu.memref_slice %arg3[%add3A_348, %dma_start3A_352] : memref<4032x80xi32, #tpu.memory_space<hbm>> -> memref<1x80xi32, #tpu.memory_space<hbm>>
          %dma_start3A_354 = tpu.memref_squeeze %dma_start3A_353 : memref<1x80xi32, #tpu.memory_space<hbm>> -> memref<80xi32, #tpu.memory_space<hbm>>
          tpu.enqueue_dma source(%dma_start3A_354 : memref<80xi32, #tpu.memory_space<hbm>>) target(%arg24 : memref<80xi32, #tpu.memory_space<vmem>>) target_semaphore(%arg39 : memref<!tpu.dma_semaphore, #tpu.memory_space<semaphore_mem>>)
        } else {
        }
        %scan3A_247 = arith.constant 0 : i32
        %scan3A_248 = arith.constant 0 : i32
        %scan3A_249 = arith.constant 80 : i32
        %scan3A_250 = arith.addi %scan3A_248, %scan3A_249 : i32
        %scan3A_251 = arith.constant 1 : i32
        scf.for %scan3A_339 = %scan3A_248 to %scan3A_250 step %scan3A_251  : i32 {
          %get3A = arith.index_cast %scan3A_339 : i32 to index
          %get3A_340 = arith.constant 0 : index
          %get3A_341 = tpu.vector_load %arg25[%get3A, %get3A_340] {strides = array<i32>} : memref<80x16xf32, #tpu.memory_space<vmem>>, vector<1x16xf32>,
          %get3A_342 = vector.shape_cast %get3A_341 : vector<1x16xf32> to vector<16xf32>
          %get3A_343 = arith.index_cast %scan3A_339 : i32 to index
          %get3A_344 = arith.constant 0 : index
          %get3A_345 = tpu.vector_load %arg28[%get3A_343, %get3A_344] {strides = array<i32>} : memref<80x16xf32, #tpu.memory_space<vmem>>, vector<1x16xf32>,
          %get3A_346 = vector.shape_cast %get3A_345 : vector<1x16xf32> to vector<16xf32>
          %add3A_347 = arith.addf %get3A_342, %get3A_346 : vector<16xf32>
          %max3A = arith.constant 0.000000e+00 : f32
          %max3A_348 = vector.broadcast %max3A : f32 to vector<16xf32>
          %max3A_349 = arith.maximumf %add3A_347, %max3A_348 : vector<16xf32>
          %min3A = arith.constant 0.000000e+00 : f32
          %min3A_350 = vector.broadcast %min3A : f32 to vector<16xf32>
          %min3A_351 = arith.minimumf %add3A_347, %min3A_350 : vector<16xf32>
          %mul3A_352 = arith.constant 2.000000e-01 : f32
          %mul3A_353 = vector.broadcast %mul3A_352 : f32 to vector<16xf32>
          %mul3A_354 = arith.mulf %mul3A_353, %min3A_351 : vector<16xf32>
          %add3A_355 = arith.addf %max3A_349, %mul3A_354 : vector<16xf32>
          %exp3A = math.exp %add3A_355 : vector<16xf32>
          %swap3A = arith.index_cast %scan3A_339 : i32 to index
          %swap3A_356 = arith.constant 0 : index
          %swap3A_357 = tpu.vector_load %arg25[%swap3A, %swap3A_356] {strides = array<i32>} : memref<80x16xf32, #tpu.memory_space<vmem>>, vector<1x16xf32>,
          %swap3A_358 = vector.shape_cast %swap3A_357 : vector<1x16xf32> to vector<16xf32>
          %swap3A_359 = vector.shape_cast %exp3A : vector<16xf32> to vector<1x16xf32>
          tpu.vector_store %arg25[%swap3A, %swap3A_356], %swap3A_359 {strides = array<i32>} : memref<80x16xf32, #tpu.memory_space<vmem>>, vector<1x16xf32>,
          %get3A_360 = arith.index_cast %scan3A_339 : i32 to index
          %get3A_361 = arith.constant 0 : index
          %get3A_362 = tpu.vector_load %arg31[%get3A_360, %get3A_361] {strides = array<i32>} : memref<80x128xf32, #tpu.memory_space<vmem>>, vector<1x16xf32>,
          %get3A_363 = vector.shape_cast %get3A_362 : vector<1x16xf32> to vector<16xf32>
          %slice3A = vector.extract_strided_slice %exp3A {offsets = [0], sizes = [1], strides = [1]} : vector<16xf32> to vector<1xf32>
          %squeeze3A = vector.extract %slice3A[0] : f32 from vector<1xf32>
          %mul3A_364 = vector.broadcast %squeeze3A : f32 to vector<16xf32>
          %mul3A_365 = arith.mulf %get3A_363, %mul3A_364 : vector<16xf32>
          %swap3A_366 = arith.index_cast %scan3A_339 : i32 to index
          %swap3A_367 = arith.constant 0 : index
          %swap3A_368 = tpu.vector_load %arg31[%swap3A_366, %swap3A_367] {strides = array<i32>} : memref<80x128xf32, #tpu.memory_space<vmem>>, vector<1x16xf32>,
          %swap3A_369 = vector.shape_cast %swap3A_368 : vector<1x16xf32> to vector<16xf32>
          %swap3A_370 = vector.shape_cast %mul3A_365 : vector<16xf32> to vector<1x16xf32>
          tpu.vector_store %arg31[%swap3A_366, %swap3A_367], %swap3A_370 {strides = array<i32>} : memref<80x128xf32, #tpu.memory_space<vmem>>, vector<1x16xf32>,
          %get3A_371 = arith.index_cast %scan3A_339 : i32 to index
          %get3A_372 = arith.constant 16 : index
          %get3A_373 = tpu.vector_load %arg31[%get3A_371, %get3A_372] {strides = array<i32>} : memref<80x128xf32, #tpu.memory_space<vmem>>, vector<1x16xf32>,
          %get3A_374 = vector.shape_cast %get3A_373 : vector<1x16xf32> to vector<16xf32>
          %slice3A_375 = vector.extract_strided_slice %exp3A {offsets = [1], sizes = [1], strides = [1]} : vector<16xf32> to vector<1xf32>
          %squeeze3A_376 = vector.extract %slice3A_375[0] : f32 from vector<1xf32>
          %mul3A_377 = vector.broadcast %squeeze3A_376 : f32 to vector<16xf32>
          %mul3A_378 = arith.mulf %get3A_374, %mul3A_377 : vector<16xf32>
          %swap3A_379 = arith.index_cast %scan3A_339 : i32 to index
          %swap3A_380 = arith.constant 16 : index
          %swap3A_381 = tpu.vector_load %arg31[%swap3A_379, %swap3A_380] {strides = array<i32>} : memref<80x128xf32, #tpu.memory_space<vmem>>, vector<1x16xf32>,
          %swap3A_382 = vector.shape_cast %swap3A_381 : vector<1x16xf32> to vector<16xf32>
          %swap3A_383 = vector.shape_cast %mul3A_378 : vector<16xf32> to vector<1x16xf32>
          tpu.vector_store %arg31[%swap3A_379, %swap3A_380], %swap3A_383 {strides = array<i32>} : memref<80x128xf32, #tpu.memory_space<vmem>>, vector<1x16xf32>,
          %get3A_384 = arith.index_cast %scan3A_339 : i32 to index
          %get3A_385 = arith.constant 32 : index
          %get3A_386 = tpu.vector_load %arg31[%get3A_384, %get3A_385] {strides = array<i32>} : memref<80x128xf32, #tpu.memory_space<vmem>>, vector<1x16xf32>,
          %get3A_387 = vector.shape_cast %get3A_386 : vector<1x16xf32> to vector<16xf32>
          %slice3A_388 = vector.extract_strided_slice %exp3A {offsets = [2], sizes = [1], strides = [1]} : vector<16xf32> to vector<1xf32>
          %squeeze3A_389 = vector.extract %slice3A_388[0] : f32 from vector<1xf32>
          %mul3A_390 = vector.broadcast %squeeze3A_389 : f32 to vector<16xf32>
          %mul3A_391 = arith.mulf %get3A_387, %mul3A_390 : vector<16xf32>
          %swap3A_392 = arith.index_cast %scan3A_339 : i32 to index
          %swap3A_393 = arith.constant 32 : index
          %swap3A_394 = tpu.vector_load %arg31[%swap3A_392, %swap3A_393] {strides = array<i32>} : memref<80x128xf32, #tpu.memory_space<vmem>>, vector<1x16xf32>,
          %swap3A_395 = vector.shape_cast %swap3A_394 : vector<1x16xf32> to vector<16xf32>
          %swap3A_396 = vector.shape_cast %mul3A_391 : vector<16xf32> to vector<1x16xf32>
          tpu.vector_store %arg31[%swap3A_392, %swap3A_393], %swap3A_396 {strides = array<i32>} : memref<80x128xf32, #tpu.memory_space<vmem>>, vector<1x16xf32>,
          %get3A_397 = arith.index_cast %scan3A_339 : i32 to index
          %get3A_398 = arith.constant 48 : index
          %get3A_399 = tpu.vector_load %arg31[%get3A_397, %get3A_398] {strides = array<i32>} : memref<80x128xf32, #tpu.memory_space<vmem>>, vector<1x16xf32>,
          %get3A_400 = vector.shape_cast %get3A_399 : vector<1x16xf32> to vector<16xf32>
          %slice3A_401 = vector.extract_strided_slice %exp3A {offsets = [3], sizes = [1], strides = [1]} : vector<16xf32> to vector<1xf32>
          %squeeze3A_402 = vector.extract %slice3A_401[0] : f32 from vector<1xf32>
          %mul3A_403 = vector.broadcast %squeeze3A_402 : f32 to vector<16xf32>
          %mul3A_404 = arith.mulf %get3A_400, %mul3A_403 : vector<16xf32>
          %swap3A_405 = arith.index_cast %scan3A_339 : i32 to index
          %swap3A_406 = arith.constant 48 : index
          %swap3A_407 = tpu.vector_load %arg31[%swap3A_405, %swap3A_406] {strides = array<i32>} : memref<80x128xf32, #tpu.memory_space<vmem>>, vector<1x16xf32>,
          %swap3A_408 = vector.shape_cast %swap3A_407 : vector<1x16xf32> to vector<16xf32>
          %swap3A_409 = vector.shape_cast %mul3A_404 : vector<16xf32> to vector<1x16xf32>
          tpu.vector_store %arg31[%swap3A_405, %swap3A_406], %swap3A_409 {strides = array<i32>} : memref<80x128xf32, #tpu.memory_space<vmem>>, vector<1x16xf32>,
          %get3A_410 = arith.index_cast %scan3A_339 : i32 to index
          %get3A_411 = arith.constant 64 : index
          %get3A_412 = tpu.vector_load %arg31[%get3A_410, %get3A_411] {strides = array<i32>} : memref<80x128xf32, #tpu.memory_space<vmem>>, vector<1x16xf32>,
          %get3A_413 = vector.shape_cast %get3A_412 : vector<1x16xf32> to vector<16xf32>
          %slice3A_414 = vector.extract_strided_slice %exp3A {offsets = [4], sizes = [1], strides = [1]} : vector<16xf32> to vector<1xf32>
          %squeeze3A_415 = vector.extract %slice3A_414[0] : f32 from vector<1xf32>
          %mul3A_416 = vector.broadcast %squeeze3A_415 : f32 to vector<16xf32>
          %mul3A_417 = arith.mulf %get3A_413, %mul3A_416 : vector<16xf32>
          %swap3A_418 = arith.index_cast %scan3A_339 : i32 to index
          %swap3A_419 = arith.constant 64 : index
          %swap3A_420 = tpu.vector_load %arg31[%swap3A_418, %swap3A_419] {strides = array<i32>} : memref<80x128xf32, #tpu.memory_space<vmem>>, vector<1x16xf32>,
          %swap3A_421 = vector.shape_cast %swap3A_420 : vector<1x16xf32> to vector<16xf32>
          %swap3A_422 = vector.shape_cast %mul3A_417 : vector<16xf32> to vector<1x16xf32>
          tpu.vector_store %arg31[%swap3A_418, %swap3A_419], %swap3A_422 {strides = array<i32>} : memref<80x128xf32, #tpu.memory_space<vmem>>, vector<1x16xf32>,
          %get3A_423 = arith.index_cast %scan3A_339 : i32 to index
          %get3A_424 = arith.constant 80 : index
          %get3A_425 = tpu.vector_load %arg31[%get3A_423, %get3A_424] {strides = array<i32>} : memref<80x128xf32, #tpu.memory_space<vmem>>, vector<1x16xf32>,
          %get3A_426 = vector.shape_cast %get3A_425 : vector<1x16xf32> to vector<16xf32>
          %slice3A_427 = vector.extract_strided_slice %exp3A {offsets = [5], sizes = [1], strides = [1]} : vector<16xf32> to vector<1xf32>
          %squeeze3A_428 = vector.extract %slice3A_427[0] : f32 from vector<1xf32>
          %mul3A_429 = vector.broadcast %squeeze3A_428 : f32 to vector<16xf32>
          %mul3A_430 = arith.mulf %get3A_426, %mul3A_429 : vector<16xf32>
          %swap3A_431 = arith.index_cast %scan3A_339 : i32 to index
          %swap3A_432 = arith.constant 80 : index
          %swap3A_433 = tpu.vector_load %arg31[%swap3A_431, %swap3A_432] {strides = array<i32>} : memref<80x128xf32, #tpu.memory_space<vmem>>, vector<1x16xf32>,
          %swap3A_434 = vector.shape_cast %swap3A_433 : vector<1x16xf32> to vector<16xf32>
          %swap3A_435 = vector.shape_cast %mul3A_430 : vector<16xf32> to vector<1x16xf32>
          tpu.vector_store %arg31[%swap3A_431, %swap3A_432], %swap3A_435 {strides = array<i32>} : memref<80x128xf32, #tpu.memory_space<vmem>>, vector<1x16xf32>,
          %get3A_436 = arith.index_cast %scan3A_339 : i32 to index
          %get3A_437 = arith.constant 96 : index
          %get3A_438 = tpu.vector_load %arg31[%get3A_436, %get3A_437] {strides = array<i32>} : memref<80x128xf32, #tpu.memory_space<vmem>>, vector<1x16xf32>,
          %get3A_439 = vector.shape_cast %get3A_438 : vector<1x16xf32> to vector<16xf32>
          %slice3A_440 = vector.extract_strided_slice %exp3A {offsets = [6], sizes = [1], strides = [1]} : vector<16xf32> to vector<1xf32>
          %squeeze3A_441 = vector.extract %slice3A_440[0] : f32 from vector<1xf32>
          %mul3A_442 = vector.broadcast %squeeze3A_441 : f32 to vector<16xf32>
          %mul3A_443 = arith.mulf %get3A_439, %mul3A_442 : vector<16xf32>
          %swap3A_444 = arith.index_cast %scan3A_339 : i32 to index
          %swap3A_445 = arith.constant 96 : index
          %swap3A_446 = tpu.vector_load %arg31[%swap3A_444, %swap3A_445] {strides = array<i32>} : memref<80x128xf32, #tpu.memory_space<vmem>>, vector<1x16xf32>,
          %swap3A_447 = vector.shape_cast %swap3A_446 : vector<1x16xf32> to vector<16xf32>
          %swap3A_448 = vector.shape_cast %mul3A_443 : vector<16xf32> to vector<1x16xf32>
          tpu.vector_store %arg31[%swap3A_444, %swap3A_445], %swap3A_448 {strides = array<i32>} : memref<80x128xf32, #tpu.memory_space<vmem>>, vector<1x16xf32>,
          %get3A_449 = arith.index_cast %scan3A_339 : i32 to index
          %get3A_450 = arith.constant 112 : index
          %get3A_451 = tpu.vector_load %arg31[%get3A_449, %get3A_450] {strides = array<i32>} : memref<80x128xf32, #tpu.memory_space<vmem>>, vector<1x16xf32>,
          %get3A_452 = vector.shape_cast %get3A_451 : vector<1x16xf32> to vector<16xf32>
          %slice3A_453 = vector.extract_strided_slice %exp3A {offsets = [7], sizes = [1], strides = [1]} : vector<16xf32> to vector<1xf32>
          %squeeze3A_454 = vector.extract %slice3A_453[0] : f32 from vector<1xf32>
          %mul3A_455 = vector.broadcast %squeeze3A_454 : f32 to vector<16xf32>
          %mul3A_456 = arith.mulf %get3A_452, %mul3A_455 : vector<16xf32>
          %swap3A_457 = arith.index_cast %scan3A_339 : i32 to index
          %swap3A_458 = arith.constant 112 : index
          %swap3A_459 = tpu.vector_load %arg31[%swap3A_457, %swap3A_458] {strides = array<i32>} : memref<80x128xf32, #tpu.memory_space<vmem>>, vector<1x16xf32>,
          %swap3A_460 = vector.shape_cast %swap3A_459 : vector<1x16xf32> to vector<16xf32>
          %swap3A_461 = vector.shape_cast %mul3A_456 : vector<16xf32> to vector<1x16xf32>
          tpu.vector_store %arg31[%swap3A_457, %swap3A_458], %swap3A_461 {strides = array<i32>} : memref<80x128xf32, #tpu.memory_space<vmem>>, vector<1x16xf32>,
        }
        %scan3A_252 = arith.constant 80 : i32
        %dma_start3A_253 = arith.constant 0 : i32
        %dma_start3A_254 = arith.constant 0 : i32
        %dma_start3A_255 = tpu.memref_slice %arg47[%dma_start3A_253, %dma_start3A_254] : memref<10016x16xf32, #tpu.memory_space<vmem_shared>> -> memref<10016x16xf32, #tpu.memory_space<vmem_shared>>
        tpu.enqueue_indirect_dma source(%arg25 : memref<80x16xf32, #tpu.memory_space<vmem>>) target(%dma_start3A_255 : memref<10016x16xf32, #tpu.memory_space<vmem_shared>>) offsets(%arg22 : memref<80xi32, #tpu.memory_space<vmem>>) semaphore(%arg43 : memref<!tpu.dma_semaphore, #tpu.memory_space<semaphore_mem>>) {add = true}
        %dma_start3A_256 = arith.constant 0 : i32
        %dma_start3A_257 = arith.constant 0 : i32
        %dma_start3A_258 = tpu.memref_slice %arg46[%dma_start3A_256, %dma_start3A_257] : memref<10016x128xf32, #tpu.memory_space<vmem_shared>> -> memref<10016x128xf32, #tpu.memory_space<vmem_shared>>
        tpu.enqueue_indirect_dma source(%arg31 : memref<80x128xf32, #tpu.memory_space<vmem>>) target(%dma_start3A_258 : memref<10016x128xf32, #tpu.memory_space<vmem_shared>>) offsets(%arg22 : memref<80xi32, #tpu.memory_space<vmem>>) semaphore(%arg43 : memref<!tpu.dma_semaphore, #tpu.memory_space<semaphore_mem>>) {add = true}
        %mul3A_259 = arith.constant 6 : i32
        %mul3A_260 = arith.muli %scan3A_100, %mul3A_259 : i32
        %add3A_261 = arith.constant 4 : i32
        %add3A_262 = arith.addi %mul3A_260, %add3A_261 : i32
        %dma_wait3A_263 = arith.constant 0 : i32
        %dma_wait3A_264 = arith.constant 0 : i32
        %dma_wait3A_265 = tpu.memref_slice %arg4[%dma_wait3A_263, %dma_wait3A_264] : memref<10000x16xf32, #tpu.memory_space<hbm>> -> memref<10000x16xf32, #tpu.memory_space<hbm>>
        tpu.wait_indirect_dma semaphore(%arg41 : memref<!tpu.dma_semaphore, #tpu.memory_space<semaphore_mem>>) src(%dma_wait3A_265 : memref<10000x16xf32, #tpu.memory_space<hbm>>) dst(%arg26 : memref<80x16xf32, #tpu.memory_space<vmem>>)
        %dma_wait3A_266 = arith.constant 0 : i32
        %dma_wait3A_267 = arith.constant 0 : i32
        %dma_wait3A_268 = tpu.memref_slice %arg5[%dma_wait3A_266, %dma_wait3A_267] : memref<10000x16xf32, #tpu.memory_space<hbm>> -> memref<10000x16xf32, #tpu.memory_space<hbm>>
        tpu.wait_indirect_dma semaphore(%arg41 : memref<!tpu.dma_semaphore, #tpu.memory_space<semaphore_mem>>) src(%dma_wait3A_268 : memref<10000x16xf32, #tpu.memory_space<hbm>>) dst(%arg29 : memref<80x16xf32, #tpu.memory_space<vmem>>)
        %dma_wait3A_269 = arith.constant 0 : i32
        %dma_wait3A_270 = arith.constant 0 : i32
        %dma_wait3A_271 = tpu.memref_slice %arg6[%dma_wait3A_269, %dma_wait3A_270] : memref<10000x128xf32, #tpu.memory_space<hbm>> -> memref<10000x128xf32, #tpu.memory_space<hbm>>
        tpu.wait_indirect_dma semaphore(%arg41 : memref<!tpu.dma_semaphore, #tpu.memory_space<semaphore_mem>>) src(%dma_wait3A_271 : memref<10000x128xf32, #tpu.memory_space<hbm>>) dst(%arg32 : memref<80x128xf32, #tpu.memory_space<vmem>>)
        %ge3A_272 = arith.constant 2 : i32
        %ge3A_273 = arith.cmpi sge, %add3A_262, %ge3A_272 : i32
        %convert_element_type3A_274 = arith.extui %ge3A_273 : i1 to i32
        %cond3A_275 = arith.constant 0 : i32
        %cond3A_276 = arith.cmpi ne, %convert_element_type3A_274, %cond3A_275 : i32
        scf.if %cond3A_276 {
          %dma_wait3A_339 = arith.constant 0 : i32
          %dma_wait3A_340 = arith.constant 0 : i32
          %dma_wait3A_341 = tpu.memref_slice %arg47[%dma_wait3A_339, %dma_wait3A_340] : memref<10016x16xf32, #tpu.memory_space<vmem_shared>> -> memref<10016x16xf32, #tpu.memory_space<vmem_shared>>
          tpu.wait_indirect_dma semaphore(%arg45 : memref<!tpu.dma_semaphore, #tpu.memory_space<semaphore_mem>>) src(%arg27 : memref<80x16xf32, #tpu.memory_space<vmem>>) dst(%dma_wait3A_341 : memref<10016x16xf32, #tpu.memory_space<vmem_shared>>)
          %dma_wait3A_342 = arith.constant 0 : i32
          %dma_wait3A_343 = arith.constant 0 : i32
          %dma_wait3A_344 = tpu.memref_slice %arg46[%dma_wait3A_342, %dma_wait3A_343] : memref<10016x128xf32, #tpu.memory_space<vmem_shared>> -> memref<10016x128xf32, #tpu.memory_space<vmem_shared>>
          tpu.wait_indirect_dma semaphore(%arg45 : memref<!tpu.dma_semaphore, #tpu.memory_space<semaphore_mem>>) src(%arg33 : memref<80x128xf32, #tpu.memory_space<vmem>>) dst(%dma_wait3A_344 : memref<10016x128xf32, #tpu.memory_space<vmem_shared>>)
        } else {
        }
        %lt3A_277 = arith.constant 101 : i32
        %lt3A_278 = arith.cmpi slt, %add3A_262, %lt3A_277 : i32
        %convert_element_type3A_279 = arith.extui %lt3A_278 : i1 to i32
        %cond3A_280 = arith.constant 0 : i32
        %cond3A_281 = arith.cmpi ne, %convert_element_type3A_279, %cond3A_280 : i32
        scf.if %cond3A_281 {
          %dma_wait3A_339 = arith.constant 0 : i32
          %dma_wait3A_340 = tpu.memref_slice %arg2[%select_n3A, %dma_wait3A_339] : memref<4032x80xi32, #tpu.memory_space<hbm>> -> memref<1x80xi32, #tpu.memory_space<hbm>>
          %dma_wait3A_341 = tpu.memref_squeeze %dma_wait3A_340 : memref<1x80xi32, #tpu.memory_space<hbm>> -> memref<80xi32, #tpu.memory_space<hbm>>
          %dma_wait3A_342 = arith.constant 0 : i32
          %dma_wait3A_343 = tpu.memref_slice %arg2[%select_n3A, %dma_wait3A_342] : memref<4032x80xi32, #tpu.memory_space<hbm>> -> memref<1x80xi32, #tpu.memory_space<hbm>>
          %dma_wait3A_344 = tpu.memref_squeeze %dma_wait3A_343 : memref<1x80xi32, #tpu.memory_space<hbm>> -> memref<80xi32, #tpu.memory_space<hbm>>
          tpu.wait_dma2 semaphore(%arg39 : memref<!tpu.dma_semaphore, #tpu.memory_space<semaphore_mem>>) src(%dma_wait3A_344 : memref<80xi32, #tpu.memory_space<hbm>>) dst(%arg18 : memref<80xi32, #tpu.memory_space<vmem>>)
          %dma_wait3A_345 = arith.constant 0 : i32
          %dma_wait3A_346 = tpu.memref_slice %arg3[%select_n3A, %dma_wait3A_345] : memref<4032x80xi32, #tpu.memory_space<hbm>> -> memref<1x80xi32, #tpu.memory_space<hbm>>
          %dma_wait3A_347 = tpu.memref_squeeze %dma_wait3A_346 : memref<1x80xi32, #tpu.memory_space<hbm>> -> memref<80xi32, #tpu.memory_space<hbm>>
          %dma_wait3A_348 = arith.constant 0 : i32
          %dma_wait3A_349 = tpu.memref_slice %arg3[%select_n3A, %dma_wait3A_348] : memref<4032x80xi32, #tpu.memory_space<hbm>> -> memref<1x80xi32, #tpu.memory_space<hbm>>
          %dma_wait3A_350 = tpu.memref_squeeze %dma_wait3A_349 : memref<1x80xi32, #tpu.memory_space<hbm>> -> memref<80xi32, #tpu.memory_space<hbm>>
          tpu.wait_dma2 semaphore(%arg39 : memref<!tpu.dma_semaphore, #tpu.memory_space<semaphore_mem>>) src(%dma_wait3A_350 : memref<80xi32, #tpu.memory_space<hbm>>) dst(%arg24 : memref<80xi32, #tpu.memory_space<vmem>>)
          %dma_start3A_351 = arith.constant 0 : i32
          %dma_start3A_352 = arith.constant 0 : i32
          %dma_start3A_353 = tpu.memref_slice %arg4[%dma_start3A_351, %dma_start3A_352] : memref<10000x16xf32, #tpu.memory_space<hbm>> -> memref<10000x16xf32, #tpu.memory_space<hbm>>
          tpu.enqueue_indirect_dma source(%dma_start3A_353 : memref<10000x16xf32, #tpu.memory_space<hbm>>) target(%arg27 : memref<80x16xf32, #tpu.memory_space<vmem>>) offsets(%arg18 : memref<80xi32, #tpu.memory_space<vmem>>) semaphore(%arg42 : memref<!tpu.dma_semaphore, #tpu.memory_space<semaphore_mem>>)
          %dma_start3A_354 = arith.constant 0 : i32
          %dma_start3A_355 = arith.constant 0 : i32
          %dma_start3A_356 = tpu.memref_slice %arg5[%dma_start3A_354, %dma_start3A_355] : memref<10000x16xf32, #tpu.memory_space<hbm>> -> memref<10000x16xf32, #tpu.memory_space<hbm>>
          tpu.enqueue_indirect_dma source(%dma_start3A_356 : memref<10000x16xf32, #tpu.memory_space<hbm>>) target(%arg30 : memref<80x16xf32, #tpu.memory_space<vmem>>) offsets(%arg24 : memref<80xi32, #tpu.memory_space<vmem>>) semaphore(%arg42 : memref<!tpu.dma_semaphore, #tpu.memory_space<semaphore_mem>>)
          %dma_start3A_357 = arith.constant 0 : i32
          %dma_start3A_358 = arith.constant 0 : i32
          %dma_start3A_359 = tpu.memref_slice %arg6[%dma_start3A_357, %dma_start3A_358] : memref<10000x128xf32, #tpu.memory_space<hbm>> -> memref<10000x128xf32, #tpu.memory_space<hbm>>
          tpu.enqueue_indirect_dma source(%dma_start3A_359 : memref<10000x128xf32, #tpu.memory_space<hbm>>) target(%arg33 : memref<80x128xf32, #tpu.memory_space<vmem>>) offsets(%arg18 : memref<80xi32, #tpu.memory_space<vmem>>) semaphore(%arg42 : memref<!tpu.dma_semaphore, #tpu.memory_space<semaphore_mem>>)
        } else {
        }
        %lt3A_282 = arith.constant 100 : i32
        %lt3A_283 = arith.cmpi slt, %add3A_262, %lt3A_282 : i32
        %convert_element_type3A_284 = arith.extui %lt3A_283 : i1 to i32
        %cond3A_285 = arith.constant 0 : i32
        %cond3A_286 = arith.cmpi ne, %convert_element_type3A_284, %cond3A_285 : i32
        scf.if %cond3A_286 {
          %add3A_339 = arith.constant 2 : i32
          %add3A_340 = arith.addi %add3A_262, %add3A_339 : i32
          %add3A_341 = arith.addi %select_n3A, %add3A_340 : i32
          %dma_start3A_342 = arith.constant 0 : i32
          %dma_start3A_343 = tpu.memref_slice %arg2[%add3A_341, %dma_start3A_342] : memref<4032x80xi32, #tpu.memory_space<hbm>> -> memref<1x80xi32, #tpu.memory_space<hbm>>
          %dma_start3A_344 = tpu.memref_squeeze %dma_start3A_343 : memref<1x80xi32, #tpu.memory_space<hbm>> -> memref<80xi32, #tpu.memory_space<hbm>>
          %dma_start3A_345 = arith.constant 0 : i32
          %dma_start3A_346 = tpu.memref_slice %arg2[%add3A_341, %dma_start3A_345] : memref<4032x80xi32, #tpu.memory_space<hbm>> -> memref<1x80xi32, #tpu.memory_space<hbm>>
          %dma_start3A_347 = tpu.memref_squeeze %dma_start3A_346 : memref<1x80xi32, #tpu.memory_space<hbm>> -> memref<80xi32, #tpu.memory_space<hbm>>
          tpu.enqueue_dma source(%dma_start3A_347 : memref<80xi32, #tpu.memory_space<hbm>>) target(%arg13 : memref<80xi32, #tpu.memory_space<vmem>>) target_semaphore(%arg34 : memref<!tpu.dma_semaphore, #tpu.memory_space<semaphore_mem>>)
          %add3A_348 = arith.addi %select_n3A, %add3A_340 : i32
          %dma_start3A_349 = arith.constant 0 : i32
          %dma_start3A_350 = tpu.memref_slice %arg3[%add3A_348, %dma_start3A_349] : memref<4032x80xi32, #tpu.memory_space<hbm>> -> memref<1x80xi32, #tpu.memory_space<hbm>>
          %dma_start3A_351 = tpu.memref_squeeze %dma_start3A_350 : memref<1x80xi32, #tpu.memory_space<hbm>> -> memref<80xi32, #tpu.memory_space<hbm>>
          %dma_start3A_352 = arith.constant 0 : i32
          %dma_start3A_353 = tpu.memref_slice %arg3[%add3A_348, %dma_start3A_352] : memref<4032x80xi32, #tpu.memory_space<hbm>> -> memref<1x80xi32, #tpu.memory_space<hbm>>
          %dma_start3A_354 = tpu.memref_squeeze %dma_start3A_353 : memref<1x80xi32, #tpu.memory_space<hbm>> -> memref<80xi32, #tpu.memory_space<hbm>>
          tpu.enqueue_dma source(%dma_start3A_354 : memref<80xi32, #tpu.memory_space<hbm>>) target(%arg19 : memref<80xi32, #tpu.memory_space<vmem>>) target_semaphore(%arg34 : memref<!tpu.dma_semaphore, #tpu.memory_space<semaphore_mem>>)
        } else {
        }
        %scan3A_287 = arith.constant 0 : i32
        %scan3A_288 = arith.constant 0 : i32
        %scan3A_289 = arith.constant 80 : i32
        %scan3A_290 = arith.addi %scan3A_288, %scan3A_289 : i32
        %scan3A_291 = arith.constant 1 : i32
        scf.for %scan3A_339 = %scan3A_288 to %scan3A_290 step %scan3A_291  : i32 {
          %get3A = arith.index_cast %scan3A_339 : i32 to index
          %get3A_340 = arith.constant 0 : index
          %get3A_341 = tpu.vector_load %arg26[%get3A, %get3A_340] {strides = array<i32>} : memref<80x16xf32, #tpu.memory_space<vmem>>, vector<1x16xf32>,
          %get3A_342 = vector.shape_cast %get3A_341 : vector<1x16xf32> to vector<16xf32>
          %get3A_343 = arith.index_cast %scan3A_339 : i32 to index
          %get3A_344 = arith.constant 0 : index
          %get3A_345 = tpu.vector_load %arg29[%get3A_343, %get3A_344] {strides = array<i32>} : memref<80x16xf32, #tpu.memory_space<vmem>>, vector<1x16xf32>,
          %get3A_346 = vector.shape_cast %get3A_345 : vector<1x16xf32> to vector<16xf32>
          %add3A_347 = arith.addf %get3A_342, %get3A_346 : vector<16xf32>
          %max3A = arith.constant 0.000000e+00 : f32
          %max3A_348 = vector.broadcast %max3A : f32 to vector<16xf32>
          %max3A_349 = arith.maximumf %add3A_347, %max3A_348 : vector<16xf32>
          %min3A = arith.constant 0.000000e+00 : f32
          %min3A_350 = vector.broadcast %min3A : f32 to vector<16xf32>
          %min3A_351 = arith.minimumf %add3A_347, %min3A_350 : vector<16xf32>
          %mul3A_352 = arith.constant 2.000000e-01 : f32
          %mul3A_353 = vector.broadcast %mul3A_352 : f32 to vector<16xf32>
          %mul3A_354 = arith.mulf %mul3A_353, %min3A_351 : vector<16xf32>
          %add3A_355 = arith.addf %max3A_349, %mul3A_354 : vector<16xf32>
          %exp3A = math.exp %add3A_355 : vector<16xf32>
          %swap3A = arith.index_cast %scan3A_339 : i32 to index
          %swap3A_356 = arith.constant 0 : index
          %swap3A_357 = tpu.vector_load %arg26[%swap3A, %swap3A_356] {strides = array<i32>} : memref<80x16xf32, #tpu.memory_space<vmem>>, vector<1x16xf32>,
          %swap3A_358 = vector.shape_cast %swap3A_357 : vector<1x16xf32> to vector<16xf32>
          %swap3A_359 = vector.shape_cast %exp3A : vector<16xf32> to vector<1x16xf32>
          tpu.vector_store %arg26[%swap3A, %swap3A_356], %swap3A_359 {strides = array<i32>} : memref<80x16xf32, #tpu.memory_space<vmem>>, vector<1x16xf32>,
          %get3A_360 = arith.index_cast %scan3A_339 : i32 to index
          %get3A_361 = arith.constant 0 : index
          %get3A_362 = tpu.vector_load %arg32[%get3A_360, %get3A_361] {strides = array<i32>} : memref<80x128xf32, #tpu.memory_space<vmem>>, vector<1x16xf32>,
          %get3A_363 = vector.shape_cast %get3A_362 : vector<1x16xf32> to vector<16xf32>
          %slice3A = vector.extract_strided_slice %exp3A {offsets = [0], sizes = [1], strides = [1]} : vector<16xf32> to vector<1xf32>
          %squeeze3A = vector.extract %slice3A[0] : f32 from vector<1xf32>
          %mul3A_364 = vector.broadcast %squeeze3A : f32 to vector<16xf32>
          %mul3A_365 = arith.mulf %get3A_363, %mul3A_364 : vector<16xf32>
          %swap3A_366 = arith.index_cast %scan3A_339 : i32 to index
          %swap3A_367 = arith.constant 0 : index
          %swap3A_368 = tpu.vector_load %arg32[%swap3A_366, %swap3A_367] {strides = array<i32>} : memref<80x128xf32, #tpu.memory_space<vmem>>, vector<1x16xf32>,
          %swap3A_369 = vector.shape_cast %swap3A_368 : vector<1x16xf32> to vector<16xf32>
          %swap3A_370 = vector.shape_cast %mul3A_365 : vector<16xf32> to vector<1x16xf32>
          tpu.vector_store %arg32[%swap3A_366, %swap3A_367], %swap3A_370 {strides = array<i32>} : memref<80x128xf32, #tpu.memory_space<vmem>>, vector<1x16xf32>,
          %get3A_371 = arith.index_cast %scan3A_339 : i32 to index
          %get3A_372 = arith.constant 16 : index
          %get3A_373 = tpu.vector_load %arg32[%get3A_371, %get3A_372] {strides = array<i32>} : memref<80x128xf32, #tpu.memory_space<vmem>>, vector<1x16xf32>,
          %get3A_374 = vector.shape_cast %get3A_373 : vector<1x16xf32> to vector<16xf32>
          %slice3A_375 = vector.extract_strided_slice %exp3A {offsets = [1], sizes = [1], strides = [1]} : vector<16xf32> to vector<1xf32>
          %squeeze3A_376 = vector.extract %slice3A_375[0] : f32 from vector<1xf32>
          %mul3A_377 = vector.broadcast %squeeze3A_376 : f32 to vector<16xf32>
          %mul3A_378 = arith.mulf %get3A_374, %mul3A_377 : vector<16xf32>
          %swap3A_379 = arith.index_cast %scan3A_339 : i32 to index
          %swap3A_380 = arith.constant 16 : index
          %swap3A_381 = tpu.vector_load %arg32[%swap3A_379, %swap3A_380] {strides = array<i32>} : memref<80x128xf32, #tpu.memory_space<vmem>>, vector<1x16xf32>,
          %swap3A_382 = vector.shape_cast %swap3A_381 : vector<1x16xf32> to vector<16xf32>
          %swap3A_383 = vector.shape_cast %mul3A_378 : vector<16xf32> to vector<1x16xf32>
          tpu.vector_store %arg32[%swap3A_379, %swap3A_380], %swap3A_383 {strides = array<i32>} : memref<80x128xf32, #tpu.memory_space<vmem>>, vector<1x16xf32>,
          %get3A_384 = arith.index_cast %scan3A_339 : i32 to index
          %get3A_385 = arith.constant 32 : index
          %get3A_386 = tpu.vector_load %arg32[%get3A_384, %get3A_385] {strides = array<i32>} : memref<80x128xf32, #tpu.memory_space<vmem>>, vector<1x16xf32>,
          %get3A_387 = vector.shape_cast %get3A_386 : vector<1x16xf32> to vector<16xf32>
          %slice3A_388 = vector.extract_strided_slice %exp3A {offsets = [2], sizes = [1], strides = [1]} : vector<16xf32> to vector<1xf32>
          %squeeze3A_389 = vector.extract %slice3A_388[0] : f32 from vector<1xf32>
          %mul3A_390 = vector.broadcast %squeeze3A_389 : f32 to vector<16xf32>
          %mul3A_391 = arith.mulf %get3A_387, %mul3A_390 : vector<16xf32>
          %swap3A_392 = arith.index_cast %scan3A_339 : i32 to index
          %swap3A_393 = arith.constant 32 : index
          %swap3A_394 = tpu.vector_load %arg32[%swap3A_392, %swap3A_393] {strides = array<i32>} : memref<80x128xf32, #tpu.memory_space<vmem>>, vector<1x16xf32>,
          %swap3A_395 = vector.shape_cast %swap3A_394 : vector<1x16xf32> to vector<16xf32>
          %swap3A_396 = vector.shape_cast %mul3A_391 : vector<16xf32> to vector<1x16xf32>
          tpu.vector_store %arg32[%swap3A_392, %swap3A_393], %swap3A_396 {strides = array<i32>} : memref<80x128xf32, #tpu.memory_space<vmem>>, vector<1x16xf32>,
          %get3A_397 = arith.index_cast %scan3A_339 : i32 to index
          %get3A_398 = arith.constant 48 : index
          %get3A_399 = tpu.vector_load %arg32[%get3A_397, %get3A_398] {strides = array<i32>} : memref<80x128xf32, #tpu.memory_space<vmem>>, vector<1x16xf32>,
          %get3A_400 = vector.shape_cast %get3A_399 : vector<1x16xf32> to vector<16xf32>
          %slice3A_401 = vector.extract_strided_slice %exp3A {offsets = [3], sizes = [1], strides = [1]} : vector<16xf32> to vector<1xf32>
          %squeeze3A_402 = vector.extract %slice3A_401[0] : f32 from vector<1xf32>
          %mul3A_403 = vector.broadcast %squeeze3A_402 : f32 to vector<16xf32>
          %mul3A_404 = arith.mulf %get3A_400, %mul3A_403 : vector<16xf32>
          %swap3A_405 = arith.index_cast %scan3A_339 : i32 to index
          %swap3A_406 = arith.constant 48 : index
          %swap3A_407 = tpu.vector_load %arg32[%swap3A_405, %swap3A_406] {strides = array<i32>} : memref<80x128xf32, #tpu.memory_space<vmem>>, vector<1x16xf32>,
          %swap3A_408 = vector.shape_cast %swap3A_407 : vector<1x16xf32> to vector<16xf32>
          %swap3A_409 = vector.shape_cast %mul3A_404 : vector<16xf32> to vector<1x16xf32>
          tpu.vector_store %arg32[%swap3A_405, %swap3A_406], %swap3A_409 {strides = array<i32>} : memref<80x128xf32, #tpu.memory_space<vmem>>, vector<1x16xf32>,
          %get3A_410 = arith.index_cast %scan3A_339 : i32 to index
          %get3A_411 = arith.constant 64 : index
          %get3A_412 = tpu.vector_load %arg32[%get3A_410, %get3A_411] {strides = array<i32>} : memref<80x128xf32, #tpu.memory_space<vmem>>, vector<1x16xf32>,
          %get3A_413 = vector.shape_cast %get3A_412 : vector<1x16xf32> to vector<16xf32>
          %slice3A_414 = vector.extract_strided_slice %exp3A {offsets = [4], sizes = [1], strides = [1]} : vector<16xf32> to vector<1xf32>
          %squeeze3A_415 = vector.extract %slice3A_414[0] : f32 from vector<1xf32>
          %mul3A_416 = vector.broadcast %squeeze3A_415 : f32 to vector<16xf32>
          %mul3A_417 = arith.mulf %get3A_413, %mul3A_416 : vector<16xf32>
          %swap3A_418 = arith.index_cast %scan3A_339 : i32 to index
          %swap3A_419 = arith.constant 64 : index
          %swap3A_420 = tpu.vector_load %arg32[%swap3A_418, %swap3A_419] {strides = array<i32>} : memref<80x128xf32, #tpu.memory_space<vmem>>, vector<1x16xf32>,
          %swap3A_421 = vector.shape_cast %swap3A_420 : vector<1x16xf32> to vector<16xf32>
          %swap3A_422 = vector.shape_cast %mul3A_417 : vector<16xf32> to vector<1x16xf32>
          tpu.vector_store %arg32[%swap3A_418, %swap3A_419], %swap3A_422 {strides = array<i32>} : memref<80x128xf32, #tpu.memory_space<vmem>>, vector<1x16xf32>,
          %get3A_423 = arith.index_cast %scan3A_339 : i32 to index
          %get3A_424 = arith.constant 80 : index
          %get3A_425 = tpu.vector_load %arg32[%get3A_423, %get3A_424] {strides = array<i32>} : memref<80x128xf32, #tpu.memory_space<vmem>>, vector<1x16xf32>,
          %get3A_426 = vector.shape_cast %get3A_425 : vector<1x16xf32> to vector<16xf32>
          %slice3A_427 = vector.extract_strided_slice %exp3A {offsets = [5], sizes = [1], strides = [1]} : vector<16xf32> to vector<1xf32>
          %squeeze3A_428 = vector.extract %slice3A_427[0] : f32 from vector<1xf32>
          %mul3A_429 = vector.broadcast %squeeze3A_428 : f32 to vector<16xf32>
          %mul3A_430 = arith.mulf %get3A_426, %mul3A_429 : vector<16xf32>
          %swap3A_431 = arith.index_cast %scan3A_339 : i32 to index
          %swap3A_432 = arith.constant 80 : index
          %swap3A_433 = tpu.vector_load %arg32[%swap3A_431, %swap3A_432] {strides = array<i32>} : memref<80x128xf32, #tpu.memory_space<vmem>>, vector<1x16xf32>,
          %swap3A_434 = vector.shape_cast %swap3A_433 : vector<1x16xf32> to vector<16xf32>
          %swap3A_435 = vector.shape_cast %mul3A_430 : vector<16xf32> to vector<1x16xf32>
          tpu.vector_store %arg32[%swap3A_431, %swap3A_432], %swap3A_435 {strides = array<i32>} : memref<80x128xf32, #tpu.memory_space<vmem>>, vector<1x16xf32>,
          %get3A_436 = arith.index_cast %scan3A_339 : i32 to index
          %get3A_437 = arith.constant 96 : index
          %get3A_438 = tpu.vector_load %arg32[%get3A_436, %get3A_437] {strides = array<i32>} : memref<80x128xf32, #tpu.memory_space<vmem>>, vector<1x16xf32>,
          %get3A_439 = vector.shape_cast %get3A_438 : vector<1x16xf32> to vector<16xf32>
          %slice3A_440 = vector.extract_strided_slice %exp3A {offsets = [6], sizes = [1], strides = [1]} : vector<16xf32> to vector<1xf32>
          %squeeze3A_441 = vector.extract %slice3A_440[0] : f32 from vector<1xf32>
          %mul3A_442 = vector.broadcast %squeeze3A_441 : f32 to vector<16xf32>
          %mul3A_443 = arith.mulf %get3A_439, %mul3A_442 : vector<16xf32>
          %swap3A_444 = arith.index_cast %scan3A_339 : i32 to index
          %swap3A_445 = arith.constant 96 : index
          %swap3A_446 = tpu.vector_load %arg32[%swap3A_444, %swap3A_445] {strides = array<i32>} : memref<80x128xf32, #tpu.memory_space<vmem>>, vector<1x16xf32>,
          %swap3A_447 = vector.shape_cast %swap3A_446 : vector<1x16xf32> to vector<16xf32>
          %swap3A_448 = vector.shape_cast %mul3A_443 : vector<16xf32> to vector<1x16xf32>
          tpu.vector_store %arg32[%swap3A_444, %swap3A_445], %swap3A_448 {strides = array<i32>} : memref<80x128xf32, #tpu.memory_space<vmem>>, vector<1x16xf32>,
          %get3A_449 = arith.index_cast %scan3A_339 : i32 to index
          %get3A_450 = arith.constant 112 : index
          %get3A_451 = tpu.vector_load %arg32[%get3A_449, %get3A_450] {strides = array<i32>} : memref<80x128xf32, #tpu.memory_space<vmem>>, vector<1x16xf32>,
          %get3A_452 = vector.shape_cast %get3A_451 : vector<1x16xf32> to vector<16xf32>
          %slice3A_453 = vector.extract_strided_slice %exp3A {offsets = [7], sizes = [1], strides = [1]} : vector<16xf32> to vector<1xf32>
          %squeeze3A_454 = vector.extract %slice3A_453[0] : f32 from vector<1xf32>
          %mul3A_455 = vector.broadcast %squeeze3A_454 : f32 to vector<16xf32>
          %mul3A_456 = arith.mulf %get3A_452, %mul3A_455 : vector<16xf32>
          %swap3A_457 = arith.index_cast %scan3A_339 : i32 to index
          %swap3A_458 = arith.constant 112 : index
          %swap3A_459 = tpu.vector_load %arg32[%swap3A_457, %swap3A_458] {strides = array<i32>} : memref<80x128xf32, #tpu.memory_space<vmem>>, vector<1x16xf32>,
          %swap3A_460 = vector.shape_cast %swap3A_459 : vector<1x16xf32> to vector<16xf32>
          %swap3A_461 = vector.shape_cast %mul3A_456 : vector<16xf32> to vector<1x16xf32>
          tpu.vector_store %arg32[%swap3A_457, %swap3A_458], %swap3A_461 {strides = array<i32>} : memref<80x128xf32, #tpu.memory_space<vmem>>, vector<1x16xf32>,
        }
        %scan3A_292 = arith.constant 80 : i32
        %dma_start3A_293 = arith.constant 0 : i32
        %dma_start3A_294 = arith.constant 0 : i32
        %dma_start3A_295 = tpu.memref_slice %arg47[%dma_start3A_293, %dma_start3A_294] : memref<10016x16xf32, #tpu.memory_space<vmem_shared>> -> memref<10016x16xf32, #tpu.memory_space<vmem_shared>>
        tpu.enqueue_indirect_dma source(%arg26 : memref<80x16xf32, #tpu.memory_space<vmem>>) target(%dma_start3A_295 : memref<10016x16xf32, #tpu.memory_space<vmem_shared>>) offsets(%arg23 : memref<80xi32, #tpu.memory_space<vmem>>) semaphore(%arg44 : memref<!tpu.dma_semaphore, #tpu.memory_space<semaphore_mem>>) {add = true}
        %dma_start3A_296 = arith.constant 0 : i32
        %dma_start3A_297 = arith.constant 0 : i32
        %dma_start3A_298 = tpu.memref_slice %arg46[%dma_start3A_296, %dma_start3A_297] : memref<10016x128xf32, #tpu.memory_space<vmem_shared>> -> memref<10016x128xf32, #tpu.memory_space<vmem_shared>>
        tpu.enqueue_indirect_dma source(%arg32 : memref<80x128xf32, #tpu.memory_space<vmem>>) target(%dma_start3A_298 : memref<10016x128xf32, #tpu.memory_space<vmem_shared>>) offsets(%arg23 : memref<80xi32, #tpu.memory_space<vmem>>) semaphore(%arg44 : memref<!tpu.dma_semaphore, #tpu.memory_space<semaphore_mem>>) {add = true}
        %mul3A_299 = arith.constant 6 : i32
        %mul3A_300 = arith.muli %scan3A_100, %mul3A_299 : i32
        %add3A_301 = arith.constant 5 : i32
        %add3A_302 = arith.addi %mul3A_300, %add3A_301 : i32
        %dma_wait3A_303 = arith.constant 0 : i32
        %dma_wait3A_304 = arith.constant 0 : i32
        %dma_wait3A_305 = tpu.memref_slice %arg4[%dma_wait3A_303, %dma_wait3A_304] : memref<10000x16xf32, #tpu.memory_space<hbm>> -> memref<10000x16xf32, #tpu.memory_space<hbm>>
        tpu.wait_indirect_dma semaphore(%arg42 : memref<!tpu.dma_semaphore, #tpu.memory_space<semaphore_mem>>) src(%dma_wait3A_305 : memref<10000x16xf32, #tpu.memory_space<hbm>>) dst(%arg27 : memref<80x16xf32, #tpu.memory_space<vmem>>)
        %dma_wait3A_306 = arith.constant 0 : i32
        %dma_wait3A_307 = arith.constant 0 : i32
        %dma_wait3A_308 = tpu.memref_slice %arg5[%dma_wait3A_306, %dma_wait3A_307] : memref<10000x16xf32, #tpu.memory_space<hbm>> -> memref<10000x16xf32, #tpu.memory_space<hbm>>
        tpu.wait_indirect_dma semaphore(%arg42 : memref<!tpu.dma_semaphore, #tpu.memory_space<semaphore_mem>>) src(%dma_wait3A_308 : memref<10000x16xf32, #tpu.memory_space<hbm>>) dst(%arg30 : memref<80x16xf32, #tpu.memory_space<vmem>>)
        %dma_wait3A_309 = arith.constant 0 : i32
        %dma_wait3A_310 = arith.constant 0 : i32
        %dma_wait3A_311 = tpu.memref_slice %arg6[%dma_wait3A_309, %dma_wait3A_310] : memref<10000x128xf32, #tpu.memory_space<hbm>> -> memref<10000x128xf32, #tpu.memory_space<hbm>>
        tpu.wait_indirect_dma semaphore(%arg42 : memref<!tpu.dma_semaphore, #tpu.memory_space<semaphore_mem>>) src(%dma_wait3A_311 : memref<10000x128xf32, #tpu.memory_space<hbm>>) dst(%arg33 : memref<80x128xf32, #tpu.memory_space<vmem>>)
        %ge3A_312 = arith.constant 2 : i32
        %ge3A_313 = arith.cmpi sge, %add3A_302, %ge3A_312 : i32
        %convert_element_type3A_314 = arith.extui %ge3A_313 : i1 to i32
        %cond3A_315 = arith.constant 0 : i32
        %cond3A_316 = arith.cmpi ne, %convert_element_type3A_314, %cond3A_315 : i32
        scf.if %cond3A_316 {
          %dma_wait3A_339 = arith.constant 0 : i32
          %dma_wait3A_340 = arith.constant 0 : i32
          %dma_wait3A_341 = tpu.memref_slice %arg47[%dma_wait3A_339, %dma_wait3A_340] : memref<10016x16xf32, #tpu.memory_space<vmem_shared>> -> memref<10016x16xf32, #tpu.memory_space<vmem_shared>>
          tpu.wait_indirect_dma semaphore(%arg43 : memref<!tpu.dma_semaphore, #tpu.memory_space<semaphore_mem>>) src(%arg25 : memref<80x16xf32, #tpu.memory_space<vmem>>) dst(%dma_wait3A_341 : memref<10016x16xf32, #tpu.memory_space<vmem_shared>>)
          %dma_wait3A_342 = arith.constant 0 : i32
          %dma_wait3A_343 = arith.constant 0 : i32
          %dma_wait3A_344 = tpu.memref_slice %arg46[%dma_wait3A_342, %dma_wait3A_343] : memref<10016x128xf32, #tpu.memory_space<vmem_shared>> -> memref<10016x128xf32, #tpu.memory_space<vmem_shared>>
          tpu.wait_indirect_dma semaphore(%arg43 : memref<!tpu.dma_semaphore, #tpu.memory_space<semaphore_mem>>) src(%arg31 : memref<80x128xf32, #tpu.memory_space<vmem>>) dst(%dma_wait3A_344 : memref<10016x128xf32, #tpu.memory_space<vmem_shared>>)
        } else {
        }
        %lt3A_317 = arith.constant 101 : i32
        %lt3A_318 = arith.cmpi slt, %add3A_302, %lt3A_317 : i32
        %convert_element_type3A_319 = arith.extui %lt3A_318 : i1 to i32
        %cond3A_320 = arith.constant 0 : i32
        %cond3A_321 = arith.cmpi ne, %convert_element_type3A_319, %cond3A_320 : i32
        scf.if %cond3A_321 {
          %dma_wait3A_339 = arith.constant 0 : i32
          %dma_wait3A_340 = tpu.memref_slice %arg2[%select_n3A, %dma_wait3A_339] : memref<4032x80xi32, #tpu.memory_space<hbm>> -> memref<1x80xi32, #tpu.memory_space<hbm>>
          %dma_wait3A_341 = tpu.memref_squeeze %dma_wait3A_340 : memref<1x80xi32, #tpu.memory_space<hbm>> -> memref<80xi32, #tpu.memory_space<hbm>>
          %dma_wait3A_342 = arith.constant 0 : i32
          %dma_wait3A_343 = tpu.memref_slice %arg2[%select_n3A, %dma_wait3A_342] : memref<4032x80xi32, #tpu.memory_space<hbm>> -> memref<1x80xi32, #tpu.memory_space<hbm>>
          %dma_wait3A_344 = tpu.memref_squeeze %dma_wait3A_343 : memref<1x80xi32, #tpu.memory_space<hbm>> -> memref<80xi32, #tpu.memory_space<hbm>>
          tpu.wait_dma2 semaphore(%arg34 : memref<!tpu.dma_semaphore, #tpu.memory_space<semaphore_mem>>) src(%dma_wait3A_344 : memref<80xi32, #tpu.memory_space<hbm>>) dst(%arg13 : memref<80xi32, #tpu.memory_space<vmem>>)
          %dma_wait3A_345 = arith.constant 0 : i32
          %dma_wait3A_346 = tpu.memref_slice %arg3[%select_n3A, %dma_wait3A_345] : memref<4032x80xi32, #tpu.memory_space<hbm>> -> memref<1x80xi32, #tpu.memory_space<hbm>>
          %dma_wait3A_347 = tpu.memref_squeeze %dma_wait3A_346 : memref<1x80xi32, #tpu.memory_space<hbm>> -> memref<80xi32, #tpu.memory_space<hbm>>
          %dma_wait3A_348 = arith.constant 0 : i32
          %dma_wait3A_349 = tpu.memref_slice %arg3[%select_n3A, %dma_wait3A_348] : memref<4032x80xi32, #tpu.memory_space<hbm>> -> memref<1x80xi32, #tpu.memory_space<hbm>>
          %dma_wait3A_350 = tpu.memref_squeeze %dma_wait3A_349 : memref<1x80xi32, #tpu.memory_space<hbm>> -> memref<80xi32, #tpu.memory_space<hbm>>
          tpu.wait_dma2 semaphore(%arg34 : memref<!tpu.dma_semaphore, #tpu.memory_space<semaphore_mem>>) src(%dma_wait3A_350 : memref<80xi32, #tpu.memory_space<hbm>>) dst(%arg19 : memref<80xi32, #tpu.memory_space<vmem>>)
          %dma_start3A_351 = arith.constant 0 : i32
          %dma_start3A_352 = arith.constant 0 : i32
          %dma_start3A_353 = tpu.memref_slice %arg4[%dma_start3A_351, %dma_start3A_352] : memref<10000x16xf32, #tpu.memory_space<hbm>> -> memref<10000x16xf32, #tpu.memory_space<hbm>>
          tpu.enqueue_indirect_dma source(%dma_start3A_353 : memref<10000x16xf32, #tpu.memory_space<hbm>>) target(%arg25 : memref<80x16xf32, #tpu.memory_space<vmem>>) offsets(%arg13 : memref<80xi32, #tpu.memory_space<vmem>>) semaphore(%arg40 : memref<!tpu.dma_semaphore, #tpu.memory_space<semaphore_mem>>)
          %dma_start3A_354 = arith.constant 0 : i32
          %dma_start3A_355 = arith.constant 0 : i32
          %dma_start3A_356 = tpu.memref_slice %arg5[%dma_start3A_354, %dma_start3A_355] : memref<10000x16xf32, #tpu.memory_space<hbm>> -> memref<10000x16xf32, #tpu.memory_space<hbm>>
          tpu.enqueue_indirect_dma source(%dma_start3A_356 : memref<10000x16xf32, #tpu.memory_space<hbm>>) target(%arg28 : memref<80x16xf32, #tpu.memory_space<vmem>>) offsets(%arg19 : memref<80xi32, #tpu.memory_space<vmem>>) semaphore(%arg40 : memref<!tpu.dma_semaphore, #tpu.memory_space<semaphore_mem>>)
          %dma_start3A_357 = arith.constant 0 : i32
          %dma_start3A_358 = arith.constant 0 : i32
          %dma_start3A_359 = tpu.memref_slice %arg6[%dma_start3A_357, %dma_start3A_358] : memref<10000x128xf32, #tpu.memory_space<hbm>> -> memref<10000x128xf32, #tpu.memory_space<hbm>>
          tpu.enqueue_indirect_dma source(%dma_start3A_359 : memref<10000x128xf32, #tpu.memory_space<hbm>>) target(%arg31 : memref<80x128xf32, #tpu.memory_space<vmem>>) offsets(%arg13 : memref<80xi32, #tpu.memory_space<vmem>>) semaphore(%arg40 : memref<!tpu.dma_semaphore, #tpu.memory_space<semaphore_mem>>)
        } else {
        }
        %lt3A_322 = arith.constant 100 : i32
        %lt3A_323 = arith.cmpi slt, %add3A_302, %lt3A_322 : i32
        %convert_element_type3A_324 = arith.extui %lt3A_323 : i1 to i32
        %cond3A_325 = arith.constant 0 : i32
        %cond3A_326 = arith.cmpi ne, %convert_element_type3A_324, %cond3A_325 : i32
        scf.if %cond3A_326 {
          %add3A_339 = arith.constant 2 : i32
          %add3A_340 = arith.addi %add3A_302, %add3A_339 : i32
          %add3A_341 = arith.addi %select_n3A, %add3A_340 : i32
          %dma_start3A_342 = arith.constant 0 : i32
          %dma_start3A_343 = tpu.memref_slice %arg2[%add3A_341, %dma_start3A_342] : memref<4032x80xi32, #tpu.memory_space<hbm>> -> memref<1x80xi32, #tpu.memory_space<hbm>>
          %dma_start3A_344 = tpu.memref_squeeze %dma_start3A_343 : memref<1x80xi32, #tpu.memory_space<hbm>> -> memref<80xi32, #tpu.memory_space<hbm>>
          %dma_start3A_345 = arith.constant 0 : i32
          %dma_start3A_346 = tpu.memref_slice %arg2[%add3A_341, %dma_start3A_345] : memref<4032x80xi32, #tpu.memory_space<hbm>> -> memref<1x80xi32, #tpu.memory_space<hbm>>
          %dma_start3A_347 = tpu.memref_squeeze %dma_start3A_346 : memref<1x80xi32, #tpu.memory_space<hbm>> -> memref<80xi32, #tpu.memory_space<hbm>>
          tpu.enqueue_dma source(%dma_start3A_347 : memref<80xi32, #tpu.memory_space<hbm>>) target(%arg14 : memref<80xi32, #tpu.memory_space<vmem>>) target_semaphore(%arg35 : memref<!tpu.dma_semaphore, #tpu.memory_space<semaphore_mem>>)
          %add3A_348 = arith.addi %select_n3A, %add3A_340 : i32
          %dma_start3A_349 = arith.constant 0 : i32
          %dma_start3A_350 = tpu.memref_slice %arg3[%add3A_348, %dma_start3A_349] : memref<4032x80xi32, #tpu.memory_space<hbm>> -> memref<1x80xi32, #tpu.memory_space<hbm>>
          %dma_start3A_351 = tpu.memref_squeeze %dma_start3A_350 : memref<1x80xi32, #tpu.memory_space<hbm>> -> memref<80xi32, #tpu.memory_space<hbm>>
          %dma_start3A_352 = arith.constant 0 : i32
          %dma_start3A_353 = tpu.memref_slice %arg3[%add3A_348, %dma_start3A_352] : memref<4032x80xi32, #tpu.memory_space<hbm>> -> memref<1x80xi32, #tpu.memory_space<hbm>>
          %dma_start3A_354 = tpu.memref_squeeze %dma_start3A_353 : memref<1x80xi32, #tpu.memory_space<hbm>> -> memref<80xi32, #tpu.memory_space<hbm>>
          tpu.enqueue_dma source(%dma_start3A_354 : memref<80xi32, #tpu.memory_space<hbm>>) target(%arg20 : memref<80xi32, #tpu.memory_space<vmem>>) target_semaphore(%arg35 : memref<!tpu.dma_semaphore, #tpu.memory_space<semaphore_mem>>)
        } else {
        }
        %scan3A_327 = arith.constant 0 : i32
        %scan3A_328 = arith.constant 0 : i32
        %scan3A_329 = arith.constant 80 : i32
        %scan3A_330 = arith.addi %scan3A_328, %scan3A_329 : i32
        %scan3A_331 = arith.constant 1 : i32
        scf.for %scan3A_339 = %scan3A_328 to %scan3A_330 step %scan3A_331  : i32 {
          %get3A = arith.index_cast %scan3A_339 : i32 to index
          %get3A_340 = arith.constant 0 : index
          %get3A_341 = tpu.vector_load %arg27[%get3A, %get3A_340] {strides = array<i32>} : memref<80x16xf32, #tpu.memory_space<vmem>>, vector<1x16xf32>,
          %get3A_342 = vector.shape_cast %get3A_341 : vector<1x16xf32> to vector<16xf32>
          %get3A_343 = arith.index_cast %scan3A_339 : i32 to index
          %get3A_344 = arith.constant 0 : index
          %get3A_345 = tpu.vector_load %arg30[%get3A_343, %get3A_344] {strides = array<i32>} : memref<80x16xf32, #tpu.memory_space<vmem>>, vector<1x16xf32>,
          %get3A_346 = vector.shape_cast %get3A_345 : vector<1x16xf32> to vector<16xf32>
          %add3A_347 = arith.addf %get3A_342, %get3A_346 : vector<16xf32>
          %max3A = arith.constant 0.000000e+00 : f32
          %max3A_348 = vector.broadcast %max3A : f32 to vector<16xf32>
          %max3A_349 = arith.maximumf %add3A_347, %max3A_348 : vector<16xf32>
          %min3A = arith.constant 0.000000e+00 : f32
          %min3A_350 = vector.broadcast %min3A : f32 to vector<16xf32>
          %min3A_351 = arith.minimumf %add3A_347, %min3A_350 : vector<16xf32>
          %mul3A_352 = arith.constant 2.000000e-01 : f32
          %mul3A_353 = vector.broadcast %mul3A_352 : f32 to vector<16xf32>
          %mul3A_354 = arith.mulf %mul3A_353, %min3A_351 : vector<16xf32>
          %add3A_355 = arith.addf %max3A_349, %mul3A_354 : vector<16xf32>
          %exp3A = math.exp %add3A_355 : vector<16xf32>
          %swap3A = arith.index_cast %scan3A_339 : i32 to index
          %swap3A_356 = arith.constant 0 : index
          %swap3A_357 = tpu.vector_load %arg27[%swap3A, %swap3A_356] {strides = array<i32>} : memref<80x16xf32, #tpu.memory_space<vmem>>, vector<1x16xf32>,
          %swap3A_358 = vector.shape_cast %swap3A_357 : vector<1x16xf32> to vector<16xf32>
          %swap3A_359 = vector.shape_cast %exp3A : vector<16xf32> to vector<1x16xf32>
          tpu.vector_store %arg27[%swap3A, %swap3A_356], %swap3A_359 {strides = array<i32>} : memref<80x16xf32, #tpu.memory_space<vmem>>, vector<1x16xf32>,
          %get3A_360 = arith.index_cast %scan3A_339 : i32 to index
          %get3A_361 = arith.constant 0 : index
          %get3A_362 = tpu.vector_load %arg33[%get3A_360, %get3A_361] {strides = array<i32>} : memref<80x128xf32, #tpu.memory_space<vmem>>, vector<1x16xf32>,
          %get3A_363 = vector.shape_cast %get3A_362 : vector<1x16xf32> to vector<16xf32>
          %slice3A = vector.extract_strided_slice %exp3A {offsets = [0], sizes = [1], strides = [1]} : vector<16xf32> to vector<1xf32>
          %squeeze3A = vector.extract %slice3A[0] : f32 from vector<1xf32>
          %mul3A_364 = vector.broadcast %squeeze3A : f32 to vector<16xf32>
          %mul3A_365 = arith.mulf %get3A_363, %mul3A_364 : vector<16xf32>
          %swap3A_366 = arith.index_cast %scan3A_339 : i32 to index
          %swap3A_367 = arith.constant 0 : index
          %swap3A_368 = tpu.vector_load %arg33[%swap3A_366, %swap3A_367] {strides = array<i32>} : memref<80x128xf32, #tpu.memory_space<vmem>>, vector<1x16xf32>,
          %swap3A_369 = vector.shape_cast %swap3A_368 : vector<1x16xf32> to vector<16xf32>
          %swap3A_370 = vector.shape_cast %mul3A_365 : vector<16xf32> to vector<1x16xf32>
          tpu.vector_store %arg33[%swap3A_366, %swap3A_367], %swap3A_370 {strides = array<i32>} : memref<80x128xf32, #tpu.memory_space<vmem>>, vector<1x16xf32>,
          %get3A_371 = arith.index_cast %scan3A_339 : i32 to index
          %get3A_372 = arith.constant 16 : index
          %get3A_373 = tpu.vector_load %arg33[%get3A_371, %get3A_372] {strides = array<i32>} : memref<80x128xf32, #tpu.memory_space<vmem>>, vector<1x16xf32>,
          %get3A_374 = vector.shape_cast %get3A_373 : vector<1x16xf32> to vector<16xf32>
          %slice3A_375 = vector.extract_strided_slice %exp3A {offsets = [1], sizes = [1], strides = [1]} : vector<16xf32> to vector<1xf32>
          %squeeze3A_376 = vector.extract %slice3A_375[0] : f32 from vector<1xf32>
          %mul3A_377 = vector.broadcast %squeeze3A_376 : f32 to vector<16xf32>
          %mul3A_378 = arith.mulf %get3A_374, %mul3A_377 : vector<16xf32>
          %swap3A_379 = arith.index_cast %scan3A_339 : i32 to index
          %swap3A_380 = arith.constant 16 : index
          %swap3A_381 = tpu.vector_load %arg33[%swap3A_379, %swap3A_380] {strides = array<i32>} : memref<80x128xf32, #tpu.memory_space<vmem>>, vector<1x16xf32>,
          %swap3A_382 = vector.shape_cast %swap3A_381 : vector<1x16xf32> to vector<16xf32>
          %swap3A_383 = vector.shape_cast %mul3A_378 : vector<16xf32> to vector<1x16xf32>
          tpu.vector_store %arg33[%swap3A_379, %swap3A_380], %swap3A_383 {strides = array<i32>} : memref<80x128xf32, #tpu.memory_space<vmem>>, vector<1x16xf32>,
          %get3A_384 = arith.index_cast %scan3A_339 : i32 to index
          %get3A_385 = arith.constant 32 : index
          %get3A_386 = tpu.vector_load %arg33[%get3A_384, %get3A_385] {strides = array<i32>} : memref<80x128xf32, #tpu.memory_space<vmem>>, vector<1x16xf32>,
          %get3A_387 = vector.shape_cast %get3A_386 : vector<1x16xf32> to vector<16xf32>
          %slice3A_388 = vector.extract_strided_slice %exp3A {offsets = [2], sizes = [1], strides = [1]} : vector<16xf32> to vector<1xf32>
          %squeeze3A_389 = vector.extract %slice3A_388[0] : f32 from vector<1xf32>
          %mul3A_390 = vector.broadcast %squeeze3A_389 : f32 to vector<16xf32>
          %mul3A_391 = arith.mulf %get3A_387, %mul3A_390 : vector<16xf32>
          %swap3A_392 = arith.index_cast %scan3A_339 : i32 to index
          %swap3A_393 = arith.constant 32 : index
          %swap3A_394 = tpu.vector_load %arg33[%swap3A_392, %swap3A_393] {strides = array<i32>} : memref<80x128xf32, #tpu.memory_space<vmem>>, vector<1x16xf32>,
          %swap3A_395 = vector.shape_cast %swap3A_394 : vector<1x16xf32> to vector<16xf32>
          %swap3A_396 = vector.shape_cast %mul3A_391 : vector<16xf32> to vector<1x16xf32>
          tpu.vector_store %arg33[%swap3A_392, %swap3A_393], %swap3A_396 {strides = array<i32>} : memref<80x128xf32, #tpu.memory_space<vmem>>, vector<1x16xf32>,
          %get3A_397 = arith.index_cast %scan3A_339 : i32 to index
          %get3A_398 = arith.constant 48 : index
          %get3A_399 = tpu.vector_load %arg33[%get3A_397, %get3A_398] {strides = array<i32>} : memref<80x128xf32, #tpu.memory_space<vmem>>, vector<1x16xf32>,
          %get3A_400 = vector.shape_cast %get3A_399 : vector<1x16xf32> to vector<16xf32>
          %slice3A_401 = vector.extract_strided_slice %exp3A {offsets = [3], sizes = [1], strides = [1]} : vector<16xf32> to vector<1xf32>
          %squeeze3A_402 = vector.extract %slice3A_401[0] : f32 from vector<1xf32>
          %mul3A_403 = vector.broadcast %squeeze3A_402 : f32 to vector<16xf32>
          %mul3A_404 = arith.mulf %get3A_400, %mul3A_403 : vector<16xf32>
          %swap3A_405 = arith.index_cast %scan3A_339 : i32 to index
          %swap3A_406 = arith.constant 48 : index
          %swap3A_407 = tpu.vector_load %arg33[%swap3A_405, %swap3A_406] {strides = array<i32>} : memref<80x128xf32, #tpu.memory_space<vmem>>, vector<1x16xf32>,
          %swap3A_408 = vector.shape_cast %swap3A_407 : vector<1x16xf32> to vector<16xf32>
          %swap3A_409 = vector.shape_cast %mul3A_404 : vector<16xf32> to vector<1x16xf32>
          tpu.vector_store %arg33[%swap3A_405, %swap3A_406], %swap3A_409 {strides = array<i32>} : memref<80x128xf32, #tpu.memory_space<vmem>>, vector<1x16xf32>,
          %get3A_410 = arith.index_cast %scan3A_339 : i32 to index
          %get3A_411 = arith.constant 64 : index
          %get3A_412 = tpu.vector_load %arg33[%get3A_410, %get3A_411] {strides = array<i32>} : memref<80x128xf32, #tpu.memory_space<vmem>>, vector<1x16xf32>,
          %get3A_413 = vector.shape_cast %get3A_412 : vector<1x16xf32> to vector<16xf32>
          %slice3A_414 = vector.extract_strided_slice %exp3A {offsets = [4], sizes = [1], strides = [1]} : vector<16xf32> to vector<1xf32>
          %squeeze3A_415 = vector.extract %slice3A_414[0] : f32 from vector<1xf32>
          %mul3A_416 = vector.broadcast %squeeze3A_415 : f32 to vector<16xf32>
          %mul3A_417 = arith.mulf %get3A_413, %mul3A_416 : vector<16xf32>
          %swap3A_418 = arith.index_cast %scan3A_339 : i32 to index
          %swap3A_419 = arith.constant 64 : index
          %swap3A_420 = tpu.vector_load %arg33[%swap3A_418, %swap3A_419] {strides = array<i32>} : memref<80x128xf32, #tpu.memory_space<vmem>>, vector<1x16xf32>,
          %swap3A_421 = vector.shape_cast %swap3A_420 : vector<1x16xf32> to vector<16xf32>
          %swap3A_422 = vector.shape_cast %mul3A_417 : vector<16xf32> to vector<1x16xf32>
          tpu.vector_store %arg33[%swap3A_418, %swap3A_419], %swap3A_422 {strides = array<i32>} : memref<80x128xf32, #tpu.memory_space<vmem>>, vector<1x16xf32>,
          %get3A_423 = arith.index_cast %scan3A_339 : i32 to index
          %get3A_424 = arith.constant 80 : index
          %get3A_425 = tpu.vector_load %arg33[%get3A_423, %get3A_424] {strides = array<i32>} : memref<80x128xf32, #tpu.memory_space<vmem>>, vector<1x16xf32>,
          %get3A_426 = vector.shape_cast %get3A_425 : vector<1x16xf32> to vector<16xf32>
          %slice3A_427 = vector.extract_strided_slice %exp3A {offsets = [5], sizes = [1], strides = [1]} : vector<16xf32> to vector<1xf32>
          %squeeze3A_428 = vector.extract %slice3A_427[0] : f32 from vector<1xf32>
          %mul3A_429 = vector.broadcast %squeeze3A_428 : f32 to vector<16xf32>
          %mul3A_430 = arith.mulf %get3A_426, %mul3A_429 : vector<16xf32>
          %swap3A_431 = arith.index_cast %scan3A_339 : i32 to index
          %swap3A_432 = arith.constant 80 : index
          %swap3A_433 = tpu.vector_load %arg33[%swap3A_431, %swap3A_432] {strides = array<i32>} : memref<80x128xf32, #tpu.memory_space<vmem>>, vector<1x16xf32>,
          %swap3A_434 = vector.shape_cast %swap3A_433 : vector<1x16xf32> to vector<16xf32>
          %swap3A_435 = vector.shape_cast %mul3A_430 : vector<16xf32> to vector<1x16xf32>
          tpu.vector_store %arg33[%swap3A_431, %swap3A_432], %swap3A_435 {strides = array<i32>} : memref<80x128xf32, #tpu.memory_space<vmem>>, vector<1x16xf32>,
          %get3A_436 = arith.index_cast %scan3A_339 : i32 to index
          %get3A_437 = arith.constant 96 : index
          %get3A_438 = tpu.vector_load %arg33[%get3A_436, %get3A_437] {strides = array<i32>} : memref<80x128xf32, #tpu.memory_space<vmem>>, vector<1x16xf32>,
          %get3A_439 = vector.shape_cast %get3A_438 : vector<1x16xf32> to vector<16xf32>
          %slice3A_440 = vector.extract_strided_slice %exp3A {offsets = [6], sizes = [1], strides = [1]} : vector<16xf32> to vector<1xf32>
          %squeeze3A_441 = vector.extract %slice3A_440[0] : f32 from vector<1xf32>
          %mul3A_442 = vector.broadcast %squeeze3A_441 : f32 to vector<16xf32>
          %mul3A_443 = arith.mulf %get3A_439, %mul3A_442 : vector<16xf32>
          %swap3A_444 = arith.index_cast %scan3A_339 : i32 to index
          %swap3A_445 = arith.constant 96 : index
          %swap3A_446 = tpu.vector_load %arg33[%swap3A_444, %swap3A_445] {strides = array<i32>} : memref<80x128xf32, #tpu.memory_space<vmem>>, vector<1x16xf32>,
          %swap3A_447 = vector.shape_cast %swap3A_446 : vector<1x16xf32> to vector<16xf32>
          %swap3A_448 = vector.shape_cast %mul3A_443 : vector<16xf32> to vector<1x16xf32>
          tpu.vector_store %arg33[%swap3A_444, %swap3A_445], %swap3A_448 {strides = array<i32>} : memref<80x128xf32, #tpu.memory_space<vmem>>, vector<1x16xf32>,
          %get3A_449 = arith.index_cast %scan3A_339 : i32 to index
          %get3A_450 = arith.constant 112 : index
          %get3A_451 = tpu.vector_load %arg33[%get3A_449, %get3A_450] {strides = array<i32>} : memref<80x128xf32, #tpu.memory_space<vmem>>, vector<1x16xf32>,
          %get3A_452 = vector.shape_cast %get3A_451 : vector<1x16xf32> to vector<16xf32>
          %slice3A_453 = vector.extract_strided_slice %exp3A {offsets = [7], sizes = [1], strides = [1]} : vector<16xf32> to vector<1xf32>
          %squeeze3A_454 = vector.extract %slice3A_453[0] : f32 from vector<1xf32>
          %mul3A_455 = vector.broadcast %squeeze3A_454 : f32 to vector<16xf32>
          %mul3A_456 = arith.mulf %get3A_452, %mul3A_455 : vector<16xf32>
          %swap3A_457 = arith.index_cast %scan3A_339 : i32 to index
          %swap3A_458 = arith.constant 112 : index
          %swap3A_459 = tpu.vector_load %arg33[%swap3A_457, %swap3A_458] {strides = array<i32>} : memref<80x128xf32, #tpu.memory_space<vmem>>, vector<1x16xf32>,
          %swap3A_460 = vector.shape_cast %swap3A_459 : vector<1x16xf32> to vector<16xf32>
          %swap3A_461 = vector.shape_cast %mul3A_456 : vector<16xf32> to vector<1x16xf32>
          tpu.vector_store %arg33[%swap3A_457, %swap3A_458], %swap3A_461 {strides = array<i32>} : memref<80x128xf32, #tpu.memory_space<vmem>>, vector<1x16xf32>,
        }
        %scan3A_332 = arith.constant 80 : i32
        %dma_start3A_333 = arith.constant 0 : i32
        %dma_start3A_334 = arith.constant 0 : i32
        %dma_start3A_335 = tpu.memref_slice %arg47[%dma_start3A_333, %dma_start3A_334] : memref<10016x16xf32, #tpu.memory_space<vmem_shared>> -> memref<10016x16xf32, #tpu.memory_space<vmem_shared>>
        tpu.enqueue_indirect_dma source(%arg27 : memref<80x16xf32, #tpu.memory_space<vmem>>) target(%dma_start3A_335 : memref<10016x16xf32, #tpu.memory_space<vmem_shared>>) offsets(%arg24 : memref<80xi32, #tpu.memory_space<vmem>>) semaphore(%arg45 : memref<!tpu.dma_semaphore, #tpu.memory_space<semaphore_mem>>) {add = true}
        %dma_start3A_336 = arith.constant 0 : i32
        %dma_start3A_337 = arith.constant 0 : i32
        %dma_start3A_338 = tpu.memref_slice %arg46[%dma_start3A_336, %dma_start3A_337] : memref<10016x128xf32, #tpu.memory_space<vmem_shared>> -> memref<10016x128xf32, #tpu.memory_space<vmem_shared>>
        tpu.enqueue_indirect_dma source(%arg33 : memref<80x128xf32, #tpu.memory_space<vmem>>) target(%dma_start3A_338 : memref<10016x128xf32, #tpu.memory_space<vmem_shared>>) offsets(%arg24 : memref<80xi32, #tpu.memory_space<vmem>>) semaphore(%arg45 : memref<!tpu.dma_semaphore, #tpu.memory_space<semaphore_mem>>) {add = true}
      }
      %scan3A_87 = arith.constant 17 : i32
      %dma_wait3A_88 = arith.constant 0 : i32
      %dma_wait3A_89 = arith.constant 0 : i32
      %dma_wait3A_90 = tpu.memref_slice %arg47[%dma_wait3A_88, %dma_wait3A_89] : memref<10016x16xf32, #tpu.memory_space<vmem_shared>> -> memref<10016x16xf32, #tpu.memory_space<vmem_shared>>
      tpu.wait_indirect_dma semaphore(%arg44 : memref<!tpu.dma_semaphore, #tpu.memory_space<semaphore_mem>>) src(%arg26 : memref<80x16xf32, #tpu.memory_space<vmem>>) dst(%dma_wait3A_90 : memref<10016x16xf32, #tpu.memory_space<vmem_shared>>)
      %dma_wait3A_91 = arith.constant 0 : i32
      %dma_wait3A_92 = arith.constant 0 : i32
      %dma_wait3A_93 = tpu.memref_slice %arg46[%dma_wait3A_91, %dma_wait3A_92] : memref<10016x128xf32, #tpu.memory_space<vmem_shared>> -> memref<10016x128xf32, #tpu.memory_space<vmem_shared>>
      tpu.wait_indirect_dma semaphore(%arg44 : memref<!tpu.dma_semaphore, #tpu.memory_space<semaphore_mem>>) src(%arg32 : memref<80x128xf32, #tpu.memory_space<vmem>>) dst(%dma_wait3A_93 : memref<10016x128xf32, #tpu.memory_space<vmem_shared>>)
      %dma_wait3A_94 = arith.constant 0 : i32
      %dma_wait3A_95 = arith.constant 0 : i32
      %dma_wait3A_96 = tpu.memref_slice %arg47[%dma_wait3A_94, %dma_wait3A_95] : memref<10016x16xf32, #tpu.memory_space<vmem_shared>> -> memref<10016x16xf32, #tpu.memory_space<vmem_shared>>
      tpu.wait_indirect_dma semaphore(%arg45 : memref<!tpu.dma_semaphore, #tpu.memory_space<semaphore_mem>>) src(%arg27 : memref<80x16xf32, #tpu.memory_space<vmem>>) dst(%dma_wait3A_96 : memref<10016x16xf32, #tpu.memory_space<vmem_shared>>)
      %dma_wait3A_97 = arith.constant 0 : i32
      %dma_wait3A_98 = arith.constant 0 : i32
      %dma_wait3A_99 = tpu.memref_slice %arg46[%dma_wait3A_97, %dma_wait3A_98] : memref<10016x128xf32, #tpu.memory_space<vmem_shared>> -> memref<10016x128xf32, #tpu.memory_space<vmem_shared>>
      tpu.wait_indirect_dma semaphore(%arg45 : memref<!tpu.dma_semaphore, #tpu.memory_space<semaphore_mem>>) src(%arg33 : memref<80x128xf32, #tpu.memory_space<vmem>>) dst(%dma_wait3A_99 : memref<10016x128xf32, #tpu.memory_space<vmem_shared>>)
    } else {
    }
    %barrier3A_21 = arith.constant 0 : index
    tpu.barrier barrier_id(%barrier3A_21)
    %eq3A_22 = arith.constant 0 : i32
    %eq3A_23 = arith.cmpi eq, %arg0, %eq3A_22 : i32
    %convert_element_type3A_24 = arith.extui %eq3A_23 : i1 to i32
    %cond3A_25 = arith.constant 0 : i32
    %cond3A_26 = arith.cmpi ne, %convert_element_type3A_24, %cond3A_25 : i32
    scf.if %cond3A_26 {
      %mul3A_32 = arith.constant 626 : i32
      %mul3A_33 = arith.muli %arg1, %mul3A_32 : i32
      %mul3A_34 = arith.constant 626 : i32
      %mul3A_35 = arith.muli %arg1, %mul3A_34 : i32
      "tpu.region"() ({
        %run_scoped3A = tpu.sem_alloc : memref<!tpu.dma_semaphore, #tpu.memory_space<semaphore_mem>>
        %dma_start3A = arith.constant 0 : i32
        %dma_start3A_40 = tpu.memref_slice %arg9[%mul3A_35, %dma_start3A] : memref<10016x128xf32, #tpu.memory_space<hbm>> -> memref<626x128xf32, #tpu.memory_space<hbm>>
        %dma_start3A_41 = arith.constant 0 : i32
        %dma_start3A_42 = tpu.memref_slice %arg46[%mul3A_33, %dma_start3A_41] : memref<10016x128xf32, #tpu.memory_space<vmem_shared>> -> memref<626x128xf32, #tpu.memory_space<vmem_shared>>
        tpu.enqueue_dma source(%dma_start3A_42 : memref<626x128xf32, #tpu.memory_space<vmem_shared>>) target(%dma_start3A_40 : memref<626x128xf32, #tpu.memory_space<hbm>>) target_semaphore(%run_scoped3A : memref<!tpu.dma_semaphore, #tpu.memory_space<semaphore_mem>>)
        %dma_wait3A = arith.constant 0 : i32
        %dma_wait3A_43 = tpu.memref_slice %arg9[%mul3A_35, %dma_wait3A] : memref<10016x128xf32, #tpu.memory_space<hbm>> -> memref<626x128xf32, #tpu.memory_space<hbm>>
        %dma_wait3A_44 = arith.constant 0 : i32
        %dma_wait3A_45 = tpu.memref_slice %arg46[%mul3A_33, %dma_wait3A_44] : memref<10016x128xf32, #tpu.memory_space<vmem_shared>> -> memref<626x128xf32, #tpu.memory_space<vmem_shared>>
        tpu.wait_dma2 semaphore(%run_scoped3A : memref<!tpu.dma_semaphore, #tpu.memory_space<semaphore_mem>>) src(%dma_wait3A_45 : memref<626x128xf32, #tpu.memory_space<vmem_shared>>) dst(%dma_wait3A_43 : memref<626x128xf32, #tpu.memory_space<hbm>>)
        tpu.yield
      }) : () -> ()
      %mul3A_36 = arith.constant 626 : i32
      %mul3A_37 = arith.muli %arg1, %mul3A_36 : i32
      %mul3A_38 = arith.constant 626 : i32
      %mul3A_39 = arith.muli %arg1, %mul3A_38 : i32
      "tpu.region"() ({
        %run_scoped3A = tpu.sem_alloc : memref<!tpu.dma_semaphore, #tpu.memory_space<semaphore_mem>>
        %dma_start3A = arith.constant 0 : i32
        %dma_start3A_40 = tpu.memref_slice %arg11[%mul3A_39, %dma_start3A] : memref<10016x16xf32, #tpu.memory_space<hbm>> -> memref<626x16xf32, #tpu.memory_space<hbm>>
        %dma_start3A_41 = arith.constant 0 : i32
        %dma_start3A_42 = tpu.memref_slice %arg47[%mul3A_37, %dma_start3A_41] : memref<10016x16xf32, #tpu.memory_space<vmem_shared>> -> memref<626x16xf32, #tpu.memory_space<vmem_shared>>
        tpu.enqueue_dma source(%dma_start3A_42 : memref<626x16xf32, #tpu.memory_space<vmem_shared>>) target(%dma_start3A_40 : memref<626x16xf32, #tpu.memory_space<hbm>>) target_semaphore(%run_scoped3A : memref<!tpu.dma_semaphore, #tpu.memory_space<semaphore_mem>>)
        %dma_wait3A = arith.constant 0 : i32
        %dma_wait3A_43 = tpu.memref_slice %arg11[%mul3A_39, %dma_wait3A] : memref<10016x16xf32, #tpu.memory_space<hbm>> -> memref<626x16xf32, #tpu.memory_space<hbm>>
        %dma_wait3A_44 = arith.constant 0 : i32
        %dma_wait3A_45 = tpu.memref_slice %arg47[%mul3A_37, %dma_wait3A_44] : memref<10016x16xf32, #tpu.memory_space<vmem_shared>> -> memref<626x16xf32, #tpu.memory_space<vmem_shared>>
        tpu.wait_dma2 semaphore(%run_scoped3A : memref<!tpu.dma_semaphore, #tpu.memory_space<semaphore_mem>>) src(%dma_wait3A_45 : memref<626x16xf32, #tpu.memory_space<vmem_shared>>) dst(%dma_wait3A_43 : memref<626x16xf32, #tpu.memory_space<hbm>>)
        tpu.yield
      }) : () -> ()
    } else {
    }
    %eq3A_27 = arith.constant 1 : i32
    %eq3A_28 = arith.cmpi eq, %arg0, %eq3A_27 : i32
    %convert_element_type3A_29 = arith.extui %eq3A_28 : i1 to i32
    %cond3A_30 = arith.constant 0 : i32
    %cond3A_31 = arith.cmpi ne, %convert_element_type3A_29, %cond3A_30 : i32
    scf.if %cond3A_31 {
      %mul3A_32 = arith.constant 626 : i32
      %mul3A_33 = arith.muli %arg1, %mul3A_32 : i32
      %mul3A_34 = arith.constant 626 : i32
      %mul3A_35 = arith.muli %arg1, %mul3A_34 : i32
      "tpu.region"() ({
        %run_scoped3A = tpu.sem_alloc : memref<!tpu.dma_semaphore, #tpu.memory_space<semaphore_mem>>
        %dma_start3A = arith.constant 0 : i32
        %dma_start3A_40 = tpu.memref_slice %arg10[%mul3A_35, %dma_start3A] : memref<10016x128xf32, #tpu.memory_space<hbm>> -> memref<626x128xf32, #tpu.memory_space<hbm>>
        %dma_start3A_41 = arith.constant 0 : i32
        %dma_start3A_42 = tpu.memref_slice %arg46[%mul3A_33, %dma_start3A_41] : memref<10016x128xf32, #tpu.memory_space<vmem_shared>> -> memref<626x128xf32, #tpu.memory_space<vmem_shared>>
        tpu.enqueue_dma source(%dma_start3A_42 : memref<626x128xf32, #tpu.memory_space<vmem_shared>>) target(%dma_start3A_40 : memref<626x128xf32, #tpu.memory_space<hbm>>) target_semaphore(%run_scoped3A : memref<!tpu.dma_semaphore, #tpu.memory_space<semaphore_mem>>)
        %dma_wait3A = arith.constant 0 : i32
        %dma_wait3A_43 = tpu.memref_slice %arg10[%mul3A_35, %dma_wait3A] : memref<10016x128xf32, #tpu.memory_space<hbm>> -> memref<626x128xf32, #tpu.memory_space<hbm>>
        %dma_wait3A_44 = arith.constant 0 : i32
        %dma_wait3A_45 = tpu.memref_slice %arg46[%mul3A_33, %dma_wait3A_44] : memref<10016x128xf32, #tpu.memory_space<vmem_shared>> -> memref<626x128xf32, #tpu.memory_space<vmem_shared>>
        tpu.wait_dma2 semaphore(%run_scoped3A : memref<!tpu.dma_semaphore, #tpu.memory_space<semaphore_mem>>) src(%dma_wait3A_45 : memref<626x128xf32, #tpu.memory_space<vmem_shared>>) dst(%dma_wait3A_43 : memref<626x128xf32, #tpu.memory_space<hbm>>)
        tpu.yield
      }) : () -> ()
      %mul3A_36 = arith.constant 626 : i32
      %mul3A_37 = arith.muli %arg1, %mul3A_36 : i32
      %mul3A_38 = arith.constant 626 : i32
      %mul3A_39 = arith.muli %arg1, %mul3A_38 : i32
      "tpu.region"() ({
        %run_scoped3A = tpu.sem_alloc : memref<!tpu.dma_semaphore, #tpu.memory_space<semaphore_mem>>
        %dma_start3A = arith.constant 0 : i32
        %dma_start3A_40 = tpu.memref_slice %arg12[%mul3A_39, %dma_start3A] : memref<10016x16xf32, #tpu.memory_space<hbm>> -> memref<626x16xf32, #tpu.memory_space<hbm>>
        %dma_start3A_41 = arith.constant 0 : i32
        %dma_start3A_42 = tpu.memref_slice %arg47[%mul3A_37, %dma_start3A_41] : memref<10016x16xf32, #tpu.memory_space<vmem_shared>> -> memref<626x16xf32, #tpu.memory_space<vmem_shared>>
        tpu.enqueue_dma source(%dma_start3A_42 : memref<626x16xf32, #tpu.memory_space<vmem_shared>>) target(%dma_start3A_40 : memref<626x16xf32, #tpu.memory_space<hbm>>) target_semaphore(%run_scoped3A : memref<!tpu.dma_semaphore, #tpu.memory_space<semaphore_mem>>)
        %dma_wait3A = arith.constant 0 : i32
        %dma_wait3A_43 = tpu.memref_slice %arg12[%mul3A_39, %dma_wait3A] : memref<10016x16xf32, #tpu.memory_space<hbm>> -> memref<626x16xf32, #tpu.memory_space<hbm>>
        %dma_wait3A_44 = arith.constant 0 : i32
        %dma_wait3A_45 = tpu.memref_slice %arg47[%mul3A_37, %dma_wait3A_44] : memref<10016x16xf32, #tpu.memory_space<vmem_shared>> -> memref<626x16xf32, #tpu.memory_space<vmem_shared>>
        tpu.wait_dma2 semaphore(%run_scoped3A : memref<!tpu.dma_semaphore, #tpu.memory_space<semaphore_mem>>) src(%dma_wait3A_45 : memref<626x16xf32, #tpu.memory_space<vmem_shared>>) dst(%dma_wait3A_43 : memref<626x16xf32, #tpu.memory_space<hbm>>)
        tpu.yield
      }) : () -> ()
    } else {
    }
    return
  }
}

</mosaic_0001>

<sc_bundles>
// kernel: _sc_edge.3.cloned.1.call-start
scs
__scs_entry_jumppad:
0x0: {  	(pc) =	sbr.rel $0x88, $3  }
0x1: {  	(tag) =	ssettag $0x0;
	lr =	simm.s32 $0x1  }
0x2: {  	[smem:$0x3F9A] =	sst lr;
	_ =	strace $0xD0000000  }
0x3: {  	_ = 	snop  }
0x4: {  	_ = 	snop  }
0x5: {  	_ = 	snop  }
0x6: {  	_ = 	snop  }
0x7: {  	_ = 	snop  }
__scs_overlays_trampoline_lowered:
0x8: {  	[smem:$0x3FA9] =	sst s0  }
0x9: {  	[smem:$0x3FAA] =	sst s1  }
0xa: {  	[smem:$0x3FAB] =	sst s2  }
0xb: {  	[smem:$0x3FAC] =	sst s3  }
0xc: {  	[smem:$0x3FAD] =	sst s4  }
0xd: {  	[smem:$0x3FAE] =	sst s5  }
0xe: {  	[smem:$0x3FAF] =	sst s6  }
0xf: {  	[smem:$0x3FB0] =	sst s7  }
0x10: {  	[smem:$0x3FB1] =	sst s8  }
0x11: {  	[smem:$0x3FB2] =	sst s9;
	s0 =	simm.s32 @!p0 $0x0  }
0x12: {  	s1 =	sld [smem:$0x3F98];
	s0 =	simm.s32 @p0 $0x1  }
0x13: {  	[smem:$0x3FB3] =	sst s0;
	s0 =	simm.s32 @!p1 $0x0  }
0x14: {  	s2 =	sld [smem:$0x3F97];
	s0 =	simm.s32 @p1 $0x1  }
0x15: {  	[smem:$0x3FB4] =	sst s0;
	s0 =	simm.s32 @!p2 $0x0  }
0x16: {  	s3 =	sld [smem:$0x3FDB];
	s0 =	simm.s32 @p2 $0x1  }
0x17: {  	s4 =	simm.s32 $0x1BF5;
	[smem:$0x3FB6] =	sst s0  }
0x18: {  	s0 =	sld [smem:$0x3F99];
	_ =	swait.ge [sflag:s4], $0x0  }
0x19: {  	s7 =	sld [smem:$0x3F9A]  }
0x1a: {  	s8 =	sadd.s32 $0xFFFFE003, lr  }
0x1b: {  	s9 =	sadd.s32 $0xFFFFFEF7, lr;
	s5 =	simm.s32 $0xFFFFFFFF;
	p2 =	slt.u32 s8, $0xFFFFF086  }
0x1c: {  	p1 =	slt.u32 s9, $0xF7A;
	s5 =	simm.s32 @!p2 $0x0  }
0x1d: {  	s5 =	simm.s32 @p1 $0x1;
	p0 =	seq.s32 s7, s2  }
0x1e: {  	s7 =	smul.u32 @!p0 $0xF7A, s2;
	p2 =	seq.s32 @!p0 s5, $0x0  }
0x1f: {  	s9 =	smul.u32 $0xF7A, s1;
	s8 =	simm.s32 @!p0 $0x1BF5;
	p2 =	por !p2, p0  }
0x20: {  	[sflag:s8] =	ssyncset.s32 @!p0 $0xFFFFF086;
	s6 =	sadd.s32 @!p0 s3, s7;
	s7 =	simm.s32 @!p0 $0x108  }
0x21: {  	s3 =	sadd.s32 s3, s9;
	s6 =	sadd.s32 @!p0 $0x88, s6;
	s7 =	simm.s32 @p2 $0x1082  }
0x22: {  	[simem:s7], [sflag:s8] =	dma.local @!p0 [hbm:s6], $0xF7A  }
0x23: {  	s9 =	sor.u32 $0xD0000000, s2;
	s6 =	simm.s32 $0x108;
	_ =	swait.ge @!p0 [sflag:s8], $0x0  }
0x24: {  	s3 =	sadd.s32 $0x88, s3;
	s6 =	simm.s32 @!p1 $0x1082;
	[sflag:s4] =	ssyncset.s32 $0xFFFFF086  }
0x25: {  	[simem:s6], [sflag:s4] =	dma.local [hbm:s3], $0xF7A  }
0x26: {  	[smem:$0x3F9A] =	sst s1;
	(tag) =	ssettag s2;
	_ =	strace s9  }
0x27: {  	s1 =	sld [smem:$0x3FAA]  }
0x28: {  	s2 =	sld [smem:$0x3FAB]  }
0x29: {  	s4 =	sld [smem:$0x3FAD]  }
0x2a: {  	p0 =	seq.s32 s5, $0x0;
	s5 =	sld [smem:$0x3FAE]  }
0x2b: {  	s6 =	sld [smem:$0x3FAF]  }
0x2c: {  	s7 =	sld [smem:$0x3FB0]  }
0x2d: {  	s3 =	simm.s32 $0x108;
	s8 =	sld [smem:$0x3FB1]  }
0x2e: {  	s3 =	simm.s32 @!p0 $0x1082;
	s9 =	sld [smem:$0x3FB2]  }
0x2f: {  	lr =	sadd.s32 s0, s3;
	s0 =	sld [smem:$0x3FA9]  }
0x30: {  	s3 =	sld [smem:$0x3FAC]  }
0x31: {  	[smem:$0x3FB5] =	sst s10  }
0x32: {  	s10 =	sld [smem:$0x3FB3];
	_ =	sdelay $0x3  }
0x33: {  	p0 =	seq.s32 s10, $0x1;
	s10 =	sld [smem:$0x3FB5];
	_ =	sdelay $0x3  }
0x34: {  	[smem:$0x3FB5] =	sst s10  }
0x35: {  	s10 =	sld [smem:$0x3FB4];
	_ =	sdelay $0x3  }
0x36: {  	p1 =	seq.s32 s10, $0x1;
	s10 =	sld [smem:$0x3FB5];
	_ =	sdelay $0x3  }
0x37: {  	[smem:$0x3FB5] =	sst s10  }
0x38: {  	s10 =	sld [smem:$0x3FB6]  }
0x39: {  	_ = 	snop;
	(pc) =	sbr.ind lr, $3  }
0x3a: {  	_ = 	snop  }
0x3b: {  	_ = 	snop  }
0x3c: {  	p2 =	seq.s32 s10, $0x1;
	s10 =	sld [smem:$0x3FB5]  }
0x3d: {  	_ =	shalt  }
0x3e: {  	_ =	shalt  }
0x3f: {  	_ =	shalt  }
0x40: {  	_ =	shalt  }
0x41: {  	_ =	shalt  }
0x42: {  	_ =	shalt  }
0x43: {  	_ =	shalt  }
0x44: {  	_ =	shalt  }
0x45: {  	_ =	shalt  }
0x46: {  	_ =	shalt  }
0x47: {  	_ =	shalt  }
0x48: {  	_ =	shalt  }
0x49: {  	_ =	shalt  }
0x4a: {  	_ =	shalt  }
0x4b: {  	_ =	shalt  }
0x4c: {  	_ =	shalt  }
0x4d: {  	_ =	shalt  }
0x4e: {  	_ =	shalt  }
0x4f: {  	_ =	shalt  }
0x50: {  	_ =	shalt  }
0x51: {  	_ =	shalt  }
0x52: {  	_ =	shalt  }
0x53: {  	_ =	shalt  }
0x54: {  	_ =	shalt  }
0x55: {  	_ =	shalt  }
0x56: {  	_ =	shalt  }
0x57: {  	_ =	shalt  }
0x58: {  	_ =	shalt  }
0x59: {  	_ =	shalt  }
0x5a: {  	_ =	shalt  }
0x5b: {  	_ =	shalt  }
0x5c: {  	_ =	shalt  }
0x5d: {  	_ =	shalt  }
0x5e: {  	_ =	shalt  }
0x5f: {  	_ =	shalt  }
0x60: {  	_ =	shalt  }
0x61: {  	_ =	shalt  }
0x62: {  	_ =	shalt  }
0x63: {  	_ =	shalt  }
0x64: {  	_ =	shalt  }
0x65: {  	_ =	shalt  }
0x66: {  	_ =	shalt  }
0x67: {  	_ =	shalt  }
0x68: {  	_ =	shalt  }
0x69: {  	_ =	shalt  }
0x6a: {  	_ =	shalt  }
0x6b: {  	_ =	shalt  }
0x6c: {  	_ =	shalt  }
0x6d: {  	_ =	shalt  }
0x6e: {  	_ =	shalt  }
0x6f: {  	_ =	shalt  }
0x70: {  	_ =	shalt  }
0x71: {  	_ =	shalt  }
0x72: {  	_ =	shalt  }
0x73: {  	_ =	shalt  }
0x74: {  	_ =	shalt  }
0x75: {  	_ =	shalt  }
0x76: {  	_ =	shalt  }
0x77: {  	_ =	shalt  }
0x78: {  	_ =	shalt  }
0x79: {  	_ =	shalt  }
0x7a: {  	_ =	shalt  }
0x7b: {  	_ =	shalt  }
0x7c: {  	_ =	shalt  }
0x7d: {  	_ =	shalt  }
0x7e: {  	_ =	shalt  }
0x7f: {  	_ =	shalt  }
0x80: {  	_ =	shalt  }
0x81: {  	_ =	shalt  }
0x82: {  	_ =	shalt  }
0x83: {  	_ =	shalt  }
0x84: {  	_ =	shalt  }
0x85: {  	_ =	shalt  }
0x86: {  	_ =	shalt  }
0x87: {  	_ =	shalt  }
.Lfunc_end0:
.L_simem_size_0:
called_computation_lowered:
.L_overlay_start_0:
0x88: {  	s2 =	sld [smem:$0x3FD9]  }
0x89: {  	s3 =	sld [smem:$0x3FFE];
	_ =	sdelay $0x1  }
0x8a: {  	s1 =	srdreg.scid  }
0x8b: {  	s0 =	sand.u32 $0x1, s1  }
0x8c: {  	s14 =	sshll.u32 s0, $0xA;
	s2 =	sadd.s32 s3, s2  }
0x8d: {  	s2 =	sadd.s32 s2, s14  }
0x8e: {  	[smem:$0x3FC1] =	sst s2  }
0x8f: {  	_ = 	snop  }
0x90: {  	s2 =	sld [smem:$0x3FD0];
	_ =	sdelay $0x1  }
0x91: {  	s15 =	sld [smem:$0x3FC5]  }
0x92: {  	s5 =	simm.s32 $0xA;
	s6 =	simm.s32 $0x10;
	s4 =	sld [smem:$0x3FC4]  }
0x93: {  	[smem:s6], [sflag:s5] =	dma.local [hbm:s2], $0x1  }
0x94: {  	_ =	swait.eq [sflag:s5], $0x1  }
0x95: {  	s16 =	sld [smem:$0x10]  }
0x96: {  	s17 =	sld [smem:$0x11];
	[sflag:s5] =	ssyncset.done $0x0  }
0x97: {  	s7 =	sld [smem:$0x12];
	[sflag:s5] =	ssyncadd.s32 $0xFFFFFFFF  }
0x98: {  	s18 =	sld [smem:$0x13];
	(tm) =	ssettm $0x1  }
0x99: {  	s8 =	sld [smem:$0x3FFB];
	_ =	sdelay $0x3  }
0x9a: {  	_ =	strace s8  }
0x9b: {  	s8 =	sld [smem:$0x3FFC];
	_ =	sdelay $0x3  }
0x9c: {  	_ =	strace s8  }
0x9d: {  	s8 =	sld [smem:$0x3FFD];
	_ =	sdelay $0x3  }
0x9e: {  	_ =	strace s8  }
0x9f: {  	_ =	strace $0x8FFFFFFF  }
0xa0: {  	s19 =	sld [smem:$0x3FDB];
	_ =	sdelay $0x1  }
0xa1: {  	s9 =	simm.s32 $_scs_section_size  }
0xa2: {  	s10 =	simm.s32 $_size__tile_overlayer_lowered;
	s11 =	simm.s32 $_tile_overlayer_lowered  }
0xa3: {  	s22 =	simm.s32 $0x1BFF;
	s21 =	sshll.u32 s11, $0x1;
	s8 =	sadd.s32 s9, s19  }
0xa4: {  	s12 =	simm.s32 $0x0;
	s20 =	sshll.u32 s10, $0x1;
	s10 =	sadd.s32 s21, s8  }
0xa5: {  	[timem:s12], [sflag:s22] =	dma.local [hbm:s10], s20  }
0xa6: {  	_ =	swait.ge [sflag:s22], s20  }
0xa7: {  	s9 =	ssub.s32 $0x0, s20;
	[sflag:s22] =	ssyncset.done $0x0  }
0xa8: {  	[sflag:s22] =	ssyncadd.s32 s9;
	_ =	sdelay $0x1  }
0xa9: {  	s23 =	simm.s32 $0x1B8B  }
0xaa: {  	_ =	swait.ge [sflag:s23], $0x1  }
0xab: {  	[sflag:s23] =	ssyncset.done $0x0  }
0xac: {  	s25 =	simm.s32 $0x1B8E;
	s24 =	sld [smem:$0x3FFE];
	[sflag:s23] =	ssyncadd.s32 $0xFFFFFFFF  }
0xad: {  	s26 =	simm.s32 $execute0_lowered;
	[smem:$0x3FD2] =	sst s25  }
0xae: {  	s10 =	sshll.u32 s26, $0x1;
	_ =	strace $0x80000046;
	[dreg:$0x1] =	wrdreg $0xFFFFFFFF  }
0xaf: {  	s28 =	simm.s32 $_size_execute0_lowered;
	s8 =	sadd.s32 s8, s10;
	[dreg:$0x0] =	wrdreg $0x0  }
0xb0: {  	s10 =	sshll.u32 s28, $0x1;
	[dreg:$0x2] =	wrdreg s8  }
0xb1: {  	[dreg:$0x3] =	wrdreg s10  }
0xb2: {  	[dreg:$0x4] =	wrdreg $0xC0  }
0xb3: {  	_ =	task [dreg:s12], $0x5FFFF  }
0xb4: {  	[dreg:$0x1] =	wrdreg $0xFFFFFFFF  }
0xb5: {  	[dreg:$0x0] =	wrdreg $0x60  }
0xb6: {  	[dreg:$0x2] =	wrdreg s24  }
0xb7: {  	[dreg:$0x3] =	wrdreg s18  }
0xb8: {  	[dreg:$0x4] =	wrdreg s7  }
0xb9: {  	[dreg:$0x5] =	wrdreg s15  }
0xba: {  	[dreg:$0x6] =	wrdreg s4  }
0xbb: {  	[dreg:$0x7] =	wrdreg s16  }
0xbc: {  	[dreg:$0x8] =	wrdreg s17  }
0xbd: {  	[dreg:$0x9] =	wrdreg $0x99C00  }
0xbe: {  	[dreg:$0xa] =	wrdreg $0x1D2C00  }
0xbf: {  	[dreg:$0xb] =	wrdreg $0x9  }
0xc0: {  	_ =	task.clear_ibuf [dreg:s12], $0xCFFFF;
	_ =	strace $0x90000046  }
0xc1: {  	s29 =	simm.s32 $0x9;
	_ =	strace $0x80000048  }
0xc2: {  	_ =	swait.ge [sflag:s29], $0x1  }
0xc3: {  	[sflag:s29] =	ssyncadd.s32 $0xFFFFFFFF  }
0xc4: {  	_ =	strace $0x90000048  }
0xc5: {  	_ =	sfence  }
0xc6: {  	s30 =	sld [smem:$0x0];
	_ =	sdelay $0x2  }
0xc7: {  	s31 =	sshll.u32 s1, $0xD;
	s1 =	sshrl.u32 s1, $0x2  }
0xc8: {  	s3 =	sand.u32 $0x4000, s31;
	s1 =	sadd.s32 s1, s30  }
0xc9: {  	s0 =	sor.u32 s3, s0;
	s1 =	sshll.u32 s1, $0x11  }
0xca: {  	s0 =	sor.u32 s1, s0  }
0xcb: {  	s0 =	sadd.s32 $0x8F2B, s0  }
0xcc: {  	[sflag:s0] =	ssyncadd.remote.s32 $0x1  }
0xcd: {  	_ =	sfence.sel $0xFFFF  }
0xce: {  	[dreg:$0x0] =	wrdreg $0xFFFFFFFF;
	(pc) =	sbr.abs _section_cstart, $3  }
0xcf: {  	[dreg:$0x1] =	wrdreg $0xFFFFFFFF  }
0xd0: {  	_ =	task.clear_ibuf [dreg:s12], $0x2FFFF;
	_ =	strace $0x9FFFFFFF  }
0xd1: {  	(tm) =	ssettm $0x7FFFFFFF  }
tec
execute0_lowered:
.L_overlay_start_1:
0x0: {  	(tag) =	ssettag $0x1  }
0x1: {  	s2 =	rddreg [dreg:$0x0]  }
0x2: {  	s0 =	rddreg [dreg:$0x1]  }
0x3: {  	s1 =	rddreg [dreg:$0x2]  }
0x4: {  	s3 =	rddreg [dreg:$0x3]  }
0x5: {  	s4 =	rddreg [dreg:$0x4]  }
0x6: {  	s7 =	rddreg [dreg:$0x7]  }
0x7: {  	s8 =	rddreg [dreg:$0x8];
	s20 =	simm.s32 $0x0;
	s17 =	stileid.u32  }
0x8: {  	s9 =	srdreg.scid;
	s31 =	simm.s32 $0x2D0;
	s28 =	simm.s32 $0xA  }
0x9: {  	s29 =	simm.s32 $0x4;
	s30 =	simm.s32 $0x6;
	[smem:$0x7FF] =	sst s20  }
0xa: {  	s5 =	smul.u32 $0x2720, s17;
	s10 =	sadd.s32 $0x1200, s2;
	s11 =	sadd.s32 $0xB000, s2  }
0xb: {  	s12 =	smul.u32 $0x66, s17;
	s13 =	sadd.s32 $0x19E00, s2;
	s9 =	sand.u32 $0x1, s9  }
0xc: {  	s15 =	smul.u32 $0x13900, s17;
	s21 =	sshll.u32 s17, $0x6;
	_ =	strace $0x80000047  }
0xd: {  	[dreg:$0xc] =	wrdreg s13;
	s13 =	smul.u32 $0x96, s17;
	s14 =	ssub.s32 $0x2, s9  }
0xe: {  	p0 =	seq.s32 s9, $0x0;
	s6 =	sshrl.u32 s5, $0x3;
	s12 =	sadd.s32 $0x960, s12  }
0xf: {  	s18 =	sshrl.u32 s14, $0x1;
	s19 =	sadd.s32 s15, s7;
	[dreg:$0xb] =	wrdreg s6  }
0x10: {  	s15 =	sshrl.u32 s15, $0x3;
	s5 =	sadd.s32 s5, s8;
	[dreg:$0xe] =	wrdreg s19  }
0x11: {  	s6 =	sadd.s32 s6, s2;
	s2 =	sadd.s32 $0x1EE00, s2;
	[dreg:$0xf] =	wrdreg s15  }
0x12: {  	s16 =	smov.u32 s12;
	s22 =	smul.u32 $0x50, s12;
	[dreg:$0x12] =	wrdreg s5  }
0x13: {  	s4 =	sadd.s32 s4, s15;
	s23 =	smul.u32 $0xA, s12;
	[dreg:$0xd] =	wrdreg s2  }
0x14: {  	s2 =	ssub.s32 s14, s18;
	[dreg:$0x10] =	wrdreg s4;
	s24 =	sadd.s32 $0x14E00, s6  }
0x15: {  	s16 =	smov.u32 @p0 s13;
	s13 =	sor.u32 $0x1C0D, s21;
	[dreg:$0x13] =	wrdreg s24  }
0x16: {  	p0 =	sne.s32 s9, $0x0;
	s26 =	sadd.s32 s10, s23;
	[dreg:$0x11] =	wrdreg s13  }
0x17: {  	s18 =	smul.u32 $0x2EE0, s17;
	s4 =	sadd.s32 s11, s23;
	[dreg:$0x14] =	wrdreg s26  }
0x18: {  	s6 =	simm.s32 $0xC;
	s14 =	sadd.s32 $0x2, s16;
	[dreg:$0x15] =	wrdreg s4  }
0x19: {  	s25 =	sshrl.u32 s22, $0x3;
	s15 =	sadd.s32 $0x3, s16;
	[dreg:$0x18] =	wrdreg s14  }
0x1a: {  	s19 =	sadd.s32 $0x4, s16;
	s21 =	sadd.s32 $0x5, s16;
	[dreg:$0x19] =	wrdreg s15  }
0x1b: {  	s22 =	smul.u32 $0x5DC, s17;
	s23 =	sadd.s32 $0x6, s16;
	[dreg:$0x1a] =	wrdreg s19  }
0x1c: {  	s24 =	sadd.s32 $0x7, s16;
	s2 =	smax.u32 s2, $0x1;
	[dreg:$0x1b] =	wrdreg s21  }
0x1d: {  	s17 =	simm.s32 $0xD;
	s16 =	simm.s32 $0x8;
	[dreg:$0x1c] =	wrdreg s23  }
0x1e: {  	s5 =	sadd.s32 $0xA, s25;
	[dreg:$0x1d] =	wrdreg s24;
	s4 =	sshrl.u32 s18, $0x3  }
0x1f: {  	[smem:$0x7FD] =	sst s2;
	s24 =	simm.s32 $0x50;
	s15 =	simm.s32 $0x2  }
0x20: {  	s14 =	simm.s32 $0x3;
	s18 =	simm.s32 $0x320;
	s9 =	sadd.s32 s10, s5  }
0x21: {  	s19 =	simm.s32 $0xB;
	s12 =	sadd.s32 s11, s5;
	[dreg:$0x16] =	wrdreg s9  }
0x22: {  	s21 =	simm.s32 $0x370;
	s25 =	sadd.s32 s10, s22;
	[dreg:$0x17] =	wrdreg s12  }
.Ltmp0:
0x23: {  	s5 =	sadd.s32 s11, s22;
	[dreg:$0x1e] =	wrdreg s25;
	(pc) =	sbr.rel .LBB2_1-.Ltmp0, $4  }
0x24: {  	s4 =	sadd.s32 $0xA, s4;
	s22 =	simm.s32 $0x5;
	[dreg:$0x1f] =	wrdreg s5  }
0x25: {  	s26 =	sadd.s32 s10, s4;
	s4 =	sadd.s32 s11, s4;
	s12 =	simm.s32 $0x230  }
0x26: {  	s5 =	simm.s32 $0x7;
	s9 =	simm.s32 $0x280;
	[smem:$0x7FB] =	sst s26  }
0x27: {  	s25 =	simm.s32 $0x190;
	[smem:$0x7FC] =	sst s4;
	s26 =	simm.s32 $0x9  }
.LBB2_32:
0x28: {  	_ =	swait.ge [sflag:s19], $0x500  }
0x29: {  	[sflag:s19] =	ssyncset.done $0x0  }
0x2a: {  	[sflag:s19] =	ssyncadd.s32 $0xFFFFFB00  }
0x2b: {  	_ =	swait.ge [sflag:s19], $0x2800  }
0x2c: {  	[sflag:s19] =	ssyncset.done $0x0  }
0x2d: {  	[sflag:s19] =	ssyncadd.s32 $0xFFFFD800  }
0x2e: {  	_ =	swait.ge [sflag:s6], $0x500  }
0x2f: {  	[sflag:s6] =	ssyncset.done $0x0  }
0x30: {  	[sflag:s6] =	ssyncadd.s32 $0xFFFFFB00  }
0x31: {  	_ =	swait.ge [sflag:s6], $0x2800  }
0x32: {  	[sflag:s6] =	ssyncset.done $0x0  }
0x33: {  	[sflag:s6] =	ssyncadd.s32 $0xFFFFD800  }
0x34: {  	s13 =	rddreg [dreg:$0xf];
	[bflag:$0x0] =	sbarrier.arrive $0xFFFF  }
0x35: {  	s17 =	sld [smem:$0x7F9];
	_ =	sdelay $0x1  }
0x36: {  	s4 =	sadd.s32 s4, s13;
	s13 =	rddreg [dreg:$0x11]  }
0x37: {  	[hbm:s4], [sflag:s13] =	dma.local [spmem:s17], $0x2720  }
0x38: {  	s17 =	simm.s32 $0xD  }
0x39: {  	_ =	swait.ge [sflag:s17], $0x2720  }
0x3a: {  	s23 =	rddreg [dreg:$0xb]  }
0x3b: {  	s2 =	sadd.s32 s2, s23;
	s23 =	sld [smem:$0x7FA]  }
0x3c: {  	[sflag:s17] =	ssyncset.done $0x0  }
0x3d: {  	[sflag:s17] =	ssyncadd.s32 $0xFFFFD8E0  }
0x3e: {  	[hbm:s2], [sflag:s13] =	dma.local [spmem:s23], $0x4E4  }
0x3f: {  	_ =	swait.ge [sflag:s17], $0x4E4  }
0x40: {  	s23 =	sld [smem:$0x7FD];
	_ =	sdelay $0x1  }
0x41: {  	s20 =	sadd.s32 $0x1, s20  }
0x42: {  	p1 =	sne.s32 s20, s23  }
.Ltmp1:
0x43: {  	_ = 	snop;
	(pc) =	sbr.rel @!p1 .LBB2_33-.Ltmp1, $3  }
0x44: {  	_ =	sdelay $0x1  }
0x45: {  	[sflag:s17] =	ssyncset.done $0x0  }
0x46: {  	[sflag:s17] =	ssyncadd.s32 $0xFFFFFB1C  }
.LBB2_1:
0x47: {  	[dreg:$0xa] =	wrdreg s20  }
0x48: {  	s2 =	rddreg [dreg:$0xe]  }
0x49: {  	s23 =	rddreg [dreg:$0x10];
	s4 =	sshrl.u32 s2, $0x3  }
0x4a: {  	[smem:$0x7F9] =	sst s4  }
0x4b: {  	[spmem:s4], [sflag:s13] =	dma.local [hbm:s23], $0x2720  }
0x4c: {  	_ =	swait.ge [sflag:s17], $0x2720  }
0x4d: {  	s4 =	rddreg [dreg:$0x12]  }
0x4e: {  	[sflag:s17] =	ssyncset.done $0x0;
	s23 =	rddreg [dreg:$0x13];
	s20 =	sshrl.u32 s4, $0x3  }
0x4f: {  	[sflag:s17] =	ssyncadd.s32 $0xFFFFD8E0;
	[smem:$0x7FA] =	sst s20  }
0x50: {  	[spmem:s20], [sflag:s13] =	dma.local [hbm:s23], $0x4E4  }
.Ltmp2:
0x51: {  	_ =	swait.ge [sflag:s17], $0x4E4;
	(pc) =	sbr.rel @p0 .LBB2_17-.Ltmp2, $4  }
0x52: {  	[sflag:s17] =	ssyncset.done $0x0  }
0x53: {  	[sflag:s17] =	ssyncadd.s32 $0xFFFFFB1C  }
0x54: {  	[bflag:$0x0] =	sbarrier.arrive $0xFFFF  }
0x55: {  	s13 =	simm.s32 $0x0  }
0x56: {  	s2 =	rddreg [dreg:$0x1e]  }
0x57: {  	s23 =	rddreg [dreg:$0x1f]  }
0x58: {  	[tilespmem:s13], [sflag:$0x1] =	stream.linear.gather [hbm4b:s2+s13], $0x50, $0x38;
	[tilespmem:$0x1F9E0] =	vst v63  }
0x59: {  	s4 =	simm.s32 $0x1E0;
	s17 =	sld [smem:$0x7FB]  }
0x5a: {  	[tilespmem:s4], [sflag:$0x1] =	stream.linear.gather [hbm4b:s23+s13], $0x50, $0x38;
	[tilespmem:$0x1F9E0] =	vst v63  }
0x5b: {  	s20 =	sld [smem:$0x7FC]  }
0x5c: {  	[tilespmem:s24], [sflag:$0x2] =	stream.linear.gather [hbm4b:s17+s13], $0x50, $0x38;
	[tilespmem:$0x1F9E0] =	vst v63  }
0x5d: {  	s23 =	simm.s32 $0x1  }
0x5e: {  	[tilespmem:s12], [sflag:$0x2] =	stream.linear.gather [hbm4b:s20+s13], $0x50, $0x38;
	[tilespmem:$0x1F9E0] =	vst v63  }
0x5f: {  	_ =	swait.ge [sflag:s23], $0x50  }
0x60: {  	[sflag:s23] =	ssyncset.done $0x0  }
0x61: {  	[sflag:s23] =	ssyncadd.s32 $0xFFFFFFB0  }
0x62: {  	_ =	swait.ge [sflag:s23], $0x50  }
0x63: {  	[sflag:s23] =	ssyncset.done $0x0  }
0x64: {  	s20 =	simm.s32 $0x3C0;
	[sflag:s23] =	ssyncadd.s32 $0xFFFFFFB0  }
0x65: {  	[tilespmem:s20], [sflag:$0x7] =	stream.indirect.gather [hbm4b:s0+s24], $0x10, s13, s24, $0xb8;
	[tilespmem:$0x1F9E0] =	vst v63  }
0x66: {  	s17 =	simm.s32 $0x12C0  }
0x67: {  	[tilespmem:s17], [sflag:$0x7] =	stream.indirect.gather [hbm4b:s1+s24], $0x10, s4, s24, $0xb8;
	[tilespmem:$0x1F9E0] =	vst v63  }
0x68: {  	s23 =	simm.s32 $0x21C0  }
0x69: {  	[tilespmem:s23], [sflag:$0x7] =	stream.indirect.gather [hbm4b:s3+s24], $0x80, s13, s24, $0xb8;
	[tilespmem:$0x1F9E0] =	vst v63  }
0x6a: {  	s23 =	simm.s32 $0x0  }
.LBB2_3:
0x6b: {  	_ =	swait.ge [sflag:s5], $0x500  }
0x6c: {  	[sflag:s5] =	ssyncset.done $0x0  }
0x6d: {  	[sflag:s5] =	ssyncadd.s32 $0xFFFFFB00  }
0x6e: {  	_ =	swait.ge [sflag:s5], $0x500  }
0x6f: {  	[sflag:s5] =	ssyncset.done $0x0  }
0x70: {  	[sflag:s5] =	ssyncadd.s32 $0xFFFFFB00  }
0x71: {  	_ =	swait.ge [sflag:s5], $0x2800  }
0x72: {  	p1 =	seq.s32 s23, $0x0;
	[sflag:s5] =	ssyncset.done $0x0  }
0x73: {  	s2 =	simm.s32 @!p1 $0xB;
	[sflag:s5] =	ssyncadd.s32 $0xFFFFD800  }
0x74: {  	_ =	swait.ge @!p1 [sflag:s2], $0x500  }
0x75: {  	[sflag:s2] =	ssyncset.done @!p1 $0x0  }
0x76: {  	[sflag:s2] =	ssyncadd.s32 @!p1 $0xFFFFFB00  }
0x77: {  	_ =	swait.ge @!p1 [sflag:s2], $0x2800  }
0x78: {  	[sflag:s2] =	ssyncset.done @!p1 $0x0  }
0x79: {  	[sflag:s2] =	ssyncadd.s32 @!p1 $0xFFFFD800  }
0x7a: {  	_ =	swait.ge [sflag:s15], $0x50  }
0x7b: {  	[sflag:s15] =	ssyncset.done $0x0  }
0x7c: {  	[sflag:s15] =	ssyncadd.s32 $0xFFFFFFB0  }
0x7d: {  	_ =	swait.ge [sflag:s15], $0x50  }
0x7e: {  	[sflag:s15] =	ssyncset.done $0x0  }
0x7f: {  	s17 =	simm.s32 $0x8C0;
	[sflag:s15] =	ssyncadd.s32 $0xFFFFFFB0  }
0x80: {  	[tilespmem:s17], [sflag:$0x8] =	stream.indirect.gather [hbm4b:s0+s24], $0x10, s24, s24, $0xb8;
	[tilespmem:$0x1F9E0] =	vst v63  }
0x81: {  	s13 =	smul.u32 $0x6, s23;
	s4 =	simm.s32 $0x17C0  }
0x82: {  	[tilespmem:s4], [sflag:$0x8] =	stream.indirect.gather [hbm4b:s1+s24], $0x10, s12, s24, $0xb8;
	[tilespmem:$0x1F9E0] =	vst v63  }
0x83: {  	s12 =	rddreg [dreg:$0x18]  }
0x84: {  	s2 =	sadd.s32 s13, s12  }
0x85: {  	s4 =	simm.s32 $0x49C0;
	s2 =	smul.u32 $0xA, s2  }
0x86: {  	[tilespmem:s4], [sflag:$0x8] =	stream.indirect.gather [hbm4b:s3+s24], $0x80, s24, s24, $0xb8;
	[tilespmem:$0x1F9E0] =	vst v63  }
0x87: {  	s17 =	simm.s32 $0x0;
	s12 =	simm.s32 $0xA0;
	s4 =	sadd.s32 s10, s2  }
0x88: {  	[tilespmem:s12], [sflag:$0x3] =	stream.linear.gather [hbm4b:s4+s17], $0x50, $0x38;
	[tilespmem:$0x1F9E0] =	vst v63  }
0x89: {  	s2 =	sadd.s32 s11, s2  }
0x8a: {  	[tilespmem:s9], [sflag:$0x3] =	stream.linear.gather [hbm4b:s2+s17], $0x50, $0x38;
	[tilespmem:$0x1F9E0] =	vst v63  }
0x8b: {  	s17 =	simm.s32 $0x0  }
0x8c: {  	v0 =	vld [tilespmem:s17+$0x12C0]  }
0x8d: {  	v1 =	vld [tilespmem:s17+$0x3C0];
	_ =	sdelay $0x4  }
0x8e: {  	v0 =	vadd.f32 v0, v1;
	_ =	sdelay $0x1  }
0x8f: {  	v1 =	vmin.f32 v0, $0.0e+00  }
0x90: {  	v1 =	vmul.f32 $2.000000030e-01, v1  }
0x91: {  	v0 =	vmax.f32 v0, $0.0e+00  }
0x92: {  	v0 =	vadd.f32 v1, v0;
	_ =	sdelay $0x1  }
0x93: {  	v0 =	vmul.f32 $1.442695020e+00, v0;
	_ =	sdelay $0x1  }
0x94: {  	(erf) = vpow2.f32 v0;
	_ =	sdelay $0x8  }
0x95: {  	v0 =	vpop (erf)  }
0x96: {  	s2 =	simm.s32 $0x2200;
	[tilespmem:s17+$0x3C0] =	vst v0  }
0x97: {  	v1 =	vld [tilespmem:s2+$0x30]  }
0x98: {  	v2 =	vld [tilespmem:s2+$0x20]  }
0x99: {  	v3 =	vld [tilespmem:s2+$0x10]  }
0x9a: {  	v4 =	vbroadcast v0, $0x7;
	v5 =	vld [tilespmem:s2+$0x0]  }
0x9b: {  	v6 =	vbroadcast v0, $0x6;
	v7 =	vld [tilespmem:s2+$0xFFFFFFF0]  }
0x9c: {  	v8 =	vbroadcast v0, $0x5;
	v9 =	vld [tilespmem:s2+$0xFFFFFFE0];
	v1 =	vmul.f32 v1, v4  }
0x9d: {  	v61 =	vbroadcast v0, $0x4;
	v10 =	vld [tilespmem:s2+$0xFFFFFFD0];
	v2 =	vmul.f32 v2, v6  }
0x9e: {  	v62 =	vbroadcast v0, $0x3;
	v11 =	vld [tilespmem:s2+$0xFFFFFFC0];
	v3 =	vmul.f32 v3, v8;
	[tilespmem:s2+$0x30] =	vst v1  }
0x9f: {  	v4 =	vmul.f32 v5, v61;
	v1 =	vbroadcast v0, $0x2;
	[tilespmem:s2+$0x20] =	vst v2  }
0xa0: {  	v63 =	vmul.f32 v7, v62;
	v2 =	vbroadcast v0, $0x1;
	[tilespmem:s2+$0x10] =	vst v3  }
0xa1: {  	v0 =	vbroadcast v0, $0x0;
	[tilespmem:s2+$0x0] =	vst v4;
	v1 =	vmul.f32 v1, v9  }
0xa2: {  	[tilespmem:s2+$0xFFFFFFF0] =	vst v63;
	v2 =	vmul.f32 v2, v10  }
0xa3: {  	v0 =	vmul.f32 v0, v11;
	[tilespmem:s2+$0xFFFFFFE0] =	vst v1  }
0xa4: {  	[tilespmem:s2+$0xFFFFFFD0] =	vst v2  }
0xa5: {  	s17 =	simm.s32 $0x10;
	[tilespmem:s2+$0xFFFFFFC0] =	vst v0  }
0xa6: {  	s4 =	simm.s32 $0x80;
	v0 =	vld [tilespmem:s17+$0x12C0]  }
.LBB2_4:
0xa7: {  	p2 =	sne.s32 s4, $0x13C0;
	v1 =	vld [tilespmem:s17+$0x3C0];
	_ =	sdelay $0x4  }
0xa8: {  	v0 =	vadd.f32 v0, v1;
	_ =	sdelay $0x1  }
0xa9: {  	v1 =	vmin.f32 v0, $0.0e+00  }
0xaa: {  	v1 =	vmul.f32 $2.000000030e-01, v1  }
0xab: {  	v0 =	vmax.f32 v0, $0.0e+00  }
0xac: {  	v0 =	vadd.f32 v1, v0;
	_ =	sdelay $0x1  }
0xad: {  	v0 =	vmul.f32 $1.442695020e+00, v0;
	_ =	sdelay $0x1  }
0xae: {  	(erf) = vpow2.f32 v0;
	_ =	sdelay $0x8  }
0xaf: {  	v0 =	vpop (erf)  }
0xb0: {  	s2 =	sadd.s32 $0x80, s2;
	[tilespmem:s17+$0x3C0] =	vst v0;
	v1 =	vbroadcast v0, $0x6;
	v2 =	vbroadcast v0, $0x7  }
0xb1: {  	v3 =	vbroadcast v0, $0x4;
	v4 =	vbroadcast v0, $0x5;
	v5 =	vld [tilespmem:s2+$0x30]  }
0xb2: {  	v6 =	vbroadcast v0, $0x2;
	v7 =	vbroadcast v0, $0x3;
	v8 =	vld [tilespmem:s2+$0x20]  }
0xb3: {  	v9 =	vbroadcast v0, $0x0;
	v0 =	vbroadcast v0, $0x1;
	v10 =	vld [tilespmem:s2+$0x10]  }
0xb4: {  	v11 =	vld [tilespmem:s2+$0x0]  }
0xb5: {  	v12 =	vld [tilespmem:s2+$0xFFFFFFF0]  }
0xb6: {  	v13 =	vld [tilespmem:s2+$0xFFFFFFE0];
	v2 =	vmul.f32 v5, v2  }
0xb7: {  	v5 =	vld [tilespmem:s2+$0xFFFFFFD0];
	v1 =	vmul.f32 v8, v1  }
0xb8: {  	v8 =	vld [tilespmem:s2+$0xFFFFFFC0];
	v4 =	vmul.f32 v10, v4;
	[tilespmem:s2+$0x30] =	vst v2  }
0xb9: {  	v2 =	vmul.f32 v11, v3;
	[tilespmem:s2+$0x20] =	vst v1  }
0xba: {  	v1 =	vmul.f32 v12, v7;
	[tilespmem:s2+$0x10] =	vst v4  }
0xbb: {  	v3 =	vmul.f32 v6, v13;
	[tilespmem:s2+$0x0] =	vst v2  }
.Ltmp3:
0xbc: {  	v0 =	vmul.f32 v0, v5;
	[tilespmem:s2+$0xFFFFFFF0] =	vst v1;
	(pc) =	sbr.rel @p2 .LBB2_4-.Ltmp3, $4  }
0xbd: {  	v1 =	vmul.f32 v9, v8;
	[tilespmem:s2+$0xFFFFFFE0] =	vst v3  }
0xbe: {  	[tilespmem:s2+$0xFFFFFFD0] =	vst v0  }
0xbf: {  	s17 =	sshra.s32 s4, $0x2;
	[tilespmem:s2+$0xFFFFFFC0] =	vst v1  }
0xc0: {  	s4 =	sadd.s32 $0x40, s4;
	v0 =	vld [tilespmem:s17+$0x12C0]  }
0xc1: {  	v1 =	vld [tilespmem:s17+$0x3C0];
	_ =	sdelay $0x4  }
0xc2: {  	v0 =	vadd.f32 v0, v1;
	_ =	sdelay $0x1  }
0xc3: {  	v1 =	vmin.f32 v0, $0.0e+00  }
0xc4: {  	v1 =	vmul.f32 $2.000000030e-01, v1  }
0xc5: {  	v0 =	vmax.f32 v0, $0.0e+00  }
0xc6: {  	v0 =	vadd.f32 v1, v0;
	_ =	sdelay $0x1  }
0xc7: {  	v0 =	vmul.f32 $1.442695020e+00, v0;
	_ =	sdelay $0x1  }
0xc8: {  	(erf) = vpow2.f32 v0;
	_ =	sdelay $0x8  }
0xc9: {  	v0 =	vpop (erf)  }
0xca: {  	s2 =	sadd.s32 $0x80, s2;
	[tilespmem:s17+$0x3C0] =	vst v0  }
0xcb: {  	v1 =	vld [tilespmem:s2+$0x30]  }
0xcc: {  	v2 =	vld [tilespmem:s2+$0x20]  }
0xcd: {  	v3 =	vld [tilespmem:s2+$0x10]  }
0xce: {  	v4 =	vbroadcast v0, $0x7;
	v5 =	vld [tilespmem:s2+$0x0]  }
0xcf: {  	v6 =	vbroadcast v0, $0x6;
	v7 =	vld [tilespmem:s2+$0xFFFFFFF0]  }
0xd0: {  	v8 =	vbroadcast v0, $0x5;
	v9 =	vld [tilespmem:s2+$0xFFFFFFE0];
	v1 =	vmul.f32 v1, v4  }
0xd1: {  	v50 =	vbroadcast v0, $0x4;
	v10 =	vld [tilespmem:s2+$0xFFFFFFD0];
	v2 =	vmul.f32 v2, v6  }
0xd2: {  	v51 =	vbroadcast v0, $0x3;
	v11 =	vld [tilespmem:s2+$0xFFFFFFC0];
	v3 =	vmul.f32 v3, v8;
	[tilespmem:s2+$0x30] =	vst v1  }
0xd3: {  	v4 =	vmul.f32 v5, v50;
	v1 =	vbroadcast v0, $0x2;
	[tilespmem:s2+$0x20] =	vst v2  }
0xd4: {  	v52 =	vmul.f32 v7, v51;
	v2 =	vbroadcast v0, $0x1;
	[tilespmem:s2+$0x10] =	vst v3  }
0xd5: {  	v0 =	vbroadcast v0, $0x0;
	[tilespmem:s2+$0x0] =	vst v4;
	v1 =	vmul.f32 v1, v9  }
0xd6: {  	[tilespmem:s2+$0xFFFFFFF0] =	vst v52;
	v2 =	vmul.f32 v2, v10  }
0xd7: {  	v0 =	vmul.f32 v0, v11;
	[tilespmem:s2+$0xFFFFFFE0] =	vst v1  }
0xd8: {  	[tilespmem:s2+$0xFFFFFFD0] =	vst v2  }
0xd9: {  	s17 =	simm.s32 $0x1E0;
	[tilespmem:s2+$0xFFFFFFC0] =	vst v0  }
0xda: {  	[spmem:s8] =	stream.indirect.scatter.add.f32 [tilespmem:s20], [sflag:$0xA], $0x10, s17, s24, $0xb8;
	[tilespmem:$0x1F9E0] =	vst v63  }
0xdb: {  	s4 =	simm.s32 $0x21C0  }
0xdc: {  	[spmem:s7] =	stream.indirect.scatter.add.f32 [tilespmem:s4], [sflag:$0xA], $0x80, s17, s24, $0xb8;
	[tilespmem:$0x1F9E0] =	vst v63  }
0xdd: {  	_ =	swait.ge [sflag:s16], $0x500  }
0xde: {  	[sflag:s16] =	ssyncset.done $0x0  }
0xdf: {  	[sflag:s16] =	ssyncadd.s32 $0xFFFFFB00  }
0xe0: {  	_ =	swait.ge [sflag:s16], $0x500  }
0xe1: {  	[sflag:s16] =	ssyncset.done $0x0  }
0xe2: {  	[sflag:s16] =	ssyncadd.s32 $0xFFFFFB00  }
0xe3: {  	_ =	swait.ge [sflag:s16], $0x2800  }
0xe4: {  	[sflag:s16] =	ssyncset.done $0x0  }
0xe5: {  	s2 =	simm.s32 @!p1 $0xC;
	[sflag:s16] =	ssyncadd.s32 $0xFFFFD800  }
0xe6: {  	_ =	swait.ge @!p1 [sflag:s2], $0x500  }
0xe7: {  	[sflag:s2] =	ssyncset.done @!p1 $0x0  }
0xe8: {  	[sflag:s2] =	ssyncadd.s32 @!p1 $0xFFFFFB00  }
0xe9: {  	_ =	swait.ge @!p1 [sflag:s2], $0x2800  }
0xea: {  	[sflag:s2] =	ssyncset.done @!p1 $0x0  }
0xeb: {  	[sflag:s2] =	ssyncadd.s32 @!p1 $0xFFFFD800  }
0xec: {  	_ =	swait.ge [sflag:s14], $0x50  }
0xed: {  	[sflag:s14] =	ssyncset.done $0x0  }
0xee: {  	[sflag:s14] =	ssyncadd.s32 $0xFFFFFFB0  }
0xef: {  	_ =	swait.ge [sflag:s14], $0x50  }
0xf0: {  	[sflag:s14] =	ssyncset.done $0x0  }
0xf1: {  	s12 =	simm.s32 $0xDC0;
	s4 =	simm.s32 $0xA0;
	[sflag:s14] =	ssyncadd.s32 $0xFFFFFFB0  }
0xf2: {  	[tilespmem:s12], [sflag:$0x9] =	stream.indirect.gather [hbm4b:s0+s24], $0x10, s4, s24, $0xb8;
	[tilespmem:$0x1F9E0] =	vst v63  }
0xf3: {  	s12 =	rddreg [dreg:$0x19]  }
0xf4: {  	s17 =	simm.s32 $0x1CC0;
	s2 =	sadd.s32 s13, s12  }
0xf5: {  	[tilespmem:s17], [sflag:$0x9] =	stream.indirect.gather [hbm4b:s1+s24], $0x10, s9, s24, $0xb8;
	[tilespmem:$0x1F9E0] =	vst v63  }
0xf6: {  	s2 =	smul.u32 $0xA, s2;
	s17 =	simm.s32 $0x71C0  }
0xf7: {  	[tilespmem:s17], [sflag:$0x9] =	stream.indirect.gather [hbm4b:s3+s24], $0x80, s4, s24, $0xb8;
	[tilespmem:$0x1F9E0] =	vst v63  }
0xf8: {  	s12 =	simm.s32 $0xF0;
	s9 =	sadd.s32 s10, s2;
	s17 =	simm.s32 $0x0  }
0xf9: {  	[tilespmem:s12], [sflag:$0x4] =	stream.linear.gather [hbm4b:s9+s17], $0x50, $0x38;
	[tilespmem:$0x1F9E0] =	vst v63  }
0xfa: {  	s2 =	sadd.s32 s11, s2  }
0xfb: {  	[tilespmem:s31], [sflag:$0x4] =	stream.linear.gather [hbm4b:s2+s17], $0x50, $0x38;
	[tilespmem:$0x1F9E0] =	vst v63  }
0xfc: {  	s17 =	simm.s32 $0x0  }
0xfd: {  	v0 =	vld [tilespmem:s17+$0x17C0]  }
0xfe: {  	v1 =	vld [tilespmem:s17+$0x8C0];
	_ =	sdelay $0x4  }
0xff: {  	v0 =	vadd.f32 v0, v1;
	_ =	sdelay $0x1  }
0x100: {  	v1 =	vmin.f32 v0, $0.0e+00  }
0x101: {  	v1 =	vmul.f32 $2.000000030e-01, v1  }
0x102: {  	v0 =	vmax.f32 v0, $0.0e+00  }
0x103: {  	v0 =	vadd.f32 v1, v0;
	_ =	sdelay $0x1  }
0x104: {  	v0 =	vmul.f32 $1.442695020e+00, v0;
	_ =	sdelay $0x1  }
0x105: {  	(erf) = vpow2.f32 v0;
	_ =	sdelay $0x8  }
0x106: {  	v0 =	vpop (erf)  }
0x107: {  	s2 =	simm.s32 $0x4A00;
	[tilespmem:s17+$0x8C0] =	vst v0  }
0x108: {  	v1 =	vld [tilespmem:s2+$0x30]  }
0x109: {  	v2 =	vld [tilespmem:s2+$0x20]  }
0x10a: {  	v3 =	vld [tilespmem:s2+$0x10]  }
0x10b: {  	v53 =	vbroadcast v0, $0x7;
	v54 =	vld [tilespmem:s2+$0x0]  }
0x10c: {  	v55 =	vbroadcast v0, $0x6;
	v56 =	vld [tilespmem:s2+$0xFFFFFFF0]  }
0x10d: {  	v57 =	vbroadcast v0, $0x5;
	v58 =	vld [tilespmem:s2+$0xFFFFFFE0];
	v1 =	vmul.f32 v1, v53  }
0x10e: {  	v59 =	vbroadcast v0, $0x4;
	v60 =	vld [tilespmem:s2+$0xFFFFFFD0];
	v2 =	vmul.f32 v2, v55  }
0x10f: {  	v61 =	vbroadcast v0, $0x3;
	v62 =	vld [tilespmem:s2+$0xFFFFFFC0];
	v3 =	vmul.f32 v3, v57;
	[tilespmem:s2+$0x30] =	vst v1  }
0x110: {  	v4 =	vmul.f32 v54, v59;
	v1 =	vbroadcast v0, $0x2;
	[tilespmem:s2+$0x20] =	vst v2  }
0x111: {  	v63 =	vmul.f32 v56, v61;
	v2 =	vbroadcast v0, $0x1;
	[tilespmem:s2+$0x10] =	vst v3  }
0x112: {  	v0 =	vbroadcast v0, $0x0;
	[tilespmem:s2+$0x0] =	vst v4;
	v1 =	vmul.f32 v1, v58  }
0x113: {  	[tilespmem:s2+$0xFFFFFFF0] =	vst v63;
	v2 =	vmul.f32 v2, v60  }
0x114: {  	v0 =	vmul.f32 v0, v62;
	[tilespmem:s2+$0xFFFFFFE0] =	vst v1  }
0x115: {  	[tilespmem:s2+$0xFFFFFFD0] =	vst v2  }
0x116: {  	s17 =	simm.s32 $0x10;
	[tilespmem:s2+$0xFFFFFFC0] =	vst v0  }
0x117: {  	s4 =	simm.s32 $0x80;
	v0 =	vld [tilespmem:s17+$0x17C0]  }
.LBB2_6:
0x118: {  	p1 =	sne.s32 s4, $0x13C0;
	v1 =	vld [tilespmem:s17+$0x8C0];
	_ =	sdelay $0x4  }
0x119: {  	v0 =	vadd.f32 v0, v1;
	_ =	sdelay $0x1  }
0x11a: {  	v1 =	vmin.f32 v0, $0.0e+00  }
0x11b: {  	v1 =	vmul.f32 $2.000000030e-01, v1  }
0x11c: {  	v0 =	vmax.f32 v0, $0.0e+00  }
0x11d: {  	v0 =	vadd.f32 v1, v0;
	_ =	sdelay $0x1  }
0x11e: {  	v0 =	vmul.f32 $1.442695020e+00, v0;
	_ =	sdelay $0x1  }
0x11f: {  	(erf) = vpow2.f32 v0;
	_ =	sdelay $0x8  }
0x120: {  	v0 =	vpop (erf)  }
0x121: {  	s2 =	sadd.s32 $0x80, s2;
	[tilespmem:s17+$0x8C0] =	vst v0;
	v1 =	vbroadcast v0, $0x6;
	v2 =	vbroadcast v0, $0x7  }
0x122: {  	v3 =	vbroadcast v0, $0x4;
	v4 =	vbroadcast v0, $0x5;
	v5 =	vld [tilespmem:s2+$0x30]  }
0x123: {  	v6 =	vbroadcast v0, $0x2;
	v7 =	vbroadcast v0, $0x3;
	v8 =	vld [tilespmem:s2+$0x20]  }
0x124: {  	v9 =	vbroadcast v0, $0x0;
	v0 =	vbroadcast v0, $0x1;
	v10 =	vld [tilespmem:s2+$0x10]  }
0x125: {  	v11 =	vld [tilespmem:s2+$0x0]  }
0x126: {  	v12 =	vld [tilespmem:s2+$0xFFFFFFF0]  }
0x127: {  	v13 =	vld [tilespmem:s2+$0xFFFFFFE0];
	v2 =	vmul.f32 v5, v2  }
0x128: {  	v5 =	vld [tilespmem:s2+$0xFFFFFFD0];
	v1 =	vmul.f32 v8, v1  }
0x129: {  	v8 =	vld [tilespmem:s2+$0xFFFFFFC0];
	v4 =	vmul.f32 v10, v4;
	[tilespmem:s2+$0x30] =	vst v2  }
0x12a: {  	v2 =	vmul.f32 v11, v3;
	[tilespmem:s2+$0x20] =	vst v1  }
0x12b: {  	v1 =	vmul.f32 v12, v7;
	[tilespmem:s2+$0x10] =	vst v4  }
0x12c: {  	v3 =	vmul.f32 v6, v13;
	[tilespmem:s2+$0x0] =	vst v2  }
.Ltmp4:
0x12d: {  	v0 =	vmul.f32 v0, v5;
	[tilespmem:s2+$0xFFFFFFF0] =	vst v1;
	(pc) =	sbr.rel @p1 .LBB2_6-.Ltmp4, $4  }
0x12e: {  	v1 =	vmul.f32 v9, v8;
	[tilespmem:s2+$0xFFFFFFE0] =	vst v3  }
0x12f: {  	[tilespmem:s2+$0xFFFFFFD0] =	vst v0  }
0x130: {  	s17 =	sshra.s32 s4, $0x2;
	[tilespmem:s2+$0xFFFFFFC0] =	vst v1  }
0x131: {  	s4 =	sadd.s32 $0x40, s4;
	v0 =	vld [tilespmem:s17+$0x17C0]  }
0x132: {  	v1 =	vld [tilespmem:s17+$0x8C0];
	_ =	sdelay $0x4  }
0x133: {  	v0 =	vadd.f32 v0, v1;
	_ =	sdelay $0x1  }
0x134: {  	v1 =	vmin.f32 v0, $0.0e+00  }
0x135: {  	v1 =	vmul.f32 $2.000000030e-01, v1  }
0x136: {  	v0 =	vmax.f32 v0, $0.0e+00  }
0x137: {  	v0 =	vadd.f32 v1, v0;
	_ =	sdelay $0x1  }
0x138: {  	v0 =	vmul.f32 $1.442695020e+00, v0;
	_ =	sdelay $0x1  }
0x139: {  	(erf) = vpow2.f32 v0;
	_ =	sdelay $0x8  }
0x13a: {  	v0 =	vpop (erf)  }
0x13b: {  	s2 =	sadd.s32 $0x80, s2;
	[tilespmem:s17+$0x8C0] =	vst v0  }
0x13c: {  	v1 =	vld [tilespmem:s2+$0x30]  }
0x13d: {  	v2 =	vld [tilespmem:s2+$0x20]  }
0x13e: {  	v3 =	vld [tilespmem:s2+$0x10]  }
0x13f: {  	v4 =	vbroadcast v0, $0x7;
	v5 =	vld [tilespmem:s2+$0x0]  }
0x140: {  	v6 =	vbroadcast v0, $0x6;
	v7 =	vld [tilespmem:s2+$0xFFFFFFF0]  }
0x141: {  	v8 =	vbroadcast v0, $0x5;
	v9 =	vld [tilespmem:s2+$0xFFFFFFE0];
	v1 =	vmul.f32 v1, v4  }
0x142: {  	v50 =	vbroadcast v0, $0x4;
	v10 =	vld [tilespmem:s2+$0xFFFFFFD0];
	v2 =	vmul.f32 v2, v6  }
0x143: {  	v51 =	vbroadcast v0, $0x3;
	v11 =	vld [tilespmem:s2+$0xFFFFFFC0];
	v3 =	vmul.f32 v3, v8;
	[tilespmem:s2+$0x30] =	vst v1  }
0x144: {  	v4 =	vmul.f32 v5, v50;
	v1 =	vbroadcast v0, $0x2;
	[tilespmem:s2+$0x20] =	vst v2  }
0x145: {  	v52 =	vmul.f32 v7, v51;
	v2 =	vbroadcast v0, $0x1;
	[tilespmem:s2+$0x10] =	vst v3  }
0x146: {  	v0 =	vbroadcast v0, $0x0;
	[tilespmem:s2+$0x0] =	vst v4;
	v1 =	vmul.f32 v1, v9  }
0x147: {  	[tilespmem:s2+$0xFFFFFFF0] =	vst v52;
	v2 =	vmul.f32 v2, v10  }
0x148: {  	v0 =	vmul.f32 v0, v11;
	[tilespmem:s2+$0xFFFFFFE0] =	vst v1  }
0x149: {  	[tilespmem:s2+$0xFFFFFFD0] =	vst v2  }
0x14a: {  	s9 =	simm.s32 $0x230;
	s4 =	simm.s32 $0x8C0;
	[tilespmem:s2+$0xFFFFFFC0] =	vst v0  }
0x14b: {  	[spmem:s8] =	stream.indirect.scatter.add.f32 [tilespmem:s4], [sflag:$0xB], $0x10, s9, s24, $0xb8;
	[tilespmem:$0x1F9E0] =	vst v63  }
0x14c: {  	s17 =	simm.s32 $0x49C0  }
0x14d: {  	[spmem:s7] =	stream.indirect.scatter.add.f32 [tilespmem:s17], [sflag:$0xB], $0x80, s9, s24, $0xb8;
	[tilespmem:$0x1F9E0] =	vst v63  }
0x14e: {  	_ =	swait.ge [sflag:s26], $0x500  }
0x14f: {  	[sflag:s26] =	ssyncset.done $0x0  }
0x150: {  	[sflag:s26] =	ssyncadd.s32 $0xFFFFFB00  }
0x151: {  	_ =	swait.ge [sflag:s26], $0x500  }
0x152: {  	[sflag:s26] =	ssyncset.done $0x0  }
0x153: {  	[sflag:s26] =	ssyncadd.s32 $0xFFFFFB00  }
0x154: {  	_ =	swait.ge [sflag:s26], $0x2800  }
0x155: {  	[sflag:s26] =	ssyncset.done $0x0  }
0x156: {  	[sflag:s26] =	ssyncadd.s32 $0xFFFFD800  }
0x157: {  	_ =	swait.ge [sflag:s28], $0x500  }
0x158: {  	[sflag:s28] =	ssyncset.done $0x0  }
0x159: {  	[sflag:s28] =	ssyncadd.s32 $0xFFFFFB00  }
0x15a: {  	_ =	swait.ge [sflag:s28], $0x2800  }
0x15b: {  	[sflag:s28] =	ssyncset.done $0x0  }
0x15c: {  	[sflag:s28] =	ssyncadd.s32 $0xFFFFD800  }
0x15d: {  	_ =	swait.ge [sflag:s29], $0x50  }
0x15e: {  	[sflag:s29] =	ssyncset.done $0x0  }
0x15f: {  	[sflag:s29] =	ssyncadd.s32 $0xFFFFFFB0  }
0x160: {  	_ =	swait.ge [sflag:s29], $0x50  }
0x161: {  	[sflag:s29] =	ssyncset.done $0x0  }
0x162: {  	s9 =	simm.s32 $0xF0;
	s17 =	rddreg [dreg:$0x1a];
	[sflag:s29] =	ssyncadd.s32 $0xFFFFFFB0  }
0x163: {  	[tilespmem:s20], [sflag:$0x7] =	stream.indirect.gather [hbm4b:s0+s24], $0x10, s9, s24, $0xb8;
	[tilespmem:$0x1F9E0] =	vst v63  }
0x164: {  	s4 =	simm.s32 $0x12C0;
	s2 =	sadd.s32 s13, s17  }
0x165: {  	[tilespmem:s4], [sflag:$0x7] =	stream.indirect.gather [hbm4b:s1+s24], $0x10, s31, s24, $0xb8;
	[tilespmem:$0x1F9E0] =	vst v63  }
0x166: {  	s2 =	smul.u32 $0xA, s2;
	s31 =	simm.s32 $0x21C0  }
0x167: {  	[tilespmem:s31], [sflag:$0x7] =	stream.indirect.gather [hbm4b:s3+s24], $0x80, s9, s24, $0xb8;
	[tilespmem:$0x1F9E0] =	vst v63  }
0x168: {  	s17 =	simm.s32 $0x0;
	s9 =	sadd.s32 s10, s2;
	s31 =	simm.s32 $0x140  }
0x169: {  	[tilespmem:s31], [sflag:$0x5] =	stream.linear.gather [hbm4b:s9+s17], $0x50, $0x38;
	[tilespmem:$0x1F9E0] =	vst v63  }
0x16a: {  	s2 =	sadd.s32 s11, s2;
	s31 =	simm.s32 $0x0  }
0x16b: {  	[tilespmem:s18], [sflag:$0x5] =	stream.linear.gather [hbm4b:s2+s17], $0x50, $0x38;
	[tilespmem:$0x1F9E0] =	vst v63  }
0x16c: {  	v0 =	vld [tilespmem:s31+$0x1CC0]  }
0x16d: {  	v1 =	vld [tilespmem:s31+$0xDC0];
	_ =	sdelay $0x4  }
0x16e: {  	v0 =	vadd.f32 v0, v1;
	_ =	sdelay $0x1  }
0x16f: {  	v1 =	vmin.f32 v0, $0.0e+00  }
0x170: {  	v1 =	vmul.f32 $2.000000030e-01, v1  }
0x171: {  	v0 =	vmax.f32 v0, $0.0e+00  }
0x172: {  	v0 =	vadd.f32 v1, v0;
	_ =	sdelay $0x1  }
0x173: {  	v0 =	vmul.f32 $1.442695020e+00, v0;
	_ =	sdelay $0x1  }
0x174: {  	(erf) = vpow2.f32 v0;
	_ =	sdelay $0x8  }
0x175: {  	v0 =	vpop (erf)  }
0x176: {  	s2 =	simm.s32 $0x7200;
	[tilespmem:s31+$0xDC0] =	vst v0  }
0x177: {  	v1 =	vld [tilespmem:s2+$0x30]  }
0x178: {  	v2 =	vld [tilespmem:s2+$0x20]  }
0x179: {  	v3 =	vld [tilespmem:s2+$0x10]  }
0x17a: {  	v53 =	vbroadcast v0, $0x7;
	v54 =	vld [tilespmem:s2+$0x0]  }
0x17b: {  	v55 =	vbroadcast v0, $0x6;
	v56 =	vld [tilespmem:s2+$0xFFFFFFF0]  }
0x17c: {  	v57 =	vbroadcast v0, $0x5;
	v58 =	vld [tilespmem:s2+$0xFFFFFFE0];
	v1 =	vmul.f32 v1, v53  }
0x17d: {  	v59 =	vbroadcast v0, $0x4;
	v60 =	vld [tilespmem:s2+$0xFFFFFFD0];
	v2 =	vmul.f32 v2, v55  }
0x17e: {  	v61 =	vbroadcast v0, $0x3;
	v62 =	vld [tilespmem:s2+$0xFFFFFFC0];
	v3 =	vmul.f32 v3, v57;
	[tilespmem:s2+$0x30] =	vst v1  }
0x17f: {  	v4 =	vmul.f32 v54, v59;
	v1 =	vbroadcast v0, $0x2;
	[tilespmem:s2+$0x20] =	vst v2  }
0x180: {  	v63 =	vmul.f32 v56, v61;
	v2 =	vbroadcast v0, $0x1;
	[tilespmem:s2+$0x10] =	vst v3  }
0x181: {  	v0 =	vbroadcast v0, $0x0;
	[tilespmem:s2+$0x0] =	vst v4;
	v1 =	vmul.f32 v1, v58  }
0x182: {  	[tilespmem:s2+$0xFFFFFFF0] =	vst v63;
	v2 =	vmul.f32 v2, v60  }
0x183: {  	v0 =	vmul.f32 v0, v62;
	[tilespmem:s2+$0xFFFFFFE0] =	vst v1  }
0x184: {  	[tilespmem:s2+$0xFFFFFFD0] =	vst v2  }
0x185: {  	s17 =	simm.s32 $0x10;
	[tilespmem:s2+$0xFFFFFFC0] =	vst v0  }
0x186: {  	s12 =	simm.s32 $0x230;
	s4 =	simm.s32 $0x80;
	v0 =	vld [tilespmem:s17+$0x1CC0]  }
.LBB2_8:
0x187: {  	p1 =	sne.s32 s4, $0x13C0;
	v1 =	vld [tilespmem:s17+$0xDC0];
	_ =	sdelay $0x4  }
0x188: {  	v0 =	vadd.f32 v0, v1;
	_ =	sdelay $0x1  }
0x189: {  	v1 =	vmin.f32 v0, $0.0e+00  }
0x18a: {  	v1 =	vmul.f32 $2.000000030e-01, v1  }
0x18b: {  	v0 =	vmax.f32 v0, $0.0e+00  }
0x18c: {  	v0 =	vadd.f32 v1, v0;
	_ =	sdelay $0x1  }
0x18d: {  	v0 =	vmul.f32 $1.442695020e+00, v0;
	_ =	sdelay $0x1  }
0x18e: {  	(erf) = vpow2.f32 v0;
	_ =	sdelay $0x8  }
0x18f: {  	v0 =	vpop (erf)  }
0x190: {  	s2 =	sadd.s32 $0x80, s2;
	[tilespmem:s17+$0xDC0] =	vst v0;
	v1 =	vbroadcast v0, $0x6;
	v2 =	vbroadcast v0, $0x7  }
0x191: {  	v3 =	vbroadcast v0, $0x4;
	v4 =	vbroadcast v0, $0x5;
	v5 =	vld [tilespmem:s2+$0x30]  }
0x192: {  	v6 =	vbroadcast v0, $0x2;
	v7 =	vbroadcast v0, $0x3;
	v8 =	vld [tilespmem:s2+$0x20]  }
0x193: {  	v9 =	vbroadcast v0, $0x0;
	v0 =	vbroadcast v0, $0x1;
	v10 =	vld [tilespmem:s2+$0x10]  }
0x194: {  	v11 =	vld [tilespmem:s2+$0x0]  }
0x195: {  	v12 =	vld [tilespmem:s2+$0xFFFFFFF0]  }
0x196: {  	v13 =	vld [tilespmem:s2+$0xFFFFFFE0];
	v2 =	vmul.f32 v5, v2  }
0x197: {  	v5 =	vld [tilespmem:s2+$0xFFFFFFD0];
	v1 =	vmul.f32 v8, v1  }
0x198: {  	v8 =	vld [tilespmem:s2+$0xFFFFFFC0];
	v4 =	vmul.f32 v10, v4;
	[tilespmem:s2+$0x30] =	vst v2  }
0x199: {  	v2 =	vmul.f32 v11, v3;
	[tilespmem:s2+$0x20] =	vst v1  }
0x19a: {  	v1 =	vmul.f32 v12, v7;
	[tilespmem:s2+$0x10] =	vst v4  }
0x19b: {  	v3 =	vmul.f32 v6, v13;
	[tilespmem:s2+$0x0] =	vst v2  }
.Ltmp5:
0x19c: {  	v0 =	vmul.f32 v0, v5;
	[tilespmem:s2+$0xFFFFFFF0] =	vst v1;
	(pc) =	sbr.rel @p1 .LBB2_8-.Ltmp5, $4  }
0x19d: {  	v1 =	vmul.f32 v9, v8;
	[tilespmem:s2+$0xFFFFFFE0] =	vst v3  }
0x19e: {  	[tilespmem:s2+$0xFFFFFFD0] =	vst v0  }
0x19f: {  	s17 =	sshra.s32 s4, $0x2;
	[tilespmem:s2+$0xFFFFFFC0] =	vst v1  }
0x1a0: {  	s4 =	sadd.s32 $0x40, s4;
	v0 =	vld [tilespmem:s17+$0x1CC0]  }
0x1a1: {  	v1 =	vld [tilespmem:s17+$0xDC0];
	_ =	sdelay $0x4  }
0x1a2: {  	v0 =	vadd.f32 v0, v1;
	_ =	sdelay $0x1  }
0x1a3: {  	v1 =	vmin.f32 v0, $0.0e+00  }
0x1a4: {  	v1 =	vmul.f32 $2.000000030e-01, v1  }
0x1a5: {  	v0 =	vmax.f32 v0, $0.0e+00  }
0x1a6: {  	v0 =	vadd.f32 v1, v0;
	_ =	sdelay $0x1  }
0x1a7: {  	v0 =	vmul.f32 $1.442695020e+00, v0;
	_ =	sdelay $0x1  }
0x1a8: {  	(erf) = vpow2.f32 v0;
	_ =	sdelay $0x8  }
0x1a9: {  	v0 =	vpop (erf)  }
0x1aa: {  	s2 =	sadd.s32 $0x80, s2;
	[tilespmem:s17+$0xDC0] =	vst v0  }
0x1ab: {  	v1 =	vld [tilespmem:s2+$0x30]  }
0x1ac: {  	v2 =	vld [tilespmem:s2+$0x20]  }
0x1ad: {  	v3 =	vld [tilespmem:s2+$0x10]  }
0x1ae: {  	v4 =	vbroadcast v0, $0x7;
	v5 =	vld [tilespmem:s2+$0x0]  }
0x1af: {  	v6 =	vbroadcast v0, $0x6;
	v7 =	vld [tilespmem:s2+$0xFFFFFFF0]  }
0x1b0: {  	v8 =	vbroadcast v0, $0x5;
	v9 =	vld [tilespmem:s2+$0xFFFFFFE0];
	v1 =	vmul.f32 v1, v4  }
0x1b1: {  	v50 =	vbroadcast v0, $0x4;
	v10 =	vld [tilespmem:s2+$0xFFFFFFD0];
	v2 =	vmul.f32 v2, v6  }
0x1b2: {  	v51 =	vbroadcast v0, $0x3;
	v11 =	vld [tilespmem:s2+$0xFFFFFFC0];
	v3 =	vmul.f32 v3, v8;
	[tilespmem:s2+$0x30] =	vst v1  }
0x1b3: {  	v4 =	vmul.f32 v5, v50;
	v1 =	vbroadcast v0, $0x2;
	[tilespmem:s2+$0x20] =	vst v2  }
0x1b4: {  	v52 =	vmul.f32 v7, v51;
	v2 =	vbroadcast v0, $0x1;
	[tilespmem:s2+$0x10] =	vst v3  }
0x1b5: {  	v0 =	vbroadcast v0, $0x0;
	[tilespmem:s2+$0x0] =	vst v4;
	v1 =	vmul.f32 v1, v9  }
0x1b6: {  	[tilespmem:s2+$0xFFFFFFF0] =	vst v52;
	v2 =	vmul.f32 v2, v10  }
0x1b7: {  	v0 =	vmul.f32 v0, v11;
	[tilespmem:s2+$0xFFFFFFE0] =	vst v1  }
0x1b8: {  	[tilespmem:s2+$0xFFFFFFD0] =	vst v2  }
0x1b9: {  	s31 =	simm.s32 $0x280;
	s4 =	simm.s32 $0xDC0;
	[tilespmem:s2+$0xFFFFFFC0] =	vst v0  }
0x1ba: {  	[spmem:s8] =	stream.indirect.scatter.add.f32 [tilespmem:s4], [sflag:$0xC], $0x10, s31, s24, $0xb8;
	[tilespmem:$0x1F9E0] =	vst v63  }
0x1bb: {  	s17 =	simm.s32 $0x71C0  }
0x1bc: {  	[spmem:s7] =	stream.indirect.scatter.add.f32 [tilespmem:s17], [sflag:$0xC], $0x80, s31, s24, $0xb8;
	[tilespmem:$0x1F9E0] =	vst v63  }
0x1bd: {  	_ =	swait.ge [sflag:s5], $0x500  }
0x1be: {  	[sflag:s5] =	ssyncset.done $0x0  }
0x1bf: {  	[sflag:s5] =	ssyncadd.s32 $0xFFFFFB00  }
0x1c0: {  	_ =	swait.ge [sflag:s5], $0x500  }
0x1c1: {  	[sflag:s5] =	ssyncset.done $0x0  }
0x1c2: {  	[sflag:s5] =	ssyncadd.s32 $0xFFFFFB00  }
0x1c3: {  	_ =	swait.ge [sflag:s5], $0x2800  }
0x1c4: {  	[sflag:s5] =	ssyncset.done $0x0  }
0x1c5: {  	[sflag:s5] =	ssyncadd.s32 $0xFFFFD800  }
0x1c6: {  	_ =	swait.ge [sflag:s19], $0x500  }
0x1c7: {  	[sflag:s19] =	ssyncset.done $0x0  }
0x1c8: {  	[sflag:s19] =	ssyncadd.s32 $0xFFFFFB00  }
0x1c9: {  	_ =	swait.ge [sflag:s19], $0x2800  }
0x1ca: {  	[sflag:s19] =	ssyncset.done $0x0  }
0x1cb: {  	[sflag:s19] =	ssyncadd.s32 $0xFFFFD800  }
0x1cc: {  	_ =	swait.ge [sflag:s22], $0x50  }
0x1cd: {  	[sflag:s22] =	ssyncset.done $0x0  }
0x1ce: {  	[sflag:s22] =	ssyncadd.s32 $0xFFFFFFB0  }
0x1cf: {  	_ =	swait.ge [sflag:s22], $0x50  }
0x1d0: {  	[sflag:s22] =	ssyncset.done $0x0  }
0x1d1: {  	s31 =	simm.s32 $0x8C0;
	s17 =	simm.s32 $0x140;
	[sflag:s22] =	ssyncadd.s32 $0xFFFFFFB0  }
0x1d2: {  	[tilespmem:s31], [sflag:$0x8] =	stream.indirect.gather [hbm4b:s0+s24], $0x10, s17, s24, $0xb8;
	[tilespmem:$0x1F9E0] =	vst v63  }
0x1d3: {  	s4 =	simm.s32 $0x17C0  }
0x1d4: {  	[tilespmem:s4], [sflag:$0x8] =	stream.indirect.gather [hbm4b:s1+s24], $0x10, s18, s24, $0xb8;
	[tilespmem:$0x1F9E0] =	vst v63  }
0x1d5: {  	s18 =	rddreg [dreg:$0x1b]  }
0x1d6: {  	s2 =	sadd.s32 s13, s18  }
0x1d7: {  	s31 =	simm.s32 $0x49C0;
	s2 =	smul.u32 $0xA, s2  }
0x1d8: {  	[tilespmem:s31], [sflag:$0x8] =	stream.indirect.gather [hbm4b:s3+s24], $0x80, s17, s24, $0xb8;
	[tilespmem:$0x1F9E0] =	vst v63  }
0x1d9: {  	s18 =	simm.s32 $0x0;
	s17 =	sadd.s32 s10, s2  }
0x1da: {  	[tilespmem:s25], [sflag:$0x6] =	stream.linear.gather [hbm4b:s17+s18], $0x50, $0x38;
	[tilespmem:$0x1F9E0] =	vst v63  }
0x1db: {  	s31 =	simm.s32 $0x0;
	s2 =	sadd.s32 s11, s2  }
0x1dc: {  	[tilespmem:s21], [sflag:$0x6] =	stream.linear.gather [hbm4b:s2+s18], $0x50, $0x38;
	[tilespmem:$0x1F9E0] =	vst v63  }
0x1dd: {  	v0 =	vld [tilespmem:s31+$0x12C0]  }
0x1de: {  	v1 =	vld [tilespmem:s31+$0x3C0];
	_ =	sdelay $0x4  }
0x1df: {  	v0 =	vadd.f32 v0, v1;
	_ =	sdelay $0x1  }
0x1e0: {  	v1 =	vmin.f32 v0, $0.0e+00  }
0x1e1: {  	v1 =	vmul.f32 $2.000000030e-01, v1  }
0x1e2: {  	v0 =	vmax.f32 v0, $0.0e+00  }
0x1e3: {  	v0 =	vadd.f32 v1, v0;
	_ =	sdelay $0x1  }
0x1e4: {  	v0 =	vmul.f32 $1.442695020e+00, v0;
	_ =	sdelay $0x1  }
0x1e5: {  	(erf) = vpow2.f32 v0;
	_ =	sdelay $0x8  }
0x1e6: {  	v0 =	vpop (erf)  }
0x1e7: {  	s2 =	simm.s32 $0x2200;
	[tilespmem:s31+$0x3C0] =	vst v0  }
0x1e8: {  	v1 =	vld [tilespmem:s2+$0x30]  }
0x1e9: {  	v2 =	vld [tilespmem:s2+$0x20]  }
0x1ea: {  	v3 =	vld [tilespmem:s2+$0x10]  }
0x1eb: {  	v53 =	vbroadcast v0, $0x7;
	v54 =	vld [tilespmem:s2+$0x0]  }
0x1ec: {  	v55 =	vbroadcast v0, $0x6;
	v56 =	vld [tilespmem:s2+$0xFFFFFFF0]  }
0x1ed: {  	v57 =	vbroadcast v0, $0x5;
	v58 =	vld [tilespmem:s2+$0xFFFFFFE0];
	v1 =	vmul.f32 v1, v53  }
0x1ee: {  	v59 =	vbroadcast v0, $0x4;
	v60 =	vld [tilespmem:s2+$0xFFFFFFD0];
	v2 =	vmul.f32 v2, v55  }
0x1ef: {  	v61 =	vbroadcast v0, $0x3;
	v62 =	vld [tilespmem:s2+$0xFFFFFFC0];
	v3 =	vmul.f32 v3, v57;
	[tilespmem:s2+$0x30] =	vst v1  }
0x1f0: {  	v4 =	vmul.f32 v54, v59;
	v1 =	vbroadcast v0, $0x2;
	[tilespmem:s2+$0x20] =	vst v2  }
0x1f1: {  	v63 =	vmul.f32 v56, v61;
	v2 =	vbroadcast v0, $0x1;
	[tilespmem:s2+$0x10] =	vst v3  }
0x1f2: {  	v0 =	vbroadcast v0, $0x0;
	[tilespmem:s2+$0x0] =	vst v4;
	v1 =	vmul.f32 v1, v58  }
0x1f3: {  	[tilespmem:s2+$0xFFFFFFF0] =	vst v63;
	v2 =	vmul.f32 v2, v60  }
0x1f4: {  	v0 =	vmul.f32 v0, v62;
	[tilespmem:s2+$0xFFFFFFE0] =	vst v1  }
0x1f5: {  	[tilespmem:s2+$0xFFFFFFD0] =	vst v2  }
0x1f6: {  	s17 =	simm.s32 $0x10;
	[tilespmem:s2+$0xFFFFFFC0] =	vst v0  }
0x1f7: {  	s9 =	simm.s32 $0x280;
	s4 =	simm.s32 $0x80;
	v0 =	vld [tilespmem:s17+$0x12C0]  }
.LBB2_10:
0x1f8: {  	p1 =	sne.s32 s4, $0x13C0;
	v1 =	vld [tilespmem:s17+$0x3C0];
	_ =	sdelay $0x4  }
0x1f9: {  	v0 =	vadd.f32 v0, v1;
	_ =	sdelay $0x1  }
0x1fa: {  	v1 =	vmin.f32 v0, $0.0e+00  }
0x1fb: {  	v1 =	vmul.f32 $2.000000030e-01, v1  }
0x1fc: {  	v0 =	vmax.f32 v0, $0.0e+00  }
0x1fd: {  	v0 =	vadd.f32 v1, v0;
	_ =	sdelay $0x1  }
0x1fe: {  	v0 =	vmul.f32 $1.442695020e+00, v0;
	_ =	sdelay $0x1  }
0x1ff: {  	(erf) = vpow2.f32 v0;
	_ =	sdelay $0x8  }
0x200: {  	v0 =	vpop (erf)  }
0x201: {  	s2 =	sadd.s32 $0x80, s2;
	[tilespmem:s17+$0x3C0] =	vst v0;
	v1 =	vbroadcast v0, $0x6;
	v2 =	vbroadcast v0, $0x7  }
0x202: {  	v3 =	vbroadcast v0, $0x4;
	v4 =	vbroadcast v0, $0x5;
	v5 =	vld [tilespmem:s2+$0x30]  }
0x203: {  	v6 =	vbroadcast v0, $0x2;
	v7 =	vbroadcast v0, $0x3;
	v8 =	vld [tilespmem:s2+$0x20]  }
0x204: {  	v9 =	vbroadcast v0, $0x0;
	v0 =	vbroadcast v0, $0x1;
	v10 =	vld [tilespmem:s2+$0x10]  }
0x205: {  	v11 =	vld [tilespmem:s2+$0x0]  }
0x206: {  	v12 =	vld [tilespmem:s2+$0xFFFFFFF0]  }
0x207: {  	v13 =	vld [tilespmem:s2+$0xFFFFFFE0];
	v2 =	vmul.f32 v5, v2  }
0x208: {  	v5 =	vld [tilespmem:s2+$0xFFFFFFD0];
	v1 =	vmul.f32 v8, v1  }
0x209: {  	v8 =	vld [tilespmem:s2+$0xFFFFFFC0];
	v4 =	vmul.f32 v10, v4;
	[tilespmem:s2+$0x30] =	vst v2  }
0x20a: {  	v2 =	vmul.f32 v11, v3;
	[tilespmem:s2+$0x20] =	vst v1  }
0x20b: {  	v1 =	vmul.f32 v12, v7;
	[tilespmem:s2+$0x10] =	vst v4  }
0x20c: {  	v3 =	vmul.f32 v6, v13;
	[tilespmem:s2+$0x0] =	vst v2  }
.Ltmp6:
0x20d: {  	v0 =	vmul.f32 v0, v5;
	[tilespmem:s2+$0xFFFFFFF0] =	vst v1;
	(pc) =	sbr.rel @p1 .LBB2_10-.Ltmp6, $4  }
0x20e: {  	v1 =	vmul.f32 v9, v8;
	[tilespmem:s2+$0xFFFFFFE0] =	vst v3  }
0x20f: {  	[tilespmem:s2+$0xFFFFFFD0] =	vst v0  }
0x210: {  	s17 =	sshra.s32 s4, $0x2;
	[tilespmem:s2+$0xFFFFFFC0] =	vst v1  }
0x211: {  	s4 =	sadd.s32 $0x40, s4;
	v0 =	vld [tilespmem:s17+$0x12C0]  }
0x212: {  	v1 =	vld [tilespmem:s17+$0x3C0];
	_ =	sdelay $0x4  }
0x213: {  	v0 =	vadd.f32 v0, v1;
	_ =	sdelay $0x1  }
0x214: {  	v1 =	vmin.f32 v0, $0.0e+00  }
0x215: {  	v1 =	vmul.f32 $2.000000030e-01, v1  }
0x216: {  	v0 =	vmax.f32 v0, $0.0e+00  }
0x217: {  	v0 =	vadd.f32 v1, v0;
	_ =	sdelay $0x1  }
0x218: {  	v0 =	vmul.f32 $1.442695020e+00, v0;
	_ =	sdelay $0x1  }
0x219: {  	(erf) = vpow2.f32 v0;
	_ =	sdelay $0x8  }
0x21a: {  	v0 =	vpop (erf)  }
0x21b: {  	s2 =	sadd.s32 $0x80, s2;
	[tilespmem:s17+$0x3C0] =	vst v0  }
0x21c: {  	v1 =	vld [tilespmem:s2+$0x30]  }
0x21d: {  	v2 =	vld [tilespmem:s2+$0x20]  }
0x21e: {  	v3 =	vld [tilespmem:s2+$0x10]  }
0x21f: {  	v4 =	vbroadcast v0, $0x7;
	v5 =	vld [tilespmem:s2+$0x0]  }
0x220: {  	v6 =	vbroadcast v0, $0x6;
	v7 =	vld [tilespmem:s2+$0xFFFFFFF0]  }
0x221: {  	v8 =	vbroadcast v0, $0x5;
	v9 =	vld [tilespmem:s2+$0xFFFFFFE0];
	v1 =	vmul.f32 v1, v4  }
0x222: {  	v50 =	vbroadcast v0, $0x4;
	v10 =	vld [tilespmem:s2+$0xFFFFFFD0];
	v2 =	vmul.f32 v2, v6  }
0x223: {  	v51 =	vbroadcast v0, $0x3;
	v11 =	vld [tilespmem:s2+$0xFFFFFFC0];
	v3 =	vmul.f32 v3, v8;
	[tilespmem:s2+$0x30] =	vst v1  }
0x224: {  	v4 =	vmul.f32 v5, v50;
	v1 =	vbroadcast v0, $0x2;
	[tilespmem:s2+$0x20] =	vst v2  }
0x225: {  	v52 =	vmul.f32 v7, v51;
	v2 =	vbroadcast v0, $0x1;
	[tilespmem:s2+$0x10] =	vst v3  }
0x226: {  	v0 =	vbroadcast v0, $0x0;
	[tilespmem:s2+$0x0] =	vst v4;
	v1 =	vmul.f32 v1, v9  }
0x227: {  	[tilespmem:s2+$0xFFFFFFF0] =	vst v52;
	v2 =	vmul.f32 v2, v10  }
0x228: {  	v0 =	vmul.f32 v0, v11;
	[tilespmem:s2+$0xFFFFFFE0] =	vst v1  }
0x229: {  	[tilespmem:s2+$0xFFFFFFD0] =	vst v2  }
0x22a: {  	s4 =	simm.s32 $0x2D0;
	[tilespmem:s2+$0xFFFFFFC0] =	vst v0  }
0x22b: {  	[spmem:s8] =	stream.indirect.scatter.add.f32 [tilespmem:s20], [sflag:$0xA], $0x10, s4, s24, $0xb8;
	[tilespmem:$0x1F9E0] =	vst v63  }
0x22c: {  	s20 =	simm.s32 $0x21C0  }
0x22d: {  	[spmem:s7] =	stream.indirect.scatter.add.f32 [tilespmem:s20], [sflag:$0xA], $0x80, s4, s24, $0xb8;
	[tilespmem:$0x1F9E0] =	vst v63  }
0x22e: {  	_ =	swait.ge [sflag:s16], $0x500  }
0x22f: {  	[sflag:s16] =	ssyncset.done $0x0  }
0x230: {  	[sflag:s16] =	ssyncadd.s32 $0xFFFFFB00  }
0x231: {  	_ =	swait.ge [sflag:s16], $0x500  }
0x232: {  	[sflag:s16] =	ssyncset.done $0x0  }
0x233: {  	[sflag:s16] =	ssyncadd.s32 $0xFFFFFB00  }
0x234: {  	_ =	swait.ge [sflag:s16], $0x2800  }
0x235: {  	[sflag:s16] =	ssyncset.done $0x0  }
0x236: {  	[sflag:s16] =	ssyncadd.s32 $0xFFFFD800  }
0x237: {  	_ =	swait.ge [sflag:s6], $0x500  }
0x238: {  	[sflag:s6] =	ssyncset.done $0x0  }
0x239: {  	[sflag:s6] =	ssyncadd.s32 $0xFFFFFB00  }
0x23a: {  	_ =	swait.ge [sflag:s6], $0x2800  }
0x23b: {  	[sflag:s6] =	ssyncset.done $0x0  }
0x23c: {  	[sflag:s6] =	ssyncadd.s32 $0xFFFFD800  }
0x23d: {  	_ =	swait.ge [sflag:s30], $0x50  }
0x23e: {  	[sflag:s30] =	ssyncset.done $0x0  }
0x23f: {  	[sflag:s30] =	ssyncadd.s32 $0xFFFFFFB0  }
0x240: {  	_ =	swait.ge [sflag:s30], $0x50  }
0x241: {  	s25 =	simm.s32 $0xDC0;
	p1 =	seq.s32 s23, $0x18;
	[sflag:s30] =	ssyncset.done $0x0  }
0x242: {  	s4 =	simm.s32 $0x190;
	s2 =	rddreg [dreg:$0x1c];
	[sflag:s30] =	ssyncadd.s32 $0xFFFFFFB0  }
0x243: {  	[tilespmem:s25], [sflag:$0x9] =	stream.indirect.gather [hbm4b:s0+s24], $0x10, s4, s24, $0xb8;
	[tilespmem:$0x1F9E0] =	vst v63  }
0x244: {  	s18 =	simm.s32 $0x1CC0;
	s2 =	sadd.s32 @!p1 s13, s2  }
0x245: {  	[tilespmem:s18], [sflag:$0x9] =	stream.indirect.gather [hbm4b:s1+s24], $0x10, s21, s24, $0xb8;
	[tilespmem:$0x1F9E0] =	vst v63  }
0x246: {  	s20 =	simm.s32 $0x71C0;
	s2 =	smul.u32 @!p1 $0xA, s2  }
0x247: {  	[tilespmem:s20], [sflag:$0x9] =	stream.indirect.gather [hbm4b:s3+s24], $0x80, s4, s24, $0xb8;
	[tilespmem:$0x1F9E0] =	vst v63  }
0x248: {  	s17 =	simm.s32 @!p1 $0x0;
	s4 =	sadd.s32 @!p1 s10, s2  }
0x249: {  	[tilespmem:s17], [sflag:$0x1] =	stream.linear.gather @!p1 [hbm4b:s4+s17], $0x50, $0x38;
	[tilespmem:$0x1F9E0] =	vst v63  }
0x24a: {  	s21 =	simm.s32 $0x0;
	s2 =	sadd.s32 @!p1 s11, s2;
	s4 =	simm.s32 @!p1 $0x1E0  }
0x24b: {  	[tilespmem:s4], [sflag:$0x1] =	stream.linear.gather @!p1 [hbm4b:s2+s17], $0x50, $0x38;
	[tilespmem:$0x1F9E0] =	vst v63  }
0x24c: {  	v0 =	vld [tilespmem:s21+$0x17C0]  }
0x24d: {  	v1 =	vld [tilespmem:s21+$0x8C0];
	_ =	sdelay $0x4  }
0x24e: {  	v0 =	vadd.f32 v0, v1;
	_ =	sdelay $0x1  }
0x24f: {  	v1 =	vmin.f32 v0, $0.0e+00  }
0x250: {  	v1 =	vmul.f32 $2.000000030e-01, v1  }
0x251: {  	v0 =	vmax.f32 v0, $0.0e+00  }
0x252: {  	v0 =	vadd.f32 v1, v0;
	_ =	sdelay $0x1  }
0x253: {  	v0 =	vmul.f32 $1.442695020e+00, v0;
	_ =	sdelay $0x1  }
0x254: {  	(erf) = vpow2.f32 v0;
	_ =	sdelay $0x8  }
0x255: {  	v0 =	vpop (erf)  }
0x256: {  	s2 =	simm.s32 $0x4A00;
	[tilespmem:s21+$0x8C0] =	vst v0  }
0x257: {  	v1 =	vld [tilespmem:s2+$0x30]  }
0x258: {  	v2 =	vld [tilespmem:s2+$0x20]  }
0x259: {  	v3 =	vld [tilespmem:s2+$0x10]  }
0x25a: {  	v53 =	vbroadcast v0, $0x7;
	v54 =	vld [tilespmem:s2+$0x0]  }
0x25b: {  	v55 =	vbroadcast v0, $0x6;
	v56 =	vld [tilespmem:s2+$0xFFFFFFF0]  }
0x25c: {  	v57 =	vbroadcast v0, $0x5;
	v58 =	vld [tilespmem:s2+$0xFFFFFFE0];
	v1 =	vmul.f32 v1, v53  }
0x25d: {  	v59 =	vbroadcast v0, $0x4;
	v60 =	vld [tilespmem:s2+$0xFFFFFFD0];
	v2 =	vmul.f32 v2, v55  }
0x25e: {  	v61 =	vbroadcast v0, $0x3;
	v62 =	vld [tilespmem:s2+$0xFFFFFFC0];
	v3 =	vmul.f32 v3, v57;
	[tilespmem:s2+$0x30] =	vst v1  }
0x25f: {  	v4 =	vmul.f32 v54, v59;
	v1 =	vbroadcast v0, $0x2;
	[tilespmem:s2+$0x20] =	vst v2  }
0x260: {  	v63 =	vmul.f32 v56, v61;
	v2 =	vbroadcast v0, $0x1;
	[tilespmem:s2+$0x10] =	vst v3  }
0x261: {  	v0 =	vbroadcast v0, $0x0;
	[tilespmem:s2+$0x0] =	vst v4;
	v1 =	vmul.f32 v1, v58  }
0x262: {  	[tilespmem:s2+$0xFFFFFFF0] =	vst v63;
	v2 =	vmul.f32 v2, v60  }
0x263: {  	v0 =	vmul.f32 v0, v62;
	[tilespmem:s2+$0xFFFFFFE0] =	vst v1  }
0x264: {  	[tilespmem:s2+$0xFFFFFFD0] =	vst v2  }
0x265: {  	s17 =	simm.s32 $0x10;
	[tilespmem:s2+$0xFFFFFFC0] =	vst v0  }
0x266: {  	s31 =	simm.s32 $0x2D0;
	s25 =	simm.s32 $0x190;
	s4 =	simm.s32 $0x80;
	v0 =	vld [tilespmem:s17+$0x17C0]  }
.LBB2_12:
0x267: {  	p2 =	sne.s32 s4, $0x13C0;
	v1 =	vld [tilespmem:s17+$0x8C0];
	_ =	sdelay $0x4  }
0x268: {  	v0 =	vadd.f32 v0, v1;
	_ =	sdelay $0x1  }
0x269: {  	v1 =	vmin.f32 v0, $0.0e+00  }
0x26a: {  	v1 =	vmul.f32 $2.000000030e-01, v1  }
0x26b: {  	v0 =	vmax.f32 v0, $0.0e+00  }
0x26c: {  	v0 =	vadd.f32 v1, v0;
	_ =	sdelay $0x1  }
0x26d: {  	v0 =	vmul.f32 $1.442695020e+00, v0;
	_ =	sdelay $0x1  }
0x26e: {  	(erf) = vpow2.f32 v0;
	_ =	sdelay $0x8  }
0x26f: {  	v0 =	vpop (erf)  }
0x270: {  	s2 =	sadd.s32 $0x80, s2;
	[tilespmem:s17+$0x8C0] =	vst v0;
	v1 =	vbroadcast v0, $0x6;
	v2 =	vbroadcast v0, $0x7  }
0x271: {  	v3 =	vbroadcast v0, $0x4;
	v4 =	vbroadcast v0, $0x5;
	v5 =	vld [tilespmem:s2+$0x30]  }
0x272: {  	v6 =	vbroadcast v0, $0x2;
	v7 =	vbroadcast v0, $0x3;
	v8 =	vld [tilespmem:s2+$0x20]  }
0x273: {  	v9 =	vbroadcast v0, $0x0;
	v0 =	vbroadcast v0, $0x1;
	v10 =	vld [tilespmem:s2+$0x10]  }
0x274: {  	v11 =	vld [tilespmem:s2+$0x0]  }
0x275: {  	v12 =	vld [tilespmem:s2+$0xFFFFFFF0]  }
0x276: {  	v13 =	vld [tilespmem:s2+$0xFFFFFFE0];
	v2 =	vmul.f32 v5, v2  }
0x277: {  	v5 =	vld [tilespmem:s2+$0xFFFFFFD0];
	v1 =	vmul.f32 v8, v1  }
0x278: {  	v8 =	vld [tilespmem:s2+$0xFFFFFFC0];
	v4 =	vmul.f32 v10, v4;
	[tilespmem:s2+$0x30] =	vst v2  }
0x279: {  	v2 =	vmul.f32 v11, v3;
	[tilespmem:s2+$0x20] =	vst v1  }
0x27a: {  	v1 =	vmul.f32 v12, v7;
	[tilespmem:s2+$0x10] =	vst v4  }
0x27b: {  	v3 =	vmul.f32 v6, v13;
	[tilespmem:s2+$0x0] =	vst v2  }
.Ltmp7:
0x27c: {  	v0 =	vmul.f32 v0, v5;
	[tilespmem:s2+$0xFFFFFFF0] =	vst v1;
	(pc) =	sbr.rel @p2 .LBB2_12-.Ltmp7, $4  }
0x27d: {  	v1 =	vmul.f32 v9, v8;
	[tilespmem:s2+$0xFFFFFFE0] =	vst v3  }
0x27e: {  	[tilespmem:s2+$0xFFFFFFD0] =	vst v0  }
0x27f: {  	s17 =	sshra.s32 s4, $0x2;
	[tilespmem:s2+$0xFFFFFFC0] =	vst v1  }
0x280: {  	s4 =	sadd.s32 $0x40, s4;
	v0 =	vld [tilespmem:s17+$0x17C0]  }
0x281: {  	v1 =	vld [tilespmem:s17+$0x8C0];
	_ =	sdelay $0x4  }
0x282: {  	v0 =	vadd.f32 v0, v1;
	_ =	sdelay $0x1  }
0x283: {  	v1 =	vmin.f32 v0, $0.0e+00  }
0x284: {  	v1 =	vmul.f32 $2.000000030e-01, v1  }
0x285: {  	v0 =	vmax.f32 v0, $0.0e+00  }
0x286: {  	v0 =	vadd.f32 v1, v0;
	_ =	sdelay $0x1  }
0x287: {  	v0 =	vmul.f32 $1.442695020e+00, v0;
	_ =	sdelay $0x1  }
0x288: {  	(erf) = vpow2.f32 v0;
	_ =	sdelay $0x8  }
0x289: {  	v0 =	vpop (erf)  }
0x28a: {  	s2 =	sadd.s32 $0x80, s2;
	[tilespmem:s17+$0x8C0] =	vst v0  }
0x28b: {  	v1 =	vld [tilespmem:s2+$0x30]  }
0x28c: {  	v2 =	vld [tilespmem:s2+$0x20]  }
0x28d: {  	v3 =	vld [tilespmem:s2+$0x10]  }
0x28e: {  	v4 =	vbroadcast v0, $0x7;
	v5 =	vld [tilespmem:s2+$0x0]  }
0x28f: {  	v6 =	vbroadcast v0, $0x6;
	v7 =	vld [tilespmem:s2+$0xFFFFFFF0]  }
0x290: {  	v8 =	vbroadcast v0, $0x5;
	v9 =	vld [tilespmem:s2+$0xFFFFFFE0];
	v1 =	vmul.f32 v1, v4  }
0x291: {  	v50 =	vbroadcast v0, $0x4;
	v10 =	vld [tilespmem:s2+$0xFFFFFFD0];
	v2 =	vmul.f32 v2, v6  }
0x292: {  	v51 =	vbroadcast v0, $0x3;
	v11 =	vld [tilespmem:s2+$0xFFFFFFC0];
	v3 =	vmul.f32 v3, v8;
	[tilespmem:s2+$0x30] =	vst v1  }
0x293: {  	v4 =	vmul.f32 v5, v50;
	v1 =	vbroadcast v0, $0x2;
	[tilespmem:s2+$0x20] =	vst v2  }
0x294: {  	v52 =	vmul.f32 v7, v51;
	v2 =	vbroadcast v0, $0x1;
	[tilespmem:s2+$0x10] =	vst v3  }
0x295: {  	v0 =	vbroadcast v0, $0x0;
	[tilespmem:s2+$0x0] =	vst v4;
	v1 =	vmul.f32 v1, v9  }
0x296: {  	[tilespmem:s2+$0xFFFFFFF0] =	vst v52;
	v2 =	vmul.f32 v2, v10  }
0x297: {  	v0 =	vmul.f32 v0, v11;
	[tilespmem:s2+$0xFFFFFFE0] =	vst v1  }
0x298: {  	[tilespmem:s2+$0xFFFFFFD0] =	vst v2  }
0x299: {  	s18 =	simm.s32 $0x8C0;
	s4 =	simm.s32 $0x320;
	[tilespmem:s2+$0xFFFFFFC0] =	vst v0  }
0x29a: {  	[spmem:s8] =	stream.indirect.scatter.add.f32 [tilespmem:s18], [sflag:$0xB], $0x10, s4, s24, $0xb8;
	[tilespmem:$0x1F9E0] =	vst v63  }
0x29b: {  	s20 =	simm.s32 $0x49C0  }
0x29c: {  	[spmem:s7] =	stream.indirect.scatter.add.f32 [tilespmem:s20], [sflag:$0xB], $0x80, s4, s24, $0xb8;
	[tilespmem:$0x1F9E0] =	vst v63  }
0x29d: {  	_ =	swait.ge [sflag:s26], $0x500  }
0x29e: {  	[sflag:s26] =	ssyncset.done $0x0  }
0x29f: {  	[sflag:s26] =	ssyncadd.s32 $0xFFFFFB00  }
0x2a0: {  	_ =	swait.ge [sflag:s26], $0x500  }
0x2a1: {  	[sflag:s26] =	ssyncset.done $0x0  }
0x2a2: {  	[sflag:s26] =	ssyncadd.s32 $0xFFFFFB00  }
0x2a3: {  	_ =	swait.ge [sflag:s26], $0x2800  }
0x2a4: {  	[sflag:s26] =	ssyncset.done $0x0  }
0x2a5: {  	[sflag:s26] =	ssyncadd.s32 $0xFFFFD800  }
0x2a6: {  	_ =	swait.ge [sflag:s28], $0x500  }
0x2a7: {  	[sflag:s28] =	ssyncset.done $0x0  }
0x2a8: {  	[sflag:s28] =	ssyncadd.s32 $0xFFFFFB00  }
0x2a9: {  	_ =	swait.ge [sflag:s28], $0x2800  }
0x2aa: {  	[sflag:s28] =	ssyncset.done $0x0  }
0x2ab: {  	s2 =	simm.s32 @!p1 $0x1;
	[sflag:s28] =	ssyncadd.s32 $0xFFFFD800  }
0x2ac: {  	_ =	swait.ge @!p1 [sflag:s2], $0x50  }
0x2ad: {  	[sflag:s2] =	ssyncset.done @!p1 $0x0  }
0x2ae: {  	[sflag:s2] =	ssyncadd.s32 @!p1 $0xFFFFFFB0  }
0x2af: {  	_ =	swait.ge @!p1 [sflag:s2], $0x50  }
0x2b0: {  	s17 =	simm.s32 @!p1 $0x3C0;
	[sflag:s2] =	ssyncset.done @!p1 $0x0  }
0x2b1: {  	s4 =	simm.s32 @!p1 $0x0;
	[sflag:s2] =	ssyncadd.s32 @!p1 $0xFFFFFFB0;
	s2 =	simm.s32 @!p1 $0x50  }
0x2b2: {  	[tilespmem:s17], [sflag:$0x7] =	stream.indirect.gather @!p1 [hbm4b:s0+s2], $0x10, s4, s2, $0xb8;
	[tilespmem:$0x1F9E0] =	vst v63  }
0x2b3: {  	s20 =	simm.s32 @!p1 $0x12C0;
	s17 =	simm.s32 @!p1 $0x1E0  }
0x2b4: {  	[tilespmem:s20], [sflag:$0x7] =	stream.indirect.gather @!p1 [hbm4b:s1+s2], $0x10, s17, s2, $0xb8;
	[tilespmem:$0x1F9E0] =	vst v63  }
0x2b5: {  	s17 =	rddreg [dreg:$0x1d]  }
0x2b6: {  	s13 =	sadd.s32 @!p1 s13, s17  }
0x2b7: {  	s17 =	simm.s32 @!p1 $0x21C0;
	s13 =	smul.u32 @!p1 $0xA, s13  }
0x2b8: {  	[tilespmem:s17], [sflag:$0x7] =	stream.indirect.gather @!p1 [hbm4b:s3+s2], $0x80, s4, s2, $0xb8;
	[tilespmem:$0x1F9E0] =	vst v63  }
0x2b9: {  	s17 =	sadd.s32 @!p1 s10, s13  }
0x2ba: {  	[tilespmem:s2], [sflag:$0x2] =	stream.linear.gather @!p1 [hbm4b:s17+s4], $0x50, $0x38;
	[tilespmem:$0x1F9E0] =	vst v63  }
0x2bb: {  	s21 =	simm.s32 $0x0;
	s2 =	sadd.s32 @!p1 s11, s13;
	s13 =	simm.s32 @!p1 $0x230  }
0x2bc: {  	[tilespmem:s13], [sflag:$0x2] =	stream.linear.gather @!p1 [hbm4b:s2+s4], $0x50, $0x38;
	[tilespmem:$0x1F9E0] =	vst v63  }
0x2bd: {  	v0 =	vld [tilespmem:s21+$0x1CC0]  }
0x2be: {  	v1 =	vld [tilespmem:s21+$0xDC0];
	_ =	sdelay $0x4  }
0x2bf: {  	v0 =	vadd.f32 v0, v1;
	_ =	sdelay $0x1  }
0x2c0: {  	v1 =	vmin.f32 v0, $0.0e+00  }
0x2c1: {  	v1 =	vmul.f32 $2.000000030e-01, v1  }
0x2c2: {  	v0 =	vmax.f32 v0, $0.0e+00  }
0x2c3: {  	v0 =	vadd.f32 v1, v0;
	_ =	sdelay $0x1  }
0x2c4: {  	v0 =	vmul.f32 $1.442695020e+00, v0;
	_ =	sdelay $0x1  }
0x2c5: {  	(erf) = vpow2.f32 v0;
	_ =	sdelay $0x8  }
0x2c6: {  	v0 =	vpop (erf)  }
0x2c7: {  	s2 =	simm.s32 $0x7200;
	[tilespmem:s21+$0xDC0] =	vst v0  }
0x2c8: {  	v1 =	vld [tilespmem:s2+$0x30]  }
0x2c9: {  	v2 =	vld [tilespmem:s2+$0x20]  }
0x2ca: {  	v3 =	vld [tilespmem:s2+$0x10]  }
0x2cb: {  	v53 =	vbroadcast v0, $0x7;
	v54 =	vld [tilespmem:s2+$0x0]  }
0x2cc: {  	v55 =	vbroadcast v0, $0x6;
	v56 =	vld [tilespmem:s2+$0xFFFFFFF0]  }
0x2cd: {  	v57 =	vbroadcast v0, $0x5;
	v58 =	vld [tilespmem:s2+$0xFFFFFFE0];
	v1 =	vmul.f32 v1, v53  }
0x2ce: {  	v59 =	vbroadcast v0, $0x4;
	v60 =	vld [tilespmem:s2+$0xFFFFFFD0];
	v2 =	vmul.f32 v2, v55  }
0x2cf: {  	v61 =	vbroadcast v0, $0x3;
	v62 =	vld [tilespmem:s2+$0xFFFFFFC0];
	v3 =	vmul.f32 v3, v57;
	[tilespmem:s2+$0x30] =	vst v1  }
0x2d0: {  	v4 =	vmul.f32 v54, v59;
	v1 =	vbroadcast v0, $0x2;
	[tilespmem:s2+$0x20] =	vst v2  }
0x2d1: {  	v63 =	vmul.f32 v56, v61;
	v2 =	vbroadcast v0, $0x1;
	[tilespmem:s2+$0x10] =	vst v3  }
0x2d2: {  	v0 =	vbroadcast v0, $0x0;
	[tilespmem:s2+$0x0] =	vst v4;
	v1 =	vmul.f32 v1, v58  }
0x2d3: {  	[tilespmem:s2+$0xFFFFFFF0] =	vst v63;
	v2 =	vmul.f32 v2, v60  }
0x2d4: {  	v0 =	vmul.f32 v0, v62;
	[tilespmem:s2+$0xFFFFFFE0] =	vst v1  }
0x2d5: {  	[tilespmem:s2+$0xFFFFFFD0] =	vst v2  }
0x2d6: {  	s13 =	simm.s32 $0x10;
	[tilespmem:s2+$0xFFFFFFC0] =	vst v0  }
0x2d7: {  	s18 =	simm.s32 $0x320;
	s4 =	simm.s32 $0x80;
	v0 =	vld [tilespmem:s13+$0x1CC0]  }
.LBB2_14:
0x2d8: {  	p1 =	sne.s32 s4, $0x13C0;
	v1 =	vld [tilespmem:s13+$0xDC0];
	_ =	sdelay $0x4  }
0x2d9: {  	v0 =	vadd.f32 v0, v1;
	_ =	sdelay $0x1  }
0x2da: {  	v1 =	vmin.f32 v0, $0.0e+00  }
0x2db: {  	v1 =	vmul.f32 $2.000000030e-01, v1  }
0x2dc: {  	v0 =	vmax.f32 v0, $0.0e+00  }
0x2dd: {  	v0 =	vadd.f32 v1, v0;
	_ =	sdelay $0x1  }
0x2de: {  	v0 =	vmul.f32 $1.442695020e+00, v0;
	_ =	sdelay $0x1  }
0x2df: {  	(erf) = vpow2.f32 v0;
	_ =	sdelay $0x8  }
0x2e0: {  	v0 =	vpop (erf)  }
0x2e1: {  	s2 =	sadd.s32 $0x80, s2;
	[tilespmem:s13+$0xDC0] =	vst v0;
	v1 =	vbroadcast v0, $0x6;
	v2 =	vbroadcast v0, $0x7  }
0x2e2: {  	v3 =	vbroadcast v0, $0x4;
	v4 =	vbroadcast v0, $0x5;
	v5 =	vld [tilespmem:s2+$0x30]  }
0x2e3: {  	v6 =	vbroadcast v0, $0x2;
	v7 =	vbroadcast v0, $0x3;
	v8 =	vld [tilespmem:s2+$0x20]  }
0x2e4: {  	v9 =	vbroadcast v0, $0x0;
	v0 =	vbroadcast v0, $0x1;
	v10 =	vld [tilespmem:s2+$0x10]  }
0x2e5: {  	v11 =	vld [tilespmem:s2+$0x0]  }
0x2e6: {  	v12 =	vld [tilespmem:s2+$0xFFFFFFF0]  }
0x2e7: {  	v13 =	vld [tilespmem:s2+$0xFFFFFFE0];
	v2 =	vmul.f32 v5, v2  }
0x2e8: {  	v5 =	vld [tilespmem:s2+$0xFFFFFFD0];
	v1 =	vmul.f32 v8, v1  }
0x2e9: {  	v8 =	vld [tilespmem:s2+$0xFFFFFFC0];
	v4 =	vmul.f32 v10, v4;
	[tilespmem:s2+$0x30] =	vst v2  }
0x2ea: {  	v2 =	vmul.f32 v11, v3;
	[tilespmem:s2+$0x20] =	vst v1  }
0x2eb: {  	v1 =	vmul.f32 v12, v7;
	[tilespmem:s2+$0x10] =	vst v4  }
0x2ec: {  	v3 =	vmul.f32 v6, v13;
	[tilespmem:s2+$0x0] =	vst v2  }
.Ltmp8:
0x2ed: {  	v0 =	vmul.f32 v0, v5;
	[tilespmem:s2+$0xFFFFFFF0] =	vst v1;
	(pc) =	sbr.rel @p1 .LBB2_14-.Ltmp8, $4  }
0x2ee: {  	v1 =	vmul.f32 v9, v8;
	[tilespmem:s2+$0xFFFFFFE0] =	vst v3  }
0x2ef: {  	[tilespmem:s2+$0xFFFFFFD0] =	vst v0  }
0x2f0: {  	s13 =	sshra.s32 s4, $0x2;
	[tilespmem:s2+$0xFFFFFFC0] =	vst v1  }
0x2f1: {  	s4 =	sadd.s32 $0x40, s4;
	v0 =	vld [tilespmem:s13+$0x1CC0]  }
0x2f2: {  	v1 =	vld [tilespmem:s13+$0xDC0];
	_ =	sdelay $0x4  }
0x2f3: {  	v0 =	vadd.f32 v0, v1;
	_ =	sdelay $0x1  }
0x2f4: {  	v1 =	vmin.f32 v0, $0.0e+00  }
0x2f5: {  	v1 =	vmul.f32 $2.000000030e-01, v1  }
0x2f6: {  	v0 =	vmax.f32 v0, $0.0e+00  }
0x2f7: {  	v0 =	vadd.f32 v1, v0;
	_ =	sdelay $0x1  }
0x2f8: {  	v0 =	vmul.f32 $1.442695020e+00, v0;
	_ =	sdelay $0x1  }
0x2f9: {  	(erf) = vpow2.f32 v0;
	_ =	sdelay $0x8  }
0x2fa: {  	v0 =	vpop (erf)  }
0x2fb: {  	s2 =	sadd.s32 $0x80, s2;
	[tilespmem:s13+$0xDC0] =	vst v0  }
0x2fc: {  	v58 =	vld [tilespmem:s2+$0x30]  }
0x2fd: {  	v2 =	vld [tilespmem:s2+$0x20]  }
0x2fe: {  	v3 =	vld [tilespmem:s2+$0x10]  }
0x2ff: {  	v4 =	vbroadcast v0, $0x7;
	v6 =	vbroadcast v0, $0x6;
	v5 =	vld [tilespmem:s2+$0x0]  }
0x300: {  	v8 =	vbroadcast v0, $0x5;
	v59 =	vbroadcast v0, $0x4;
	v7 =	vld [tilespmem:s2+$0xFFFFFFF0]  }
0x301: {  	v60 =	vbroadcast v0, $0x3;
	v11 =	vld [tilespmem:s2+$0xFFFFFFC0];
	v1 =	vmul.f32 v58, v4  }
0x302: {  	v61 =	vbroadcast v0, $0x2;
	v9 =	vld [tilespmem:s2+$0xFFFFFFE0];
	v2 =	vmul.f32 v2, v6  }
0x303: {  	v62 =	vbroadcast v0, $0x1;
	v10 =	vld [tilespmem:s2+$0xFFFFFFD0];
	v3 =	vmul.f32 v3, v8;
	[tilespmem:s2+$0x30] =	vst v1  }
0x304: {  	v0 =	vbroadcast v0, $0x0;
	v4 =	vmul.f32 v5, v59;
	[tilespmem:s2+$0x20] =	vst v2  }
0x305: {  	v63 =	vmul.f32 v7, v60;
	[tilespmem:s2+$0x10] =	vst v3  }
0x306: {  	v0 =	vmul.f32 v0, v11;
	[tilespmem:s2+$0x0] =	vst v4  }
0x307: {  	v1 =	vmul.f32 v61, v9;
	[tilespmem:s2+$0xFFFFFFF0] =	vst v63  }
0x308: {  	s23 =	sadd.s32 $0x1, s23;
	v2 =	vmul.f32 v62, v10;
	[tilespmem:s2+$0xFFFFFFC0] =	vst v0  }
0x309: {  	p1 =	seq.s32 s23, $0x19;
	[tilespmem:s2+$0xFFFFFFE0] =	vst v1  }
.Ltmp9:
0x30a: {  	s17 =	simm.s32 $0xDC0;
	s4 =	simm.s32 $0x370;
	[tilespmem:s2+$0xFFFFFFD0] =	vst v2;
	(pc) =	sbr.rel @!p1 .LBB2_3-.Ltmp9, $4  }
0x30b: {  	[spmem:s8] =	stream.indirect.scatter.add.f32 [tilespmem:s17], [sflag:$0xC], $0x10, s4, s24, $0xb8;
	[tilespmem:$0x1F9E0] =	vst v63  }
0x30c: {  	s20 =	simm.s32 $0x71C0  }
0x30d: {  	[spmem:s7] =	stream.indirect.scatter.add.f32 [tilespmem:s20], [sflag:$0xC], $0x80, s4, s24, $0xb8;
	[tilespmem:$0x1F9E0] =	vst v63  }
0x30e: {  	s21 =	simm.s32 $0x370;
	s20 =	simm.s32 $0x3C0  }
.Ltmp10:
0x30f: {  	(pc) =	sbr.rel .LBB2_32-.Ltmp10, $4  }
0x310: {  	_ = 	snop  }
0x311: {  	s4 =	rddreg [dreg:$0x5]  }
0x312: {  	s2 =	rddreg [dreg:$0xc]  }
0x313: {  	s20 =	rddreg [dreg:$0xa]  }
.LBB2_17:
0x314: {  	s2 =	rddreg [dreg:$0x14]  }
0x315: {  	[tilespmem:s13], [sflag:$0x1] =	stream.linear.gather [hbm4b:s2+s13], $0x50, $0x38;
	[tilespmem:$0x1F9E0] =	vst v63  }
0x316: {  	s23 =	rddreg [dreg:$0x15];
	s4 =	simm.s32 $0x1E0  }
0x317: {  	[tilespmem:s4], [sflag:$0x1] =	stream.linear.gather [hbm4b:s23+s13], $0x50, $0x38;
	[tilespmem:$0x1F9E0] =	vst v63  }
0x318: {  	s17 =	rddreg [dreg:$0x16]  }
0x319: {  	[tilespmem:s24], [sflag:$0x2] =	stream.linear.gather [hbm4b:s17+s13], $0x50, $0x38;
	[tilespmem:$0x1F9E0] =	vst v63  }
0x31a: {  	s20 =	rddreg [dreg:$0x17];
	s23 =	simm.s32 $0x1  }
0x31b: {  	[tilespmem:s12], [sflag:$0x2] =	stream.linear.gather [hbm4b:s20+s13], $0x50, $0x38;
	[tilespmem:$0x1F9E0] =	vst v63  }
0x31c: {  	_ =	swait.ge [sflag:s23], $0x50  }
0x31d: {  	[sflag:s23] =	ssyncset.done $0x0  }
0x31e: {  	[sflag:s23] =	ssyncadd.s32 $0xFFFFFFB0  }
0x31f: {  	_ =	swait.ge [sflag:s23], $0x50  }
0x320: {  	[sflag:s23] =	ssyncset.done $0x0  }
0x321: {  	s20 =	simm.s32 $0x3C0;
	[sflag:s23] =	ssyncadd.s32 $0xFFFFFFB0  }
0x322: {  	[tilespmem:s20], [sflag:$0x7] =	stream.indirect.gather [hbm4b:s0+s24], $0x10, s13, s24, $0xb8;
	[tilespmem:$0x1F9E0] =	vst v63  }
0x323: {  	s17 =	simm.s32 $0x12C0  }
0x324: {  	[tilespmem:s17], [sflag:$0x7] =	stream.indirect.gather [hbm4b:s1+s24], $0x10, s4, s24, $0xb8;
	[tilespmem:$0x1F9E0] =	vst v63  }
0x325: {  	s23 =	simm.s32 $0x21C0  }
0x326: {  	[tilespmem:s23], [sflag:$0x7] =	stream.indirect.gather [hbm4b:s3+s24], $0x80, s13, s24, $0xb8;
	[tilespmem:$0x1F9E0] =	vst v63  }
0x327: {  	s23 =	simm.s32 $0x0  }
.LBB2_18:
0x328: {  	_ =	swait.ge [sflag:s5], $0x500  }
0x329: {  	[sflag:s5] =	ssyncset.done $0x0  }
0x32a: {  	[sflag:s5] =	ssyncadd.s32 $0xFFFFFB00  }
0x32b: {  	_ =	swait.ge [sflag:s5], $0x500  }
0x32c: {  	[sflag:s5] =	ssyncset.done $0x0  }
0x32d: {  	[sflag:s5] =	ssyncadd.s32 $0xFFFFFB00  }
0x32e: {  	_ =	swait.ge [sflag:s5], $0x2800  }
0x32f: {  	p1 =	seq.s32 s23, $0x0;
	[sflag:s5] =	ssyncset.done $0x0  }
0x330: {  	s2 =	simm.s32 @!p1 $0xB;
	[sflag:s5] =	ssyncadd.s32 $0xFFFFD800  }
0x331: {  	_ =	swait.ge @!p1 [sflag:s2], $0x500  }
0x332: {  	[sflag:s2] =	ssyncset.done @!p1 $0x0  }
0x333: {  	[sflag:s2] =	ssyncadd.s32 @!p1 $0xFFFFFB00  }
0x334: {  	_ =	swait.ge @!p1 [sflag:s2], $0x2800  }
0x335: {  	[sflag:s2] =	ssyncset.done @!p1 $0x0  }
0x336: {  	[sflag:s2] =	ssyncadd.s32 @!p1 $0xFFFFD800  }
0x337: {  	_ =	swait.ge [sflag:s15], $0x50  }
0x338: {  	[sflag:s15] =	ssyncset.done $0x0  }
0x339: {  	[sflag:s15] =	ssyncadd.s32 $0xFFFFFFB0  }
0x33a: {  	_ =	swait.ge [sflag:s15], $0x50  }
0x33b: {  	[sflag:s15] =	ssyncset.done $0x0  }
0x33c: {  	s17 =	simm.s32 $0x8C0;
	[sflag:s15] =	ssyncadd.s32 $0xFFFFFFB0  }
0x33d: {  	[tilespmem:s17], [sflag:$0x8] =	stream.indirect.gather [hbm4b:s0+s24], $0x10, s24, s24, $0xb8;
	[tilespmem:$0x1F9E0] =	vst v63  }
0x33e: {  	s13 =	smul.u32 $0x6, s23;
	s4 =	simm.s32 $0x17C0  }
0x33f: {  	[tilespmem:s4], [sflag:$0x8] =	stream.indirect.gather [hbm4b:s1+s24], $0x10, s12, s24, $0xb8;
	[tilespmem:$0x1F9E0] =	vst v63  }
0x340: {  	s12 =	rddreg [dreg:$0x18]  }
0x341: {  	s2 =	sadd.s32 s13, s12  }
0x342: {  	s4 =	simm.s32 $0x49C0;
	s2 =	smul.u32 $0xA, s2  }
0x343: {  	[tilespmem:s4], [sflag:$0x8] =	stream.indirect.gather [hbm4b:s3+s24], $0x80, s24, s24, $0xb8;
	[tilespmem:$0x1F9E0] =	vst v63  }
0x344: {  	s17 =	simm.s32 $0x0;
	s12 =	simm.s32 $0xA0;
	s4 =	sadd.s32 s10, s2  }
0x345: {  	[tilespmem:s12], [sflag:$0x3] =	stream.linear.gather [hbm4b:s4+s17], $0x50, $0x38;
	[tilespmem:$0x1F9E0] =	vst v63  }
0x346: {  	s2 =	sadd.s32 s11, s2  }
0x347: {  	[tilespmem:s9], [sflag:$0x3] =	stream.linear.gather [hbm4b:s2+s17], $0x50, $0x38;
	[tilespmem:$0x1F9E0] =	vst v63  }
0x348: {  	s17 =	simm.s32 $0x0  }
0x349: {  	v0 =	vld [tilespmem:s17+$0x12C0]  }
0x34a: {  	v1 =	vld [tilespmem:s17+$0x3C0];
	_ =	sdelay $0x4  }
0x34b: {  	v0 =	vadd.f32 v0, v1;
	_ =	sdelay $0x1  }
0x34c: {  	v1 =	vmin.f32 v0, $0.0e+00  }
0x34d: {  	v1 =	vmul.f32 $2.000000030e-01, v1  }
0x34e: {  	v0 =	vmax.f32 v0, $0.0e+00  }
0x34f: {  	v0 =	vadd.f32 v1, v0;
	_ =	sdelay $0x1  }
0x350: {  	v0 =	vmul.f32 $1.442695020e+00, v0;
	_ =	sdelay $0x1  }
0x351: {  	(erf) = vpow2.f32 v0;
	_ =	sdelay $0x8  }
0x352: {  	v0 =	vpop (erf)  }
0x353: {  	s2 =	simm.s32 $0x2200;
	[tilespmem:s17+$0x3C0] =	vst v0  }
0x354: {  	v1 =	vld [tilespmem:s2+$0x30]  }
0x355: {  	v2 =	vld [tilespmem:s2+$0x20]  }
0x356: {  	v3 =	vld [tilespmem:s2+$0x10]  }
0x357: {  	v4 =	vbroadcast v0, $0x7;
	v5 =	vld [tilespmem:s2+$0x0]  }
0x358: {  	v6 =	vbroadcast v0, $0x6;
	v7 =	vld [tilespmem:s2+$0xFFFFFFF0]  }
0x359: {  	v8 =	vbroadcast v0, $0x5;
	v9 =	vld [tilespmem:s2+$0xFFFFFFE0];
	v1 =	vmul.f32 v1, v4  }
0x35a: {  	v61 =	vbroadcast v0, $0x4;
	v10 =	vld [tilespmem:s2+$0xFFFFFFD0];
	v2 =	vmul.f32 v2, v6  }
0x35b: {  	v62 =	vbroadcast v0, $0x3;
	v11 =	vld [tilespmem:s2+$0xFFFFFFC0];
	v3 =	vmul.f32 v3, v8;
	[tilespmem:s2+$0x30] =	vst v1  }
0x35c: {  	v4 =	vmul.f32 v5, v61;
	v1 =	vbroadcast v0, $0x2;
	[tilespmem:s2+$0x20] =	vst v2  }
0x35d: {  	v63 =	vmul.f32 v7, v62;
	v2 =	vbroadcast v0, $0x1;
	[tilespmem:s2+$0x10] =	vst v3  }
0x35e: {  	v0 =	vbroadcast v0, $0x0;
	[tilespmem:s2+$0x0] =	vst v4;
	v1 =	vmul.f32 v1, v9  }
0x35f: {  	[tilespmem:s2+$0xFFFFFFF0] =	vst v63;
	v2 =	vmul.f32 v2, v10  }
0x360: {  	v0 =	vmul.f32 v0, v11;
	[tilespmem:s2+$0xFFFFFFE0] =	vst v1  }
0x361: {  	[tilespmem:s2+$0xFFFFFFD0] =	vst v2  }
0x362: {  	s17 =	simm.s32 $0x10;
	[tilespmem:s2+$0xFFFFFFC0] =	vst v0  }
0x363: {  	s4 =	simm.s32 $0x80;
	v0 =	vld [tilespmem:s17+$0x12C0]  }
.LBB2_19:
0x364: {  	p2 =	sne.s32 s4, $0x13C0;
	v1 =	vld [tilespmem:s17+$0x3C0];
	_ =	sdelay $0x4  }
0x365: {  	v0 =	vadd.f32 v0, v1;
	_ =	sdelay $0x1  }
0x366: {  	v1 =	vmin.f32 v0, $0.0e+00  }
0x367: {  	v1 =	vmul.f32 $2.000000030e-01, v1  }
0x368: {  	v0 =	vmax.f32 v0, $0.0e+00  }
0x369: {  	v0 =	vadd.f32 v1, v0;
	_ =	sdelay $0x1  }
0x36a: {  	v0 =	vmul.f32 $1.442695020e+00, v0;
	_ =	sdelay $0x1  }
0x36b: {  	(erf) = vpow2.f32 v0;
	_ =	sdelay $0x8  }
0x36c: {  	v0 =	vpop (erf)  }
0x36d: {  	s2 =	sadd.s32 $0x80, s2;
	[tilespmem:s17+$0x3C0] =	vst v0;
	v1 =	vbroadcast v0, $0x6;
	v2 =	vbroadcast v0, $0x7  }
0x36e: {  	v3 =	vbroadcast v0, $0x4;
	v4 =	vbroadcast v0, $0x5;
	v5 =	vld [tilespmem:s2+$0x30]  }
0x36f: {  	v6 =	vbroadcast v0, $0x2;
	v7 =	vbroadcast v0, $0x3;
	v8 =	vld [tilespmem:s2+$0x20]  }
0x370: {  	v9 =	vbroadcast v0, $0x0;
	v0 =	vbroadcast v0, $0x1;
	v10 =	vld [tilespmem:s2+$0x10]  }
0x371: {  	v11 =	vld [tilespmem:s2+$0x0]  }
0x372: {  	v12 =	vld [tilespmem:s2+$0xFFFFFFF0]  }
0x373: {  	v13 =	vld [tilespmem:s2+$0xFFFFFFE0];
	v2 =	vmul.f32 v5, v2  }
0x374: {  	v5 =	vld [tilespmem:s2+$0xFFFFFFD0];
	v1 =	vmul.f32 v8, v1  }
0x375: {  	v8 =	vld [tilespmem:s2+$0xFFFFFFC0];
	v4 =	vmul.f32 v10, v4;
	[tilespmem:s2+$0x30] =	vst v2  }
0x376: {  	v2 =	vmul.f32 v11, v3;
	[tilespmem:s2+$0x20] =	vst v1  }
0x377: {  	v1 =	vmul.f32 v12, v7;
	[tilespmem:s2+$0x10] =	vst v4  }
0x378: {  	v3 =	vmul.f32 v6, v13;
	[tilespmem:s2+$0x0] =	vst v2  }
.Ltmp11:
0x379: {  	v0 =	vmul.f32 v0, v5;
	[tilespmem:s2+$0xFFFFFFF0] =	vst v1;
	(pc) =	sbr.rel @p2 .LBB2_19-.Ltmp11, $4  }
0x37a: {  	v1 =	vmul.f32 v9, v8;
	[tilespmem:s2+$0xFFFFFFE0] =	vst v3  }
0x37b: {  	[tilespmem:s2+$0xFFFFFFD0] =	vst v0  }
0x37c: {  	s17 =	sshra.s32 s4, $0x2;
	[tilespmem:s2+$0xFFFFFFC0] =	vst v1  }
0x37d: {  	s4 =	sadd.s32 $0x40, s4;
	v0 =	vld [tilespmem:s17+$0x12C0]  }
0x37e: {  	v1 =	vld [tilespmem:s17+$0x3C0];
	_ =	sdelay $0x4  }
0x37f: {  	v0 =	vadd.f32 v0, v1;
	_ =	sdelay $0x1  }
0x380: {  	v1 =	vmin.f32 v0, $0.0e+00  }
0x381: {  	v1 =	vmul.f32 $2.000000030e-01, v1  }
0x382: {  	v0 =	vmax.f32 v0, $0.0e+00  }
0x383: {  	v0 =	vadd.f32 v1, v0;
	_ =	sdelay $0x1  }
0x384: {  	v0 =	vmul.f32 $1.442695020e+00, v0;
	_ =	sdelay $0x1  }
0x385: {  	(erf) = vpow2.f32 v0;
	_ =	sdelay $0x8  }
0x386: {  	v0 =	vpop (erf)  }
0x387: {  	s2 =	sadd.s32 $0x80, s2;
	[tilespmem:s17+$0x3C0] =	vst v0  }
0x388: {  	v1 =	vld [tilespmem:s2+$0x30]  }
0x389: {  	v2 =	vld [tilespmem:s2+$0x20]  }
0x38a: {  	v3 =	vld [tilespmem:s2+$0x10]  }
0x38b: {  	v4 =	vbroadcast v0, $0x7;
	v5 =	vld [tilespmem:s2+$0x0]  }
0x38c: {  	v6 =	vbroadcast v0, $0x6;
	v7 =	vld [tilespmem:s2+$0xFFFFFFF0]  }
0x38d: {  	v8 =	vbroadcast v0, $0x5;
	v9 =	vld [tilespmem:s2+$0xFFFFFFE0];
	v1 =	vmul.f32 v1, v4  }
0x38e: {  	v50 =	vbroadcast v0, $0x4;
	v10 =	vld [tilespmem:s2+$0xFFFFFFD0];
	v2 =	vmul.f32 v2, v6  }
0x38f: {  	v51 =	vbroadcast v0, $0x3;
	v11 =	vld [tilespmem:s2+$0xFFFFFFC0];
	v3 =	vmul.f32 v3, v8;
	[tilespmem:s2+$0x30] =	vst v1  }
0x390: {  	v4 =	vmul.f32 v5, v50;
	v1 =	vbroadcast v0, $0x2;
	[tilespmem:s2+$0x20] =	vst v2  }
0x391: {  	v52 =	vmul.f32 v7, v51;
	v2 =	vbroadcast v0, $0x1;
	[tilespmem:s2+$0x10] =	vst v3  }
0x392: {  	v0 =	vbroadcast v0, $0x0;
	[tilespmem:s2+$0x0] =	vst v4;
	v1 =	vmul.f32 v1, v9  }
0x393: {  	[tilespmem:s2+$0xFFFFFFF0] =	vst v52;
	v2 =	vmul.f32 v2, v10  }
0x394: {  	v0 =	vmul.f32 v0, v11;
	[tilespmem:s2+$0xFFFFFFE0] =	vst v1  }
0x395: {  	[tilespmem:s2+$0xFFFFFFD0] =	vst v2  }
0x396: {  	s17 =	simm.s32 $0x1E0;
	[tilespmem:s2+$0xFFFFFFC0] =	vst v0  }
0x397: {  	[spmem:s8] =	stream.indirect.scatter.add.f32 [tilespmem:s20], [sflag:$0xA], $0x10, s17, s24, $0xb8;
	[tilespmem:$0x1F9E0] =	vst v63  }
0x398: {  	s4 =	simm.s32 $0x21C0  }
0x399: {  	[spmem:s7] =	stream.indirect.scatter.add.f32 [tilespmem:s4], [sflag:$0xA], $0x80, s17, s24, $0xb8;
	[tilespmem:$0x1F9E0] =	vst v63  }
0x39a: {  	_ =	swait.ge [sflag:s16], $0x500  }
0x39b: {  	[sflag:s16] =	ssyncset.done $0x0  }
0x39c: {  	[sflag:s16] =	ssyncadd.s32 $0xFFFFFB00  }
0x39d: {  	_ =	swait.ge [sflag:s16], $0x500  }
0x39e: {  	[sflag:s16] =	ssyncset.done $0x0  }
0x39f: {  	[sflag:s16] =	ssyncadd.s32 $0xFFFFFB00  }
0x3a0: {  	_ =	swait.ge [sflag:s16], $0x2800  }
0x3a1: {  	[sflag:s16] =	ssyncset.done $0x0  }
0x3a2: {  	s2 =	simm.s32 @!p1 $0xC;
	[sflag:s16] =	ssyncadd.s32 $0xFFFFD800  }
0x3a3: {  	_ =	swait.ge @!p1 [sflag:s2], $0x500  }
0x3a4: {  	[sflag:s2] =	ssyncset.done @!p1 $0x0  }
0x3a5: {  	[sflag:s2] =	ssyncadd.s32 @!p1 $0xFFFFFB00  }
0x3a6: {  	_ =	swait.ge @!p1 [sflag:s2], $0x2800  }
0x3a7: {  	[sflag:s2] =	ssyncset.done @!p1 $0x0  }
0x3a8: {  	[sflag:s2] =	ssyncadd.s32 @!p1 $0xFFFFD800  }
0x3a9: {  	_ =	swait.ge [sflag:s14], $0x50  }
0x3aa: {  	[sflag:s14] =	ssyncset.done $0x0  }
0x3ab: {  	[sflag:s14] =	ssyncadd.s32 $0xFFFFFFB0  }
0x3ac: {  	_ =	swait.ge [sflag:s14], $0x50  }
0x3ad: {  	[sflag:s14] =	ssyncset.done $0x0  }
0x3ae: {  	s12 =	simm.s32 $0xDC0;
	s4 =	simm.s32 $0xA0;
	[sflag:s14] =	ssyncadd.s32 $0xFFFFFFB0  }
0x3af: {  	[tilespmem:s12], [sflag:$0x9] =	stream.indirect.gather [hbm4b:s0+s24], $0x10, s4, s24, $0xb8;
	[tilespmem:$0x1F9E0] =	vst v63  }
0x3b0: {  	s12 =	rddreg [dreg:$0x19]  }
0x3b1: {  	s17 =	simm.s32 $0x1CC0;
	s2 =	sadd.s32 s13, s12  }
0x3b2: {  	[tilespmem:s17], [sflag:$0x9] =	stream.indirect.gather [hbm4b:s1+s24], $0x10, s9, s24, $0xb8;
	[tilespmem:$0x1F9E0] =	vst v63  }
0x3b3: {  	s2 =	smul.u32 $0xA, s2;
	s17 =	simm.s32 $0x71C0  }
0x3b4: {  	[tilespmem:s17], [sflag:$0x9] =	stream.indirect.gather [hbm4b:s3+s24], $0x80, s4, s24, $0xb8;
	[tilespmem:$0x1F9E0] =	vst v63  }
0x3b5: {  	s12 =	simm.s32 $0xF0;
	s9 =	sadd.s32 s10, s2;
	s17 =	simm.s32 $0x0  }
0x3b6: {  	[tilespmem:s12], [sflag:$0x4] =	stream.linear.gather [hbm4b:s9+s17], $0x50, $0x38;
	[tilespmem:$0x1F9E0] =	vst v63  }
0x3b7: {  	s2 =	sadd.s32 s11, s2  }
0x3b8: {  	[tilespmem:s31], [sflag:$0x4] =	stream.linear.gather [hbm4b:s2+s17], $0x50, $0x38;
	[tilespmem:$0x1F9E0] =	vst v63  }
0x3b9: {  	s17 =	simm.s32 $0x0  }
0x3ba: {  	v0 =	vld [tilespmem:s17+$0x17C0]  }
0x3bb: {  	v1 =	vld [tilespmem:s17+$0x8C0];
	_ =	sdelay $0x4  }
0x3bc: {  	v0 =	vadd.f32 v0, v1;
	_ =	sdelay $0x1  }
0x3bd: {  	v1 =	vmin.f32 v0, $0.0e+00  }
0x3be: {  	v1 =	vmul.f32 $2.000000030e-01, v1  }
0x3bf: {  	v0 =	vmax.f32 v0, $0.0e+00  }
0x3c0: {  	v0 =	vadd.f32 v1, v0;
	_ =	sdelay $0x1  }
0x3c1: {  	v0 =	vmul.f32 $1.442695020e+00, v0;
	_ =	sdelay $0x1  }
0x3c2: {  	(erf) = vpow2.f32 v0;
	_ =	sdelay $0x8  }
0x3c3: {  	v0 =	vpop (erf)  }
0x3c4: {  	s2 =	simm.s32 $0x4A00;
	[tilespmem:s17+$0x8C0] =	vst v0  }
0x3c5: {  	v1 =	vld [tilespmem:s2+$0x30]  }
0x3c6: {  	v2 =	vld [tilespmem:s2+$0x20]  }
0x3c7: {  	v3 =	vld [tilespmem:s2+$0x10]  }
0x3c8: {  	v53 =	vbroadcast v0, $0x7;
	v54 =	vld [tilespmem:s2+$0x0]  }
0x3c9: {  	v55 =	vbroadcast v0, $0x6;
	v56 =	vld [tilespmem:s2+$0xFFFFFFF0]  }
0x3ca: {  	v57 =	vbroadcast v0, $0x5;
	v58 =	vld [tilespmem:s2+$0xFFFFFFE0];
	v1 =	vmul.f32 v1, v53  }
0x3cb: {  	v59 =	vbroadcast v0, $0x4;
	v60 =	vld [tilespmem:s2+$0xFFFFFFD0];
	v2 =	vmul.f32 v2, v55  }
0x3cc: {  	v61 =	vbroadcast v0, $0x3;
	v62 =	vld [tilespmem:s2+$0xFFFFFFC0];
	v3 =	vmul.f32 v3, v57;
	[tilespmem:s2+$0x30] =	vst v1  }
0x3cd: {  	v4 =	vmul.f32 v54, v59;
	v1 =	vbroadcast v0, $0x2;
	[tilespmem:s2+$0x20] =	vst v2  }
0x3ce: {  	v63 =	vmul.f32 v56, v61;
	v2 =	vbroadcast v0, $0x1;
	[tilespmem:s2+$0x10] =	vst v3  }
0x3cf: {  	v0 =	vbroadcast v0, $0x0;
	[tilespmem:s2+$0x0] =	vst v4;
	v1 =	vmul.f32 v1, v58  }
0x3d0: {  	[tilespmem:s2+$0xFFFFFFF0] =	vst v63;
	v2 =	vmul.f32 v2, v60  }
0x3d1: {  	v0 =	vmul.f32 v0, v62;
	[tilespmem:s2+$0xFFFFFFE0] =	vst v1  }
0x3d2: {  	[tilespmem:s2+$0xFFFFFFD0] =	vst v2  }
0x3d3: {  	s17 =	simm.s32 $0x10;
	[tilespmem:s2+$0xFFFFFFC0] =	vst v0  }
0x3d4: {  	s4 =	simm.s32 $0x80;
	v0 =	vld [tilespmem:s17+$0x17C0]  }
.LBB2_21:
0x3d5: {  	p1 =	sne.s32 s4, $0x13C0;
	v1 =	vld [tilespmem:s17+$0x8C0];
	_ =	sdelay $0x4  }
0x3d6: {  	v0 =	vadd.f32 v0, v1;
	_ =	sdelay $0x1  }
0x3d7: {  	v1 =	vmin.f32 v0, $0.0e+00  }
0x3d8: {  	v1 =	vmul.f32 $2.000000030e-01, v1  }
0x3d9: {  	v0 =	vmax.f32 v0, $0.0e+00  }
0x3da: {  	v0 =	vadd.f32 v1, v0;
	_ =	sdelay $0x1  }
0x3db: {  	v0 =	vmul.f32 $1.442695020e+00, v0;
	_ =	sdelay $0x1  }
0x3dc: {  	(erf) = vpow2.f32 v0;
	_ =	sdelay $0x8  }
0x3dd: {  	v0 =	vpop (erf)  }
0x3de: {  	s2 =	sadd.s32 $0x80, s2;
	[tilespmem:s17+$0x8C0] =	vst v0;
	v1 =	vbroadcast v0, $0x6;
	v2 =	vbroadcast v0, $0x7  }
0x3df: {  	v3 =	vbroadcast v0, $0x4;
	v4 =	vbroadcast v0, $0x5;
	v5 =	vld [tilespmem:s2+$0x30]  }
0x3e0: {  	v6 =	vbroadcast v0, $0x2;
	v7 =	vbroadcast v0, $0x3;
	v8 =	vld [tilespmem:s2+$0x20]  }
0x3e1: {  	v9 =	vbroadcast v0, $0x0;
	v0 =	vbroadcast v0, $0x1;
	v10 =	vld [tilespmem:s2+$0x10]  }
0x3e2: {  	v11 =	vld [tilespmem:s2+$0x0]  }
0x3e3: {  	v12 =	vld [tilespmem:s2+$0xFFFFFFF0]  }
0x3e4: {  	v13 =	vld [tilespmem:s2+$0xFFFFFFE0];
	v2 =	vmul.f32 v5, v2  }
0x3e5: {  	v5 =	vld [tilespmem:s2+$0xFFFFFFD0];
	v1 =	vmul.f32 v8, v1  }
0x3e6: {  	v8 =	vld [tilespmem:s2+$0xFFFFFFC0];
	v4 =	vmul.f32 v10, v4;
	[tilespmem:s2+$0x30] =	vst v2  }
0x3e7: {  	v2 =	vmul.f32 v11, v3;
	[tilespmem:s2+$0x20] =	vst v1  }
0x3e8: {  	v1 =	vmul.f32 v12, v7;
	[tilespmem:s2+$0x10] =	vst v4  }
0x3e9: {  	v3 =	vmul.f32 v6, v13;
	[tilespmem:s2+$0x0] =	vst v2  }
.Ltmp12:
0x3ea: {  	v0 =	vmul.f32 v0, v5;
	[tilespmem:s2+$0xFFFFFFF0] =	vst v1;
	(pc) =	sbr.rel @p1 .LBB2_21-.Ltmp12, $4  }
0x3eb: {  	v1 =	vmul.f32 v9, v8;
	[tilespmem:s2+$0xFFFFFFE0] =	vst v3  }
0x3ec: {  	[tilespmem:s2+$0xFFFFFFD0] =	vst v0  }
0x3ed: {  	s17 =	sshra.s32 s4, $0x2;
	[tilespmem:s2+$0xFFFFFFC0] =	vst v1  }
0x3ee: {  	s4 =	sadd.s32 $0x40, s4;
	v0 =	vld [tilespmem:s17+$0x17C0]  }
0x3ef: {  	v1 =	vld [tilespmem:s17+$0x8C0];
	_ =	sdelay $0x4  }
0x3f0: {  	v0 =	vadd.f32 v0, v1;
	_ =	sdelay $0x1  }
0x3f1: {  	v1 =	vmin.f32 v0, $0.0e+00  }
0x3f2: {  	v1 =	vmul.f32 $2.000000030e-01, v1  }
0x3f3: {  	v0 =	vmax.f32 v0, $0.0e+00  }
0x3f4: {  	v0 =	vadd.f32 v1, v0;
	_ =	sdelay $0x1  }
0x3f5: {  	v0 =	vmul.f32 $1.442695020e+00, v0;
	_ =	sdelay $0x1  }
0x3f6: {  	(erf) = vpow2.f32 v0;
	_ =	sdelay $0x8  }
0x3f7: {  	v0 =	vpop (erf)  }
0x3f8: {  	s2 =	sadd.s32 $0x80, s2;
	[tilespmem:s17+$0x8C0] =	vst v0  }
0x3f9: {  	v1 =	vld [tilespmem:s2+$0x30]  }
0x3fa: {  	v2 =	vld [tilespmem:s2+$0x20]  }
0x3fb: {  	v3 =	vld [tilespmem:s2+$0x10]  }
0x3fc: {  	v4 =	vbroadcast v0, $0x7;
	v5 =	vld [tilespmem:s2+$0x0]  }
0x3fd: {  	v6 =	vbroadcast v0, $0x6;
	v7 =	vld [tilespmem:s2+$0xFFFFFFF0]  }
0x3fe: {  	v8 =	vbroadcast v0, $0x5;
	v9 =	vld [tilespmem:s2+$0xFFFFFFE0];
	v1 =	vmul.f32 v1, v4  }
0x3ff: {  	v50 =	vbroadcast v0, $0x4;
	v10 =	vld [tilespmem:s2+$0xFFFFFFD0];
	v2 =	vmul.f32 v2, v6  }
0x400: {  	v51 =	vbroadcast v0, $0x3;
	v11 =	vld [tilespmem:s2+$0xFFFFFFC0];
	v3 =	vmul.f32 v3, v8;
	[tilespmem:s2+$0x30] =	vst v1  }
0x401: {  	v4 =	vmul.f32 v5, v50;
	v1 =	vbroadcast v0, $0x2;
	[tilespmem:s2+$0x20] =	vst v2  }
0x402: {  	v52 =	vmul.f32 v7, v51;
	v2 =	vbroadcast v0, $0x1;
	[tilespmem:s2+$0x10] =	vst v3  }
0x403: {  	v0 =	vbroadcast v0, $0x0;
	[tilespmem:s2+$0x0] =	vst v4;
	v1 =	vmul.f32 v1, v9  }
0x404: {  	[tilespmem:s2+$0xFFFFFFF0] =	vst v52;
	v2 =	vmul.f32 v2, v10  }
0x405: {  	v0 =	vmul.f32 v0, v11;
	[tilespmem:s2+$0xFFFFFFE0] =	vst v1  }
0x406: {  	[tilespmem:s2+$0xFFFFFFD0] =	vst v2  }
0x407: {  	s9 =	simm.s32 $0x230;
	s4 =	simm.s32 $0x8C0;
	[tilespmem:s2+$0xFFFFFFC0] =	vst v0  }
0x408: {  	[spmem:s8] =	stream.indirect.scatter.add.f32 [tilespmem:s4], [sflag:$0xB], $0x10, s9, s24, $0xb8;
	[tilespmem:$0x1F9E0] =	vst v63  }
0x409: {  	s17 =	simm.s32 $0x49C0  }
0x40a: {  	[spmem:s7] =	stream.indirect.scatter.add.f32 [tilespmem:s17], [sflag:$0xB], $0x80, s9, s24, $0xb8;
	[tilespmem:$0x1F9E0] =	vst v63  }
0x40b: {  	_ =	swait.ge [sflag:s26], $0x500  }
0x40c: {  	[sflag:s26] =	ssyncset.done $0x0  }
0x40d: {  	[sflag:s26] =	ssyncadd.s32 $0xFFFFFB00  }
0x40e: {  	_ =	swait.ge [sflag:s26], $0x500  }
0x40f: {  	[sflag:s26] =	ssyncset.done $0x0  }
0x410: {  	[sflag:s26] =	ssyncadd.s32 $0xFFFFFB00  }
0x411: {  	_ =	swait.ge [sflag:s26], $0x2800  }
0x412: {  	[sflag:s26] =	ssyncset.done $0x0  }
0x413: {  	[sflag:s26] =	ssyncadd.s32 $0xFFFFD800  }
0x414: {  	_ =	swait.ge [sflag:s28], $0x500  }
0x415: {  	[sflag:s28] =	ssyncset.done $0x0  }
0x416: {  	[sflag:s28] =	ssyncadd.s32 $0xFFFFFB00  }
0x417: {  	_ =	swait.ge [sflag:s28], $0x2800  }
0x418: {  	[sflag:s28] =	ssyncset.done $0x0  }
0x419: {  	[sflag:s28] =	ssyncadd.s32 $0xFFFFD800  }
0x41a: {  	_ =	swait.ge [sflag:s29], $0x50  }
0x41b: {  	[sflag:s29] =	ssyncset.done $0x0  }
0x41c: {  	[sflag:s29] =	ssyncadd.s32 $0xFFFFFFB0  }
0x41d: {  	_ =	swait.ge [sflag:s29], $0x50  }
0x41e: {  	[sflag:s29] =	ssyncset.done $0x0  }
0x41f: {  	s9 =	simm.s32 $0xF0;
	s17 =	rddreg [dreg:$0x1a];
	[sflag:s29] =	ssyncadd.s32 $0xFFFFFFB0  }
0x420: {  	[tilespmem:s20], [sflag:$0x7] =	stream.indirect.gather [hbm4b:s0+s24], $0x10, s9, s24, $0xb8;
	[tilespmem:$0x1F9E0] =	vst v63  }
0x421: {  	s4 =	simm.s32 $0x12C0;
	s2 =	sadd.s32 s13, s17  }
0x422: {  	[tilespmem:s4], [sflag:$0x7] =	stream.indirect.gather [hbm4b:s1+s24], $0x10, s31, s24, $0xb8;
	[tilespmem:$0x1F9E0] =	vst v63  }
0x423: {  	s2 =	smul.u32 $0xA, s2;
	s31 =	simm.s32 $0x21C0  }
0x424: {  	[tilespmem:s31], [sflag:$0x7] =	stream.indirect.gather [hbm4b:s3+s24], $0x80, s9, s24, $0xb8;
	[tilespmem:$0x1F9E0] =	vst v63  }
0x425: {  	s17 =	simm.s32 $0x0;
	s9 =	sadd.s32 s10, s2;
	s31 =	simm.s32 $0x140  }
0x426: {  	[tilespmem:s31], [sflag:$0x5] =	stream.linear.gather [hbm4b:s9+s17], $0x50, $0x38;
	[tilespmem:$0x1F9E0] =	vst v63  }
0x427: {  	s2 =	sadd.s32 s11, s2;
	s31 =	simm.s32 $0x0  }
0x428: {  	[tilespmem:s18], [sflag:$0x5] =	stream.linear.gather [hbm4b:s2+s17], $0x50, $0x38;
	[tilespmem:$0x1F9E0] =	vst v63  }
0x429: {  	v0 =	vld [tilespmem:s31+$0x1CC0]  }
0x42a: {  	v1 =	vld [tilespmem:s31+$0xDC0];
	_ =	sdelay $0x4  }
0x42b: {  	v0 =	vadd.f32 v0, v1;
	_ =	sdelay $0x1  }
0x42c: {  	v1 =	vmin.f32 v0, $0.0e+00  }
0x42d: {  	v1 =	vmul.f32 $2.000000030e-01, v1  }
0x42e: {  	v0 =	vmax.f32 v0, $0.0e+00  }
0x42f: {  	v0 =	vadd.f32 v1, v0;
	_ =	sdelay $0x1  }
0x430: {  	v0 =	vmul.f32 $1.442695020e+00, v0;
	_ =	sdelay $0x1  }
0x431: {  	(erf) = vpow2.f32 v0;
	_ =	sdelay $0x8  }
0x432: {  	v0 =	vpop (erf)  }
0x433: {  	s2 =	simm.s32 $0x7200;
	[tilespmem:s31+$0xDC0] =	vst v0  }
0x434: {  	v1 =	vld [tilespmem:s2+$0x30]  }
0x435: {  	v2 =	vld [tilespmem:s2+$0x20]  }
0x436: {  	v3 =	vld [tilespmem:s2+$0x10]  }
0x437: {  	v53 =	vbroadcast v0, $0x7;
	v54 =	vld [tilespmem:s2+$0x0]  }
0x438: {  	v55 =	vbroadcast v0, $0x6;
	v56 =	vld [tilespmem:s2+$0xFFFFFFF0]  }
0x439: {  	v57 =	vbroadcast v0, $0x5;
	v58 =	vld [tilespmem:s2+$0xFFFFFFE0];
	v1 =	vmul.f32 v1, v53  }
0x43a: {  	v59 =	vbroadcast v0, $0x4;
	v60 =	vld [tilespmem:s2+$0xFFFFFFD0];
	v2 =	vmul.f32 v2, v55  }
0x43b: {  	v61 =	vbroadcast v0, $0x3;
	v62 =	vld [tilespmem:s2+$0xFFFFFFC0];
	v3 =	vmul.f32 v3, v57;
	[tilespmem:s2+$0x30] =	vst v1  }
0x43c: {  	v4 =	vmul.f32 v54, v59;
	v1 =	vbroadcast v0, $0x2;
	[tilespmem:s2+$0x20] =	vst v2  }
0x43d: {  	v63 =	vmul.f32 v56, v61;
	v2 =	vbroadcast v0, $0x1;
	[tilespmem:s2+$0x10] =	vst v3  }
0x43e: {  	v0 =	vbroadcast v0, $0x0;
	[tilespmem:s2+$0x0] =	vst v4;
	v1 =	vmul.f32 v1, v58  }
0x43f: {  	[tilespmem:s2+$0xFFFFFFF0] =	vst v63;
	v2 =	vmul.f32 v2, v60  }
0x440: {  	v0 =	vmul.f32 v0, v62;
	[tilespmem:s2+$0xFFFFFFE0] =	vst v1  }
0x441: {  	[tilespmem:s2+$0xFFFFFFD0] =	vst v2  }
0x442: {  	s17 =	simm.s32 $0x10;
	[tilespmem:s2+$0xFFFFFFC0] =	vst v0  }
0x443: {  	s12 =	simm.s32 $0x230;
	s4 =	simm.s32 $0x80;
	v0 =	vld [tilespmem:s17+$0x1CC0]  }
.LBB2_23:
0x444: {  	p1 =	sne.s32 s4, $0x13C0;
	v1 =	vld [tilespmem:s17+$0xDC0];
	_ =	sdelay $0x4  }
0x445: {  	v0 =	vadd.f32 v0, v1;
	_ =	sdelay $0x1  }
0x446: {  	v1 =	vmin.f32 v0, $0.0e+00  }
0x447: {  	v1 =	vmul.f32 $2.000000030e-01, v1  }
0x448: {  	v0 =	vmax.f32 v0, $0.0e+00  }
0x449: {  	v0 =	vadd.f32 v1, v0;
	_ =	sdelay $0x1  }
0x44a: {  	v0 =	vmul.f32 $1.442695020e+00, v0;
	_ =	sdelay $0x1  }
0x44b: {  	(erf) = vpow2.f32 v0;
	_ =	sdelay $0x8  }
0x44c: {  	v0 =	vpop (erf)  }
0x44d: {  	s2 =	sadd.s32 $0x80, s2;
	[tilespmem:s17+$0xDC0] =	vst v0;
	v1 =	vbroadcast v0, $0x6;
	v2 =	vbroadcast v0, $0x7  }
0x44e: {  	v3 =	vbroadcast v0, $0x4;
	v4 =	vbroadcast v0, $0x5;
	v5 =	vld [tilespmem:s2+$0x30]  }
0x44f: {  	v6 =	vbroadcast v0, $0x2;
	v7 =	vbroadcast v0, $0x3;
	v8 =	vld [tilespmem:s2+$0x20]  }
0x450: {  	v9 =	vbroadcast v0, $0x0;
	v0 =	vbroadcast v0, $0x1;
	v10 =	vld [tilespmem:s2+$0x10]  }
0x451: {  	v11 =	vld [tilespmem:s2+$0x0]  }
0x452: {  	v12 =	vld [tilespmem:s2+$0xFFFFFFF0]  }
0x453: {  	v13 =	vld [tilespmem:s2+$0xFFFFFFE0];
	v2 =	vmul.f32 v5, v2  }
0x454: {  	v5 =	vld [tilespmem:s2+$0xFFFFFFD0];
	v1 =	vmul.f32 v8, v1  }
0x455: {  	v8 =	vld [tilespmem:s2+$0xFFFFFFC0];
	v4 =	vmul.f32 v10, v4;
	[tilespmem:s2+$0x30] =	vst v2  }
0x456: {  	v2 =	vmul.f32 v11, v3;
	[tilespmem:s2+$0x20] =	vst v1  }
0x457: {  	v1 =	vmul.f32 v12, v7;
	[tilespmem:s2+$0x10] =	vst v4  }
0x458: {  	v3 =	vmul.f32 v6, v13;
	[tilespmem:s2+$0x0] =	vst v2  }
.Ltmp13:
0x459: {  	v0 =	vmul.f32 v0, v5;
	[tilespmem:s2+$0xFFFFFFF0] =	vst v1;
	(pc) =	sbr.rel @p1 .LBB2_23-.Ltmp13, $4  }
0x45a: {  	v1 =	vmul.f32 v9, v8;
	[tilespmem:s2+$0xFFFFFFE0] =	vst v3  }
0x45b: {  	[tilespmem:s2+$0xFFFFFFD0] =	vst v0  }
0x45c: {  	s17 =	sshra.s32 s4, $0x2;
	[tilespmem:s2+$0xFFFFFFC0] =	vst v1  }
0x45d: {  	s4 =	sadd.s32 $0x40, s4;
	v0 =	vld [tilespmem:s17+$0x1CC0]  }
0x45e: {  	v1 =	vld [tilespmem:s17+$0xDC0];
	_ =	sdelay $0x4  }
0x45f: {  	v0 =	vadd.f32 v0, v1;
	_ =	sdelay $0x1  }
0x460: {  	v1 =	vmin.f32 v0, $0.0e+00  }
0x461: {  	v1 =	vmul.f32 $2.000000030e-01, v1  }
0x462: {  	v0 =	vmax.f32 v0, $0.0e+00  }
0x463: {  	v0 =	vadd.f32 v1, v0;
	_ =	sdelay $0x1  }
0x464: {  	v0 =	vmul.f32 $1.442695020e+00, v0;
	_ =	sdelay $0x1  }
0x465: {  	(erf) = vpow2.f32 v0;
	_ =	sdelay $0x8  }
0x466: {  	v0 =	vpop (erf)  }
0x467: {  	s2 =	sadd.s32 $0x80, s2;
	[tilespmem:s17+$0xDC0] =	vst v0  }
0x468: {  	v1 =	vld [tilespmem:s2+$0x30]  }
0x469: {  	v2 =	vld [tilespmem:s2+$0x20]  }
0x46a: {  	v3 =	vld [tilespmem:s2+$0x10]  }
0x46b: {  	v4 =	vbroadcast v0, $0x7;
	v5 =	vld [tilespmem:s2+$0x0]  }
0x46c: {  	v6 =	vbroadcast v0, $0x6;
	v7 =	vld [tilespmem:s2+$0xFFFFFFF0]  }
0x46d: {  	v8 =	vbroadcast v0, $0x5;
	v9 =	vld [tilespmem:s2+$0xFFFFFFE0];
	v1 =	vmul.f32 v1, v4  }
0x46e: {  	v50 =	vbroadcast v0, $0x4;
	v10 =	vld [tilespmem:s2+$0xFFFFFFD0];
	v2 =	vmul.f32 v2, v6  }
0x46f: {  	v51 =	vbroadcast v0, $0x3;
	v11 =	vld [tilespmem:s2+$0xFFFFFFC0];
	v3 =	vmul.f32 v3, v8;
	[tilespmem:s2+$0x30] =	vst v1  }
0x470: {  	v4 =	vmul.f32 v5, v50;
	v1 =	vbroadcast v0, $0x2;
	[tilespmem:s2+$0x20] =	vst v2  }
0x471: {  	v52 =	vmul.f32 v7, v51;
	v2 =	vbroadcast v0, $0x1;
	[tilespmem:s2+$0x10] =	vst v3  }
0x472: {  	v0 =	vbroadcast v0, $0x0;
	[tilespmem:s2+$0x0] =	vst v4;
	v1 =	vmul.f32 v1, v9  }
0x473: {  	[tilespmem:s2+$0xFFFFFFF0] =	vst v52;
	v2 =	vmul.f32 v2, v10  }
0x474: {  	v0 =	vmul.f32 v0, v11;
	[tilespmem:s2+$0xFFFFFFE0] =	vst v1  }
0x475: {  	[tilespmem:s2+$0xFFFFFFD0] =	vst v2  }
0x476: {  	s31 =	simm.s32 $0x280;
	s4 =	simm.s32 $0xDC0;
	[tilespmem:s2+$0xFFFFFFC0] =	vst v0  }
0x477: {  	[spmem:s8] =	stream.indirect.scatter.add.f32 [tilespmem:s4], [sflag:$0xC], $0x10, s31, s24, $0xb8;
	[tilespmem:$0x1F9E0] =	vst v63  }
0x478: {  	s17 =	simm.s32 $0x71C0  }
0x479: {  	[spmem:s7] =	stream.indirect.scatter.add.f32 [tilespmem:s17], [sflag:$0xC], $0x80, s31, s24, $0xb8;
	[tilespmem:$0x1F9E0] =	vst v63  }
0x47a: {  	_ =	swait.ge [sflag:s5], $0x500  }
0x47b: {  	[sflag:s5] =	ssyncset.done $0x0  }
0x47c: {  	[sflag:s5] =	ssyncadd.s32 $0xFFFFFB00  }
0x47d: {  	_ =	swait.ge [sflag:s5], $0x500  }
0x47e: {  	[sflag:s5] =	ssyncset.done $0x0  }
0x47f: {  	[sflag:s5] =	ssyncadd.s32 $0xFFFFFB00  }
0x480: {  	_ =	swait.ge [sflag:s5], $0x2800  }
0x481: {  	[sflag:s5] =	ssyncset.done $0x0  }
0x482: {  	[sflag:s5] =	ssyncadd.s32 $0xFFFFD800  }
0x483: {  	_ =	swait.ge [sflag:s19], $0x500  }
0x484: {  	[sflag:s19] =	ssyncset.done $0x0  }
0x485: {  	[sflag:s19] =	ssyncadd.s32 $0xFFFFFB00  }
0x486: {  	_ =	swait.ge [sflag:s19], $0x2800  }
0x487: {  	[sflag:s19] =	ssyncset.done $0x0  }
0x488: {  	[sflag:s19] =	ssyncadd.s32 $0xFFFFD800  }
0x489: {  	_ =	swait.ge [sflag:s22], $0x50  }
0x48a: {  	[sflag:s22] =	ssyncset.done $0x0  }
0x48b: {  	[sflag:s22] =	ssyncadd.s32 $0xFFFFFFB0  }
0x48c: {  	_ =	swait.ge [sflag:s22], $0x50  }
0x48d: {  	[sflag:s22] =	ssyncset.done $0x0  }
0x48e: {  	s31 =	simm.s32 $0x8C0;
	s17 =	simm.s32 $0x140;
	[sflag:s22] =	ssyncadd.s32 $0xFFFFFFB0  }
0x48f: {  	[tilespmem:s31], [sflag:$0x8] =	stream.indirect.gather [hbm4b:s0+s24], $0x10, s17, s24, $0xb8;
	[tilespmem:$0x1F9E0] =	vst v63  }
0x490: {  	s4 =	simm.s32 $0x17C0  }
0x491: {  	[tilespmem:s4], [sflag:$0x8] =	stream.indirect.gather [hbm4b:s1+s24], $0x10, s18, s24, $0xb8;
	[tilespmem:$0x1F9E0] =	vst v63  }
0x492: {  	s18 =	rddreg [dreg:$0x1b]  }
0x493: {  	s2 =	sadd.s32 s13, s18  }
0x494: {  	s31 =	simm.s32 $0x49C0;
	s2 =	smul.u32 $0xA, s2  }
0x495: {  	[tilespmem:s31], [sflag:$0x8] =	stream.indirect.gather [hbm4b:s3+s24], $0x80, s17, s24, $0xb8;
	[tilespmem:$0x1F9E0] =	vst v63  }
0x496: {  	s18 =	simm.s32 $0x0;
	s17 =	sadd.s32 s10, s2  }
0x497: {  	[tilespmem:s25], [sflag:$0x6] =	stream.linear.gather [hbm4b:s17+s18], $0x50, $0x38;
	[tilespmem:$0x1F9E0] =	vst v63  }
0x498: {  	s31 =	simm.s32 $0x0;
	s2 =	sadd.s32 s11, s2  }
0x499: {  	[tilespmem:s21], [sflag:$0x6] =	stream.linear.gather [hbm4b:s2+s18], $0x50, $0x38;
	[tilespmem:$0x1F9E0] =	vst v63  }
0x49a: {  	v0 =	vld [tilespmem:s31+$0x12C0]  }
0x49b: {  	v1 =	vld [tilespmem:s31+$0x3C0];
	_ =	sdelay $0x4  }
0x49c: {  	v0 =	vadd.f32 v0, v1;
	_ =	sdelay $0x1  }
0x49d: {  	v1 =	vmin.f32 v0, $0.0e+00  }
0x49e: {  	v1 =	vmul.f32 $2.000000030e-01, v1  }
0x49f: {  	v0 =	vmax.f32 v0, $0.0e+00  }
0x4a0: {  	v0 =	vadd.f32 v1, v0;
	_ =	sdelay $0x1  }
0x4a1: {  	v0 =	vmul.f32 $1.442695020e+00, v0;
	_ =	sdelay $0x1  }
0x4a2: {  	(erf) = vpow2.f32 v0;
	_ =	sdelay $0x8  }
0x4a3: {  	v0 =	vpop (erf)  }
0x4a4: {  	s2 =	simm.s32 $0x2200;
	[tilespmem:s31+$0x3C0] =	vst v0  }
0x4a5: {  	v1 =	vld [tilespmem:s2+$0x30]  }
0x4a6: {  	v2 =	vld [tilespmem:s2+$0x20]  }
0x4a7: {  	v3 =	vld [tilespmem:s2+$0x10]  }
0x4a8: {  	v53 =	vbroadcast v0, $0x7;
	v54 =	vld [tilespmem:s2+$0x0]  }
0x4a9: {  	v55 =	vbroadcast v0, $0x6;
	v56 =	vld [tilespmem:s2+$0xFFFFFFF0]  }
0x4aa: {  	v57 =	vbroadcast v0, $0x5;
	v58 =	vld [tilespmem:s2+$0xFFFFFFE0];
	v1 =	vmul.f32 v1, v53  }
0x4ab: {  	v59 =	vbroadcast v0, $0x4;
	v60 =	vld [tilespmem:s2+$0xFFFFFFD0];
	v2 =	vmul.f32 v2, v55  }
0x4ac: {  	v61 =	vbroadcast v0, $0x3;
	v62 =	vld [tilespmem:s2+$0xFFFFFFC0];
	v3 =	vmul.f32 v3, v57;
	[tilespmem:s2+$0x30] =	vst v1  }
0x4ad: {  	v4 =	vmul.f32 v54, v59;
	v1 =	vbroadcast v0, $0x2;
	[tilespmem:s2+$0x20] =	vst v2  }
0x4ae: {  	v63 =	vmul.f32 v56, v61;
	v2 =	vbroadcast v0, $0x1;
	[tilespmem:s2+$0x10] =	vst v3  }
0x4af: {  	v0 =	vbroadcast v0, $0x0;
	[tilespmem:s2+$0x0] =	vst v4;
	v1 =	vmul.f32 v1, v58  }
0x4b0: {  	[tilespmem:s2+$0xFFFFFFF0] =	vst v63;
	v2 =	vmul.f32 v2, v60  }
0x4b1: {  	v0 =	vmul.f32 v0, v62;
	[tilespmem:s2+$0xFFFFFFE0] =	vst v1  }
0x4b2: {  	[tilespmem:s2+$0xFFFFFFD0] =	vst v2  }
0x4b3: {  	s17 =	simm.s32 $0x10;
	[tilespmem:s2+$0xFFFFFFC0] =	vst v0  }
0x4b4: {  	s9 =	simm.s32 $0x280;
	s4 =	simm.s32 $0x80;
	v0 =	vld [tilespmem:s17+$0x12C0]  }
.LBB2_25:
0x4b5: {  	p1 =	sne.s32 s4, $0x13C0;
	v1 =	vld [tilespmem:s17+$0x3C0];
	_ =	sdelay $0x4  }
0x4b6: {  	v0 =	vadd.f32 v0, v1;
	_ =	sdelay $0x1  }
0x4b7: {  	v1 =	vmin.f32 v0, $0.0e+00  }
0x4b8: {  	v1 =	vmul.f32 $2.000000030e-01, v1  }
0x4b9: {  	v0 =	vmax.f32 v0, $0.0e+00  }
0x4ba: {  	v0 =	vadd.f32 v1, v0;
	_ =	sdelay $0x1  }
0x4bb: {  	v0 =	vmul.f32 $1.442695020e+00, v0;
	_ =	sdelay $0x1  }
0x4bc: {  	(erf) = vpow2.f32 v0;
	_ =	sdelay $0x8  }
0x4bd: {  	v0 =	vpop (erf)  }
0x4be: {  	s2 =	sadd.s32 $0x80, s2;
	[tilespmem:s17+$0x3C0] =	vst v0;
	v1 =	vbroadcast v0, $0x6;
	v2 =	vbroadcast v0, $0x7  }
0x4bf: {  	v3 =	vbroadcast v0, $0x4;
	v4 =	vbroadcast v0, $0x5;
	v5 =	vld [tilespmem:s2+$0x30]  }
0x4c0: {  	v6 =	vbroadcast v0, $0x2;
	v7 =	vbroadcast v0, $0x3;
	v8 =	vld [tilespmem:s2+$0x20]  }
0x4c1: {  	v9 =	vbroadcast v0, $0x0;
	v0 =	vbroadcast v0, $0x1;
	v10 =	vld [tilespmem:s2+$0x10]  }
0x4c2: {  	v11 =	vld [tilespmem:s2+$0x0]  }
0x4c3: {  	v12 =	vld [tilespmem:s2+$0xFFFFFFF0]  }
0x4c4: {  	v13 =	vld [tilespmem:s2+$0xFFFFFFE0];
	v2 =	vmul.f32 v5, v2  }
0x4c5: {  	v5 =	vld [tilespmem:s2+$0xFFFFFFD0];
	v1 =	vmul.f32 v8, v1  }
0x4c6: {  	v8 =	vld [tilespmem:s2+$0xFFFFFFC0];
	v4 =	vmul.f32 v10, v4;
	[tilespmem:s2+$0x30] =	vst v2  }
0x4c7: {  	v2 =	vmul.f32 v11, v3;
	[tilespmem:s2+$0x20] =	vst v1  }
0x4c8: {  	v1 =	vmul.f32 v12, v7;
	[tilespmem:s2+$0x10] =	vst v4  }
0x4c9: {  	v3 =	vmul.f32 v6, v13;
	[tilespmem:s2+$0x0] =	vst v2  }
.Ltmp14:
0x4ca: {  	v0 =	vmul.f32 v0, v5;
	[tilespmem:s2+$0xFFFFFFF0] =	vst v1;
	(pc) =	sbr.rel @p1 .LBB2_25-.Ltmp14, $4  }
0x4cb: {  	v1 =	vmul.f32 v9, v8;
	[tilespmem:s2+$0xFFFFFFE0] =	vst v3  }
0x4cc: {  	[tilespmem:s2+$0xFFFFFFD0] =	vst v0  }
0x4cd: {  	s17 =	sshra.s32 s4, $0x2;
	[tilespmem:s2+$0xFFFFFFC0] =	vst v1  }
0x4ce: {  	s4 =	sadd.s32 $0x40, s4;
	v0 =	vld [tilespmem:s17+$0x12C0]  }
0x4cf: {  	v1 =	vld [tilespmem:s17+$0x3C0];
	_ =	sdelay $0x4  }
0x4d0: {  	v0 =	vadd.f32 v0, v1;
	_ =	sdelay $0x1  }
0x4d1: {  	v1 =	vmin.f32 v0, $0.0e+00  }
0x4d2: {  	v1 =	vmul.f32 $2.000000030e-01, v1  }
0x4d3: {  	v0 =	vmax.f32 v0, $0.0e+00  }
0x4d4: {  	v0 =	vadd.f32 v1, v0;
	_ =	sdelay $0x1  }
0x4d5: {  	v0 =	vmul.f32 $1.442695020e+00, v0;
	_ =	sdelay $0x1  }
0x4d6: {  	(erf) = vpow2.f32 v0;
	_ =	sdelay $0x8  }
0x4d7: {  	v0 =	vpop (erf)  }
0x4d8: {  	s2 =	sadd.s32 $0x80, s2;
	[tilespmem:s17+$0x3C0] =	vst v0  }
0x4d9: {  	v1 =	vld [tilespmem:s2+$0x30]  }
0x4da: {  	v2 =	vld [tilespmem:s2+$0x20]  }
0x4db: {  	v3 =	vld [tilespmem:s2+$0x10]  }
0x4dc: {  	v4 =	vbroadcast v0, $0x7;
	v5 =	vld [tilespmem:s2+$0x0]  }
0x4dd: {  	v6 =	vbroadcast v0, $0x6;
	v7 =	vld [tilespmem:s2+$0xFFFFFFF0]  }
0x4de: {  	v8 =	vbroadcast v0, $0x5;
	v9 =	vld [tilespmem:s2+$0xFFFFFFE0];
	v1 =	vmul.f32 v1, v4  }
0x4df: {  	v50 =	vbroadcast v0, $0x4;
	v10 =	vld [tilespmem:s2+$0xFFFFFFD0];
	v2 =	vmul.f32 v2, v6  }
0x4e0: {  	v51 =	vbroadcast v0, $0x3;
	v11 =	vld [tilespmem:s2+$0xFFFFFFC0];
	v3 =	vmul.f32 v3, v8;
	[tilespmem:s2+$0x30] =	vst v1  }
0x4e1: {  	v4 =	vmul.f32 v5, v50;
	v1 =	vbroadcast v0, $0x2;
	[tilespmem:s2+$0x20] =	vst v2  }
0x4e2: {  	v52 =	vmul.f32 v7, v51;
	v2 =	vbroadcast v0, $0x1;
	[tilespmem:s2+$0x10] =	vst v3  }
0x4e3: {  	v0 =	vbroadcast v0, $0x0;
	[tilespmem:s2+$0x0] =	vst v4;
	v1 =	vmul.f32 v1, v9  }
0x4e4: {  	[tilespmem:s2+$0xFFFFFFF0] =	vst v52;
	v2 =	vmul.f32 v2, v10  }
0x4e5: {  	v0 =	vmul.f32 v0, v11;
	[tilespmem:s2+$0xFFFFFFE0] =	vst v1  }
0x4e6: {  	[tilespmem:s2+$0xFFFFFFD0] =	vst v2  }
0x4e7: {  	s4 =	simm.s32 $0x2D0;
	[tilespmem:s2+$0xFFFFFFC0] =	vst v0  }
0x4e8: {  	[spmem:s8] =	stream.indirect.scatter.add.f32 [tilespmem:s20], [sflag:$0xA], $0x10, s4, s24, $0xb8;
	[tilespmem:$0x1F9E0] =	vst v63  }
0x4e9: {  	s20 =	simm.s32 $0x21C0  }
0x4ea: {  	[spmem:s7] =	stream.indirect.scatter.add.f32 [tilespmem:s20], [sflag:$0xA], $0x80, s4, s24, $0xb8;
	[tilespmem:$0x1F9E0] =	vst v63  }
0x4eb: {  	_ =	swait.ge [sflag:s16], $0x500  }
0x4ec: {  	[sflag:s16] =	ssyncset.done $0x0  }
0x4ed: {  	[sflag:s16] =	ssyncadd.s32 $0xFFFFFB00  }
0x4ee: {  	_ =	swait.ge [sflag:s16], $0x500  }
0x4ef: {  	[sflag:s16] =	ssyncset.done $0x0  }
0x4f0: {  	[sflag:s16] =	ssyncadd.s32 $0xFFFFFB00  }
0x4f1: {  	_ =	swait.ge [sflag:s16], $0x2800  }
0x4f2: {  	[sflag:s16] =	ssyncset.done $0x0  }
0x4f3: {  	[sflag:s16] =	ssyncadd.s32 $0xFFFFD800  }
0x4f4: {  	_ =	swait.ge [sflag:s6], $0x500  }
0x4f5: {  	[sflag:s6] =	ssyncset.done $0x0  }
0x4f6: {  	[sflag:s6] =	ssyncadd.s32 $0xFFFFFB00  }
0x4f7: {  	_ =	swait.ge [sflag:s6], $0x2800  }
0x4f8: {  	[sflag:s6] =	ssyncset.done $0x0  }
0x4f9: {  	[sflag:s6] =	ssyncadd.s32 $0xFFFFD800  }
0x4fa: {  	_ =	swait.ge [sflag:s30], $0x50  }
0x4fb: {  	[sflag:s30] =	ssyncset.done $0x0  }
0x4fc: {  	[sflag:s30] =	ssyncadd.s32 $0xFFFFFFB0  }
0x4fd: {  	_ =	swait.ge [sflag:s30], $0x50  }
0x4fe: {  	s25 =	simm.s32 $0xDC0;
	p1 =	seq.s32 s23, $0x10;
	[sflag:s30] =	ssyncset.done $0x0  }
0x4ff: {  	s4 =	simm.s32 $0x190;
	s2 =	rddreg [dreg:$0x1c];
	[sflag:s30] =	ssyncadd.s32 $0xFFFFFFB0  }
0x500: {  	[tilespmem:s25], [sflag:$0x9] =	stream.indirect.gather [hbm4b:s0+s24], $0x10, s4, s24, $0xb8;
	[tilespmem:$0x1F9E0] =	vst v63  }
0x501: {  	s18 =	simm.s32 $0x1CC0;
	s2 =	sadd.s32 @!p1 s13, s2  }
0x502: {  	[tilespmem:s18], [sflag:$0x9] =	stream.indirect.gather [hbm4b:s1+s24], $0x10, s21, s24, $0xb8;
	[tilespmem:$0x1F9E0] =	vst v63  }
0x503: {  	s20 =	simm.s32 $0x71C0;
	s2 =	smul.u32 @!p1 $0xA, s2  }
0x504: {  	[tilespmem:s20], [sflag:$0x9] =	stream.indirect.gather [hbm4b:s3+s24], $0x80, s4, s24, $0xb8;
	[tilespmem:$0x1F9E0] =	vst v63  }
0x505: {  	s17 =	simm.s32 @!p1 $0x0;
	s4 =	sadd.s32 @!p1 s10, s2  }
0x506: {  	[tilespmem:s17], [sflag:$0x1] =	stream.linear.gather @!p1 [hbm4b:s4+s17], $0x50, $0x38;
	[tilespmem:$0x1F9E0] =	vst v63  }
0x507: {  	s21 =	simm.s32 $0x0;
	s2 =	sadd.s32 @!p1 s11, s2;
	s4 =	simm.s32 @!p1 $0x1E0  }
0x508: {  	[tilespmem:s4], [sflag:$0x1] =	stream.linear.gather @!p1 [hbm4b:s2+s17], $0x50, $0x38;
	[tilespmem:$0x1F9E0] =	vst v63  }
0x509: {  	v0 =	vld [tilespmem:s21+$0x17C0]  }
0x50a: {  	v1 =	vld [tilespmem:s21+$0x8C0];
	_ =	sdelay $0x4  }
0x50b: {  	v0 =	vadd.f32 v0, v1;
	_ =	sdelay $0x1  }
0x50c: {  	v1 =	vmin.f32 v0, $0.0e+00  }
0x50d: {  	v1 =	vmul.f32 $2.000000030e-01, v1  }
0x50e: {  	v0 =	vmax.f32 v0, $0.0e+00  }
0x50f: {  	v0 =	vadd.f32 v1, v0;
	_ =	sdelay $0x1  }
0x510: {  	v0 =	vmul.f32 $1.442695020e+00, v0;
	_ =	sdelay $0x1  }
0x511: {  	(erf) = vpow2.f32 v0;
	_ =	sdelay $0x8  }
0x512: {  	v0 =	vpop (erf)  }
0x513: {  	s2 =	simm.s32 $0x4A00;
	[tilespmem:s21+$0x8C0] =	vst v0  }
0x514: {  	v1 =	vld [tilespmem:s2+$0x30]  }
0x515: {  	v2 =	vld [tilespmem:s2+$0x20]  }
0x516: {  	v3 =	vld [tilespmem:s2+$0x10]  }
0x517: {  	v53 =	vbroadcast v0, $0x7;
	v54 =	vld [tilespmem:s2+$0x0]  }
0x518: {  	v55 =	vbroadcast v0, $0x6;
	v56 =	vld [tilespmem:s2+$0xFFFFFFF0]  }
0x519: {  	v57 =	vbroadcast v0, $0x5;
	v58 =	vld [tilespmem:s2+$0xFFFFFFE0];
	v1 =	vmul.f32 v1, v53  }
0x51a: {  	v59 =	vbroadcast v0, $0x4;
	v60 =	vld [tilespmem:s2+$0xFFFFFFD0];
	v2 =	vmul.f32 v2, v55  }
0x51b: {  	v61 =	vbroadcast v0, $0x3;
	v62 =	vld [tilespmem:s2+$0xFFFFFFC0];
	v3 =	vmul.f32 v3, v57;
	[tilespmem:s2+$0x30] =	vst v1  }
0x51c: {  	v4 =	vmul.f32 v54, v59;
	v1 =	vbroadcast v0, $0x2;
	[tilespmem:s2+$0x20] =	vst v2  }
0x51d: {  	v63 =	vmul.f32 v56, v61;
	v2 =	vbroadcast v0, $0x1;
	[tilespmem:s2+$0x10] =	vst v3  }
0x51e: {  	v0 =	vbroadcast v0, $0x0;
	[tilespmem:s2+$0x0] =	vst v4;
	v1 =	vmul.f32 v1, v58  }
0x51f: {  	[tilespmem:s2+$0xFFFFFFF0] =	vst v63;
	v2 =	vmul.f32 v2, v60  }
0x520: {  	v0 =	vmul.f32 v0, v62;
	[tilespmem:s2+$0xFFFFFFE0] =	vst v1  }
0x521: {  	[tilespmem:s2+$0xFFFFFFD0] =	vst v2  }
0x522: {  	s17 =	simm.s32 $0x10;
	[tilespmem:s2+$0xFFFFFFC0] =	vst v0  }
0x523: {  	s31 =	simm.s32 $0x2D0;
	s25 =	simm.s32 $0x190;
	s4 =	simm.s32 $0x80;
	v0 =	vld [tilespmem:s17+$0x17C0]  }
.LBB2_27:
0x524: {  	p2 =	sne.s32 s4, $0x13C0;
	v1 =	vld [tilespmem:s17+$0x8C0];
	_ =	sdelay $0x4  }
0x525: {  	v0 =	vadd.f32 v0, v1;
	_ =	sdelay $0x1  }
0x526: {  	v1 =	vmin.f32 v0, $0.0e+00  }
0x527: {  	v1 =	vmul.f32 $2.000000030e-01, v1  }
0x528: {  	v0 =	vmax.f32 v0, $0.0e+00  }
0x529: {  	v0 =	vadd.f32 v1, v0;
	_ =	sdelay $0x1  }
0x52a: {  	v0 =	vmul.f32 $1.442695020e+00, v0;
	_ =	sdelay $0x1  }
0x52b: {  	(erf) = vpow2.f32 v0;
	_ =	sdelay $0x8  }
0x52c: {  	v0 =	vpop (erf)  }
0x52d: {  	s2 =	sadd.s32 $0x80, s2;
	[tilespmem:s17+$0x8C0] =	vst v0;
	v1 =	vbroadcast v0, $0x6;
	v2 =	vbroadcast v0, $0x7  }
0x52e: {  	v3 =	vbroadcast v0, $0x4;
	v4 =	vbroadcast v0, $0x5;
	v5 =	vld [tilespmem:s2+$0x30]  }
0x52f: {  	v6 =	vbroadcast v0, $0x2;
	v7 =	vbroadcast v0, $0x3;
	v8 =	vld [tilespmem:s2+$0x20]  }
0x530: {  	v9 =	vbroadcast v0, $0x0;
	v0 =	vbroadcast v0, $0x1;
	v10 =	vld [tilespmem:s2+$0x10]  }
0x531: {  	v11 =	vld [tilespmem:s2+$0x0]  }
0x532: {  	v12 =	vld [tilespmem:s2+$0xFFFFFFF0]  }
0x533: {  	v13 =	vld [tilespmem:s2+$0xFFFFFFE0];
	v2 =	vmul.f32 v5, v2  }
0x534: {  	v5 =	vld [tilespmem:s2+$0xFFFFFFD0];
	v1 =	vmul.f32 v8, v1  }
0x535: {  	v8 =	vld [tilespmem:s2+$0xFFFFFFC0];
	v4 =	vmul.f32 v10, v4;
	[tilespmem:s2+$0x30] =	vst v2  }
0x536: {  	v2 =	vmul.f32 v11, v3;
	[tilespmem:s2+$0x20] =	vst v1  }
0x537: {  	v1 =	vmul.f32 v12, v7;
	[tilespmem:s2+$0x10] =	vst v4  }
0x538: {  	v3 =	vmul.f32 v6, v13;
	[tilespmem:s2+$0x0] =	vst v2  }
.Ltmp15:
0x539: {  	v0 =	vmul.f32 v0, v5;
	[tilespmem:s2+$0xFFFFFFF0] =	vst v1;
	(pc) =	sbr.rel @p2 .LBB2_27-.Ltmp15, $4  }
0x53a: {  	v1 =	vmul.f32 v9, v8;
	[tilespmem:s2+$0xFFFFFFE0] =	vst v3  }
0x53b: {  	[tilespmem:s2+$0xFFFFFFD0] =	vst v0  }
0x53c: {  	s17 =	sshra.s32 s4, $0x2;
	[tilespmem:s2+$0xFFFFFFC0] =	vst v1  }
0x53d: {  	s4 =	sadd.s32 $0x40, s4;
	v0 =	vld [tilespmem:s17+$0x17C0]  }
0x53e: {  	v1 =	vld [tilespmem:s17+$0x8C0];
	_ =	sdelay $0x4  }
0x53f: {  	v0 =	vadd.f32 v0, v1;
	_ =	sdelay $0x1  }
0x540: {  	v1 =	vmin.f32 v0, $0.0e+00  }
0x541: {  	v1 =	vmul.f32 $2.000000030e-01, v1  }
0x542: {  	v0 =	vmax.f32 v0, $0.0e+00  }
0x543: {  	v0 =	vadd.f32 v1, v0;
	_ =	sdelay $0x1  }
0x544: {  	v0 =	vmul.f32 $1.442695020e+00, v0;
	_ =	sdelay $0x1  }
0x545: {  	(erf) = vpow2.f32 v0;
	_ =	sdelay $0x8  }
0x546: {  	v0 =	vpop (erf)  }
0x547: {  	s2 =	sadd.s32 $0x80, s2;
	[tilespmem:s17+$0x8C0] =	vst v0  }
0x548: {  	v1 =	vld [tilespmem:s2+$0x30]  }
0x549: {  	v2 =	vld [tilespmem:s2+$0x20]  }
0x54a: {  	v3 =	vld [tilespmem:s2+$0x10]  }
0x54b: {  	v4 =	vbroadcast v0, $0x7;
	v5 =	vld [tilespmem:s2+$0x0]  }
0x54c: {  	v6 =	vbroadcast v0, $0x6;
	v7 =	vld [tilespmem:s2+$0xFFFFFFF0]  }
0x54d: {  	v8 =	vbroadcast v0, $0x5;
	v9 =	vld [tilespmem:s2+$0xFFFFFFE0];
	v1 =	vmul.f32 v1, v4  }
0x54e: {  	v50 =	vbroadcast v0, $0x4;
	v10 =	vld [tilespmem:s2+$0xFFFFFFD0];
	v2 =	vmul.f32 v2, v6  }
0x54f: {  	v51 =	vbroadcast v0, $0x3;
	v11 =	vld [tilespmem:s2+$0xFFFFFFC0];
	v3 =	vmul.f32 v3, v8;
	[tilespmem:s2+$0x30] =	vst v1  }
0x550: {  	v4 =	vmul.f32 v5, v50;
	v1 =	vbroadcast v0, $0x2;
	[tilespmem:s2+$0x20] =	vst v2  }
0x551: {  	v52 =	vmul.f32 v7, v51;
	v2 =	vbroadcast v0, $0x1;
	[tilespmem:s2+$0x10] =	vst v3  }
0x552: {  	v0 =	vbroadcast v0, $0x0;
	[tilespmem:s2+$0x0] =	vst v4;
	v1 =	vmul.f32 v1, v9  }
0x553: {  	[tilespmem:s2+$0xFFFFFFF0] =	vst v52;
	v2 =	vmul.f32 v2, v10  }
0x554: {  	v0 =	vmul.f32 v0, v11;
	[tilespmem:s2+$0xFFFFFFE0] =	vst v1  }
0x555: {  	[tilespmem:s2+$0xFFFFFFD0] =	vst v2  }
0x556: {  	s18 =	simm.s32 $0x8C0;
	s4 =	simm.s32 $0x320;
	[tilespmem:s2+$0xFFFFFFC0] =	vst v0  }
0x557: {  	[spmem:s8] =	stream.indirect.scatter.add.f32 [tilespmem:s18], [sflag:$0xB], $0x10, s4, s24, $0xb8;
	[tilespmem:$0x1F9E0] =	vst v63  }
0x558: {  	s20 =	simm.s32 $0x49C0  }
0x559: {  	[spmem:s7] =	stream.indirect.scatter.add.f32 [tilespmem:s20], [sflag:$0xB], $0x80, s4, s24, $0xb8;
	[tilespmem:$0x1F9E0] =	vst v63  }
0x55a: {  	_ =	swait.ge [sflag:s26], $0x500  }
0x55b: {  	[sflag:s26] =	ssyncset.done $0x0  }
0x55c: {  	[sflag:s26] =	ssyncadd.s32 $0xFFFFFB00  }
0x55d: {  	_ =	swait.ge [sflag:s26], $0x500  }
0x55e: {  	[sflag:s26] =	ssyncset.done $0x0  }
0x55f: {  	[sflag:s26] =	ssyncadd.s32 $0xFFFFFB00  }
0x560: {  	_ =	swait.ge [sflag:s26], $0x2800  }
0x561: {  	[sflag:s26] =	ssyncset.done $0x0  }
0x562: {  	[sflag:s26] =	ssyncadd.s32 $0xFFFFD800  }
0x563: {  	_ =	swait.ge [sflag:s28], $0x500  }
0x564: {  	[sflag:s28] =	ssyncset.done $0x0  }
0x565: {  	[sflag:s28] =	ssyncadd.s32 $0xFFFFFB00  }
0x566: {  	_ =	swait.ge [sflag:s28], $0x2800  }
0x567: {  	[sflag:s28] =	ssyncset.done $0x0  }
0x568: {  	s2 =	simm.s32 @!p1 $0x1;
	[sflag:s28] =	ssyncadd.s32 $0xFFFFD800  }
0x569: {  	_ =	swait.ge @!p1 [sflag:s2], $0x50  }
0x56a: {  	[sflag:s2] =	ssyncset.done @!p1 $0x0  }
0x56b: {  	[sflag:s2] =	ssyncadd.s32 @!p1 $0xFFFFFFB0  }
0x56c: {  	_ =	swait.ge @!p1 [sflag:s2], $0x50  }
0x56d: {  	s17 =	simm.s32 @!p1 $0x3C0;
	[sflag:s2] =	ssyncset.done @!p1 $0x0  }
0x56e: {  	s4 =	simm.s32 @!p1 $0x0;
	[sflag:s2] =	ssyncadd.s32 @!p1 $0xFFFFFFB0;
	s2 =	simm.s32 @!p1 $0x50  }
0x56f: {  	[tilespmem:s17], [sflag:$0x7] =	stream.indirect.gather @!p1 [hbm4b:s0+s2], $0x10, s4, s2, $0xb8;
	[tilespmem:$0x1F9E0] =	vst v63  }
0x570: {  	s20 =	simm.s32 @!p1 $0x12C0;
	s17 =	simm.s32 @!p1 $0x1E0  }
0x571: {  	[tilespmem:s20], [sflag:$0x7] =	stream.indirect.gather @!p1 [hbm4b:s1+s2], $0x10, s17, s2, $0xb8;
	[tilespmem:$0x1F9E0] =	vst v63  }
0x572: {  	s17 =	rddreg [dreg:$0x1d]  }
0x573: {  	s13 =	sadd.s32 @!p1 s13, s17  }
0x574: {  	s17 =	simm.s32 @!p1 $0x21C0;
	s13 =	smul.u32 @!p1 $0xA, s13  }
0x575: {  	[tilespmem:s17], [sflag:$0x7] =	stream.indirect.gather @!p1 [hbm4b:s3+s2], $0x80, s4, s2, $0xb8;
	[tilespmem:$0x1F9E0] =	vst v63  }
0x576: {  	s17 =	sadd.s32 @!p1 s10, s13  }
0x577: {  	[tilespmem:s2], [sflag:$0x2] =	stream.linear.gather @!p1 [hbm4b:s17+s4], $0x50, $0x38;
	[tilespmem:$0x1F9E0] =	vst v63  }
0x578: {  	s21 =	simm.s32 $0x0;
	s2 =	sadd.s32 @!p1 s11, s13;
	s13 =	simm.s32 @!p1 $0x230  }
0x579: {  	[tilespmem:s13], [sflag:$0x2] =	stream.linear.gather @!p1 [hbm4b:s2+s4], $0x50, $0x38;
	[tilespmem:$0x1F9E0] =	vst v63  }
0x57a: {  	v0 =	vld [tilespmem:s21+$0x1CC0]  }
0x57b: {  	v1 =	vld [tilespmem:s21+$0xDC0];
	_ =	sdelay $0x4  }
0x57c: {  	v0 =	vadd.f32 v0, v1;
	_ =	sdelay $0x1  }
0x57d: {  	v1 =	vmin.f32 v0, $0.0e+00  }
0x57e: {  	v1 =	vmul.f32 $2.000000030e-01, v1  }
0x57f: {  	v0 =	vmax.f32 v0, $0.0e+00  }
0x580: {  	v0 =	vadd.f32 v1, v0;
	_ =	sdelay $0x1  }
0x581: {  	v0 =	vmul.f32 $1.442695020e+00, v0;
	_ =	sdelay $0x1  }
0x582: {  	(erf) = vpow2.f32 v0;
	_ =	sdelay $0x8  }
0x583: {  	v0 =	vpop (erf)  }
0x584: {  	s2 =	simm.s32 $0x7200;
	[tilespmem:s21+$0xDC0] =	vst v0  }
0x585: {  	v1 =	vld [tilespmem:s2+$0x30]  }
0x586: {  	v2 =	vld [tilespmem:s2+$0x20]  }
0x587: {  	v3 =	vld [tilespmem:s2+$0x10]  }
0x588: {  	v53 =	vbroadcast v0, $0x7;
	v54 =	vld [tilespmem:s2+$0x0]  }
0x589: {  	v55 =	vbroadcast v0, $0x6;
	v56 =	vld [tilespmem:s2+$0xFFFFFFF0]  }
0x58a: {  	v57 =	vbroadcast v0, $0x5;
	v58 =	vld [tilespmem:s2+$0xFFFFFFE0];
	v1 =	vmul.f32 v1, v53  }
0x58b: {  	v59 =	vbroadcast v0, $0x4;
	v60 =	vld [tilespmem:s2+$0xFFFFFFD0];
	v2 =	vmul.f32 v2, v55  }
0x58c: {  	v61 =	vbroadcast v0, $0x3;
	v62 =	vld [tilespmem:s2+$0xFFFFFFC0];
	v3 =	vmul.f32 v3, v57;
	[tilespmem:s2+$0x30] =	vst v1  }
0x58d: {  	v4 =	vmul.f32 v54, v59;
	v1 =	vbroadcast v0, $0x2;
	[tilespmem:s2+$0x20] =	vst v2  }
0x58e: {  	v63 =	vmul.f32 v56, v61;
	v2 =	vbroadcast v0, $0x1;
	[tilespmem:s2+$0x10] =	vst v3  }
0x58f: {  	v0 =	vbroadcast v0, $0x0;
	[tilespmem:s2+$0x0] =	vst v4;
	v1 =	vmul.f32 v1, v58  }
0x590: {  	[tilespmem:s2+$0xFFFFFFF0] =	vst v63;
	v2 =	vmul.f32 v2, v60  }
0x591: {  	v0 =	vmul.f32 v0, v62;
	[tilespmem:s2+$0xFFFFFFE0] =	vst v1  }
0x592: {  	[tilespmem:s2+$0xFFFFFFD0] =	vst v2  }
0x593: {  	s13 =	simm.s32 $0x10;
	[tilespmem:s2+$0xFFFFFFC0] =	vst v0  }
0x594: {  	s18 =	simm.s32 $0x320;
	s4 =	simm.s32 $0x80;
	v0 =	vld [tilespmem:s13+$0x1CC0]  }
.LBB2_29:
0x595: {  	p1 =	sne.s32 s4, $0x13C0;
	v1 =	vld [tilespmem:s13+$0xDC0];
	_ =	sdelay $0x4  }
0x596: {  	v0 =	vadd.f32 v0, v1;
	_ =	sdelay $0x1  }
0x597: {  	v1 =	vmin.f32 v0, $0.0e+00  }
0x598: {  	v1 =	vmul.f32 $2.000000030e-01, v1  }
0x599: {  	v0 =	vmax.f32 v0, $0.0e+00  }
0x59a: {  	v0 =	vadd.f32 v1, v0;
	_ =	sdelay $0x1  }
0x59b: {  	v0 =	vmul.f32 $1.442695020e+00, v0;
	_ =	sdelay $0x1  }
0x59c: {  	(erf) = vpow2.f32 v0;
	_ =	sdelay $0x8  }
0x59d: {  	v0 =	vpop (erf)  }
0x59e: {  	s2 =	sadd.s32 $0x80, s2;
	[tilespmem:s13+$0xDC0] =	vst v0;
	v1 =	vbroadcast v0, $0x6;
	v2 =	vbroadcast v0, $0x7  }
0x59f: {  	v3 =	vbroadcast v0, $0x4;
	v4 =	vbroadcast v0, $0x5;
	v5 =	vld [tilespmem:s2+$0x30]  }
0x5a0: {  	v6 =	vbroadcast v0, $0x2;
	v7 =	vbroadcast v0, $0x3;
	v8 =	vld [tilespmem:s2+$0x20]  }
0x5a1: {  	v9 =	vbroadcast v0, $0x0;
	v0 =	vbroadcast v0, $0x1;
	v10 =	vld [tilespmem:s2+$0x10]  }
0x5a2: {  	v11 =	vld [tilespmem:s2+$0x0]  }
0x5a3: {  	v12 =	vld [tilespmem:s2+$0xFFFFFFF0]  }
0x5a4: {  	v13 =	vld [tilespmem:s2+$0xFFFFFFE0];
	v2 =	vmul.f32 v5, v2  }
0x5a5: {  	v5 =	vld [tilespmem:s2+$0xFFFFFFD0];
	v1 =	vmul.f32 v8, v1  }
0x5a6: {  	v8 =	vld [tilespmem:s2+$0xFFFFFFC0];
	v4 =	vmul.f32 v10, v4;
	[tilespmem:s2+$0x30] =	vst v2  }
0x5a7: {  	v2 =	vmul.f32 v11, v3;
	[tilespmem:s2+$0x20] =	vst v1  }
0x5a8: {  	v1 =	vmul.f32 v12, v7;
	[tilespmem:s2+$0x10] =	vst v4  }
0x5a9: {  	v3 =	vmul.f32 v6, v13;
	[tilespmem:s2+$0x0] =	vst v2  }
.Ltmp16:
0x5aa: {  	v0 =	vmul.f32 v0, v5;
	[tilespmem:s2+$0xFFFFFFF0] =	vst v1;
	(pc) =	sbr.rel @p1 .LBB2_29-.Ltmp16, $4  }
0x5ab: {  	v1 =	vmul.f32 v9, v8;
	[tilespmem:s2+$0xFFFFFFE0] =	vst v3  }
0x5ac: {  	[tilespmem:s2+$0xFFFFFFD0] =	vst v0  }
0x5ad: {  	s13 =	sshra.s32 s4, $0x2;
	[tilespmem:s2+$0xFFFFFFC0] =	vst v1  }
0x5ae: {  	s4 =	sadd.s32 $0x40, s4;
	v0 =	vld [tilespmem:s13+$0x1CC0]  }
0x5af: {  	v1 =	vld [tilespmem:s13+$0xDC0];
	_ =	sdelay $0x4  }
0x5b0: {  	v0 =	vadd.f32 v0, v1;
	_ =	sdelay $0x1  }
0x5b1: {  	v1 =	vmin.f32 v0, $0.0e+00  }
0x5b2: {  	v1 =	vmul.f32 $2.000000030e-01, v1  }
0x5b3: {  	v0 =	vmax.f32 v0, $0.0e+00  }
0x5b4: {  	v0 =	vadd.f32 v1, v0;
	_ =	sdelay $0x1  }
0x5b5: {  	v0 =	vmul.f32 $1.442695020e+00, v0;
	_ =	sdelay $0x1  }
0x5b6: {  	(erf) = vpow2.f32 v0;
	_ =	sdelay $0x8  }
0x5b7: {  	v0 =	vpop (erf)  }
0x5b8: {  	s2 =	sadd.s32 $0x80, s2;
	[tilespmem:s13+$0xDC0] =	vst v0  }
0x5b9: {  	v58 =	vld [tilespmem:s2+$0x30]  }
0x5ba: {  	v2 =	vld [tilespmem:s2+$0x20]  }
0x5bb: {  	v3 =	vld [tilespmem:s2+$0x10]  }
0x5bc: {  	v4 =	vbroadcast v0, $0x7;
	v6 =	vbroadcast v0, $0x6;
	v5 =	vld [tilespmem:s2+$0x0]  }
0x5bd: {  	v8 =	vbroadcast v0, $0x5;
	v59 =	vbroadcast v0, $0x4;
	v7 =	vld [tilespmem:s2+$0xFFFFFFF0]  }
0x5be: {  	v60 =	vbroadcast v0, $0x3;
	v11 =	vld [tilespmem:s2+$0xFFFFFFC0];
	v1 =	vmul.f32 v58, v4  }
0x5bf: {  	v61 =	vbroadcast v0, $0x2;
	v9 =	vld [tilespmem:s2+$0xFFFFFFE0];
	v2 =	vmul.f32 v2, v6  }
0x5c0: {  	v62 =	vbroadcast v0, $0x1;
	v10 =	vld [tilespmem:s2+$0xFFFFFFD0];
	v3 =	vmul.f32 v3, v8;
	[tilespmem:s2+$0x30] =	vst v1  }
0x5c1: {  	v0 =	vbroadcast v0, $0x0;
	v4 =	vmul.f32 v5, v59;
	[tilespmem:s2+$0x20] =	vst v2  }
0x5c2: {  	v63 =	vmul.f32 v7, v60;
	[tilespmem:s2+$0x10] =	vst v3  }
0x5c3: {  	v0 =	vmul.f32 v0, v11;
	[tilespmem:s2+$0x0] =	vst v4  }
0x5c4: {  	v1 =	vmul.f32 v61, v9;
	[tilespmem:s2+$0xFFFFFFF0] =	vst v63  }
0x5c5: {  	s23 =	sadd.s32 $0x1, s23;
	v2 =	vmul.f32 v62, v10;
	[tilespmem:s2+$0xFFFFFFC0] =	vst v0  }
0x5c6: {  	p1 =	sne.s32 s23, $0x11;
	[tilespmem:s2+$0xFFFFFFE0] =	vst v1  }
.Ltmp17:
0x5c7: {  	s17 =	simm.s32 $0xDC0;
	s4 =	simm.s32 $0x370;
	[tilespmem:s2+$0xFFFFFFD0] =	vst v2;
	(pc) =	sbr.rel @p1 .LBB2_18-.Ltmp17, $4  }
0x5c8: {  	[spmem:s8] =	stream.indirect.scatter.add.f32 [tilespmem:s17], [sflag:$0xC], $0x10, s4, s24, $0xb8;
	[tilespmem:$0x1F9E0] =	vst v63  }
0x5c9: {  	s20 =	simm.s32 $0x71C0  }
0x5ca: {  	[spmem:s7] =	stream.indirect.scatter.add.f32 [tilespmem:s20], [sflag:$0xC], $0x80, s4, s24, $0xb8;
	[tilespmem:$0x1F9E0] =	vst v63  }
0x5cb: {  	s21 =	simm.s32 $0x370;
	s20 =	simm.s32 $0x3C0  }
.Ltmp18:
0x5cc: {  	(pc) =	sbr.rel .LBB2_32-.Ltmp18, $4  }
0x5cd: {  	_ = 	snop  }
0x5ce: {  	s4 =	rddreg [dreg:$0x6]  }
0x5cf: {  	s2 =	rddreg [dreg:$0xd]  }
0x5d0: {  	s20 =	rddreg [dreg:$0xa]  }
.LBB2_33:
0x5d1: {  	_ =	sfence.sel $0x180000  }
0x5d2: {  	[bflag:$0x0] =	sbarrier.arrive $0xFFFF  }
0x5d3: {  	_ =	strace $0x90000047  }
0x5d4: {  	s0 =	stileid.u32;
	[bflag:$0x2] =	sbarrier.arrive $0xFFFF  }
0x5d5: {  	p0 =	sne.s32 s0, $0x0;
	s0 =	rddreg [dreg:$0x9]  }
0x5d6: {  	s0 =	sadd.s32 @!p0 $0x100000, s0  }
0x5d7: {  	[sflag:s0] =	ssyncadd.tile.s32 @!p0 $0x1;
	_ =	shalt  }
.Lfunc_end2:
_tile_overlayer_lowered:
.L_overlay_start_2:
0x5d8: {  	(tag) =	ssettag $0x2  }
0x5d9: {  	s0 =	rddreg [dreg:$0x0];
	s2 =	stileid.u32  }
0x5da: {  	s1 =	rddreg [dreg:$0x1];
	p0 =	sne.s32 s2, $0x0  }
0x5db: {  	s3 =	rddreg [dreg:$0x2];
	[bflag:$0x3] =	sbarrier.arrive $0xFFFF;
	s2 =	simm.s32 @!p0 $0x1C0D  }
0x5dc: {  	[timem:s3], [sflag:s2] =	dma.local @!p0 [hbm:s0], s1  }
0x5dd: {  	s0 =	simm.s32 @!p0 $0xD  }
0x5de: {  	_ =	swait.ge @!p0 [sflag:s0], s1  }
0x5df: {  	s1 =	ssub.s32 @!p0 $0x0, s1;
	[sflag:s0] =	ssyncset.done @!p0 $0x0  }
0x5e0: {  	[sflag:s0] =	ssyncadd.s32 @!p0 s1  }
0x5e1: {  	[bflag:$0x3] =	sbarrier.arrive $0xFFFF  }
0x5e2: {  	_ =	shalt  }

</sc_bundles>
